<compile_context>
chip_gen: v7x
topology: tpu7x:2x2x1
jax: 0.10.2.dev20260603
libtpu: 0.0.44.dev20260713+nightly
codegen_flags: <defaults>
</compile_context>

<pallas_src>
import functools

import jax
import jax.numpy as jnp
from jax import lax
from jax.experimental import pallas as pl
from jax.experimental.pallas import tpu as pltpu
from jax.experimental.pallas import tpu_sc as plsc

N = 262144
Q = 32
ROWS = 256 * 256
NC, NS, L = 2, 16, 16
NW = NC * NS
PER_W = N // NW
C = 128
N_CHUNKS = PER_W // C
NPAIR = N_CHUNKS // 2


def _make_buf():
    return dict(
        i00=pltpu.VMEM((C,), jnp.int32),
        i01=pltpu.VMEM((C,), jnp.int32),
        i10=pltpu.VMEM((C,), jnp.int32),
        i11=pltpu.VMEM((C,), jnp.int32),
        r00=pltpu.VMEM((C, L), jnp.uint32),
        r01=pltpu.VMEM((C, L), jnp.uint32),
        r10=pltpu.VMEM((C, L), jnp.uint32),
        r11=pltpu.VMEM((C, L), jnp.uint32),
        out=pltpu.VMEM((C, Q), jnp.float32),
        semG=pltpu.SemaphoreType.DMA,
        semO=pltpu.SemaphoreType.DMA,
    )


def _body(m_hbm, x0_hbm, y0_hbm, x1_hbm, y1_hbm, wx_hbm, wy_hbm, out_hbm,
          x0_v, y0_v, x1_v, y1_v, wx_v, wy_v, bufs, semI):
    wid = lax.axis_index("s") * NC + lax.axis_index("c")
    wbase = wid * PER_W

    ins = (
        (x0_hbm, x0_v), (y0_hbm, y0_v), (x1_hbm, x1_v), (y1_hbm, y1_v),
        (wx_hbm, wx_v), (wy_hbm, wy_v),
    )
    cps = [pltpu.async_copy(h.at[pl.ds(wbase, PER_W)], v, semI) for h, v in ins]
    for cp in cps:
        cp.wait()

    def prep(c, b):
        def idx_body(k, carry):
            src = pl.ds(c * C + k * L, L)
            dst = pl.ds(k * L, L)
            x0s = x0_v[src]
            y0s = y0_v[src]
            x1s = x1_v[src]
            y1s = y1_v[src]
            y0b = y0s * 256
            y1b = y1s * 256
            b["i00"][dst] = y0b + x0s
            b["i01"][dst] = y0b + x1s
            b["i10"][dst] = y1b + x0s
            b["i11"][dst] = y1b + x1s
            return carry

        lax.fori_loop(0, C // L, idx_body, 0)
        pltpu.async_copy(m_hbm.at[b["i00"]], b["r00"], b["semG"])
        pltpu.async_copy(m_hbm.at[b["i01"]], b["r01"], b["semG"])
        pltpu.async_copy(m_hbm.at[b["i10"]], b["r10"], b["semG"])
        pltpu.async_copy(m_hbm.at[b["i11"]], b["r11"], b["semG"])

    def finish(c, b, kk):
        @pl.when(kk > 0)
        def _():
            pltpu.make_async_copy(
                b["out"], out_hbm.at[pl.ds(wbase + c * C, C)], b["semO"]).wait()

        pltpu.make_async_copy(m_hbm.at[b["i00"]], b["r00"], b["semG"]).wait()
        pltpu.make_async_copy(m_hbm.at[b["i01"]], b["r01"], b["semG"]).wait()
        pltpu.make_async_copy(m_hbm.at[b["i10"]], b["r10"], b["semG"]).wait()
        pltpu.make_async_copy(m_hbm.at[b["i11"]], b["r11"], b["semG"]).wait()

        def blend_body(k, carry):
            s = pl.ds(c * C + k * L, L)
            wx = wx_v[s]
            wy = wy_v[s]
            w11 = wx * wy
            w01 = wx - w11
            w10 = wy - w11
            w00 = 1.0 - wx - wy + w11
            for p in range(L):
                pp = k * L + p

                def bc(wv):
                    return lax.broadcast(
                        lax.squeeze(lax.slice_in_dim(wv, p, p + 1), [0]), (L,))

                b00, b01, b10, b11 = bc(w00), bc(w01), bc(w10), bc(w11)
                def up(u):
                    lo = lax.bitcast_convert_type(u << 16, jnp.float32)
                    hi = lax.bitcast_convert_type(u & jnp.uint32(0xFFFF0000), jnp.float32)
                    return lo, hi

                r00l, r00h = up(b["r00"][pp, :])
                r01l, r01h = up(b["r01"][pp, :])
                r10l, r10h = up(b["r10"][pp, :])
                r11l, r11h = up(b["r11"][pp, :])
                b["out"][pp, pl.ds(0, L)] = (
                    r00l * b00 + r01l * b01 + r10l * b10 + r11l * b11)
                b["out"][pp, pl.ds(L, L)] = (
                    r00h * b00 + r01h * b01 + r10h * b10 + r11h * b11)
            return carry

        lax.fori_loop(0, C // L, blend_body, 0)
        pltpu.async_copy(b["out"], out_hbm.at[pl.ds(wbase + c * C, C)],
                         b["semO"])

    buf_a, buf_b = bufs
    prep(0, buf_a)

    def pair_body(kk, carry):
        c0 = 2 * kk
        prep(c0 + 1, buf_b)
        finish(c0, buf_a, kk)

        @pl.when(kk < NPAIR - 1)
        def _():
            prep(c0 + 2, buf_a)

        finish(c0 + 1, buf_b, kk)
        return carry

    lax.fori_loop(0, NPAIR, pair_body, 0)

    last = N_CHUNKS - 2
    pltpu.make_async_copy(
        buf_a["out"], out_hbm.at[pl.ds(wbase + last * C, C)],
        buf_a["semO"]).wait()
    pltpu.make_async_copy(
        buf_b["out"], out_hbm.at[pl.ds(wbase + (last + 1) * C, C)],
        buf_b["semO"]).wait()


def kernel(M, x0, y0, x1, y1, wx, wy):
    m_bf = M.reshape(ROWS, Q).astype(jnp.bfloat16)
    m_il = m_bf.reshape(ROWS, 2, L).swapaxes(1, 2)
    m_flat = jax.lax.bitcast_convert_type(m_il, jnp.uint32)
    wx_f = wx.reshape(N)
    wy_f = wy.reshape(N)

    mesh = plsc.VectorSubcoreMesh(core_axis_name="c", subcore_axis_name="s")
    run = functools.partial(
        pl.kernel,
        out_type=jax.ShapeDtypeStruct((N, Q), jnp.float32),
        mesh=mesh,
        scratch_types=[
            pltpu.VMEM((PER_W,), jnp.int32),
            pltpu.VMEM((PER_W,), jnp.int32),
            pltpu.VMEM((PER_W,), jnp.int32),
            pltpu.VMEM((PER_W,), jnp.int32),
            pltpu.VMEM((PER_W,), jnp.float32),
            pltpu.VMEM((PER_W,), jnp.float32),
            [_make_buf(), _make_buf()],
            pltpu.SemaphoreType.DMA,
        ],
        compiler_params=pltpu.CompilerParams(
            use_tc_tiling_on_sc=False,
        ),
    )(_body)
    return run(m_flat, x0, y0, x1, y1, wx_f, wy_f)

# --- scband reference (transcript-rebuilt; emitter-appended) ---
"""Pipeline reference for scband-feature-xy-31593779429762 (READ-ONLY COPY).

The authoritative reference and input builder live on the scoring server;
editing this copy changes nothing except your own understanding.
"""

import jax, jax.numpy as jnp
import numpy as np


def setup_inputs(seed: int = 0) -> dict:
    key = jax.random.key(seed)
    X, Y, Q, downsample = 512, 512, 32, 2
    Xd, Yd = X // downsample, Y // downsample
    M = jax.random.uniform(key, (Yd, Xd, Q), dtype=jnp.float32) * 0.0002 - 0.0001
    xs = jnp.linspace(0.5 / X, 1 - 0.5 / X, X, dtype=jnp.float32)
    ys = jnp.linspace(0.5 / Y, 1 - 0.5 / Y, Y, dtype=jnp.float32)
    xv, yv = jnp.meshgrid(xs, ys, indexing='ij')
    xy = jnp.stack([xv.reshape(-1), yv.reshape(-1)], axis=1)
    xy = xy * jnp.array([Xd, Yd], dtype=jnp.float32)
    integer = xy.astype(jnp.int32)
    decimal = xy - integer.astype(jnp.float32)
    x0 = jnp.clip(integer[:, 0], 0, Xd - 1)
    y0 = jnp.clip(integer[:, 1], 0, Yd - 1)
    x1 = jnp.minimum(x0 + 1, Xd - 1)
    y1 = jnp.minimum(y0 + 1, Yd - 1)
    wx = decimal[:, 0:1]
    wy = decimal[:, 1:2]
    return {"M": M, "x0": x0, "y0": y0, "x1": x1, "y1": y1, "wx": wx, "wy": wy}


def reference(M, x0, y0, x1, y1, wx, wy):
    return (M[y0, x0] * (1.0 - wx) * (1.0 - wy)
            + M[y0, x1] * wx * (1.0 - wy)
            + M[y1, x0] * (1.0 - wx) * wy
            + M[y1, x1] * wx * wy)

if __name__ == "__main__":
    import jax
    _d = setup_inputs()
    print(jax.jit(kernel)(*tuple(_d.values())))

</pallas_src>

<mosaic_0001>
#map = affine_map<(d0, d1) -> (0, 0)>
#map1 = affine_map<(d0, d1) -> (0)>
module attributes {stable_mosaic.version = 14 : i64} {
  func.func @_body(%arg0: i32, %arg1: i32, %arg2: memref<65536x16xi32, #tpu.memory_space<hbm>>, %arg3: memref<262144xi32, #tpu.memory_space<hbm>>, %arg4: memref<262144xi32, #tpu.memory_space<hbm>>, %arg5: memref<262144xi32, #tpu.memory_space<hbm>>, %arg6: memref<262144xi32, #tpu.memory_space<hbm>>, %arg7: memref<262144xf32, #tpu.memory_space<hbm>>, %arg8: memref<262144xf32, #tpu.memory_space<hbm>>, %arg9: memref<262144x32xf32, #tpu.memory_space<hbm>>, %arg10: memref<8192xi32, #tpu.memory_space<vmem>>, %arg11: memref<8192xi32, #tpu.memory_space<vmem>>, %arg12: memref<8192xi32, #tpu.memory_space<vmem>>, %arg13: memref<8192xi32, #tpu.memory_space<vmem>>, %arg14: memref<8192xf32, #tpu.memory_space<vmem>>, %arg15: memref<8192xf32, #tpu.memory_space<vmem>>, %arg16: memref<128xi32, #tpu.memory_space<vmem>>, %arg17: memref<128xi32, #tpu.memory_space<vmem>>, %arg18: memref<128xi32, #tpu.memory_space<vmem>>, %arg19: memref<128xi32, #tpu.memory_space<vmem>>, %arg20: memref<128x32xf32, #tpu.memory_space<vmem>>, %arg21: memref<128x16xi32, #tpu.memory_space<vmem>>, %arg22: memref<128x16xi32, #tpu.memory_space<vmem>>, %arg23: memref<128x16xi32, #tpu.memory_space<vmem>>, %arg24: memref<128x16xi32, #tpu.memory_space<vmem>>, %arg25: memref<!tpu.dma_semaphore, #tpu.memory_space<semaphore_mem>>, %arg26: memref<!tpu.dma_semaphore, #tpu.memory_space<semaphore_mem>>, %arg27: memref<128xi32, #tpu.memory_space<vmem>>, %arg28: memref<128xi32, #tpu.memory_space<vmem>>, %arg29: memref<128xi32, #tpu.memory_space<vmem>>, %arg30: memref<128xi32, #tpu.memory_space<vmem>>, %arg31: memref<128x32xf32, #tpu.memory_space<vmem>>, %arg32: memref<128x16xi32, #tpu.memory_space<vmem>>, %arg33: memref<128x16xi32, #tpu.memory_space<vmem>>, %arg34: memref<128x16xi32, #tpu.memory_space<vmem>>, %arg35: memref<128x16xi32, #tpu.memory_space<vmem>>, %arg36: memref<!tpu.dma_semaphore, #tpu.memory_space<semaphore_mem>>, %arg37: memref<!tpu.dma_semaphore, #tpu.memory_space<semaphore_mem>>, %arg38: memref<!tpu.dma_semaphore, #tpu.memory_space<semaphore_mem>>) attributes {dimension_semantics = [#tpu.dimension_semantics<core_parallel>, #tpu.dimension_semantics<subcore_parallel>], iteration_bounds = array<i64: 2, 16>, scalar_prefetch = 0 : i64, scratch_operands = 29 : i64, tpu.core_type = #tpu.core_type<sc_vector_subcore>, window_params = [{transform_indices = #map}, {transform_indices = #map1}, {transform_indices = #map1}, {transform_indices = #map1}, {transform_indices = #map1}, {transform_indices = #map1}, {transform_indices = #map1}, {transform_indices = #map}]} {
    %mul3A = arith.constant 2 : i32
    %mul3A_0 = arith.muli %arg1, %mul3A : i32
    %add3A = arith.addi %mul3A_0, %arg0 : i32
    %mul3A_1 = arith.constant 8192 : i32
    %mul3A_2 = arith.muli %add3A, %mul3A_1 : i32
    %dma_start3A = tpu.memref_slice %arg3[%mul3A_2] : memref<262144xi32, #tpu.memory_space<hbm>> -> memref<8192xi32, #tpu.memory_space<hbm>>
    %dma_start3A_3 = tpu.memref_slice %arg3[%mul3A_2] : memref<262144xi32, #tpu.memory_space<hbm>> -> memref<8192xi32, #tpu.memory_space<hbm>>
    tpu.enqueue_dma source(%dma_start3A_3 : memref<8192xi32, #tpu.memory_space<hbm>>) target(%arg10 : memref<8192xi32, #tpu.memory_space<vmem>>) target_semaphore(%arg38 : memref<!tpu.dma_semaphore, #tpu.memory_space<semaphore_mem>>)
    %dma_start3A_4 = tpu.memref_slice %arg4[%mul3A_2] : memref<262144xi32, #tpu.memory_space<hbm>> -> memref<8192xi32, #tpu.memory_space<hbm>>
    %dma_start3A_5 = tpu.memref_slice %arg4[%mul3A_2] : memref<262144xi32, #tpu.memory_space<hbm>> -> memref<8192xi32, #tpu.memory_space<hbm>>
    tpu.enqueue_dma source(%dma_start3A_5 : memref<8192xi32, #tpu.memory_space<hbm>>) target(%arg11 : memref<8192xi32, #tpu.memory_space<vmem>>) target_semaphore(%arg38 : memref<!tpu.dma_semaphore, #tpu.memory_space<semaphore_mem>>)
    %dma_start3A_6 = tpu.memref_slice %arg5[%mul3A_2] : memref<262144xi32, #tpu.memory_space<hbm>> -> memref<8192xi32, #tpu.memory_space<hbm>>
    %dma_start3A_7 = tpu.memref_slice %arg5[%mul3A_2] : memref<262144xi32, #tpu.memory_space<hbm>> -> memref<8192xi32, #tpu.memory_space<hbm>>
    tpu.enqueue_dma source(%dma_start3A_7 : memref<8192xi32, #tpu.memory_space<hbm>>) target(%arg12 : memref<8192xi32, #tpu.memory_space<vmem>>) target_semaphore(%arg38 : memref<!tpu.dma_semaphore, #tpu.memory_space<semaphore_mem>>)
    %dma_start3A_8 = tpu.memref_slice %arg6[%mul3A_2] : memref<262144xi32, #tpu.memory_space<hbm>> -> memref<8192xi32, #tpu.memory_space<hbm>>
    %dma_start3A_9 = tpu.memref_slice %arg6[%mul3A_2] : memref<262144xi32, #tpu.memory_space<hbm>> -> memref<8192xi32, #tpu.memory_space<hbm>>
    tpu.enqueue_dma source(%dma_start3A_9 : memref<8192xi32, #tpu.memory_space<hbm>>) target(%arg13 : memref<8192xi32, #tpu.memory_space<vmem>>) target_semaphore(%arg38 : memref<!tpu.dma_semaphore, #tpu.memory_space<semaphore_mem>>)
    %dma_start3A_10 = tpu.memref_slice %arg7[%mul3A_2] : memref<262144xf32, #tpu.memory_space<hbm>> -> memref<8192xf32, #tpu.memory_space<hbm>>
    %dma_start3A_11 = tpu.memref_slice %arg7[%mul3A_2] : memref<262144xf32, #tpu.memory_space<hbm>> -> memref<8192xf32, #tpu.memory_space<hbm>>
    tpu.enqueue_dma source(%dma_start3A_11 : memref<8192xf32, #tpu.memory_space<hbm>>) target(%arg14 : memref<8192xf32, #tpu.memory_space<vmem>>) target_semaphore(%arg38 : memref<!tpu.dma_semaphore, #tpu.memory_space<semaphore_mem>>)
    %dma_start3A_12 = tpu.memref_slice %arg8[%mul3A_2] : memref<262144xf32, #tpu.memory_space<hbm>> -> memref<8192xf32, #tpu.memory_space<hbm>>
    %dma_start3A_13 = tpu.memref_slice %arg8[%mul3A_2] : memref<262144xf32, #tpu.memory_space<hbm>> -> memref<8192xf32, #tpu.memory_space<hbm>>
    tpu.enqueue_dma source(%dma_start3A_13 : memref<8192xf32, #tpu.memory_space<hbm>>) target(%arg15 : memref<8192xf32, #tpu.memory_space<vmem>>) target_semaphore(%arg38 : memref<!tpu.dma_semaphore, #tpu.memory_space<semaphore_mem>>)
    %dma_wait3A = tpu.memref_slice %arg3[%mul3A_2] : memref<262144xi32, #tpu.memory_space<hbm>> -> memref<8192xi32, #tpu.memory_space<hbm>>
    %dma_wait3A_14 = tpu.memref_slice %arg3[%mul3A_2] : memref<262144xi32, #tpu.memory_space<hbm>> -> memref<8192xi32, #tpu.memory_space<hbm>>
    tpu.wait_dma2 semaphore(%arg38 : memref<!tpu.dma_semaphore, #tpu.memory_space<semaphore_mem>>) src(%dma_wait3A_14 : memref<8192xi32, #tpu.memory_space<hbm>>) dst(%arg10 : memref<8192xi32, #tpu.memory_space<vmem>>)
    %dma_wait3A_15 = tpu.memref_slice %arg4[%mul3A_2] : memref<262144xi32, #tpu.memory_space<hbm>> -> memref<8192xi32, #tpu.memory_space<hbm>>
    %dma_wait3A_16 = tpu.memref_slice %arg4[%mul3A_2] : memref<262144xi32, #tpu.memory_space<hbm>> -> memref<8192xi32, #tpu.memory_space<hbm>>
    tpu.wait_dma2 semaphore(%arg38 : memref<!tpu.dma_semaphore, #tpu.memory_space<semaphore_mem>>) src(%dma_wait3A_16 : memref<8192xi32, #tpu.memory_space<hbm>>) dst(%arg11 : memref<8192xi32, #tpu.memory_space<vmem>>)
    %dma_wait3A_17 = tpu.memref_slice %arg5[%mul3A_2] : memref<262144xi32, #tpu.memory_space<hbm>> -> memref<8192xi32, #tpu.memory_space<hbm>>
    %dma_wait3A_18 = tpu.memref_slice %arg5[%mul3A_2] : memref<262144xi32, #tpu.memory_space<hbm>> -> memref<8192xi32, #tpu.memory_space<hbm>>
    tpu.wait_dma2 semaphore(%arg38 : memref<!tpu.dma_semaphore, #tpu.memory_space<semaphore_mem>>) src(%dma_wait3A_18 : memref<8192xi32, #tpu.memory_space<hbm>>) dst(%arg12 : memref<8192xi32, #tpu.memory_space<vmem>>)
    %dma_wait3A_19 = tpu.memref_slice %arg6[%mul3A_2] : memref<262144xi32, #tpu.memory_space<hbm>> -> memref<8192xi32, #tpu.memory_space<hbm>>
    %dma_wait3A_20 = tpu.memref_slice %arg6[%mul3A_2] : memref<262144xi32, #tpu.memory_space<hbm>> -> memref<8192xi32, #tpu.memory_space<hbm>>
    tpu.wait_dma2 semaphore(%arg38 : memref<!tpu.dma_semaphore, #tpu.memory_space<semaphore_mem>>) src(%dma_wait3A_20 : memref<8192xi32, #tpu.memory_space<hbm>>) dst(%arg13 : memref<8192xi32, #tpu.memory_space<vmem>>)
    %dma_wait3A_21 = tpu.memref_slice %arg7[%mul3A_2] : memref<262144xf32, #tpu.memory_space<hbm>> -> memref<8192xf32, #tpu.memory_space<hbm>>
    %dma_wait3A_22 = tpu.memref_slice %arg7[%mul3A_2] : memref<262144xf32, #tpu.memory_space<hbm>> -> memref<8192xf32, #tpu.memory_space<hbm>>
    tpu.wait_dma2 semaphore(%arg38 : memref<!tpu.dma_semaphore, #tpu.memory_space<semaphore_mem>>) src(%dma_wait3A_22 : memref<8192xf32, #tpu.memory_space<hbm>>) dst(%arg14 : memref<8192xf32, #tpu.memory_space<vmem>>)
    %dma_wait3A_23 = tpu.memref_slice %arg8[%mul3A_2] : memref<262144xf32, #tpu.memory_space<hbm>> -> memref<8192xf32, #tpu.memory_space<hbm>>
    %dma_wait3A_24 = tpu.memref_slice %arg8[%mul3A_2] : memref<262144xf32, #tpu.memory_space<hbm>> -> memref<8192xf32, #tpu.memory_space<hbm>>
    tpu.wait_dma2 semaphore(%arg38 : memref<!tpu.dma_semaphore, #tpu.memory_space<semaphore_mem>>) src(%dma_wait3A_24 : memref<8192xf32, #tpu.memory_space<hbm>>) dst(%arg15 : memref<8192xf32, #tpu.memory_space<vmem>>)
    %scan3A = arith.constant 0 : i32
    %scan3A_25 = arith.constant 0 : i32
    %scan3A_26 = arith.constant 8 : i32
    %scan3A_27 = arith.addi %scan3A_25, %scan3A_26 : i32
    %scan3A_28 = arith.constant 1 : i32
    scf.for %scan3A_60 = %scan3A_25 to %scan3A_27 step %scan3A_28  : i32 {
      %mul3A_61 = arith.constant 16 : i32
      %mul3A_62 = arith.muli %scan3A_60, %mul3A_61 : i32
      %add3A_63 = arith.constant 0 : i32
      %add3A_64 = arith.addi %add3A_63, %mul3A_62 : i32
      %mul3A_65 = arith.constant 16 : i32
      %mul3A_66 = arith.muli %scan3A_60, %mul3A_65 : i32
      %get3A = arith.index_cast %add3A_64 : i32 to index
      %get3A_67 = tpu.vector_load %arg10[%get3A] {strides = array<i32>} : memref<8192xi32, #tpu.memory_space<vmem>>, vector<16xi32>,
      %get3A_68 = vector.shape_cast %get3A_67 : vector<16xi32> to vector<16xi32>
      %get3A_69 = arith.index_cast %add3A_64 : i32 to index
      %get3A_70 = tpu.vector_load %arg11[%get3A_69] {strides = array<i32>} : memref<8192xi32, #tpu.memory_space<vmem>>, vector<16xi32>,
      %get3A_71 = vector.shape_cast %get3A_70 : vector<16xi32> to vector<16xi32>
      %get3A_72 = arith.index_cast %add3A_64 : i32 to index
      %get3A_73 = tpu.vector_load %arg12[%get3A_72] {strides = array<i32>} : memref<8192xi32, #tpu.memory_space<vmem>>, vector<16xi32>,
      %get3A_74 = vector.shape_cast %get3A_73 : vector<16xi32> to vector<16xi32>
      %get3A_75 = arith.index_cast %add3A_64 : i32 to index
      %get3A_76 = tpu.vector_load %arg13[%get3A_75] {strides = array<i32>} : memref<8192xi32, #tpu.memory_space<vmem>>, vector<16xi32>,
      %get3A_77 = vector.shape_cast %get3A_76 : vector<16xi32> to vector<16xi32>
      %mul3A_78 = arith.constant 256 : i32
      %mul3A_79 = vector.broadcast %mul3A_78 : i32 to vector<16xi32>
      %mul3A_80 = arith.muli %get3A_71, %mul3A_79 : vector<16xi32>
      %mul3A_81 = arith.constant 256 : i32
      %mul3A_82 = vector.broadcast %mul3A_81 : i32 to vector<16xi32>
      %mul3A_83 = arith.muli %get3A_77, %mul3A_82 : vector<16xi32>
      %add3A_84 = arith.addi %mul3A_80, %get3A_68 : vector<16xi32>
      %swap3A = arith.index_cast %mul3A_66 : i32 to index
      %swap3A_85 = tpu.vector_load %arg16[%swap3A] {strides = array<i32>} : memref<128xi32, #tpu.memory_space<vmem>>, vector<16xi32>,
      %swap3A_86 = vector.shape_cast %swap3A_85 : vector<16xi32> to vector<16xi32>
      %swap3A_87 = vector.shape_cast %add3A_84 : vector<16xi32> to vector<16xi32>
      tpu.vector_store %arg16[%swap3A], %swap3A_87 {strides = array<i32>} : memref<128xi32, #tpu.memory_space<vmem>>, vector<16xi32>,
      %add3A_88 = arith.addi %mul3A_80, %get3A_74 : vector<16xi32>
      %swap3A_89 = arith.index_cast %mul3A_66 : i32 to index
      %swap3A_90 = tpu.vector_load %arg17[%swap3A_89] {strides = array<i32>} : memref<128xi32, #tpu.memory_space<vmem>>, vector<16xi32>,
      %swap3A_91 = vector.shape_cast %swap3A_90 : vector<16xi32> to vector<16xi32>
      %swap3A_92 = vector.shape_cast %add3A_88 : vector<16xi32> to vector<16xi32>
      tpu.vector_store %arg17[%swap3A_89], %swap3A_92 {strides = array<i32>} : memref<128xi32, #tpu.memory_space<vmem>>, vector<16xi32>,
      %add3A_93 = arith.addi %mul3A_83, %get3A_68 : vector<16xi32>
      %swap3A_94 = arith.index_cast %mul3A_66 : i32 to index
      %swap3A_95 = tpu.vector_load %arg18[%swap3A_94] {strides = array<i32>} : memref<128xi32, #tpu.memory_space<vmem>>, vector<16xi32>,
      %swap3A_96 = vector.shape_cast %swap3A_95 : vector<16xi32> to vector<16xi32>
      %swap3A_97 = vector.shape_cast %add3A_93 : vector<16xi32> to vector<16xi32>
      tpu.vector_store %arg18[%swap3A_94], %swap3A_97 {strides = array<i32>} : memref<128xi32, #tpu.memory_space<vmem>>, vector<16xi32>,
      %add3A_98 = arith.addi %mul3A_83, %get3A_74 : vector<16xi32>
      %swap3A_99 = arith.index_cast %mul3A_66 : i32 to index
      %swap3A_100 = tpu.vector_load %arg19[%swap3A_99] {strides = array<i32>} : memref<128xi32, #tpu.memory_space<vmem>>, vector<16xi32>,
      %swap3A_101 = vector.shape_cast %swap3A_100 : vector<16xi32> to vector<16xi32>
      %swap3A_102 = vector.shape_cast %add3A_98 : vector<16xi32> to vector<16xi32>
      tpu.vector_store %arg19[%swap3A_99], %swap3A_102 {strides = array<i32>} : memref<128xi32, #tpu.memory_space<vmem>>, vector<16xi32>,
    }
    %scan3A_29 = arith.constant 8 : i32
    %dma_start3A_30 = arith.constant 0 : i32
    %dma_start3A_31 = arith.constant 0 : i32
    %dma_start3A_32 = tpu.memref_slice %arg2[%dma_start3A_30, %dma_start3A_31] : memref<65536x16xi32, #tpu.memory_space<hbm>> -> memref<65536x16xi32, #tpu.memory_space<hbm>>
    tpu.enqueue_indirect_dma source(%dma_start3A_32 : memref<65536x16xi32, #tpu.memory_space<hbm>>) target(%arg21 : memref<128x16xi32, #tpu.memory_space<vmem>>) offsets(%arg16 : memref<128xi32, #tpu.memory_space<vmem>>) semaphore(%arg25 : memref<!tpu.dma_semaphore, #tpu.memory_space<semaphore_mem>>)
    %dma_start3A_33 = arith.constant 0 : i32
    %dma_start3A_34 = arith.constant 0 : i32
    %dma_start3A_35 = tpu.memref_slice %arg2[%dma_start3A_33, %dma_start3A_34] : memref<65536x16xi32, #tpu.memory_space<hbm>> -> memref<65536x16xi32, #tpu.memory_space<hbm>>
    tpu.enqueue_indirect_dma source(%dma_start3A_35 : memref<65536x16xi32, #tpu.memory_space<hbm>>) target(%arg22 : memref<128x16xi32, #tpu.memory_space<vmem>>) offsets(%arg17 : memref<128xi32, #tpu.memory_space<vmem>>) semaphore(%arg25 : memref<!tpu.dma_semaphore, #tpu.memory_space<semaphore_mem>>)
    %dma_start3A_36 = arith.constant 0 : i32
    %dma_start3A_37 = arith.constant 0 : i32
    %dma_start3A_38 = tpu.memref_slice %arg2[%dma_start3A_36, %dma_start3A_37] : memref<65536x16xi32, #tpu.memory_space<hbm>> -> memref<65536x16xi32, #tpu.memory_space<hbm>>
    tpu.enqueue_indirect_dma source(%dma_start3A_38 : memref<65536x16xi32, #tpu.memory_space<hbm>>) target(%arg23 : memref<128x16xi32, #tpu.memory_space<vmem>>) offsets(%arg18 : memref<128xi32, #tpu.memory_space<vmem>>) semaphore(%arg25 : memref<!tpu.dma_semaphore, #tpu.memory_space<semaphore_mem>>)
    %dma_start3A_39 = arith.constant 0 : i32
    %dma_start3A_40 = arith.constant 0 : i32
    %dma_start3A_41 = tpu.memref_slice %arg2[%dma_start3A_39, %dma_start3A_40] : memref<65536x16xi32, #tpu.memory_space<hbm>> -> memref<65536x16xi32, #tpu.memory_space<hbm>>
    tpu.enqueue_indirect_dma source(%dma_start3A_41 : memref<65536x16xi32, #tpu.memory_space<hbm>>) target(%arg24 : memref<128x16xi32, #tpu.memory_space<vmem>>) offsets(%arg19 : memref<128xi32, #tpu.memory_space<vmem>>) semaphore(%arg25 : memref<!tpu.dma_semaphore, #tpu.memory_space<semaphore_mem>>)
    %scan3A_42 = arith.constant 0 : i32
    %scan3A_43 = arith.constant 0 : i32
    %scan3A_44 = arith.constant 32 : i32
    %scan3A_45 = arith.addi %scan3A_43, %scan3A_44 : i32
    %scan3A_46 = arith.constant 1 : i32
    scf.for %scan3A_60 = %scan3A_43 to %scan3A_45 step %scan3A_46  : i32 {
      %mul3A_61 = arith.constant 2 : i32
      %mul3A_62 = arith.muli %mul3A_61, %scan3A_60 : i32
      %add3A_63 = arith.constant 1 : i32
      %add3A_64 = arith.addi %mul3A_62, %add3A_63 : i32
      %scan3A_65 = arith.constant 0 : i32
      %scan3A_66 = arith.constant 0 : i32
      %scan3A_67 = arith.constant 8 : i32
      %scan3A_68 = arith.addi %scan3A_66, %scan3A_67 : i32
      %scan3A_69 = arith.constant 1 : i32
      scf.for %scan3A_146 = %scan3A_66 to %scan3A_68 step %scan3A_69  : i32 {
        %mul3A_147 = arith.constant 128 : i32
        %mul3A_148 = arith.muli %add3A_64, %mul3A_147 : i32
        %mul3A_149 = arith.constant 16 : i32
        %mul3A_150 = arith.muli %scan3A_146, %mul3A_149 : i32
        %add3A_151 = arith.addi %mul3A_148, %mul3A_150 : i32
        %mul3A_152 = arith.constant 16 : i32
        %mul3A_153 = arith.muli %scan3A_146, %mul3A_152 : i32
        %get3A = arith.index_cast %add3A_151 : i32 to index
        %get3A_154 = tpu.vector_load %arg10[%get3A] {strides = array<i32>} : memref<8192xi32, #tpu.memory_space<vmem>>, vector<16xi32>,
        %get3A_155 = vector.shape_cast %get3A_154 : vector<16xi32> to vector<16xi32>
        %get3A_156 = arith.index_cast %add3A_151 : i32 to index
        %get3A_157 = tpu.vector_load %arg11[%get3A_156] {strides = array<i32>} : memref<8192xi32, #tpu.memory_space<vmem>>, vector<16xi32>,
        %get3A_158 = vector.shape_cast %get3A_157 : vector<16xi32> to vector<16xi32>
        %get3A_159 = arith.index_cast %add3A_151 : i32 to index
        %get3A_160 = tpu.vector_load %arg12[%get3A_159] {strides = array<i32>} : memref<8192xi32, #tpu.memory_space<vmem>>, vector<16xi32>,
        %get3A_161 = vector.shape_cast %get3A_160 : vector<16xi32> to vector<16xi32>
        %get3A_162 = arith.index_cast %add3A_151 : i32 to index
        %get3A_163 = tpu.vector_load %arg13[%get3A_162] {strides = array<i32>} : memref<8192xi32, #tpu.memory_space<vmem>>, vector<16xi32>,
        %get3A_164 = vector.shape_cast %get3A_163 : vector<16xi32> to vector<16xi32>
        %mul3A_165 = arith.constant 256 : i32
        %mul3A_166 = vector.broadcast %mul3A_165 : i32 to vector<16xi32>
        %mul3A_167 = arith.muli %get3A_158, %mul3A_166 : vector<16xi32>
        %mul3A_168 = arith.constant 256 : i32
        %mul3A_169 = vector.broadcast %mul3A_168 : i32 to vector<16xi32>
        %mul3A_170 = arith.muli %get3A_164, %mul3A_169 : vector<16xi32>
        %add3A_171 = arith.addi %mul3A_167, %get3A_155 : vector<16xi32>
        %swap3A = arith.index_cast %mul3A_153 : i32 to index
        %swap3A_172 = tpu.vector_load %arg27[%swap3A] {strides = array<i32>} : memref<128xi32, #tpu.memory_space<vmem>>, vector<16xi32>,
        %swap3A_173 = vector.shape_cast %swap3A_172 : vector<16xi32> to vector<16xi32>
        %swap3A_174 = vector.shape_cast %add3A_171 : vector<16xi32> to vector<16xi32>
        tpu.vector_store %arg27[%swap3A], %swap3A_174 {strides = array<i32>} : memref<128xi32, #tpu.memory_space<vmem>>, vector<16xi32>,
        %add3A_175 = arith.addi %mul3A_167, %get3A_161 : vector<16xi32>
        %swap3A_176 = arith.index_cast %mul3A_153 : i32 to index
        %swap3A_177 = tpu.vector_load %arg28[%swap3A_176] {strides = array<i32>} : memref<128xi32, #tpu.memory_space<vmem>>, vector<16xi32>,
        %swap3A_178 = vector.shape_cast %swap3A_177 : vector<16xi32> to vector<16xi32>
        %swap3A_179 = vector.shape_cast %add3A_175 : vector<16xi32> to vector<16xi32>
        tpu.vector_store %arg28[%swap3A_176], %swap3A_179 {strides = array<i32>} : memref<128xi32, #tpu.memory_space<vmem>>, vector<16xi32>,
        %add3A_180 = arith.addi %mul3A_170, %get3A_155 : vector<16xi32>
        %swap3A_181 = arith.index_cast %mul3A_153 : i32 to index
        %swap3A_182 = tpu.vector_load %arg29[%swap3A_181] {strides = array<i32>} : memref<128xi32, #tpu.memory_space<vmem>>, vector<16xi32>,
        %swap3A_183 = vector.shape_cast %swap3A_182 : vector<16xi32> to vector<16xi32>
        %swap3A_184 = vector.shape_cast %add3A_180 : vector<16xi32> to vector<16xi32>
        tpu.vector_store %arg29[%swap3A_181], %swap3A_184 {strides = array<i32>} : memref<128xi32, #tpu.memory_space<vmem>>, vector<16xi32>,
        %add3A_185 = arith.addi %mul3A_170, %get3A_161 : vector<16xi32>
        %swap3A_186 = arith.index_cast %mul3A_153 : i32 to index
        %swap3A_187 = tpu.vector_load %arg30[%swap3A_186] {strides = array<i32>} : memref<128xi32, #tpu.memory_space<vmem>>, vector<16xi32>,
        %swap3A_188 = vector.shape_cast %swap3A_187 : vector<16xi32> to vector<16xi32>
        %swap3A_189 = vector.shape_cast %add3A_185 : vector<16xi32> to vector<16xi32>
        tpu.vector_store %arg30[%swap3A_186], %swap3A_189 {strides = array<i32>} : memref<128xi32, #tpu.memory_space<vmem>>, vector<16xi32>,
      }
      %scan3A_70 = arith.constant 8 : i32
      %dma_start3A_71 = arith.constant 0 : i32
      %dma_start3A_72 = arith.constant 0 : i32
      %dma_start3A_73 = tpu.memref_slice %arg2[%dma_start3A_71, %dma_start3A_72] : memref<65536x16xi32, #tpu.memory_space<hbm>> -> memref<65536x16xi32, #tpu.memory_space<hbm>>
      tpu.enqueue_indirect_dma source(%dma_start3A_73 : memref<65536x16xi32, #tpu.memory_space<hbm>>) target(%arg32 : memref<128x16xi32, #tpu.memory_space<vmem>>) offsets(%arg27 : memref<128xi32, #tpu.memory_space<vmem>>) semaphore(%arg36 : memref<!tpu.dma_semaphore, #tpu.memory_space<semaphore_mem>>)
      %dma_start3A_74 = arith.constant 0 : i32
      %dma_start3A_75 = arith.constant 0 : i32
      %dma_start3A_76 = tpu.memref_slice %arg2[%dma_start3A_74, %dma_start3A_75] : memref<65536x16xi32, #tpu.memory_space<hbm>> -> memref<65536x16xi32, #tpu.memory_space<hbm>>
      tpu.enqueue_indirect_dma source(%dma_start3A_76 : memref<65536x16xi32, #tpu.memory_space<hbm>>) target(%arg33 : memref<128x16xi32, #tpu.memory_space<vmem>>) offsets(%arg28 : memref<128xi32, #tpu.memory_space<vmem>>) semaphore(%arg36 : memref<!tpu.dma_semaphore, #tpu.memory_space<semaphore_mem>>)
      %dma_start3A_77 = arith.constant 0 : i32
      %dma_start3A_78 = arith.constant 0 : i32
      %dma_start3A_79 = tpu.memref_slice %arg2[%dma_start3A_77, %dma_start3A_78] : memref<65536x16xi32, #tpu.memory_space<hbm>> -> memref<65536x16xi32, #tpu.memory_space<hbm>>
      tpu.enqueue_indirect_dma source(%dma_start3A_79 : memref<65536x16xi32, #tpu.memory_space<hbm>>) target(%arg34 : memref<128x16xi32, #tpu.memory_space<vmem>>) offsets(%arg29 : memref<128xi32, #tpu.memory_space<vmem>>) semaphore(%arg36 : memref<!tpu.dma_semaphore, #tpu.memory_space<semaphore_mem>>)
      %dma_start3A_80 = arith.constant 0 : i32
      %dma_start3A_81 = arith.constant 0 : i32
      %dma_start3A_82 = tpu.memref_slice %arg2[%dma_start3A_80, %dma_start3A_81] : memref<65536x16xi32, #tpu.memory_space<hbm>> -> memref<65536x16xi32, #tpu.memory_space<hbm>>
      tpu.enqueue_indirect_dma source(%dma_start3A_82 : memref<65536x16xi32, #tpu.memory_space<hbm>>) target(%arg35 : memref<128x16xi32, #tpu.memory_space<vmem>>) offsets(%arg30 : memref<128xi32, #tpu.memory_space<vmem>>) semaphore(%arg36 : memref<!tpu.dma_semaphore, #tpu.memory_space<semaphore_mem>>)
      %gt3A = arith.constant 0 : i32
      %gt3A_83 = arith.cmpi sgt, %scan3A_60, %gt3A : i32
      %convert_element_type3A = arith.extui %gt3A_83 : i1 to i32
      %cond3A = arith.constant 0 : i32
      %cond3A_84 = arith.cmpi ne, %convert_element_type3A, %cond3A : i32
      scf.if %cond3A_84 {
        %mul3A_146 = arith.constant 128 : i32
        %mul3A_147 = arith.muli %mul3A_62, %mul3A_146 : i32
        %add3A_148 = arith.addi %mul3A_2, %mul3A_147 : i32
        %dma_wait3A_149 = arith.constant 0 : i32
        %dma_wait3A_150 = tpu.memref_slice %arg9[%add3A_148, %dma_wait3A_149] : memref<262144x32xf32, #tpu.memory_space<hbm>> -> memref<128x32xf32, #tpu.memory_space<hbm>>
        %dma_wait3A_151 = arith.constant 0 : i32
        %dma_wait3A_152 = tpu.memref_slice %arg9[%add3A_148, %dma_wait3A_151] : memref<262144x32xf32, #tpu.memory_space<hbm>> -> memref<128x32xf32, #tpu.memory_space<hbm>>
        tpu.wait_dma2 semaphore(%arg26 : memref<!tpu.dma_semaphore, #tpu.memory_space<semaphore_mem>>) src(%arg20 : memref<128x32xf32, #tpu.memory_space<vmem>>) dst(%dma_wait3A_152 : memref<128x32xf32, #tpu.memory_space<hbm>>)
      } else {
      }
      %dma_wait3A_85 = arith.constant 0 : i32
      %dma_wait3A_86 = arith.constant 0 : i32
      %dma_wait3A_87 = tpu.memref_slice %arg2[%dma_wait3A_85, %dma_wait3A_86] : memref<65536x16xi32, #tpu.memory_space<hbm>> -> memref<65536x16xi32, #tpu.memory_space<hbm>>
      tpu.wait_indirect_dma semaphore(%arg25 : memref<!tpu.dma_semaphore, #tpu.memory_space<semaphore_mem>>) src(%dma_wait3A_87 : memref<65536x16xi32, #tpu.memory_space<hbm>>) dst(%arg21 : memref<128x16xi32, #tpu.memory_space<vmem>>)
      %dma_wait3A_88 = arith.constant 0 : i32
      %dma_wait3A_89 = arith.constant 0 : i32
      %dma_wait3A_90 = tpu.memref_slice %arg2[%dma_wait3A_88, %dma_wait3A_89] : memref<65536x16xi32, #tpu.memory_space<hbm>> -> memref<65536x16xi32, #tpu.memory_space<hbm>>
      tpu.wait_indirect_dma semaphore(%arg25 : memref<!tpu.dma_semaphore, #tpu.memory_space<semaphore_mem>>) src(%dma_wait3A_90 : memref<65536x16xi32, #tpu.memory_space<hbm>>) dst(%arg22 : memref<128x16xi32, #tpu.memory_space<vmem>>)
      %dma_wait3A_91 = arith.constant 0 : i32
      %dma_wait3A_92 = arith.constant 0 : i32
      %dma_wait3A_93 = tpu.memref_slice %arg2[%dma_wait3A_91, %dma_wait3A_92] : memref<65536x16xi32, #tpu.memory_space<hbm>> -> memref<65536x16xi32, #tpu.memory_space<hbm>>
      tpu.wait_indirect_dma semaphore(%arg25 : memref<!tpu.dma_semaphore, #tpu.memory_space<semaphore_mem>>) src(%dma_wait3A_93 : memref<65536x16xi32, #tpu.memory_space<hbm>>) dst(%arg23 : memref<128x16xi32, #tpu.memory_space<vmem>>)
      %dma_wait3A_94 = arith.constant 0 : i32
      %dma_wait3A_95 = arith.constant 0 : i32
      %dma_wait3A_96 = tpu.memref_slice %arg2[%dma_wait3A_94, %dma_wait3A_95] : memref<65536x16xi32, #tpu.memory_space<hbm>> -> memref<65536x16xi32, #tpu.memory_space<hbm>>
      tpu.wait_indirect_dma semaphore(%arg25 : memref<!tpu.dma_semaphore, #tpu.memory_space<semaphore_mem>>) src(%dma_wait3A_96 : memref<65536x16xi32, #tpu.memory_space<hbm>>) dst(%arg24 : memref<128x16xi32, #tpu.memory_space<vmem>>)
      %scan3A_97 = arith.constant 0 : i32
      %scan3A_98 = arith.constant 0 : i32
      %scan3A_99 = arith.constant 8 : i32
      %scan3A_100 = arith.addi %scan3A_98, %scan3A_99 : i32
      %scan3A_101 = arith.constant 1 : i32
      scf.for %scan3A_146 = %scan3A_98 to %scan3A_100 step %scan3A_101  : i32 {
        %mul3A_147 = arith.constant 128 : i32
        %mul3A_148 = arith.muli %mul3A_62, %mul3A_147 : i32
        %mul3A_149 = arith.constant 16 : i32
        %mul3A_150 = arith.muli %scan3A_146, %mul3A_149 : i32
        %add3A_151 = arith.addi %mul3A_148, %mul3A_150 : i32
        %get3A = arith.index_cast %add3A_151 : i32 to index
        %get3A_152 = tpu.vector_load %arg14[%get3A] {strides = array<i32>} : memref<8192xf32, #tpu.memory_space<vmem>>, vector<16xf32>,
        %get3A_153 = vector.shape_cast %get3A_152 : vector<16xf32> to vector<16xf32>
        %get3A_154 = arith.index_cast %add3A_151 : i32 to index
        %get3A_155 = tpu.vector_load %arg15[%get3A_154] {strides = array<i32>} : memref<8192xf32, #tpu.memory_space<vmem>>, vector<16xf32>,
        %get3A_156 = vector.shape_cast %get3A_155 : vector<16xf32> to vector<16xf32>
        %mul3A_157 = arith.mulf %get3A_153, %get3A_156 : vector<16xf32>
        %sub3A = arith.subf %get3A_153, %mul3A_157 : vector<16xf32>
        %sub3A_158 = arith.subf %get3A_156, %mul3A_157 : vector<16xf32>
        %sub3A_159 = arith.constant 1.000000e+00 : f32
        %sub3A_160 = vector.broadcast %sub3A_159 : f32 to vector<16xf32>
        %sub3A_161 = arith.subf %sub3A_160, %get3A_153 : vector<16xf32>
        %sub3A_162 = arith.subf %sub3A_161, %get3A_156 : vector<16xf32>
        %add3A_163 = arith.addf %sub3A_162, %mul3A_157 : vector<16xf32>
        %mul3A_164 = arith.constant 16 : i32
        %mul3A_165 = arith.muli %scan3A_146, %mul3A_164 : i32
        %add3A_166 = arith.constant 0 : i32
        %add3A_167 = arith.addi %mul3A_165, %add3A_166 : i32
        %slice3A = vector.extract_strided_slice %add3A_163 {offsets = [0], sizes = [1], strides = [1]} : vector<16xf32> to vector<1xf32>
        %squeeze3A = vector.extract %slice3A[0] : f32 from vector<1xf32>
        %broadcast_in_dim3A = vector.broadcast %squeeze3A : f32 to vector<16xf32>
        %slice3A_168 = vector.extract_strided_slice %sub3A {offsets = [0], sizes = [1], strides = [1]} : vector<16xf32> to vector<1xf32>
        %squeeze3A_169 = vector.extract %slice3A_168[0] : f32 from vector<1xf32>
        %broadcast_in_dim3A_170 = vector.broadcast %squeeze3A_169 : f32 to vector<16xf32>
        %slice3A_171 = vector.extract_strided_slice %sub3A_158 {offsets = [0], sizes = [1], strides = [1]} : vector<16xf32> to vector<1xf32>
        %squeeze3A_172 = vector.extract %slice3A_171[0] : f32 from vector<1xf32>
        %broadcast_in_dim3A_173 = vector.broadcast %squeeze3A_172 : f32 to vector<16xf32>
        %slice3A_174 = vector.extract_strided_slice %mul3A_157 {offsets = [0], sizes = [1], strides = [1]} : vector<16xf32> to vector<1xf32>
        %squeeze3A_175 = vector.extract %slice3A_174[0] : f32 from vector<1xf32>
        %broadcast_in_dim3A_176 = vector.broadcast %squeeze3A_175 : f32 to vector<16xf32>
        %get3A_177 = arith.index_cast %add3A_167 : i32 to index
        %get3A_178 = arith.constant 0 : index
        %get3A_179 = tpu.vector_load %arg21[%get3A_177, %get3A_178] {strides = array<i32>} : memref<128x16xi32, #tpu.memory_space<vmem>>, vector<1x16xi32>,
        %get3A_180 = vector.shape_cast %get3A_179 : vector<1x16xi32> to vector<16xi32>
        %shift_left3A = arith.constant 16 : i32
        %shift_left3A_181 = vector.broadcast %shift_left3A : i32 to vector<16xi32>
        %shift_left3A_182 = arith.shli %get3A_180, %shift_left3A_181 : vector<16xi32>
        %bitcast_convert_type3A = tpu.bitcast %shift_left3A_182 : vector<16xi32> -> vector<16xf32>
        %and3A = arith.constant -65536 : i32
        %and3A_183 = vector.broadcast %and3A : i32 to vector<16xi32>
        %and3A_184 = arith.andi %get3A_180, %and3A_183 : vector<16xi32>
        %bitcast_convert_type3A_185 = tpu.bitcast %and3A_184 : vector<16xi32> -> vector<16xf32>
        %get3A_186 = arith.index_cast %add3A_167 : i32 to index
        %get3A_187 = arith.constant 0 : index
        %get3A_188 = tpu.vector_load %arg22[%get3A_186, %get3A_187] {strides = array<i32>} : memref<128x16xi32, #tpu.memory_space<vmem>>, vector<1x16xi32>,
        %get3A_189 = vector.shape_cast %get3A_188 : vector<1x16xi32> to vector<16xi32>
        %shift_left3A_190 = arith.constant 16 : i32
        %shift_left3A_191 = vector.broadcast %shift_left3A_190 : i32 to vector<16xi32>
        %shift_left3A_192 = arith.shli %get3A_189, %shift_left3A_191 : vector<16xi32>
        %bitcast_convert_type3A_193 = tpu.bitcast %shift_left3A_192 : vector<16xi32> -> vector<16xf32>
        %and3A_194 = arith.constant -65536 : i32
        %and3A_195 = vector.broadcast %and3A_194 : i32 to vector<16xi32>
        %and3A_196 = arith.andi %get3A_189, %and3A_195 : vector<16xi32>
        %bitcast_convert_type3A_197 = tpu.bitcast %and3A_196 : vector<16xi32> -> vector<16xf32>
        %get3A_198 = arith.index_cast %add3A_167 : i32 to index
        %get3A_199 = arith.constant 0 : index
        %get3A_200 = tpu.vector_load %arg23[%get3A_198, %get3A_199] {strides = array<i32>} : memref<128x16xi32, #tpu.memory_space<vmem>>, vector<1x16xi32>,
        %get3A_201 = vector.shape_cast %get3A_200 : vector<1x16xi32> to vector<16xi32>
        %shift_left3A_202 = arith.constant 16 : i32
        %shift_left3A_203 = vector.broadcast %shift_left3A_202 : i32 to vector<16xi32>
        %shift_left3A_204 = arith.shli %get3A_201, %shift_left3A_203 : vector<16xi32>
        %bitcast_convert_type3A_205 = tpu.bitcast %shift_left3A_204 : vector<16xi32> -> vector<16xf32>
        %and3A_206 = arith.constant -65536 : i32
        %and3A_207 = vector.broadcast %and3A_206 : i32 to vector<16xi32>
        %and3A_208 = arith.andi %get3A_201, %and3A_207 : vector<16xi32>
        %bitcast_convert_type3A_209 = tpu.bitcast %and3A_208 : vector<16xi32> -> vector<16xf32>
        %get3A_210 = arith.index_cast %add3A_167 : i32 to index
        %get3A_211 = arith.constant 0 : index
        %get3A_212 = tpu.vector_load %arg24[%get3A_210, %get3A_211] {strides = array<i32>} : memref<128x16xi32, #tpu.memory_space<vmem>>, vector<1x16xi32>,
        %get3A_213 = vector.shape_cast %get3A_212 : vector<1x16xi32> to vector<16xi32>
        %shift_left3A_214 = arith.constant 16 : i32
        %shift_left3A_215 = vector.broadcast %shift_left3A_214 : i32 to vector<16xi32>
        %shift_left3A_216 = arith.shli %get3A_213, %shift_left3A_215 : vector<16xi32>
        %bitcast_convert_type3A_217 = tpu.bitcast %shift_left3A_216 : vector<16xi32> -> vector<16xf32>
        %and3A_218 = arith.constant -65536 : i32
        %and3A_219 = vector.broadcast %and3A_218 : i32 to vector<16xi32>
        %and3A_220 = arith.andi %get3A_213, %and3A_219 : vector<16xi32>
        %bitcast_convert_type3A_221 = tpu.bitcast %and3A_220 : vector<16xi32> -> vector<16xf32>
        %mul3A_222 = arith.mulf %bitcast_convert_type3A, %broadcast_in_dim3A : vector<16xf32>
        %mul3A_223 = arith.mulf %bitcast_convert_type3A_193, %broadcast_in_dim3A_170 : vector<16xf32>
        %add3A_224 = arith.addf %mul3A_222, %mul3A_223 : vector<16xf32>
        %mul3A_225 = arith.mulf %bitcast_convert_type3A_205, %broadcast_in_dim3A_173 : vector<16xf32>
        %add3A_226 = arith.addf %add3A_224, %mul3A_225 : vector<16xf32>
        %mul3A_227 = arith.mulf %bitcast_convert_type3A_217, %broadcast_in_dim3A_176 : vector<16xf32>
        %add3A_228 = arith.addf %add3A_226, %mul3A_227 : vector<16xf32>
        %swap3A = arith.index_cast %add3A_167 : i32 to index
        %swap3A_229 = arith.constant 0 : index
        %swap3A_230 = tpu.vector_load %arg20[%swap3A, %swap3A_229] {strides = array<i32>} : memref<128x32xf32, #tpu.memory_space<vmem>>, vector<1x16xf32>,
        %swap3A_231 = vector.shape_cast %swap3A_230 : vector<1x16xf32> to vector<16xf32>
        %swap3A_232 = vector.shape_cast %add3A_228 : vector<16xf32> to vector<1x16xf32>
        tpu.vector_store %arg20[%swap3A, %swap3A_229], %swap3A_232 {strides = array<i32>} : memref<128x32xf32, #tpu.memory_space<vmem>>, vector<1x16xf32>,
        %mul3A_233 = arith.mulf %bitcast_convert_type3A_185, %broadcast_in_dim3A : vector<16xf32>
        %mul3A_234 = arith.mulf %bitcast_convert_type3A_197, %broadcast_in_dim3A_170 : vector<16xf32>
        %add3A_235 = arith.addf %mul3A_233, %mul3A_234 : vector<16xf32>
        %mul3A_236 = arith.mulf %bitcast_convert_type3A_209, %broadcast_in_dim3A_173 : vector<16xf32>
        %add3A_237 = arith.addf %add3A_235, %mul3A_236 : vector<16xf32>
        %mul3A_238 = arith.mulf %bitcast_convert_type3A_221, %broadcast_in_dim3A_176 : vector<16xf32>
        %add3A_239 = arith.addf %add3A_237, %mul3A_238 : vector<16xf32>
        %swap3A_240 = arith.index_cast %add3A_167 : i32 to index
        %swap3A_241 = arith.constant 16 : index
        %swap3A_242 = tpu.vector_load %arg20[%swap3A_240, %swap3A_241] {strides = array<i32>} : memref<128x32xf32, #tpu.memory_space<vmem>>, vector<1x16xf32>,
        %swap3A_243 = vector.shape_cast %swap3A_242 : vector<1x16xf32> to vector<16xf32>
        %swap3A_244 = vector.shape_cast %add3A_239 : vector<16xf32> to vector<1x16xf32>
        tpu.vector_store %arg20[%swap3A_240, %swap3A_241], %swap3A_244 {strides = array<i32>} : memref<128x32xf32, #tpu.memory_space<vmem>>, vector<1x16xf32>,
        %mul3A_245 = arith.constant 16 : i32
        %mul3A_246 = arith.muli %scan3A_146, %mul3A_245 : i32
        %add3A_247 = arith.constant 1 : i32
        %add3A_248 = arith.addi %mul3A_246, %add3A_247 : i32
        %slice3A_249 = vector.extract_strided_slice %add3A_163 {offsets = [1], sizes = [1], strides = [1]} : vector<16xf32> to vector<1xf32>
        %squeeze3A_250 = vector.extract %slice3A_249[0] : f32 from vector<1xf32>
        %broadcast_in_dim3A_251 = vector.broadcast %squeeze3A_250 : f32 to vector<16xf32>
        %slice3A_252 = vector.extract_strided_slice %sub3A {offsets = [1], sizes = [1], strides = [1]} : vector<16xf32> to vector<1xf32>
        %squeeze3A_253 = vector.extract %slice3A_252[0] : f32 from vector<1xf32>
        %broadcast_in_dim3A_254 = vector.broadcast %squeeze3A_253 : f32 to vector<16xf32>
        %slice3A_255 = vector.extract_strided_slice %sub3A_158 {offsets = [1], sizes = [1], strides = [1]} : vector<16xf32> to vector<1xf32>
        %squeeze3A_256 = vector.extract %slice3A_255[0] : f32 from vector<1xf32>
        %broadcast_in_dim3A_257 = vector.broadcast %squeeze3A_256 : f32 to vector<16xf32>
        %slice3A_258 = vector.extract_strided_slice %mul3A_157 {offsets = [1], sizes = [1], strides = [1]} : vector<16xf32> to vector<1xf32>
        %squeeze3A_259 = vector.extract %slice3A_258[0] : f32 from vector<1xf32>
        %broadcast_in_dim3A_260 = vector.broadcast %squeeze3A_259 : f32 to vector<16xf32>
        %get3A_261 = arith.index_cast %add3A_248 : i32 to index
        %get3A_262 = arith.constant 0 : index
        %get3A_263 = tpu.vector_load %arg21[%get3A_261, %get3A_262] {strides = array<i32>} : memref<128x16xi32, #tpu.memory_space<vmem>>, vector<1x16xi32>,
        %get3A_264 = vector.shape_cast %get3A_263 : vector<1x16xi32> to vector<16xi32>
        %shift_left3A_265 = arith.constant 16 : i32
        %shift_left3A_266 = vector.broadcast %shift_left3A_265 : i32 to vector<16xi32>
        %shift_left3A_267 = arith.shli %get3A_264, %shift_left3A_266 : vector<16xi32>
        %bitcast_convert_type3A_268 = tpu.bitcast %shift_left3A_267 : vector<16xi32> -> vector<16xf32>
        %and3A_269 = arith.constant -65536 : i32
        %and3A_270 = vector.broadcast %and3A_269 : i32 to vector<16xi32>
        %and3A_271 = arith.andi %get3A_264, %and3A_270 : vector<16xi32>
        %bitcast_convert_type3A_272 = tpu.bitcast %and3A_271 : vector<16xi32> -> vector<16xf32>
        %get3A_273 = arith.index_cast %add3A_248 : i32 to index
        %get3A_274 = arith.constant 0 : index
        %get3A_275 = tpu.vector_load %arg22[%get3A_273, %get3A_274] {strides = array<i32>} : memref<128x16xi32, #tpu.memory_space<vmem>>, vector<1x16xi32>,
        %get3A_276 = vector.shape_cast %get3A_275 : vector<1x16xi32> to vector<16xi32>
        %shift_left3A_277 = arith.constant 16 : i32
        %shift_left3A_278 = vector.broadcast %shift_left3A_277 : i32 to vector<16xi32>
        %shift_left3A_279 = arith.shli %get3A_276, %shift_left3A_278 : vector<16xi32>
        %bitcast_convert_type3A_280 = tpu.bitcast %shift_left3A_279 : vector<16xi32> -> vector<16xf32>
        %and3A_281 = arith.constant -65536 : i32
        %and3A_282 = vector.broadcast %and3A_281 : i32 to vector<16xi32>
        %and3A_283 = arith.andi %get3A_276, %and3A_282 : vector<16xi32>
        %bitcast_convert_type3A_284 = tpu.bitcast %and3A_283 : vector<16xi32> -> vector<16xf32>
        %get3A_285 = arith.index_cast %add3A_248 : i32 to index
        %get3A_286 = arith.constant 0 : index
        %get3A_287 = tpu.vector_load %arg23[%get3A_285, %get3A_286] {strides = array<i32>} : memref<128x16xi32, #tpu.memory_space<vmem>>, vector<1x16xi32>,
        %get3A_288 = vector.shape_cast %get3A_287 : vector<1x16xi32> to vector<16xi32>
        %shift_left3A_289 = arith.constant 16 : i32
        %shift_left3A_290 = vector.broadcast %shift_left3A_289 : i32 to vector<16xi32>
        %shift_left3A_291 = arith.shli %get3A_288, %shift_left3A_290 : vector<16xi32>
        %bitcast_convert_type3A_292 = tpu.bitcast %shift_left3A_291 : vector<16xi32> -> vector<16xf32>
        %and3A_293 = arith.constant -65536 : i32
        %and3A_294 = vector.broadcast %and3A_293 : i32 to vector<16xi32>
        %and3A_295 = arith.andi %get3A_288, %and3A_294 : vector<16xi32>
        %bitcast_convert_type3A_296 = tpu.bitcast %and3A_295 : vector<16xi32> -> vector<16xf32>
        %get3A_297 = arith.index_cast %add3A_248 : i32 to index
        %get3A_298 = arith.constant 0 : index
        %get3A_299 = tpu.vector_load %arg24[%get3A_297, %get3A_298] {strides = array<i32>} : memref<128x16xi32, #tpu.memory_space<vmem>>, vector<1x16xi32>,
        %get3A_300 = vector.shape_cast %get3A_299 : vector<1x16xi32> to vector<16xi32>
        %shift_left3A_301 = arith.constant 16 : i32
        %shift_left3A_302 = vector.broadcast %shift_left3A_301 : i32 to vector<16xi32>
        %shift_left3A_303 = arith.shli %get3A_300, %shift_left3A_302 : vector<16xi32>
        %bitcast_convert_type3A_304 = tpu.bitcast %shift_left3A_303 : vector<16xi32> -> vector<16xf32>
        %and3A_305 = arith.constant -65536 : i32
        %and3A_306 = vector.broadcast %and3A_305 : i32 to vector<16xi32>
        %and3A_307 = arith.andi %get3A_300, %and3A_306 : vector<16xi32>
        %bitcast_convert_type3A_308 = tpu.bitcast %and3A_307 : vector<16xi32> -> vector<16xf32>
        %mul3A_309 = arith.mulf %bitcast_convert_type3A_268, %broadcast_in_dim3A_251 : vector<16xf32>
        %mul3A_310 = arith.mulf %bitcast_convert_type3A_280, %broadcast_in_dim3A_254 : vector<16xf32>
        %add3A_311 = arith.addf %mul3A_309, %mul3A_310 : vector<16xf32>
        %mul3A_312 = arith.mulf %bitcast_convert_type3A_292, %broadcast_in_dim3A_257 : vector<16xf32>
        %add3A_313 = arith.addf %add3A_311, %mul3A_312 : vector<16xf32>
        %mul3A_314 = arith.mulf %bitcast_convert_type3A_304, %broadcast_in_dim3A_260 : vector<16xf32>
        %add3A_315 = arith.addf %add3A_313, %mul3A_314 : vector<16xf32>
        %swap3A_316 = arith.index_cast %add3A_248 : i32 to index
        %swap3A_317 = arith.constant 0 : index
        %swap3A_318 = tpu.vector_load %arg20[%swap3A_316, %swap3A_317] {strides = array<i32>} : memref<128x32xf32, #tpu.memory_space<vmem>>, vector<1x16xf32>,
        %swap3A_319 = vector.shape_cast %swap3A_318 : vector<1x16xf32> to vector<16xf32>
        %swap3A_320 = vector.shape_cast %add3A_315 : vector<16xf32> to vector<1x16xf32>
        tpu.vector_store %arg20[%swap3A_316, %swap3A_317], %swap3A_320 {strides = array<i32>} : memref<128x32xf32, #tpu.memory_space<vmem>>, vector<1x16xf32>,
        %mul3A_321 = arith.mulf %bitcast_convert_type3A_272, %broadcast_in_dim3A_251 : vector<16xf32>
        %mul3A_322 = arith.mulf %bitcast_convert_type3A_284, %broadcast_in_dim3A_254 : vector<16xf32>
        %add3A_323 = arith.addf %mul3A_321, %mul3A_322 : vector<16xf32>
        %mul3A_324 = arith.mulf %bitcast_convert_type3A_296, %broadcast_in_dim3A_257 : vector<16xf32>
        %add3A_325 = arith.addf %add3A_323, %mul3A_324 : vector<16xf32>
        %mul3A_326 = arith.mulf %bitcast_convert_type3A_308, %broadcast_in_dim3A_260 : vector<16xf32>
        %add3A_327 = arith.addf %add3A_325, %mul3A_326 : vector<16xf32>
        %swap3A_328 = arith.index_cast %add3A_248 : i32 to index
        %swap3A_329 = arith.constant 16 : index
        %swap3A_330 = tpu.vector_load %arg20[%swap3A_328, %swap3A_329] {strides = array<i32>} : memref<128x32xf32, #tpu.memory_space<vmem>>, vector<1x16xf32>,
        %swap3A_331 = vector.shape_cast %swap3A_330 : vector<1x16xf32> to vector<16xf32>
        %swap3A_332 = vector.shape_cast %add3A_327 : vector<16xf32> to vector<1x16xf32>
        tpu.vector_store %arg20[%swap3A_328, %swap3A_329], %swap3A_332 {strides = array<i32>} : memref<128x32xf32, #tpu.memory_space<vmem>>, vector<1x16xf32>,
        %mul3A_333 = arith.constant 16 : i32
        %mul3A_334 = arith.muli %scan3A_146, %mul3A_333 : i32
        %add3A_335 = arith.constant 2 : i32
        %add3A_336 = arith.addi %mul3A_334, %add3A_335 : i32
        %slice3A_337 = vector.extract_strided_slice %add3A_163 {offsets = [2], sizes = [1], strides = [1]} : vector<16xf32> to vector<1xf32>
        %squeeze3A_338 = vector.extract %slice3A_337[0] : f32 from vector<1xf32>
        %broadcast_in_dim3A_339 = vector.broadcast %squeeze3A_338 : f32 to vector<16xf32>
        %slice3A_340 = vector.extract_strided_slice %sub3A {offsets = [2], sizes = [1], strides = [1]} : vector<16xf32> to vector<1xf32>
        %squeeze3A_341 = vector.extract %slice3A_340[0] : f32 from vector<1xf32>
        %broadcast_in_dim3A_342 = vector.broadcast %squeeze3A_341 : f32 to vector<16xf32>
        %slice3A_343 = vector.extract_strided_slice %sub3A_158 {offsets = [2], sizes = [1], strides = [1]} : vector<16xf32> to vector<1xf32>
        %squeeze3A_344 = vector.extract %slice3A_343[0] : f32 from vector<1xf32>
        %broadcast_in_dim3A_345 = vector.broadcast %squeeze3A_344 : f32 to vector<16xf32>
        %slice3A_346 = vector.extract_strided_slice %mul3A_157 {offsets = [2], sizes = [1], strides = [1]} : vector<16xf32> to vector<1xf32>
        %squeeze3A_347 = vector.extract %slice3A_346[0] : f32 from vector<1xf32>
        %broadcast_in_dim3A_348 = vector.broadcast %squeeze3A_347 : f32 to vector<16xf32>
        %get3A_349 = arith.index_cast %add3A_336 : i32 to index
        %get3A_350 = arith.constant 0 : index
        %get3A_351 = tpu.vector_load %arg21[%get3A_349, %get3A_350] {strides = array<i32>} : memref<128x16xi32, #tpu.memory_space<vmem>>, vector<1x16xi32>,
        %get3A_352 = vector.shape_cast %get3A_351 : vector<1x16xi32> to vector<16xi32>
        %shift_left3A_353 = arith.constant 16 : i32
        %shift_left3A_354 = vector.broadcast %shift_left3A_353 : i32 to vector<16xi32>
        %shift_left3A_355 = arith.shli %get3A_352, %shift_left3A_354 : vector<16xi32>
        %bitcast_convert_type3A_356 = tpu.bitcast %shift_left3A_355 : vector<16xi32> -> vector<16xf32>
        %and3A_357 = arith.constant -65536 : i32
        %and3A_358 = vector.broadcast %and3A_357 : i32 to vector<16xi32>
        %and3A_359 = arith.andi %get3A_352, %and3A_358 : vector<16xi32>
        %bitcast_convert_type3A_360 = tpu.bitcast %and3A_359 : vector<16xi32> -> vector<16xf32>
        %get3A_361 = arith.index_cast %add3A_336 : i32 to index
        %get3A_362 = arith.constant 0 : index
        %get3A_363 = tpu.vector_load %arg22[%get3A_361, %get3A_362] {strides = array<i32>} : memref<128x16xi32, #tpu.memory_space<vmem>>, vector<1x16xi32>,
        %get3A_364 = vector.shape_cast %get3A_363 : vector<1x16xi32> to vector<16xi32>
        %shift_left3A_365 = arith.constant 16 : i32
        %shift_left3A_366 = vector.broadcast %shift_left3A_365 : i32 to vector<16xi32>
        %shift_left3A_367 = arith.shli %get3A_364, %shift_left3A_366 : vector<16xi32>
        %bitcast_convert_type3A_368 = tpu.bitcast %shift_left3A_367 : vector<16xi32> -> vector<16xf32>
        %and3A_369 = arith.constant -65536 : i32
        %and3A_370 = vector.broadcast %and3A_369 : i32 to vector<16xi32>
        %and3A_371 = arith.andi %get3A_364, %and3A_370 : vector<16xi32>
        %bitcast_convert_type3A_372 = tpu.bitcast %and3A_371 : vector<16xi32> -> vector<16xf32>
        %get3A_373 = arith.index_cast %add3A_336 : i32 to index
        %get3A_374 = arith.constant 0 : index
        %get3A_375 = tpu.vector_load %arg23[%get3A_373, %get3A_374] {strides = array<i32>} : memref<128x16xi32, #tpu.memory_space<vmem>>, vector<1x16xi32>,
        %get3A_376 = vector.shape_cast %get3A_375 : vector<1x16xi32> to vector<16xi32>
        %shift_left3A_377 = arith.constant 16 : i32
        %shift_left3A_378 = vector.broadcast %shift_left3A_377 : i32 to vector<16xi32>
        %shift_left3A_379 = arith.shli %get3A_376, %shift_left3A_378 : vector<16xi32>
        %bitcast_convert_type3A_380 = tpu.bitcast %shift_left3A_379 : vector<16xi32> -> vector<16xf32>
        %and3A_381 = arith.constant -65536 : i32
        %and3A_382 = vector.broadcast %and3A_381 : i32 to vector<16xi32>
        %and3A_383 = arith.andi %get3A_376, %and3A_382 : vector<16xi32>
        %bitcast_convert_type3A_384 = tpu.bitcast %and3A_383 : vector<16xi32> -> vector<16xf32>
        %get3A_385 = arith.index_cast %add3A_336 : i32 to index
        %get3A_386 = arith.constant 0 : index
        %get3A_387 = tpu.vector_load %arg24[%get3A_385, %get3A_386] {strides = array<i32>} : memref<128x16xi32, #tpu.memory_space<vmem>>, vector<1x16xi32>,
        %get3A_388 = vector.shape_cast %get3A_387 : vector<1x16xi32> to vector<16xi32>
        %shift_left3A_389 = arith.constant 16 : i32
        %shift_left3A_390 = vector.broadcast %shift_left3A_389 : i32 to vector<16xi32>
        %shift_left3A_391 = arith.shli %get3A_388, %shift_left3A_390 : vector<16xi32>
        %bitcast_convert_type3A_392 = tpu.bitcast %shift_left3A_391 : vector<16xi32> -> vector<16xf32>
        %and3A_393 = arith.constant -65536 : i32
        %and3A_394 = vector.broadcast %and3A_393 : i32 to vector<16xi32>
        %and3A_395 = arith.andi %get3A_388, %and3A_394 : vector<16xi32>
        %bitcast_convert_type3A_396 = tpu.bitcast %and3A_395 : vector<16xi32> -> vector<16xf32>
        %mul3A_397 = arith.mulf %bitcast_convert_type3A_356, %broadcast_in_dim3A_339 : vector<16xf32>
        %mul3A_398 = arith.mulf %bitcast_convert_type3A_368, %broadcast_in_dim3A_342 : vector<16xf32>
        %add3A_399 = arith.addf %mul3A_397, %mul3A_398 : vector<16xf32>
        %mul3A_400 = arith.mulf %bitcast_convert_type3A_380, %broadcast_in_dim3A_345 : vector<16xf32>
        %add3A_401 = arith.addf %add3A_399, %mul3A_400 : vector<16xf32>
        %mul3A_402 = arith.mulf %bitcast_convert_type3A_392, %broadcast_in_dim3A_348 : vector<16xf32>
        %add3A_403 = arith.addf %add3A_401, %mul3A_402 : vector<16xf32>
        %swap3A_404 = arith.index_cast %add3A_336 : i32 to index
        %swap3A_405 = arith.constant 0 : index
        %swap3A_406 = tpu.vector_load %arg20[%swap3A_404, %swap3A_405] {strides = array<i32>} : memref<128x32xf32, #tpu.memory_space<vmem>>, vector<1x16xf32>,
        %swap3A_407 = vector.shape_cast %swap3A_406 : vector<1x16xf32> to vector<16xf32>
        %swap3A_408 = vector.shape_cast %add3A_403 : vector<16xf32> to vector<1x16xf32>
        tpu.vector_store %arg20[%swap3A_404, %swap3A_405], %swap3A_408 {strides = array<i32>} : memref<128x32xf32, #tpu.memory_space<vmem>>, vector<1x16xf32>,
        %mul3A_409 = arith.mulf %bitcast_convert_type3A_360, %broadcast_in_dim3A_339 : vector<16xf32>
        %mul3A_410 = arith.mulf %bitcast_convert_type3A_372, %broadcast_in_dim3A_342 : vector<16xf32>
        %add3A_411 = arith.addf %mul3A_409, %mul3A_410 : vector<16xf32>
        %mul3A_412 = arith.mulf %bitcast_convert_type3A_384, %broadcast_in_dim3A_345 : vector<16xf32>
        %add3A_413 = arith.addf %add3A_411, %mul3A_412 : vector<16xf32>
        %mul3A_414 = arith.mulf %bitcast_convert_type3A_396, %broadcast_in_dim3A_348 : vector<16xf32>
        %add3A_415 = arith.addf %add3A_413, %mul3A_414 : vector<16xf32>
        %swap3A_416 = arith.index_cast %add3A_336 : i32 to index
        %swap3A_417 = arith.constant 16 : index
        %swap3A_418 = tpu.vector_load %arg20[%swap3A_416, %swap3A_417] {strides = array<i32>} : memref<128x32xf32, #tpu.memory_space<vmem>>, vector<1x16xf32>,
        %swap3A_419 = vector.shape_cast %swap3A_418 : vector<1x16xf32> to vector<16xf32>
        %swap3A_420 = vector.shape_cast %add3A_415 : vector<16xf32> to vector<1x16xf32>
        tpu.vector_store %arg20[%swap3A_416, %swap3A_417], %swap3A_420 {strides = array<i32>} : memref<128x32xf32, #tpu.memory_space<vmem>>, vector<1x16xf32>,
        %mul3A_421 = arith.constant 16 : i32
        %mul3A_422 = arith.muli %scan3A_146, %mul3A_421 : i32
        %add3A_423 = arith.constant 3 : i32
        %add3A_424 = arith.addi %mul3A_422, %add3A_423 : i32
        %slice3A_425 = vector.extract_strided_slice %add3A_163 {offsets = [3], sizes = [1], strides = [1]} : vector<16xf32> to vector<1xf32>
        %squeeze3A_426 = vector.extract %slice3A_425[0] : f32 from vector<1xf32>
        %broadcast_in_dim3A_427 = vector.broadcast %squeeze3A_426 : f32 to vector<16xf32>
        %slice3A_428 = vector.extract_strided_slice %sub3A {offsets = [3], sizes = [1], strides = [1]} : vector<16xf32> to vector<1xf32>
        %squeeze3A_429 = vector.extract %slice3A_428[0] : f32 from vector<1xf32>
        %broadcast_in_dim3A_430 = vector.broadcast %squeeze3A_429 : f32 to vector<16xf32>
        %slice3A_431 = vector.extract_strided_slice %sub3A_158 {offsets = [3], sizes = [1], strides = [1]} : vector<16xf32> to vector<1xf32>
        %squeeze3A_432 = vector.extract %slice3A_431[0] : f32 from vector<1xf32>
        %broadcast_in_dim3A_433 = vector.broadcast %squeeze3A_432 : f32 to vector<16xf32>
        %slice3A_434 = vector.extract_strided_slice %mul3A_157 {offsets = [3], sizes = [1], strides = [1]} : vector<16xf32> to vector<1xf32>
        %squeeze3A_435 = vector.extract %slice3A_434[0] : f32 from vector<1xf32>
        %broadcast_in_dim3A_436 = vector.broadcast %squeeze3A_435 : f32 to vector<16xf32>
        %get3A_437 = arith.index_cast %add3A_424 : i32 to index
        %get3A_438 = arith.constant 0 : index
        %get3A_439 = tpu.vector_load %arg21[%get3A_437, %get3A_438] {strides = array<i32>} : memref<128x16xi32, #tpu.memory_space<vmem>>, vector<1x16xi32>,
        %get3A_440 = vector.shape_cast %get3A_439 : vector<1x16xi32> to vector<16xi32>
        %shift_left3A_441 = arith.constant 16 : i32
        %shift_left3A_442 = vector.broadcast %shift_left3A_441 : i32 to vector<16xi32>
        %shift_left3A_443 = arith.shli %get3A_440, %shift_left3A_442 : vector<16xi32>
        %bitcast_convert_type3A_444 = tpu.bitcast %shift_left3A_443 : vector<16xi32> -> vector<16xf32>
        %and3A_445 = arith.constant -65536 : i32
        %and3A_446 = vector.broadcast %and3A_445 : i32 to vector<16xi32>
        %and3A_447 = arith.andi %get3A_440, %and3A_446 : vector<16xi32>
        %bitcast_convert_type3A_448 = tpu.bitcast %and3A_447 : vector<16xi32> -> vector<16xf32>
        %get3A_449 = arith.index_cast %add3A_424 : i32 to index
        %get3A_450 = arith.constant 0 : index
        %get3A_451 = tpu.vector_load %arg22[%get3A_449, %get3A_450] {strides = array<i32>} : memref<128x16xi32, #tpu.memory_space<vmem>>, vector<1x16xi32>,
        %get3A_452 = vector.shape_cast %get3A_451 : vector<1x16xi32> to vector<16xi32>
        %shift_left3A_453 = arith.constant 16 : i32
        %shift_left3A_454 = vector.broadcast %shift_left3A_453 : i32 to vector<16xi32>
        %shift_left3A_455 = arith.shli %get3A_452, %shift_left3A_454 : vector<16xi32>
        %bitcast_convert_type3A_456 = tpu.bitcast %shift_left3A_455 : vector<16xi32> -> vector<16xf32>
        %and3A_457 = arith.constant -65536 : i32
        %and3A_458 = vector.broadcast %and3A_457 : i32 to vector<16xi32>
        %and3A_459 = arith.andi %get3A_452, %and3A_458 : vector<16xi32>
        %bitcast_convert_type3A_460 = tpu.bitcast %and3A_459 : vector<16xi32> -> vector<16xf32>
        %get3A_461 = arith.index_cast %add3A_424 : i32 to index
        %get3A_462 = arith.constant 0 : index
        %get3A_463 = tpu.vector_load %arg23[%get3A_461, %get3A_462] {strides = array<i32>} : memref<128x16xi32, #tpu.memory_space<vmem>>, vector<1x16xi32>,
        %get3A_464 = vector.shape_cast %get3A_463 : vector<1x16xi32> to vector<16xi32>
        %shift_left3A_465 = arith.constant 16 : i32
        %shift_left3A_466 = vector.broadcast %shift_left3A_465 : i32 to vector<16xi32>
        %shift_left3A_467 = arith.shli %get3A_464, %shift_left3A_466 : vector<16xi32>
        %bitcast_convert_type3A_468 = tpu.bitcast %shift_left3A_467 : vector<16xi32> -> vector<16xf32>
        %and3A_469 = arith.constant -65536 : i32
        %and3A_470 = vector.broadcast %and3A_469 : i32 to vector<16xi32>
        %and3A_471 = arith.andi %get3A_464, %and3A_470 : vector<16xi32>
        %bitcast_convert_type3A_472 = tpu.bitcast %and3A_471 : vector<16xi32> -> vector<16xf32>
        %get3A_473 = arith.index_cast %add3A_424 : i32 to index
        %get3A_474 = arith.constant 0 : index
        %get3A_475 = tpu.vector_load %arg24[%get3A_473, %get3A_474] {strides = array<i32>} : memref<128x16xi32, #tpu.memory_space<vmem>>, vector<1x16xi32>,
        %get3A_476 = vector.shape_cast %get3A_475 : vector<1x16xi32> to vector<16xi32>
        %shift_left3A_477 = arith.constant 16 : i32
        %shift_left3A_478 = vector.broadcast %shift_left3A_477 : i32 to vector<16xi32>
        %shift_left3A_479 = arith.shli %get3A_476, %shift_left3A_478 : vector<16xi32>
        %bitcast_convert_type3A_480 = tpu.bitcast %shift_left3A_479 : vector<16xi32> -> vector<16xf32>
        %and3A_481 = arith.constant -65536 : i32
        %and3A_482 = vector.broadcast %and3A_481 : i32 to vector<16xi32>
        %and3A_483 = arith.andi %get3A_476, %and3A_482 : vector<16xi32>
        %bitcast_convert_type3A_484 = tpu.bitcast %and3A_483 : vector<16xi32> -> vector<16xf32>
        %mul3A_485 = arith.mulf %bitcast_convert_type3A_444, %broadcast_in_dim3A_427 : vector<16xf32>
        %mul3A_486 = arith.mulf %bitcast_convert_type3A_456, %broadcast_in_dim3A_430 : vector<16xf32>
        %add3A_487 = arith.addf %mul3A_485, %mul3A_486 : vector<16xf32>
        %mul3A_488 = arith.mulf %bitcast_convert_type3A_468, %broadcast_in_dim3A_433 : vector<16xf32>
        %add3A_489 = arith.addf %add3A_487, %mul3A_488 : vector<16xf32>
        %mul3A_490 = arith.mulf %bitcast_convert_type3A_480, %broadcast_in_dim3A_436 : vector<16xf32>
        %add3A_491 = arith.addf %add3A_489, %mul3A_490 : vector<16xf32>
        %swap3A_492 = arith.index_cast %add3A_424 : i32 to index
        %swap3A_493 = arith.constant 0 : index
        %swap3A_494 = tpu.vector_load %arg20[%swap3A_492, %swap3A_493] {strides = array<i32>} : memref<128x32xf32, #tpu.memory_space<vmem>>, vector<1x16xf32>,
        %swap3A_495 = vector.shape_cast %swap3A_494 : vector<1x16xf32> to vector<16xf32>
        %swap3A_496 = vector.shape_cast %add3A_491 : vector<16xf32> to vector<1x16xf32>
        tpu.vector_store %arg20[%swap3A_492, %swap3A_493], %swap3A_496 {strides = array<i32>} : memref<128x32xf32, #tpu.memory_space<vmem>>, vector<1x16xf32>,
        %mul3A_497 = arith.mulf %bitcast_convert_type3A_448, %broadcast_in_dim3A_427 : vector<16xf32>
        %mul3A_498 = arith.mulf %bitcast_convert_type3A_460, %broadcast_in_dim3A_430 : vector<16xf32>
        %add3A_499 = arith.addf %mul3A_497, %mul3A_498 : vector<16xf32>
        %mul3A_500 = arith.mulf %bitcast_convert_type3A_472, %broadcast_in_dim3A_433 : vector<16xf32>
        %add3A_501 = arith.addf %add3A_499, %mul3A_500 : vector<16xf32>
        %mul3A_502 = arith.mulf %bitcast_convert_type3A_484, %broadcast_in_dim3A_436 : vector<16xf32>
        %add3A_503 = arith.addf %add3A_501, %mul3A_502 : vector<16xf32>
        %swap3A_504 = arith.index_cast %add3A_424 : i32 to index
        %swap3A_505 = arith.constant 16 : index
        %swap3A_506 = tpu.vector_load %arg20[%swap3A_504, %swap3A_505] {strides = array<i32>} : memref<128x32xf32, #tpu.memory_space<vmem>>, vector<1x16xf32>,
        %swap3A_507 = vector.shape_cast %swap3A_506 : vector<1x16xf32> to vector<16xf32>
        %swap3A_508 = vector.shape_cast %add3A_503 : vector<16xf32> to vector<1x16xf32>
        tpu.vector_store %arg20[%swap3A_504, %swap3A_505], %swap3A_508 {strides = array<i32>} : memref<128x32xf32, #tpu.memory_space<vmem>>, vector<1x16xf32>,
        %mul3A_509 = arith.constant 16 : i32
        %mul3A_510 = arith.muli %scan3A_146, %mul3A_509 : i32
        %add3A_511 = arith.constant 4 : i32
        %add3A_512 = arith.addi %mul3A_510, %add3A_511 : i32
        %slice3A_513 = vector.extract_strided_slice %add3A_163 {offsets = [4], sizes = [1], strides = [1]} : vector<16xf32> to vector<1xf32>
        %squeeze3A_514 = vector.extract %slice3A_513[0] : f32 from vector<1xf32>
        %broadcast_in_dim3A_515 = vector.broadcast %squeeze3A_514 : f32 to vector<16xf32>
        %slice3A_516 = vector.extract_strided_slice %sub3A {offsets = [4], sizes = [1], strides = [1]} : vector<16xf32> to vector<1xf32>
        %squeeze3A_517 = vector.extract %slice3A_516[0] : f32 from vector<1xf32>
        %broadcast_in_dim3A_518 = vector.broadcast %squeeze3A_517 : f32 to vector<16xf32>
        %slice3A_519 = vector.extract_strided_slice %sub3A_158 {offsets = [4], sizes = [1], strides = [1]} : vector<16xf32> to vector<1xf32>
        %squeeze3A_520 = vector.extract %slice3A_519[0] : f32 from vector<1xf32>
        %broadcast_in_dim3A_521 = vector.broadcast %squeeze3A_520 : f32 to vector<16xf32>
        %slice3A_522 = vector.extract_strided_slice %mul3A_157 {offsets = [4], sizes = [1], strides = [1]} : vector<16xf32> to vector<1xf32>
        %squeeze3A_523 = vector.extract %slice3A_522[0] : f32 from vector<1xf32>
        %broadcast_in_dim3A_524 = vector.broadcast %squeeze3A_523 : f32 to vector<16xf32>
        %get3A_525 = arith.index_cast %add3A_512 : i32 to index
        %get3A_526 = arith.constant 0 : index
        %get3A_527 = tpu.vector_load %arg21[%get3A_525, %get3A_526] {strides = array<i32>} : memref<128x16xi32, #tpu.memory_space<vmem>>, vector<1x16xi32>,
        %get3A_528 = vector.shape_cast %get3A_527 : vector<1x16xi32> to vector<16xi32>
        %shift_left3A_529 = arith.constant 16 : i32
        %shift_left3A_530 = vector.broadcast %shift_left3A_529 : i32 to vector<16xi32>
        %shift_left3A_531 = arith.shli %get3A_528, %shift_left3A_530 : vector<16xi32>
        %bitcast_convert_type3A_532 = tpu.bitcast %shift_left3A_531 : vector<16xi32> -> vector<16xf32>
        %and3A_533 = arith.constant -65536 : i32
        %and3A_534 = vector.broadcast %and3A_533 : i32 to vector<16xi32>
        %and3A_535 = arith.andi %get3A_528, %and3A_534 : vector<16xi32>
        %bitcast_convert_type3A_536 = tpu.bitcast %and3A_535 : vector<16xi32> -> vector<16xf32>
        %get3A_537 = arith.index_cast %add3A_512 : i32 to index
        %get3A_538 = arith.constant 0 : index
        %get3A_539 = tpu.vector_load %arg22[%get3A_537, %get3A_538] {strides = array<i32>} : memref<128x16xi32, #tpu.memory_space<vmem>>, vector<1x16xi32>,
        %get3A_540 = vector.shape_cast %get3A_539 : vector<1x16xi32> to vector<16xi32>
        %shift_left3A_541 = arith.constant 16 : i32
        %shift_left3A_542 = vector.broadcast %shift_left3A_541 : i32 to vector<16xi32>
        %shift_left3A_543 = arith.shli %get3A_540, %shift_left3A_542 : vector<16xi32>
        %bitcast_convert_type3A_544 = tpu.bitcast %shift_left3A_543 : vector<16xi32> -> vector<16xf32>
        %and3A_545 = arith.constant -65536 : i32
        %and3A_546 = vector.broadcast %and3A_545 : i32 to vector<16xi32>
        %and3A_547 = arith.andi %get3A_540, %and3A_546 : vector<16xi32>
        %bitcast_convert_type3A_548 = tpu.bitcast %and3A_547 : vector<16xi32> -> vector<16xf32>
        %get3A_549 = arith.index_cast %add3A_512 : i32 to index
        %get3A_550 = arith.constant 0 : index
        %get3A_551 = tpu.vector_load %arg23[%get3A_549, %get3A_550] {strides = array<i32>} : memref<128x16xi32, #tpu.memory_space<vmem>>, vector<1x16xi32>,
        %get3A_552 = vector.shape_cast %get3A_551 : vector<1x16xi32> to vector<16xi32>
        %shift_left3A_553 = arith.constant 16 : i32
        %shift_left3A_554 = vector.broadcast %shift_left3A_553 : i32 to vector<16xi32>
        %shift_left3A_555 = arith.shli %get3A_552, %shift_left3A_554 : vector<16xi32>
        %bitcast_convert_type3A_556 = tpu.bitcast %shift_left3A_555 : vector<16xi32> -> vector<16xf32>
        %and3A_557 = arith.constant -65536 : i32
        %and3A_558 = vector.broadcast %and3A_557 : i32 to vector<16xi32>
        %and3A_559 = arith.andi %get3A_552, %and3A_558 : vector<16xi32>
        %bitcast_convert_type3A_560 = tpu.bitcast %and3A_559 : vector<16xi32> -> vector<16xf32>
        %get3A_561 = arith.index_cast %add3A_512 : i32 to index
        %get3A_562 = arith.constant 0 : index
        %get3A_563 = tpu.vector_load %arg24[%get3A_561, %get3A_562] {strides = array<i32>} : memref<128x16xi32, #tpu.memory_space<vmem>>, vector<1x16xi32>,
        %get3A_564 = vector.shape_cast %get3A_563 : vector<1x16xi32> to vector<16xi32>
        %shift_left3A_565 = arith.constant 16 : i32
        %shift_left3A_566 = vector.broadcast %shift_left3A_565 : i32 to vector<16xi32>
        %shift_left3A_567 = arith.shli %get3A_564, %shift_left3A_566 : vector<16xi32>
        %bitcast_convert_type3A_568 = tpu.bitcast %shift_left3A_567 : vector<16xi32> -> vector<16xf32>
        %and3A_569 = arith.constant -65536 : i32
        %and3A_570 = vector.broadcast %and3A_569 : i32 to vector<16xi32>
        %and3A_571 = arith.andi %get3A_564, %and3A_570 : vector<16xi32>
        %bitcast_convert_type3A_572 = tpu.bitcast %and3A_571 : vector<16xi32> -> vector<16xf32>
        %mul3A_573 = arith.mulf %bitcast_convert_type3A_532, %broadcast_in_dim3A_515 : vector<16xf32>
        %mul3A_574 = arith.mulf %bitcast_convert_type3A_544, %broadcast_in_dim3A_518 : vector<16xf32>
        %add3A_575 = arith.addf %mul3A_573, %mul3A_574 : vector<16xf32>
        %mul3A_576 = arith.mulf %bitcast_convert_type3A_556, %broadcast_in_dim3A_521 : vector<16xf32>
        %add3A_577 = arith.addf %add3A_575, %mul3A_576 : vector<16xf32>
        %mul3A_578 = arith.mulf %bitcast_convert_type3A_568, %broadcast_in_dim3A_524 : vector<16xf32>
        %add3A_579 = arith.addf %add3A_577, %mul3A_578 : vector<16xf32>
        %swap3A_580 = arith.index_cast %add3A_512 : i32 to index
        %swap3A_581 = arith.constant 0 : index
        %swap3A_582 = tpu.vector_load %arg20[%swap3A_580, %swap3A_581] {strides = array<i32>} : memref<128x32xf32, #tpu.memory_space<vmem>>, vector<1x16xf32>,
        %swap3A_583 = vector.shape_cast %swap3A_582 : vector<1x16xf32> to vector<16xf32>
        %swap3A_584 = vector.shape_cast %add3A_579 : vector<16xf32> to vector<1x16xf32>
        tpu.vector_store %arg20[%swap3A_580, %swap3A_581], %swap3A_584 {strides = array<i32>} : memref<128x32xf32, #tpu.memory_space<vmem>>, vector<1x16xf32>,
        %mul3A_585 = arith.mulf %bitcast_convert_type3A_536, %broadcast_in_dim3A_515 : vector<16xf32>
        %mul3A_586 = arith.mulf %bitcast_convert_type3A_548, %broadcast_in_dim3A_518 : vector<16xf32>
        %add3A_587 = arith.addf %mul3A_585, %mul3A_586 : vector<16xf32>
        %mul3A_588 = arith.mulf %bitcast_convert_type3A_560, %broadcast_in_dim3A_521 : vector<16xf32>
        %add3A_589 = arith.addf %add3A_587, %mul3A_588 : vector<16xf32>
        %mul3A_590 = arith.mulf %bitcast_convert_type3A_572, %broadcast_in_dim3A_524 : vector<16xf32>
        %add3A_591 = arith.addf %add3A_589, %mul3A_590 : vector<16xf32>
        %swap3A_592 = arith.index_cast %add3A_512 : i32 to index
        %swap3A_593 = arith.constant 16 : index
        %swap3A_594 = tpu.vector_load %arg20[%swap3A_592, %swap3A_593] {strides = array<i32>} : memref<128x32xf32, #tpu.memory_space<vmem>>, vector<1x16xf32>,
        %swap3A_595 = vector.shape_cast %swap3A_594 : vector<1x16xf32> to vector<16xf32>
        %swap3A_596 = vector.shape_cast %add3A_591 : vector<16xf32> to vector<1x16xf32>
        tpu.vector_store %arg20[%swap3A_592, %swap3A_593], %swap3A_596 {strides = array<i32>} : memref<128x32xf32, #tpu.memory_space<vmem>>, vector<1x16xf32>,
        %mul3A_597 = arith.constant 16 : i32
        %mul3A_598 = arith.muli %scan3A_146, %mul3A_597 : i32
        %add3A_599 = arith.constant 5 : i32
        %add3A_600 = arith.addi %mul3A_598, %add3A_599 : i32
        %slice3A_601 = vector.extract_strided_slice %add3A_163 {offsets = [5], sizes = [1], strides = [1]} : vector<16xf32> to vector<1xf32>
        %squeeze3A_602 = vector.extract %slice3A_601[0] : f32 from vector<1xf32>
        %broadcast_in_dim3A_603 = vector.broadcast %squeeze3A_602 : f32 to vector<16xf32>
        %slice3A_604 = vector.extract_strided_slice %sub3A {offsets = [5], sizes = [1], strides = [1]} : vector<16xf32> to vector<1xf32>
        %squeeze3A_605 = vector.extract %slice3A_604[0] : f32 from vector<1xf32>
        %broadcast_in_dim3A_606 = vector.broadcast %squeeze3A_605 : f32 to vector<16xf32>
        %slice3A_607 = vector.extract_strided_slice %sub3A_158 {offsets = [5], sizes = [1], strides = [1]} : vector<16xf32> to vector<1xf32>
        %squeeze3A_608 = vector.extract %slice3A_607[0] : f32 from vector<1xf32>
        %broadcast_in_dim3A_609 = vector.broadcast %squeeze3A_608 : f32 to vector<16xf32>
        %slice3A_610 = vector.extract_strided_slice %mul3A_157 {offsets = [5], sizes = [1], strides = [1]} : vector<16xf32> to vector<1xf32>
        %squeeze3A_611 = vector.extract %slice3A_610[0] : f32 from vector<1xf32>
        %broadcast_in_dim3A_612 = vector.broadcast %squeeze3A_611 : f32 to vector<16xf32>
        %get3A_613 = arith.index_cast %add3A_600 : i32 to index
        %get3A_614 = arith.constant 0 : index
        %get3A_615 = tpu.vector_load %arg21[%get3A_613, %get3A_614] {strides = array<i32>} : memref<128x16xi32, #tpu.memory_space<vmem>>, vector<1x16xi32>,
        %get3A_616 = vector.shape_cast %get3A_615 : vector<1x16xi32> to vector<16xi32>
        %shift_left3A_617 = arith.constant 16 : i32
        %shift_left3A_618 = vector.broadcast %shift_left3A_617 : i32 to vector<16xi32>
        %shift_left3A_619 = arith.shli %get3A_616, %shift_left3A_618 : vector<16xi32>
        %bitcast_convert_type3A_620 = tpu.bitcast %shift_left3A_619 : vector<16xi32> -> vector<16xf32>
        %and3A_621 = arith.constant -65536 : i32
        %and3A_622 = vector.broadcast %and3A_621 : i32 to vector<16xi32>
        %and3A_623 = arith.andi %get3A_616, %and3A_622 : vector<16xi32>
        %bitcast_convert_type3A_624 = tpu.bitcast %and3A_623 : vector<16xi32> -> vector<16xf32>
        %get3A_625 = arith.index_cast %add3A_600 : i32 to index
        %get3A_626 = arith.constant 0 : index
        %get3A_627 = tpu.vector_load %arg22[%get3A_625, %get3A_626] {strides = array<i32>} : memref<128x16xi32, #tpu.memory_space<vmem>>, vector<1x16xi32>,
        %get3A_628 = vector.shape_cast %get3A_627 : vector<1x16xi32> to vector<16xi32>
        %shift_left3A_629 = arith.constant 16 : i32
        %shift_left3A_630 = vector.broadcast %shift_left3A_629 : i32 to vector<16xi32>
        %shift_left3A_631 = arith.shli %get3A_628, %shift_left3A_630 : vector<16xi32>
        %bitcast_convert_type3A_632 = tpu.bitcast %shift_left3A_631 : vector<16xi32> -> vector<16xf32>
        %and3A_633 = arith.constant -65536 : i32
        %and3A_634 = vector.broadcast %and3A_633 : i32 to vector<16xi32>
        %and3A_635 = arith.andi %get3A_628, %and3A_634 : vector<16xi32>
        %bitcast_convert_type3A_636 = tpu.bitcast %and3A_635 : vector<16xi32> -> vector<16xf32>
        %get3A_637 = arith.index_cast %add3A_600 : i32 to index
        %get3A_638 = arith.constant 0 : index
        %get3A_639 = tpu.vector_load %arg23[%get3A_637, %get3A_638] {strides = array<i32>} : memref<128x16xi32, #tpu.memory_space<vmem>>, vector<1x16xi32>,
        %get3A_640 = vector.shape_cast %get3A_639 : vector<1x16xi32> to vector<16xi32>
        %shift_left3A_641 = arith.constant 16 : i32
        %shift_left3A_642 = vector.broadcast %shift_left3A_641 : i32 to vector<16xi32>
        %shift_left3A_643 = arith.shli %get3A_640, %shift_left3A_642 : vector<16xi32>
        %bitcast_convert_type3A_644 = tpu.bitcast %shift_left3A_643 : vector<16xi32> -> vector<16xf32>
        %and3A_645 = arith.constant -65536 : i32
        %and3A_646 = vector.broadcast %and3A_645 : i32 to vector<16xi32>
        %and3A_647 = arith.andi %get3A_640, %and3A_646 : vector<16xi32>
        %bitcast_convert_type3A_648 = tpu.bitcast %and3A_647 : vector<16xi32> -> vector<16xf32>
        %get3A_649 = arith.index_cast %add3A_600 : i32 to index
        %get3A_650 = arith.constant 0 : index
        %get3A_651 = tpu.vector_load %arg24[%get3A_649, %get3A_650] {strides = array<i32>} : memref<128x16xi32, #tpu.memory_space<vmem>>, vector<1x16xi32>,
        %get3A_652 = vector.shape_cast %get3A_651 : vector<1x16xi32> to vector<16xi32>
        %shift_left3A_653 = arith.constant 16 : i32
        %shift_left3A_654 = vector.broadcast %shift_left3A_653 : i32 to vector<16xi32>
        %shift_left3A_655 = arith.shli %get3A_652, %shift_left3A_654 : vector<16xi32>
        %bitcast_convert_type3A_656 = tpu.bitcast %shift_left3A_655 : vector<16xi32> -> vector<16xf32>
        %and3A_657 = arith.constant -65536 : i32
        %and3A_658 = vector.broadcast %and3A_657 : i32 to vector<16xi32>
        %and3A_659 = arith.andi %get3A_652, %and3A_658 : vector<16xi32>
        %bitcast_convert_type3A_660 = tpu.bitcast %and3A_659 : vector<16xi32> -> vector<16xf32>
        %mul3A_661 = arith.mulf %bitcast_convert_type3A_620, %broadcast_in_dim3A_603 : vector<16xf32>
        %mul3A_662 = arith.mulf %bitcast_convert_type3A_632, %broadcast_in_dim3A_606 : vector<16xf32>
        %add3A_663 = arith.addf %mul3A_661, %mul3A_662 : vector<16xf32>
        %mul3A_664 = arith.mulf %bitcast_convert_type3A_644, %broadcast_in_dim3A_609 : vector<16xf32>
        %add3A_665 = arith.addf %add3A_663, %mul3A_664 : vector<16xf32>
        %mul3A_666 = arith.mulf %bitcast_convert_type3A_656, %broadcast_in_dim3A_612 : vector<16xf32>
        %add3A_667 = arith.addf %add3A_665, %mul3A_666 : vector<16xf32>
        %swap3A_668 = arith.index_cast %add3A_600 : i32 to index
        %swap3A_669 = arith.constant 0 : index
        %swap3A_670 = tpu.vector_load %arg20[%swap3A_668, %swap3A_669] {strides = array<i32>} : memref<128x32xf32, #tpu.memory_space<vmem>>, vector<1x16xf32>,
        %swap3A_671 = vector.shape_cast %swap3A_670 : vector<1x16xf32> to vector<16xf32>
        %swap3A_672 = vector.shape_cast %add3A_667 : vector<16xf32> to vector<1x16xf32>
        tpu.vector_store %arg20[%swap3A_668, %swap3A_669], %swap3A_672 {strides = array<i32>} : memref<128x32xf32, #tpu.memory_space<vmem>>, vector<1x16xf32>,
        %mul3A_673 = arith.mulf %bitcast_convert_type3A_624, %broadcast_in_dim3A_603 : vector<16xf32>
        %mul3A_674 = arith.mulf %bitcast_convert_type3A_636, %broadcast_in_dim3A_606 : vector<16xf32>
        %add3A_675 = arith.addf %mul3A_673, %mul3A_674 : vector<16xf32>
        %mul3A_676 = arith.mulf %bitcast_convert_type3A_648, %broadcast_in_dim3A_609 : vector<16xf32>
        %add3A_677 = arith.addf %add3A_675, %mul3A_676 : vector<16xf32>
        %mul3A_678 = arith.mulf %bitcast_convert_type3A_660, %broadcast_in_dim3A_612 : vector<16xf32>
        %add3A_679 = arith.addf %add3A_677, %mul3A_678 : vector<16xf32>
        %swap3A_680 = arith.index_cast %add3A_600 : i32 to index
        %swap3A_681 = arith.constant 16 : index
        %swap3A_682 = tpu.vector_load %arg20[%swap3A_680, %swap3A_681] {strides = array<i32>} : memref<128x32xf32, #tpu.memory_space<vmem>>, vector<1x16xf32>,
        %swap3A_683 = vector.shape_cast %swap3A_682 : vector<1x16xf32> to vector<16xf32>
        %swap3A_684 = vector.shape_cast %add3A_679 : vector<16xf32> to vector<1x16xf32>
        tpu.vector_store %arg20[%swap3A_680, %swap3A_681], %swap3A_684 {strides = array<i32>} : memref<128x32xf32, #tpu.memory_space<vmem>>, vector<1x16xf32>,
        %mul3A_685 = arith.constant 16 : i32
        %mul3A_686 = arith.muli %scan3A_146, %mul3A_685 : i32
        %add3A_687 = arith.constant 6 : i32
        %add3A_688 = arith.addi %mul3A_686, %add3A_687 : i32
        %slice3A_689 = vector.extract_strided_slice %add3A_163 {offsets = [6], sizes = [1], strides = [1]} : vector<16xf32> to vector<1xf32>
        %squeeze3A_690 = vector.extract %slice3A_689[0] : f32 from vector<1xf32>
        %broadcast_in_dim3A_691 = vector.broadcast %squeeze3A_690 : f32 to vector<16xf32>
        %slice3A_692 = vector.extract_strided_slice %sub3A {offsets = [6], sizes = [1], strides = [1]} : vector<16xf32> to vector<1xf32>
        %squeeze3A_693 = vector.extract %slice3A_692[0] : f32 from vector<1xf32>
        %broadcast_in_dim3A_694 = vector.broadcast %squeeze3A_693 : f32 to vector<16xf32>
        %slice3A_695 = vector.extract_strided_slice %sub3A_158 {offsets = [6], sizes = [1], strides = [1]} : vector<16xf32> to vector<1xf32>
        %squeeze3A_696 = vector.extract %slice3A_695[0] : f32 from vector<1xf32>
        %broadcast_in_dim3A_697 = vector.broadcast %squeeze3A_696 : f32 to vector<16xf32>
        %slice3A_698 = vector.extract_strided_slice %mul3A_157 {offsets = [6], sizes = [1], strides = [1]} : vector<16xf32> to vector<1xf32>
        %squeeze3A_699 = vector.extract %slice3A_698[0] : f32 from vector<1xf32>
        %broadcast_in_dim3A_700 = vector.broadcast %squeeze3A_699 : f32 to vector<16xf32>
        %get3A_701 = arith.index_cast %add3A_688 : i32 to index
        %get3A_702 = arith.constant 0 : index
        %get3A_703 = tpu.vector_load %arg21[%get3A_701, %get3A_702] {strides = array<i32>} : memref<128x16xi32, #tpu.memory_space<vmem>>, vector<1x16xi32>,
        %get3A_704 = vector.shape_cast %get3A_703 : vector<1x16xi32> to vector<16xi32>
        %shift_left3A_705 = arith.constant 16 : i32
        %shift_left3A_706 = vector.broadcast %shift_left3A_705 : i32 to vector<16xi32>
        %shift_left3A_707 = arith.shli %get3A_704, %shift_left3A_706 : vector<16xi32>
        %bitcast_convert_type3A_708 = tpu.bitcast %shift_left3A_707 : vector<16xi32> -> vector<16xf32>
        %and3A_709 = arith.constant -65536 : i32
        %and3A_710 = vector.broadcast %and3A_709 : i32 to vector<16xi32>
        %and3A_711 = arith.andi %get3A_704, %and3A_710 : vector<16xi32>
        %bitcast_convert_type3A_712 = tpu.bitcast %and3A_711 : vector<16xi32> -> vector<16xf32>
        %get3A_713 = arith.index_cast %add3A_688 : i32 to index
        %get3A_714 = arith.constant 0 : index
        %get3A_715 = tpu.vector_load %arg22[%get3A_713, %get3A_714] {strides = array<i32>} : memref<128x16xi32, #tpu.memory_space<vmem>>, vector<1x16xi32>,
        %get3A_716 = vector.shape_cast %get3A_715 : vector<1x16xi32> to vector<16xi32>
        %shift_left3A_717 = arith.constant 16 : i32
        %shift_left3A_718 = vector.broadcast %shift_left3A_717 : i32 to vector<16xi32>
        %shift_left3A_719 = arith.shli %get3A_716, %shift_left3A_718 : vector<16xi32>
        %bitcast_convert_type3A_720 = tpu.bitcast %shift_left3A_719 : vector<16xi32> -> vector<16xf32>
        %and3A_721 = arith.constant -65536 : i32
        %and3A_722 = vector.broadcast %and3A_721 : i32 to vector<16xi32>
        %and3A_723 = arith.andi %get3A_716, %and3A_722 : vector<16xi32>
        %bitcast_convert_type3A_724 = tpu.bitcast %and3A_723 : vector<16xi32> -> vector<16xf32>
        %get3A_725 = arith.index_cast %add3A_688 : i32 to index
        %get3A_726 = arith.constant 0 : index
        %get3A_727 = tpu.vector_load %arg23[%get3A_725, %get3A_726] {strides = array<i32>} : memref<128x16xi32, #tpu.memory_space<vmem>>, vector<1x16xi32>,
        %get3A_728 = vector.shape_cast %get3A_727 : vector<1x16xi32> to vector<16xi32>
        %shift_left3A_729 = arith.constant 16 : i32
        %shift_left3A_730 = vector.broadcast %shift_left3A_729 : i32 to vector<16xi32>
        %shift_left3A_731 = arith.shli %get3A_728, %shift_left3A_730 : vector<16xi32>
        %bitcast_convert_type3A_732 = tpu.bitcast %shift_left3A_731 : vector<16xi32> -> vector<16xf32>
        %and3A_733 = arith.constant -65536 : i32
        %and3A_734 = vector.broadcast %and3A_733 : i32 to vector<16xi32>
        %and3A_735 = arith.andi %get3A_728, %and3A_734 : vector<16xi32>
        %bitcast_convert_type3A_736 = tpu.bitcast %and3A_735 : vector<16xi32> -> vector<16xf32>
        %get3A_737 = arith.index_cast %add3A_688 : i32 to index
        %get3A_738 = arith.constant 0 : index
        %get3A_739 = tpu.vector_load %arg24[%get3A_737, %get3A_738] {strides = array<i32>} : memref<128x16xi32, #tpu.memory_space<vmem>>, vector<1x16xi32>,
        %get3A_740 = vector.shape_cast %get3A_739 : vector<1x16xi32> to vector<16xi32>
        %shift_left3A_741 = arith.constant 16 : i32
        %shift_left3A_742 = vector.broadcast %shift_left3A_741 : i32 to vector<16xi32>
        %shift_left3A_743 = arith.shli %get3A_740, %shift_left3A_742 : vector<16xi32>
        %bitcast_convert_type3A_744 = tpu.bitcast %shift_left3A_743 : vector<16xi32> -> vector<16xf32>
        %and3A_745 = arith.constant -65536 : i32
        %and3A_746 = vector.broadcast %and3A_745 : i32 to vector<16xi32>
        %and3A_747 = arith.andi %get3A_740, %and3A_746 : vector<16xi32>
        %bitcast_convert_type3A_748 = tpu.bitcast %and3A_747 : vector<16xi32> -> vector<16xf32>
        %mul3A_749 = arith.mulf %bitcast_convert_type3A_708, %broadcast_in_dim3A_691 : vector<16xf32>
        %mul3A_750 = arith.mulf %bitcast_convert_type3A_720, %broadcast_in_dim3A_694 : vector<16xf32>
        %add3A_751 = arith.addf %mul3A_749, %mul3A_750 : vector<16xf32>
        %mul3A_752 = arith.mulf %bitcast_convert_type3A_732, %broadcast_in_dim3A_697 : vector<16xf32>
        %add3A_753 = arith.addf %add3A_751, %mul3A_752 : vector<16xf32>
        %mul3A_754 = arith.mulf %bitcast_convert_type3A_744, %broadcast_in_dim3A_700 : vector<16xf32>
        %add3A_755 = arith.addf %add3A_753, %mul3A_754 : vector<16xf32>
        %swap3A_756 = arith.index_cast %add3A_688 : i32 to index
        %swap3A_757 = arith.constant 0 : index
        %swap3A_758 = tpu.vector_load %arg20[%swap3A_756, %swap3A_757] {strides = array<i32>} : memref<128x32xf32, #tpu.memory_space<vmem>>, vector<1x16xf32>,
        %swap3A_759 = vector.shape_cast %swap3A_758 : vector<1x16xf32> to vector<16xf32>
        %swap3A_760 = vector.shape_cast %add3A_755 : vector<16xf32> to vector<1x16xf32>
        tpu.vector_store %arg20[%swap3A_756, %swap3A_757], %swap3A_760 {strides = array<i32>} : memref<128x32xf32, #tpu.memory_space<vmem>>, vector<1x16xf32>,
        %mul3A_761 = arith.mulf %bitcast_convert_type3A_712, %broadcast_in_dim3A_691 : vector<16xf32>
        %mul3A_762 = arith.mulf %bitcast_convert_type3A_724, %broadcast_in_dim3A_694 : vector<16xf32>
        %add3A_763 = arith.addf %mul3A_761, %mul3A_762 : vector<16xf32>
        %mul3A_764 = arith.mulf %bitcast_convert_type3A_736, %broadcast_in_dim3A_697 : vector<16xf32>
        %add3A_765 = arith.addf %add3A_763, %mul3A_764 : vector<16xf32>
        %mul3A_766 = arith.mulf %bitcast_convert_type3A_748, %broadcast_in_dim3A_700 : vector<16xf32>
        %add3A_767 = arith.addf %add3A_765, %mul3A_766 : vector<16xf32>
        %swap3A_768 = arith.index_cast %add3A_688 : i32 to index
        %swap3A_769 = arith.constant 16 : index
        %swap3A_770 = tpu.vector_load %arg20[%swap3A_768, %swap3A_769] {strides = array<i32>} : memref<128x32xf32, #tpu.memory_space<vmem>>, vector<1x16xf32>,
        %swap3A_771 = vector.shape_cast %swap3A_770 : vector<1x16xf32> to vector<16xf32>
        %swap3A_772 = vector.shape_cast %add3A_767 : vector<16xf32> to vector<1x16xf32>
        tpu.vector_store %arg20[%swap3A_768, %swap3A_769], %swap3A_772 {strides = array<i32>} : memref<128x32xf32, #tpu.memory_space<vmem>>, vector<1x16xf32>,
        %mul3A_773 = arith.constant 16 : i32
        %mul3A_774 = arith.muli %scan3A_146, %mul3A_773 : i32
        %add3A_775 = arith.constant 7 : i32
        %add3A_776 = arith.addi %mul3A_774, %add3A_775 : i32
        %slice3A_777 = vector.extract_strided_slice %add3A_163 {offsets = [7], sizes = [1], strides = [1]} : vector<16xf32> to vector<1xf32>
        %squeeze3A_778 = vector.extract %slice3A_777[0] : f32 from vector<1xf32>
        %broadcast_in_dim3A_779 = vector.broadcast %squeeze3A_778 : f32 to vector<16xf32>
        %slice3A_780 = vector.extract_strided_slice %sub3A {offsets = [7], sizes = [1], strides = [1]} : vector<16xf32> to vector<1xf32>
        %squeeze3A_781 = vector.extract %slice3A_780[0] : f32 from vector<1xf32>
        %broadcast_in_dim3A_782 = vector.broadcast %squeeze3A_781 : f32 to vector<16xf32>
        %slice3A_783 = vector.extract_strided_slice %sub3A_158 {offsets = [7], sizes = [1], strides = [1]} : vector<16xf32> to vector<1xf32>
        %squeeze3A_784 = vector.extract %slice3A_783[0] : f32 from vector<1xf32>
        %broadcast_in_dim3A_785 = vector.broadcast %squeeze3A_784 : f32 to vector<16xf32>
        %slice3A_786 = vector.extract_strided_slice %mul3A_157 {offsets = [7], sizes = [1], strides = [1]} : vector<16xf32> to vector<1xf32>
        %squeeze3A_787 = vector.extract %slice3A_786[0] : f32 from vector<1xf32>
        %broadcast_in_dim3A_788 = vector.broadcast %squeeze3A_787 : f32 to vector<16xf32>
        %get3A_789 = arith.index_cast %add3A_776 : i32 to index
        %get3A_790 = arith.constant 0 : index
        %get3A_791 = tpu.vector_load %arg21[%get3A_789, %get3A_790] {strides = array<i32>} : memref<128x16xi32, #tpu.memory_space<vmem>>, vector<1x16xi32>,
        %get3A_792 = vector.shape_cast %get3A_791 : vector<1x16xi32> to vector<16xi32>
        %shift_left3A_793 = arith.constant 16 : i32
        %shift_left3A_794 = vector.broadcast %shift_left3A_793 : i32 to vector<16xi32>
        %shift_left3A_795 = arith.shli %get3A_792, %shift_left3A_794 : vector<16xi32>
        %bitcast_convert_type3A_796 = tpu.bitcast %shift_left3A_795 : vector<16xi32> -> vector<16xf32>
        %and3A_797 = arith.constant -65536 : i32
        %and3A_798 = vector.broadcast %and3A_797 : i32 to vector<16xi32>
        %and3A_799 = arith.andi %get3A_792, %and3A_798 : vector<16xi32>
        %bitcast_convert_type3A_800 = tpu.bitcast %and3A_799 : vector<16xi32> -> vector<16xf32>
        %get3A_801 = arith.index_cast %add3A_776 : i32 to index
        %get3A_802 = arith.constant 0 : index
        %get3A_803 = tpu.vector_load %arg22[%get3A_801, %get3A_802] {strides = array<i32>} : memref<128x16xi32, #tpu.memory_space<vmem>>, vector<1x16xi32>,
        %get3A_804 = vector.shape_cast %get3A_803 : vector<1x16xi32> to vector<16xi32>
        %shift_left3A_805 = arith.constant 16 : i32
        %shift_left3A_806 = vector.broadcast %shift_left3A_805 : i32 to vector<16xi32>
        %shift_left3A_807 = arith.shli %get3A_804, %shift_left3A_806 : vector<16xi32>
        %bitcast_convert_type3A_808 = tpu.bitcast %shift_left3A_807 : vector<16xi32> -> vector<16xf32>
        %and3A_809 = arith.constant -65536 : i32
        %and3A_810 = vector.broadcast %and3A_809 : i32 to vector<16xi32>
        %and3A_811 = arith.andi %get3A_804, %and3A_810 : vector<16xi32>
        %bitcast_convert_type3A_812 = tpu.bitcast %and3A_811 : vector<16xi32> -> vector<16xf32>
        %get3A_813 = arith.index_cast %add3A_776 : i32 to index
        %get3A_814 = arith.constant 0 : index
        %get3A_815 = tpu.vector_load %arg23[%get3A_813, %get3A_814] {strides = array<i32>} : memref<128x16xi32, #tpu.memory_space<vmem>>, vector<1x16xi32>,
        %get3A_816 = vector.shape_cast %get3A_815 : vector<1x16xi32> to vector<16xi32>
        %shift_left3A_817 = arith.constant 16 : i32
        %shift_left3A_818 = vector.broadcast %shift_left3A_817 : i32 to vector<16xi32>
        %shift_left3A_819 = arith.shli %get3A_816, %shift_left3A_818 : vector<16xi32>
        %bitcast_convert_type3A_820 = tpu.bitcast %shift_left3A_819 : vector<16xi32> -> vector<16xf32>
        %and3A_821 = arith.constant -65536 : i32
        %and3A_822 = vector.broadcast %and3A_821 : i32 to vector<16xi32>
        %and3A_823 = arith.andi %get3A_816, %and3A_822 : vector<16xi32>
        %bitcast_convert_type3A_824 = tpu.bitcast %and3A_823 : vector<16xi32> -> vector<16xf32>
        %get3A_825 = arith.index_cast %add3A_776 : i32 to index
        %get3A_826 = arith.constant 0 : index
        %get3A_827 = tpu.vector_load %arg24[%get3A_825, %get3A_826] {strides = array<i32>} : memref<128x16xi32, #tpu.memory_space<vmem>>, vector<1x16xi32>,
        %get3A_828 = vector.shape_cast %get3A_827 : vector<1x16xi32> to vector<16xi32>
        %shift_left3A_829 = arith.constant 16 : i32
        %shift_left3A_830 = vector.broadcast %shift_left3A_829 : i32 to vector<16xi32>
        %shift_left3A_831 = arith.shli %get3A_828, %shift_left3A_830 : vector<16xi32>
        %bitcast_convert_type3A_832 = tpu.bitcast %shift_left3A_831 : vector<16xi32> -> vector<16xf32>
        %and3A_833 = arith.constant -65536 : i32
        %and3A_834 = vector.broadcast %and3A_833 : i32 to vector<16xi32>
        %and3A_835 = arith.andi %get3A_828, %and3A_834 : vector<16xi32>
        %bitcast_convert_type3A_836 = tpu.bitcast %and3A_835 : vector<16xi32> -> vector<16xf32>
        %mul3A_837 = arith.mulf %bitcast_convert_type3A_796, %broadcast_in_dim3A_779 : vector<16xf32>
        %mul3A_838 = arith.mulf %bitcast_convert_type3A_808, %broadcast_in_dim3A_782 : vector<16xf32>
        %add3A_839 = arith.addf %mul3A_837, %mul3A_838 : vector<16xf32>
        %mul3A_840 = arith.mulf %bitcast_convert_type3A_820, %broadcast_in_dim3A_785 : vector<16xf32>
        %add3A_841 = arith.addf %add3A_839, %mul3A_840 : vector<16xf32>
        %mul3A_842 = arith.mulf %bitcast_convert_type3A_832, %broadcast_in_dim3A_788 : vector<16xf32>
        %add3A_843 = arith.addf %add3A_841, %mul3A_842 : vector<16xf32>
        %swap3A_844 = arith.index_cast %add3A_776 : i32 to index
        %swap3A_845 = arith.constant 0 : index
        %swap3A_846 = tpu.vector_load %arg20[%swap3A_844, %swap3A_845] {strides = array<i32>} : memref<128x32xf32, #tpu.memory_space<vmem>>, vector<1x16xf32>,
        %swap3A_847 = vector.shape_cast %swap3A_846 : vector<1x16xf32> to vector<16xf32>
        %swap3A_848 = vector.shape_cast %add3A_843 : vector<16xf32> to vector<1x16xf32>
        tpu.vector_store %arg20[%swap3A_844, %swap3A_845], %swap3A_848 {strides = array<i32>} : memref<128x32xf32, #tpu.memory_space<vmem>>, vector<1x16xf32>,
        %mul3A_849 = arith.mulf %bitcast_convert_type3A_800, %broadcast_in_dim3A_779 : vector<16xf32>
        %mul3A_850 = arith.mulf %bitcast_convert_type3A_812, %broadcast_in_dim3A_782 : vector<16xf32>
        %add3A_851 = arith.addf %mul3A_849, %mul3A_850 : vector<16xf32>
        %mul3A_852 = arith.mulf %bitcast_convert_type3A_824, %broadcast_in_dim3A_785 : vector<16xf32>
        %add3A_853 = arith.addf %add3A_851, %mul3A_852 : vector<16xf32>
        %mul3A_854 = arith.mulf %bitcast_convert_type3A_836, %broadcast_in_dim3A_788 : vector<16xf32>
        %add3A_855 = arith.addf %add3A_853, %mul3A_854 : vector<16xf32>
        %swap3A_856 = arith.index_cast %add3A_776 : i32 to index
        %swap3A_857 = arith.constant 16 : index
        %swap3A_858 = tpu.vector_load %arg20[%swap3A_856, %swap3A_857] {strides = array<i32>} : memref<128x32xf32, #tpu.memory_space<vmem>>, vector<1x16xf32>,
        %swap3A_859 = vector.shape_cast %swap3A_858 : vector<1x16xf32> to vector<16xf32>
        %swap3A_860 = vector.shape_cast %add3A_855 : vector<16xf32> to vector<1x16xf32>
        tpu.vector_store %arg20[%swap3A_856, %swap3A_857], %swap3A_860 {strides = array<i32>} : memref<128x32xf32, #tpu.memory_space<vmem>>, vector<1x16xf32>,
        %mul3A_861 = arith.constant 16 : i32
        %mul3A_862 = arith.muli %scan3A_146, %mul3A_861 : i32
        %add3A_863 = arith.constant 8 : i32
        %add3A_864 = arith.addi %mul3A_862, %add3A_863 : i32
        %slice3A_865 = vector.extract_strided_slice %add3A_163 {offsets = [8], sizes = [1], strides = [1]} : vector<16xf32> to vector<1xf32>
        %squeeze3A_866 = vector.extract %slice3A_865[0] : f32 from vector<1xf32>
        %broadcast_in_dim3A_867 = vector.broadcast %squeeze3A_866 : f32 to vector<16xf32>
        %slice3A_868 = vector.extract_strided_slice %sub3A {offsets = [8], sizes = [1], strides = [1]} : vector<16xf32> to vector<1xf32>
        %squeeze3A_869 = vector.extract %slice3A_868[0] : f32 from vector<1xf32>
        %broadcast_in_dim3A_870 = vector.broadcast %squeeze3A_869 : f32 to vector<16xf32>
        %slice3A_871 = vector.extract_strided_slice %sub3A_158 {offsets = [8], sizes = [1], strides = [1]} : vector<16xf32> to vector<1xf32>
        %squeeze3A_872 = vector.extract %slice3A_871[0] : f32 from vector<1xf32>
        %broadcast_in_dim3A_873 = vector.broadcast %squeeze3A_872 : f32 to vector<16xf32>
        %slice3A_874 = vector.extract_strided_slice %mul3A_157 {offsets = [8], sizes = [1], strides = [1]} : vector<16xf32> to vector<1xf32>
        %squeeze3A_875 = vector.extract %slice3A_874[0] : f32 from vector<1xf32>
        %broadcast_in_dim3A_876 = vector.broadcast %squeeze3A_875 : f32 to vector<16xf32>
        %get3A_877 = arith.index_cast %add3A_864 : i32 to index
        %get3A_878 = arith.constant 0 : index
        %get3A_879 = tpu.vector_load %arg21[%get3A_877, %get3A_878] {strides = array<i32>} : memref<128x16xi32, #tpu.memory_space<vmem>>, vector<1x16xi32>,
        %get3A_880 = vector.shape_cast %get3A_879 : vector<1x16xi32> to vector<16xi32>
        %shift_left3A_881 = arith.constant 16 : i32
        %shift_left3A_882 = vector.broadcast %shift_left3A_881 : i32 to vector<16xi32>
        %shift_left3A_883 = arith.shli %get3A_880, %shift_left3A_882 : vector<16xi32>
        %bitcast_convert_type3A_884 = tpu.bitcast %shift_left3A_883 : vector<16xi32> -> vector<16xf32>
        %and3A_885 = arith.constant -65536 : i32
        %and3A_886 = vector.broadcast %and3A_885 : i32 to vector<16xi32>
        %and3A_887 = arith.andi %get3A_880, %and3A_886 : vector<16xi32>
        %bitcast_convert_type3A_888 = tpu.bitcast %and3A_887 : vector<16xi32> -> vector<16xf32>
        %get3A_889 = arith.index_cast %add3A_864 : i32 to index
        %get3A_890 = arith.constant 0 : index
        %get3A_891 = tpu.vector_load %arg22[%get3A_889, %get3A_890] {strides = array<i32>} : memref<128x16xi32, #tpu.memory_space<vmem>>, vector<1x16xi32>,
        %get3A_892 = vector.shape_cast %get3A_891 : vector<1x16xi32> to vector<16xi32>
        %shift_left3A_893 = arith.constant 16 : i32
        %shift_left3A_894 = vector.broadcast %shift_left3A_893 : i32 to vector<16xi32>
        %shift_left3A_895 = arith.shli %get3A_892, %shift_left3A_894 : vector<16xi32>
        %bitcast_convert_type3A_896 = tpu.bitcast %shift_left3A_895 : vector<16xi32> -> vector<16xf32>
        %and3A_897 = arith.constant -65536 : i32
        %and3A_898 = vector.broadcast %and3A_897 : i32 to vector<16xi32>
        %and3A_899 = arith.andi %get3A_892, %and3A_898 : vector<16xi32>
        %bitcast_convert_type3A_900 = tpu.bitcast %and3A_899 : vector<16xi32> -> vector<16xf32>
        %get3A_901 = arith.index_cast %add3A_864 : i32 to index
        %get3A_902 = arith.constant 0 : index
        %get3A_903 = tpu.vector_load %arg23[%get3A_901, %get3A_902] {strides = array<i32>} : memref<128x16xi32, #tpu.memory_space<vmem>>, vector<1x16xi32>,
        %get3A_904 = vector.shape_cast %get3A_903 : vector<1x16xi32> to vector<16xi32>
        %shift_left3A_905 = arith.constant 16 : i32
        %shift_left3A_906 = vector.broadcast %shift_left3A_905 : i32 to vector<16xi32>
        %shift_left3A_907 = arith.shli %get3A_904, %shift_left3A_906 : vector<16xi32>
        %bitcast_convert_type3A_908 = tpu.bitcast %shift_left3A_907 : vector<16xi32> -> vector<16xf32>
        %and3A_909 = arith.constant -65536 : i32
        %and3A_910 = vector.broadcast %and3A_909 : i32 to vector<16xi32>
        %and3A_911 = arith.andi %get3A_904, %and3A_910 : vector<16xi32>
        %bitcast_convert_type3A_912 = tpu.bitcast %and3A_911 : vector<16xi32> -> vector<16xf32>
        %get3A_913 = arith.index_cast %add3A_864 : i32 to index
        %get3A_914 = arith.constant 0 : index
        %get3A_915 = tpu.vector_load %arg24[%get3A_913, %get3A_914] {strides = array<i32>} : memref<128x16xi32, #tpu.memory_space<vmem>>, vector<1x16xi32>,
        %get3A_916 = vector.shape_cast %get3A_915 : vector<1x16xi32> to vector<16xi32>
        %shift_left3A_917 = arith.constant 16 : i32
        %shift_left3A_918 = vector.broadcast %shift_left3A_917 : i32 to vector<16xi32>
        %shift_left3A_919 = arith.shli %get3A_916, %shift_left3A_918 : vector<16xi32>
        %bitcast_convert_type3A_920 = tpu.bitcast %shift_left3A_919 : vector<16xi32> -> vector<16xf32>
        %and3A_921 = arith.constant -65536 : i32
        %and3A_922 = vector.broadcast %and3A_921 : i32 to vector<16xi32>
        %and3A_923 = arith.andi %get3A_916, %and3A_922 : vector<16xi32>
        %bitcast_convert_type3A_924 = tpu.bitcast %and3A_923 : vector<16xi32> -> vector<16xf32>
        %mul3A_925 = arith.mulf %bitcast_convert_type3A_884, %broadcast_in_dim3A_867 : vector<16xf32>
        %mul3A_926 = arith.mulf %bitcast_convert_type3A_896, %broadcast_in_dim3A_870 : vector<16xf32>
        %add3A_927 = arith.addf %mul3A_925, %mul3A_926 : vector<16xf32>
        %mul3A_928 = arith.mulf %bitcast_convert_type3A_908, %broadcast_in_dim3A_873 : vector<16xf32>
        %add3A_929 = arith.addf %add3A_927, %mul3A_928 : vector<16xf32>
        %mul3A_930 = arith.mulf %bitcast_convert_type3A_920, %broadcast_in_dim3A_876 : vector<16xf32>
        %add3A_931 = arith.addf %add3A_929, %mul3A_930 : vector<16xf32>
        %swap3A_932 = arith.index_cast %add3A_864 : i32 to index
        %swap3A_933 = arith.constant 0 : index
        %swap3A_934 = tpu.vector_load %arg20[%swap3A_932, %swap3A_933] {strides = array<i32>} : memref<128x32xf32, #tpu.memory_space<vmem>>, vector<1x16xf32>,
        %swap3A_935 = vector.shape_cast %swap3A_934 : vector<1x16xf32> to vector<16xf32>
        %swap3A_936 = vector.shape_cast %add3A_931 : vector<16xf32> to vector<1x16xf32>
        tpu.vector_store %arg20[%swap3A_932, %swap3A_933], %swap3A_936 {strides = array<i32>} : memref<128x32xf32, #tpu.memory_space<vmem>>, vector<1x16xf32>,
        %mul3A_937 = arith.mulf %bitcast_convert_type3A_888, %broadcast_in_dim3A_867 : vector<16xf32>
        %mul3A_938 = arith.mulf %bitcast_convert_type3A_900, %broadcast_in_dim3A_870 : vector<16xf32>
        %add3A_939 = arith.addf %mul3A_937, %mul3A_938 : vector<16xf32>
        %mul3A_940 = arith.mulf %bitcast_convert_type3A_912, %broadcast_in_dim3A_873 : vector<16xf32>
        %add3A_941 = arith.addf %add3A_939, %mul3A_940 : vector<16xf32>
        %mul3A_942 = arith.mulf %bitcast_convert_type3A_924, %broadcast_in_dim3A_876 : vector<16xf32>
        %add3A_943 = arith.addf %add3A_941, %mul3A_942 : vector<16xf32>
        %swap3A_944 = arith.index_cast %add3A_864 : i32 to index
        %swap3A_945 = arith.constant 16 : index
        %swap3A_946 = tpu.vector_load %arg20[%swap3A_944, %swap3A_945] {strides = array<i32>} : memref<128x32xf32, #tpu.memory_space<vmem>>, vector<1x16xf32>,
        %swap3A_947 = vector.shape_cast %swap3A_946 : vector<1x16xf32> to vector<16xf32>
        %swap3A_948 = vector.shape_cast %add3A_943 : vector<16xf32> to vector<1x16xf32>
        tpu.vector_store %arg20[%swap3A_944, %swap3A_945], %swap3A_948 {strides = array<i32>} : memref<128x32xf32, #tpu.memory_space<vmem>>, vector<1x16xf32>,
        %mul3A_949 = arith.constant 16 : i32
        %mul3A_950 = arith.muli %scan3A_146, %mul3A_949 : i32
        %add3A_951 = arith.constant 9 : i32
        %add3A_952 = arith.addi %mul3A_950, %add3A_951 : i32
        %slice3A_953 = vector.extract_strided_slice %add3A_163 {offsets = [9], sizes = [1], strides = [1]} : vector<16xf32> to vector<1xf32>
        %squeeze3A_954 = vector.extract %slice3A_953[0] : f32 from vector<1xf32>
        %broadcast_in_dim3A_955 = vector.broadcast %squeeze3A_954 : f32 to vector<16xf32>
        %slice3A_956 = vector.extract_strided_slice %sub3A {offsets = [9], sizes = [1], strides = [1]} : vector<16xf32> to vector<1xf32>
        %squeeze3A_957 = vector.extract %slice3A_956[0] : f32 from vector<1xf32>
        %broadcast_in_dim3A_958 = vector.broadcast %squeeze3A_957 : f32 to vector<16xf32>
        %slice3A_959 = vector.extract_strided_slice %sub3A_158 {offsets = [9], sizes = [1], strides = [1]} : vector<16xf32> to vector<1xf32>
        %squeeze3A_960 = vector.extract %slice3A_959[0] : f32 from vector<1xf32>
        %broadcast_in_dim3A_961 = vector.broadcast %squeeze3A_960 : f32 to vector<16xf32>
        %slice3A_962 = vector.extract_strided_slice %mul3A_157 {offsets = [9], sizes = [1], strides = [1]} : vector<16xf32> to vector<1xf32>
        %squeeze3A_963 = vector.extract %slice3A_962[0] : f32 from vector<1xf32>
        %broadcast_in_dim3A_964 = vector.broadcast %squeeze3A_963 : f32 to vector<16xf32>
        %get3A_965 = arith.index_cast %add3A_952 : i32 to index
        %get3A_966 = arith.constant 0 : index
        %get3A_967 = tpu.vector_load %arg21[%get3A_965, %get3A_966] {strides = array<i32>} : memref<128x16xi32, #tpu.memory_space<vmem>>, vector<1x16xi32>,
        %get3A_968 = vector.shape_cast %get3A_967 : vector<1x16xi32> to vector<16xi32>
        %shift_left3A_969 = arith.constant 16 : i32
        %shift_left3A_970 = vector.broadcast %shift_left3A_969 : i32 to vector<16xi32>
        %shift_left3A_971 = arith.shli %get3A_968, %shift_left3A_970 : vector<16xi32>
        %bitcast_convert_type3A_972 = tpu.bitcast %shift_left3A_971 : vector<16xi32> -> vector<16xf32>
        %and3A_973 = arith.constant -65536 : i32
        %and3A_974 = vector.broadcast %and3A_973 : i32 to vector<16xi32>
        %and3A_975 = arith.andi %get3A_968, %and3A_974 : vector<16xi32>
        %bitcast_convert_type3A_976 = tpu.bitcast %and3A_975 : vector<16xi32> -> vector<16xf32>
        %get3A_977 = arith.index_cast %add3A_952 : i32 to index
        %get3A_978 = arith.constant 0 : index
        %get3A_979 = tpu.vector_load %arg22[%get3A_977, %get3A_978] {strides = array<i32>} : memref<128x16xi32, #tpu.memory_space<vmem>>, vector<1x16xi32>,
        %get3A_980 = vector.shape_cast %get3A_979 : vector<1x16xi32> to vector<16xi32>
        %shift_left3A_981 = arith.constant 16 : i32
        %shift_left3A_982 = vector.broadcast %shift_left3A_981 : i32 to vector<16xi32>
        %shift_left3A_983 = arith.shli %get3A_980, %shift_left3A_982 : vector<16xi32>
        %bitcast_convert_type3A_984 = tpu.bitcast %shift_left3A_983 : vector<16xi32> -> vector<16xf32>
        %and3A_985 = arith.constant -65536 : i32
        %and3A_986 = vector.broadcast %and3A_985 : i32 to vector<16xi32>
        %and3A_987 = arith.andi %get3A_980, %and3A_986 : vector<16xi32>
        %bitcast_convert_type3A_988 = tpu.bitcast %and3A_987 : vector<16xi32> -> vector<16xf32>
        %get3A_989 = arith.index_cast %add3A_952 : i32 to index
        %get3A_990 = arith.constant 0 : index
        %get3A_991 = tpu.vector_load %arg23[%get3A_989, %get3A_990] {strides = array<i32>} : memref<128x16xi32, #tpu.memory_space<vmem>>, vector<1x16xi32>,
        %get3A_992 = vector.shape_cast %get3A_991 : vector<1x16xi32> to vector<16xi32>
        %shift_left3A_993 = arith.constant 16 : i32
        %shift_left3A_994 = vector.broadcast %shift_left3A_993 : i32 to vector<16xi32>
        %shift_left3A_995 = arith.shli %get3A_992, %shift_left3A_994 : vector<16xi32>
        %bitcast_convert_type3A_996 = tpu.bitcast %shift_left3A_995 : vector<16xi32> -> vector<16xf32>
        %and3A_997 = arith.constant -65536 : i32
        %and3A_998 = vector.broadcast %and3A_997 : i32 to vector<16xi32>
        %and3A_999 = arith.andi %get3A_992, %and3A_998 : vector<16xi32>
        %bitcast_convert_type3A_1000 = tpu.bitcast %and3A_999 : vector<16xi32> -> vector<16xf32>
        %get3A_1001 = arith.index_cast %add3A_952 : i32 to index
        %get3A_1002 = arith.constant 0 : index
        %get3A_1003 = tpu.vector_load %arg24[%get3A_1001, %get3A_1002] {strides = array<i32>} : memref<128x16xi32, #tpu.memory_space<vmem>>, vector<1x16xi32>,
        %get3A_1004 = vector.shape_cast %get3A_1003 : vector<1x16xi32> to vector<16xi32>
        %shift_left3A_1005 = arith.constant 16 : i32
        %shift_left3A_1006 = vector.broadcast %shift_left3A_1005 : i32 to vector<16xi32>
        %shift_left3A_1007 = arith.shli %get3A_1004, %shift_left3A_1006 : vector<16xi32>
        %bitcast_convert_type3A_1008 = tpu.bitcast %shift_left3A_1007 : vector<16xi32> -> vector<16xf32>
        %and3A_1009 = arith.constant -65536 : i32
        %and3A_1010 = vector.broadcast %and3A_1009 : i32 to vector<16xi32>
        %and3A_1011 = arith.andi %get3A_1004, %and3A_1010 : vector<16xi32>
        %bitcast_convert_type3A_1012 = tpu.bitcast %and3A_1011 : vector<16xi32> -> vector<16xf32>
        %mul3A_1013 = arith.mulf %bitcast_convert_type3A_972, %broadcast_in_dim3A_955 : vector<16xf32>
        %mul3A_1014 = arith.mulf %bitcast_convert_type3A_984, %broadcast_in_dim3A_958 : vector<16xf32>
        %add3A_1015 = arith.addf %mul3A_1013, %mul3A_1014 : vector<16xf32>
        %mul3A_1016 = arith.mulf %bitcast_convert_type3A_996, %broadcast_in_dim3A_961 : vector<16xf32>
        %add3A_1017 = arith.addf %add3A_1015, %mul3A_1016 : vector<16xf32>
        %mul3A_1018 = arith.mulf %bitcast_convert_type3A_1008, %broadcast_in_dim3A_964 : vector<16xf32>
        %add3A_1019 = arith.addf %add3A_1017, %mul3A_1018 : vector<16xf32>
        %swap3A_1020 = arith.index_cast %add3A_952 : i32 to index
        %swap3A_1021 = arith.constant 0 : index
        %swap3A_1022 = tpu.vector_load %arg20[%swap3A_1020, %swap3A_1021] {strides = array<i32>} : memref<128x32xf32, #tpu.memory_space<vmem>>, vector<1x16xf32>,
        %swap3A_1023 = vector.shape_cast %swap3A_1022 : vector<1x16xf32> to vector<16xf32>
        %swap3A_1024 = vector.shape_cast %add3A_1019 : vector<16xf32> to vector<1x16xf32>
        tpu.vector_store %arg20[%swap3A_1020, %swap3A_1021], %swap3A_1024 {strides = array<i32>} : memref<128x32xf32, #tpu.memory_space<vmem>>, vector<1x16xf32>,
        %mul3A_1025 = arith.mulf %bitcast_convert_type3A_976, %broadcast_in_dim3A_955 : vector<16xf32>
        %mul3A_1026 = arith.mulf %bitcast_convert_type3A_988, %broadcast_in_dim3A_958 : vector<16xf32>
        %add3A_1027 = arith.addf %mul3A_1025, %mul3A_1026 : vector<16xf32>
        %mul3A_1028 = arith.mulf %bitcast_convert_type3A_1000, %broadcast_in_dim3A_961 : vector<16xf32>
        %add3A_1029 = arith.addf %add3A_1027, %mul3A_1028 : vector<16xf32>
        %mul3A_1030 = arith.mulf %bitcast_convert_type3A_1012, %broadcast_in_dim3A_964 : vector<16xf32>
        %add3A_1031 = arith.addf %add3A_1029, %mul3A_1030 : vector<16xf32>
        %swap3A_1032 = arith.index_cast %add3A_952 : i32 to index
        %swap3A_1033 = arith.constant 16 : index
        %swap3A_1034 = tpu.vector_load %arg20[%swap3A_1032, %swap3A_1033] {strides = array<i32>} : memref<128x32xf32, #tpu.memory_space<vmem>>, vector<1x16xf32>,
        %swap3A_1035 = vector.shape_cast %swap3A_1034 : vector<1x16xf32> to vector<16xf32>
        %swap3A_1036 = vector.shape_cast %add3A_1031 : vector<16xf32> to vector<1x16xf32>
        tpu.vector_store %arg20[%swap3A_1032, %swap3A_1033], %swap3A_1036 {strides = array<i32>} : memref<128x32xf32, #tpu.memory_space<vmem>>, vector<1x16xf32>,
        %mul3A_1037 = arith.constant 16 : i32
        %mul3A_1038 = arith.muli %scan3A_146, %mul3A_1037 : i32
        %add3A_1039 = arith.constant 10 : i32
        %add3A_1040 = arith.addi %mul3A_1038, %add3A_1039 : i32
        %slice3A_1041 = vector.extract_strided_slice %add3A_163 {offsets = [10], sizes = [1], strides = [1]} : vector<16xf32> to vector<1xf32>
        %squeeze3A_1042 = vector.extract %slice3A_1041[0] : f32 from vector<1xf32>
        %broadcast_in_dim3A_1043 = vector.broadcast %squeeze3A_1042 : f32 to vector<16xf32>
        %slice3A_1044 = vector.extract_strided_slice %sub3A {offsets = [10], sizes = [1], strides = [1]} : vector<16xf32> to vector<1xf32>
        %squeeze3A_1045 = vector.extract %slice3A_1044[0] : f32 from vector<1xf32>
        %broadcast_in_dim3A_1046 = vector.broadcast %squeeze3A_1045 : f32 to vector<16xf32>
        %slice3A_1047 = vector.extract_strided_slice %sub3A_158 {offsets = [10], sizes = [1], strides = [1]} : vector<16xf32> to vector<1xf32>
        %squeeze3A_1048 = vector.extract %slice3A_1047[0] : f32 from vector<1xf32>
        %broadcast_in_dim3A_1049 = vector.broadcast %squeeze3A_1048 : f32 to vector<16xf32>
        %slice3A_1050 = vector.extract_strided_slice %mul3A_157 {offsets = [10], sizes = [1], strides = [1]} : vector<16xf32> to vector<1xf32>
        %squeeze3A_1051 = vector.extract %slice3A_1050[0] : f32 from vector<1xf32>
        %broadcast_in_dim3A_1052 = vector.broadcast %squeeze3A_1051 : f32 to vector<16xf32>
        %get3A_1053 = arith.index_cast %add3A_1040 : i32 to index
        %get3A_1054 = arith.constant 0 : index
        %get3A_1055 = tpu.vector_load %arg21[%get3A_1053, %get3A_1054] {strides = array<i32>} : memref<128x16xi32, #tpu.memory_space<vmem>>, vector<1x16xi32>,
        %get3A_1056 = vector.shape_cast %get3A_1055 : vector<1x16xi32> to vector<16xi32>
        %shift_left3A_1057 = arith.constant 16 : i32
        %shift_left3A_1058 = vector.broadcast %shift_left3A_1057 : i32 to vector<16xi32>
        %shift_left3A_1059 = arith.shli %get3A_1056, %shift_left3A_1058 : vector<16xi32>
        %bitcast_convert_type3A_1060 = tpu.bitcast %shift_left3A_1059 : vector<16xi32> -> vector<16xf32>
        %and3A_1061 = arith.constant -65536 : i32
        %and3A_1062 = vector.broadcast %and3A_1061 : i32 to vector<16xi32>
        %and3A_1063 = arith.andi %get3A_1056, %and3A_1062 : vector<16xi32>
        %bitcast_convert_type3A_1064 = tpu.bitcast %and3A_1063 : vector<16xi32> -> vector<16xf32>
        %get3A_1065 = arith.index_cast %add3A_1040 : i32 to index
        %get3A_1066 = arith.constant 0 : index
        %get3A_1067 = tpu.vector_load %arg22[%get3A_1065, %get3A_1066] {strides = array<i32>} : memref<128x16xi32, #tpu.memory_space<vmem>>, vector<1x16xi32>,
        %get3A_1068 = vector.shape_cast %get3A_1067 : vector<1x16xi32> to vector<16xi32>
        %shift_left3A_1069 = arith.constant 16 : i32
        %shift_left3A_1070 = vector.broadcast %shift_left3A_1069 : i32 to vector<16xi32>
        %shift_left3A_1071 = arith.shli %get3A_1068, %shift_left3A_1070 : vector<16xi32>
        %bitcast_convert_type3A_1072 = tpu.bitcast %shift_left3A_1071 : vector<16xi32> -> vector<16xf32>
        %and3A_1073 = arith.constant -65536 : i32
        %and3A_1074 = vector.broadcast %and3A_1073 : i32 to vector<16xi32>
        %and3A_1075 = arith.andi %get3A_1068, %and3A_1074 : vector<16xi32>
        %bitcast_convert_type3A_1076 = tpu.bitcast %and3A_1075 : vector<16xi32> -> vector<16xf32>
        %get3A_1077 = arith.index_cast %add3A_1040 : i32 to index
        %get3A_1078 = arith.constant 0 : index
        %get3A_1079 = tpu.vector_load %arg23[%get3A_1077, %get3A_1078] {strides = array<i32>} : memref<128x16xi32, #tpu.memory_space<vmem>>, vector<1x16xi32>,
        %get3A_1080 = vector.shape_cast %get3A_1079 : vector<1x16xi32> to vector<16xi32>
        %shift_left3A_1081 = arith.constant 16 : i32
        %shift_left3A_1082 = vector.broadcast %shift_left3A_1081 : i32 to vector<16xi32>
        %shift_left3A_1083 = arith.shli %get3A_1080, %shift_left3A_1082 : vector<16xi32>
        %bitcast_convert_type3A_1084 = tpu.bitcast %shift_left3A_1083 : vector<16xi32> -> vector<16xf32>
        %and3A_1085 = arith.constant -65536 : i32
        %and3A_1086 = vector.broadcast %and3A_1085 : i32 to vector<16xi32>
        %and3A_1087 = arith.andi %get3A_1080, %and3A_1086 : vector<16xi32>
        %bitcast_convert_type3A_1088 = tpu.bitcast %and3A_1087 : vector<16xi32> -> vector<16xf32>
        %get3A_1089 = arith.index_cast %add3A_1040 : i32 to index
        %get3A_1090 = arith.constant 0 : index
        %get3A_1091 = tpu.vector_load %arg24[%get3A_1089, %get3A_1090] {strides = array<i32>} : memref<128x16xi32, #tpu.memory_space<vmem>>, vector<1x16xi32>,
        %get3A_1092 = vector.shape_cast %get3A_1091 : vector<1x16xi32> to vector<16xi32>
        %shift_left3A_1093 = arith.constant 16 : i32
        %shift_left3A_1094 = vector.broadcast %shift_left3A_1093 : i32 to vector<16xi32>
        %shift_left3A_1095 = arith.shli %get3A_1092, %shift_left3A_1094 : vector<16xi32>
        %bitcast_convert_type3A_1096 = tpu.bitcast %shift_left3A_1095 : vector<16xi32> -> vector<16xf32>
        %and3A_1097 = arith.constant -65536 : i32
        %and3A_1098 = vector.broadcast %and3A_1097 : i32 to vector<16xi32>
        %and3A_1099 = arith.andi %get3A_1092, %and3A_1098 : vector<16xi32>
        %bitcast_convert_type3A_1100 = tpu.bitcast %and3A_1099 : vector<16xi32> -> vector<16xf32>
        %mul3A_1101 = arith.mulf %bitcast_convert_type3A_1060, %broadcast_in_dim3A_1043 : vector<16xf32>
        %mul3A_1102 = arith.mulf %bitcast_convert_type3A_1072, %broadcast_in_dim3A_1046 : vector<16xf32>
        %add3A_1103 = arith.addf %mul3A_1101, %mul3A_1102 : vector<16xf32>
        %mul3A_1104 = arith.mulf %bitcast_convert_type3A_1084, %broadcast_in_dim3A_1049 : vector<16xf32>
        %add3A_1105 = arith.addf %add3A_1103, %mul3A_1104 : vector<16xf32>
        %mul3A_1106 = arith.mulf %bitcast_convert_type3A_1096, %broadcast_in_dim3A_1052 : vector<16xf32>
        %add3A_1107 = arith.addf %add3A_1105, %mul3A_1106 : vector<16xf32>
        %swap3A_1108 = arith.index_cast %add3A_1040 : i32 to index
        %swap3A_1109 = arith.constant 0 : index
        %swap3A_1110 = tpu.vector_load %arg20[%swap3A_1108, %swap3A_1109] {strides = array<i32>} : memref<128x32xf32, #tpu.memory_space<vmem>>, vector<1x16xf32>,
        %swap3A_1111 = vector.shape_cast %swap3A_1110 : vector<1x16xf32> to vector<16xf32>
        %swap3A_1112 = vector.shape_cast %add3A_1107 : vector<16xf32> to vector<1x16xf32>
        tpu.vector_store %arg20[%swap3A_1108, %swap3A_1109], %swap3A_1112 {strides = array<i32>} : memref<128x32xf32, #tpu.memory_space<vmem>>, vector<1x16xf32>,
        %mul3A_1113 = arith.mulf %bitcast_convert_type3A_1064, %broadcast_in_dim3A_1043 : vector<16xf32>
        %mul3A_1114 = arith.mulf %bitcast_convert_type3A_1076, %broadcast_in_dim3A_1046 : vector<16xf32>
        %add3A_1115 = arith.addf %mul3A_1113, %mul3A_1114 : vector<16xf32>
        %mul3A_1116 = arith.mulf %bitcast_convert_type3A_1088, %broadcast_in_dim3A_1049 : vector<16xf32>
        %add3A_1117 = arith.addf %add3A_1115, %mul3A_1116 : vector<16xf32>
        %mul3A_1118 = arith.mulf %bitcast_convert_type3A_1100, %broadcast_in_dim3A_1052 : vector<16xf32>
        %add3A_1119 = arith.addf %add3A_1117, %mul3A_1118 : vector<16xf32>
        %swap3A_1120 = arith.index_cast %add3A_1040 : i32 to index
        %swap3A_1121 = arith.constant 16 : index
        %swap3A_1122 = tpu.vector_load %arg20[%swap3A_1120, %swap3A_1121] {strides = array<i32>} : memref<128x32xf32, #tpu.memory_space<vmem>>, vector<1x16xf32>,
        %swap3A_1123 = vector.shape_cast %swap3A_1122 : vector<1x16xf32> to vector<16xf32>
        %swap3A_1124 = vector.shape_cast %add3A_1119 : vector<16xf32> to vector<1x16xf32>
        tpu.vector_store %arg20[%swap3A_1120, %swap3A_1121], %swap3A_1124 {strides = array<i32>} : memref<128x32xf32, #tpu.memory_space<vmem>>, vector<1x16xf32>,
        %mul3A_1125 = arith.constant 16 : i32
        %mul3A_1126 = arith.muli %scan3A_146, %mul3A_1125 : i32
        %add3A_1127 = arith.constant 11 : i32
        %add3A_1128 = arith.addi %mul3A_1126, %add3A_1127 : i32
        %slice3A_1129 = vector.extract_strided_slice %add3A_163 {offsets = [11], sizes = [1], strides = [1]} : vector<16xf32> to vector<1xf32>
        %squeeze3A_1130 = vector.extract %slice3A_1129[0] : f32 from vector<1xf32>
        %broadcast_in_dim3A_1131 = vector.broadcast %squeeze3A_1130 : f32 to vector<16xf32>
        %slice3A_1132 = vector.extract_strided_slice %sub3A {offsets = [11], sizes = [1], strides = [1]} : vector<16xf32> to vector<1xf32>
        %squeeze3A_1133 = vector.extract %slice3A_1132[0] : f32 from vector<1xf32>
        %broadcast_in_dim3A_1134 = vector.broadcast %squeeze3A_1133 : f32 to vector<16xf32>
        %slice3A_1135 = vector.extract_strided_slice %sub3A_158 {offsets = [11], sizes = [1], strides = [1]} : vector<16xf32> to vector<1xf32>
        %squeeze3A_1136 = vector.extract %slice3A_1135[0] : f32 from vector<1xf32>
        %broadcast_in_dim3A_1137 = vector.broadcast %squeeze3A_1136 : f32 to vector<16xf32>
        %slice3A_1138 = vector.extract_strided_slice %mul3A_157 {offsets = [11], sizes = [1], strides = [1]} : vector<16xf32> to vector<1xf32>
        %squeeze3A_1139 = vector.extract %slice3A_1138[0] : f32 from vector<1xf32>
        %broadcast_in_dim3A_1140 = vector.broadcast %squeeze3A_1139 : f32 to vector<16xf32>
        %get3A_1141 = arith.index_cast %add3A_1128 : i32 to index
        %get3A_1142 = arith.constant 0 : index
        %get3A_1143 = tpu.vector_load %arg21[%get3A_1141, %get3A_1142] {strides = array<i32>} : memref<128x16xi32, #tpu.memory_space<vmem>>, vector<1x16xi32>,
        %get3A_1144 = vector.shape_cast %get3A_1143 : vector<1x16xi32> to vector<16xi32>
        %shift_left3A_1145 = arith.constant 16 : i32
        %shift_left3A_1146 = vector.broadcast %shift_left3A_1145 : i32 to vector<16xi32>
        %shift_left3A_1147 = arith.shli %get3A_1144, %shift_left3A_1146 : vector<16xi32>
        %bitcast_convert_type3A_1148 = tpu.bitcast %shift_left3A_1147 : vector<16xi32> -> vector<16xf32>
        %and3A_1149 = arith.constant -65536 : i32
        %and3A_1150 = vector.broadcast %and3A_1149 : i32 to vector<16xi32>
        %and3A_1151 = arith.andi %get3A_1144, %and3A_1150 : vector<16xi32>
        %bitcast_convert_type3A_1152 = tpu.bitcast %and3A_1151 : vector<16xi32> -> vector<16xf32>
        %get3A_1153 = arith.index_cast %add3A_1128 : i32 to index
        %get3A_1154 = arith.constant 0 : index
        %get3A_1155 = tpu.vector_load %arg22[%get3A_1153, %get3A_1154] {strides = array<i32>} : memref<128x16xi32, #tpu.memory_space<vmem>>, vector<1x16xi32>,
        %get3A_1156 = vector.shape_cast %get3A_1155 : vector<1x16xi32> to vector<16xi32>
        %shift_left3A_1157 = arith.constant 16 : i32
        %shift_left3A_1158 = vector.broadcast %shift_left3A_1157 : i32 to vector<16xi32>
        %shift_left3A_1159 = arith.shli %get3A_1156, %shift_left3A_1158 : vector<16xi32>
        %bitcast_convert_type3A_1160 = tpu.bitcast %shift_left3A_1159 : vector<16xi32> -> vector<16xf32>
        %and3A_1161 = arith.constant -65536 : i32
        %and3A_1162 = vector.broadcast %and3A_1161 : i32 to vector<16xi32>
        %and3A_1163 = arith.andi %get3A_1156, %and3A_1162 : vector<16xi32>
        %bitcast_convert_type3A_1164 = tpu.bitcast %and3A_1163 : vector<16xi32> -> vector<16xf32>
        %get3A_1165 = arith.index_cast %add3A_1128 : i32 to index
        %get3A_1166 = arith.constant 0 : index
        %get3A_1167 = tpu.vector_load %arg23[%get3A_1165, %get3A_1166] {strides = array<i32>} : memref<128x16xi32, #tpu.memory_space<vmem>>, vector<1x16xi32>,
        %get3A_1168 = vector.shape_cast %get3A_1167 : vector<1x16xi32> to vector<16xi32>
        %shift_left3A_1169 = arith.constant 16 : i32
        %shift_left3A_1170 = vector.broadcast %shift_left3A_1169 : i32 to vector<16xi32>
        %shift_left3A_1171 = arith.shli %get3A_1168, %shift_left3A_1170 : vector<16xi32>
        %bitcast_convert_type3A_1172 = tpu.bitcast %shift_left3A_1171 : vector<16xi32> -> vector<16xf32>
        %and3A_1173 = arith.constant -65536 : i32
        %and3A_1174 = vector.broadcast %and3A_1173 : i32 to vector<16xi32>
        %and3A_1175 = arith.andi %get3A_1168, %and3A_1174 : vector<16xi32>
        %bitcast_convert_type3A_1176 = tpu.bitcast %and3A_1175 : vector<16xi32> -> vector<16xf32>
        %get3A_1177 = arith.index_cast %add3A_1128 : i32 to index
        %get3A_1178 = arith.constant 0 : index
        %get3A_1179 = tpu.vector_load %arg24[%get3A_1177, %get3A_1178] {strides = array<i32>} : memref<128x16xi32, #tpu.memory_space<vmem>>, vector<1x16xi32>,
        %get3A_1180 = vector.shape_cast %get3A_1179 : vector<1x16xi32> to vector<16xi32>
        %shift_left3A_1181 = arith.constant 16 : i32
        %shift_left3A_1182 = vector.broadcast %shift_left3A_1181 : i32 to vector<16xi32>
        %shift_left3A_1183 = arith.shli %get3A_1180, %shift_left3A_1182 : vector<16xi32>
        %bitcast_convert_type3A_1184 = tpu.bitcast %shift_left3A_1183 : vector<16xi32> -> vector<16xf32>
        %and3A_1185 = arith.constant -65536 : i32
        %and3A_1186 = vector.broadcast %and3A_1185 : i32 to vector<16xi32>
        %and3A_1187 = arith.andi %get3A_1180, %and3A_1186 : vector<16xi32>
        %bitcast_convert_type3A_1188 = tpu.bitcast %and3A_1187 : vector<16xi32> -> vector<16xf32>
        %mul3A_1189 = arith.mulf %bitcast_convert_type3A_1148, %broadcast_in_dim3A_1131 : vector<16xf32>
        %mul3A_1190 = arith.mulf %bitcast_convert_type3A_1160, %broadcast_in_dim3A_1134 : vector<16xf32>
        %add3A_1191 = arith.addf %mul3A_1189, %mul3A_1190 : vector<16xf32>
        %mul3A_1192 = arith.mulf %bitcast_convert_type3A_1172, %broadcast_in_dim3A_1137 : vector<16xf32>
        %add3A_1193 = arith.addf %add3A_1191, %mul3A_1192 : vector<16xf32>
        %mul3A_1194 = arith.mulf %bitcast_convert_type3A_1184, %broadcast_in_dim3A_1140 : vector<16xf32>
        %add3A_1195 = arith.addf %add3A_1193, %mul3A_1194 : vector<16xf32>
        %swap3A_1196 = arith.index_cast %add3A_1128 : i32 to index
        %swap3A_1197 = arith.constant 0 : index
        %swap3A_1198 = tpu.vector_load %arg20[%swap3A_1196, %swap3A_1197] {strides = array<i32>} : memref<128x32xf32, #tpu.memory_space<vmem>>, vector<1x16xf32>,
        %swap3A_1199 = vector.shape_cast %swap3A_1198 : vector<1x16xf32> to vector<16xf32>
        %swap3A_1200 = vector.shape_cast %add3A_1195 : vector<16xf32> to vector<1x16xf32>
        tpu.vector_store %arg20[%swap3A_1196, %swap3A_1197], %swap3A_1200 {strides = array<i32>} : memref<128x32xf32, #tpu.memory_space<vmem>>, vector<1x16xf32>,
        %mul3A_1201 = arith.mulf %bitcast_convert_type3A_1152, %broadcast_in_dim3A_1131 : vector<16xf32>
        %mul3A_1202 = arith.mulf %bitcast_convert_type3A_1164, %broadcast_in_dim3A_1134 : vector<16xf32>
        %add3A_1203 = arith.addf %mul3A_1201, %mul3A_1202 : vector<16xf32>
        %mul3A_1204 = arith.mulf %bitcast_convert_type3A_1176, %broadcast_in_dim3A_1137 : vector<16xf32>
        %add3A_1205 = arith.addf %add3A_1203, %mul3A_1204 : vector<16xf32>
        %mul3A_1206 = arith.mulf %bitcast_convert_type3A_1188, %broadcast_in_dim3A_1140 : vector<16xf32>
        %add3A_1207 = arith.addf %add3A_1205, %mul3A_1206 : vector<16xf32>
        %swap3A_1208 = arith.index_cast %add3A_1128 : i32 to index
        %swap3A_1209 = arith.constant 16 : index
        %swap3A_1210 = tpu.vector_load %arg20[%swap3A_1208, %swap3A_1209] {strides = array<i32>} : memref<128x32xf32, #tpu.memory_space<vmem>>, vector<1x16xf32>,
        %swap3A_1211 = vector.shape_cast %swap3A_1210 : vector<1x16xf32> to vector<16xf32>
        %swap3A_1212 = vector.shape_cast %add3A_1207 : vector<16xf32> to vector<1x16xf32>
        tpu.vector_store %arg20[%swap3A_1208, %swap3A_1209], %swap3A_1212 {strides = array<i32>} : memref<128x32xf32, #tpu.memory_space<vmem>>, vector<1x16xf32>,
        %mul3A_1213 = arith.constant 16 : i32
        %mul3A_1214 = arith.muli %scan3A_146, %mul3A_1213 : i32
        %add3A_1215 = arith.constant 12 : i32
        %add3A_1216 = arith.addi %mul3A_1214, %add3A_1215 : i32
        %slice3A_1217 = vector.extract_strided_slice %add3A_163 {offsets = [12], sizes = [1], strides = [1]} : vector<16xf32> to vector<1xf32>
        %squeeze3A_1218 = vector.extract %slice3A_1217[0] : f32 from vector<1xf32>
        %broadcast_in_dim3A_1219 = vector.broadcast %squeeze3A_1218 : f32 to vector<16xf32>
        %slice3A_1220 = vector.extract_strided_slice %sub3A {offsets = [12], sizes = [1], strides = [1]} : vector<16xf32> to vector<1xf32>
        %squeeze3A_1221 = vector.extract %slice3A_1220[0] : f32 from vector<1xf32>
        %broadcast_in_dim3A_1222 = vector.broadcast %squeeze3A_1221 : f32 to vector<16xf32>
        %slice3A_1223 = vector.extract_strided_slice %sub3A_158 {offsets = [12], sizes = [1], strides = [1]} : vector<16xf32> to vector<1xf32>
        %squeeze3A_1224 = vector.extract %slice3A_1223[0] : f32 from vector<1xf32>
        %broadcast_in_dim3A_1225 = vector.broadcast %squeeze3A_1224 : f32 to vector<16xf32>
        %slice3A_1226 = vector.extract_strided_slice %mul3A_157 {offsets = [12], sizes = [1], strides = [1]} : vector<16xf32> to vector<1xf32>
        %squeeze3A_1227 = vector.extract %slice3A_1226[0] : f32 from vector<1xf32>
        %broadcast_in_dim3A_1228 = vector.broadcast %squeeze3A_1227 : f32 to vector<16xf32>
        %get3A_1229 = arith.index_cast %add3A_1216 : i32 to index
        %get3A_1230 = arith.constant 0 : index
        %get3A_1231 = tpu.vector_load %arg21[%get3A_1229, %get3A_1230] {strides = array<i32>} : memref<128x16xi32, #tpu.memory_space<vmem>>, vector<1x16xi32>,
        %get3A_1232 = vector.shape_cast %get3A_1231 : vector<1x16xi32> to vector<16xi32>
        %shift_left3A_1233 = arith.constant 16 : i32
        %shift_left3A_1234 = vector.broadcast %shift_left3A_1233 : i32 to vector<16xi32>
        %shift_left3A_1235 = arith.shli %get3A_1232, %shift_left3A_1234 : vector<16xi32>
        %bitcast_convert_type3A_1236 = tpu.bitcast %shift_left3A_1235 : vector<16xi32> -> vector<16xf32>
        %and3A_1237 = arith.constant -65536 : i32
        %and3A_1238 = vector.broadcast %and3A_1237 : i32 to vector<16xi32>
        %and3A_1239 = arith.andi %get3A_1232, %and3A_1238 : vector<16xi32>
        %bitcast_convert_type3A_1240 = tpu.bitcast %and3A_1239 : vector<16xi32> -> vector<16xf32>
        %get3A_1241 = arith.index_cast %add3A_1216 : i32 to index
        %get3A_1242 = arith.constant 0 : index
        %get3A_1243 = tpu.vector_load %arg22[%get3A_1241, %get3A_1242] {strides = array<i32>} : memref<128x16xi32, #tpu.memory_space<vmem>>, vector<1x16xi32>,
        %get3A_1244 = vector.shape_cast %get3A_1243 : vector<1x16xi32> to vector<16xi32>
        %shift_left3A_1245 = arith.constant 16 : i32
        %shift_left3A_1246 = vector.broadcast %shift_left3A_1245 : i32 to vector<16xi32>
        %shift_left3A_1247 = arith.shli %get3A_1244, %shift_left3A_1246 : vector<16xi32>
        %bitcast_convert_type3A_1248 = tpu.bitcast %shift_left3A_1247 : vector<16xi32> -> vector<16xf32>
        %and3A_1249 = arith.constant -65536 : i32
        %and3A_1250 = vector.broadcast %and3A_1249 : i32 to vector<16xi32>
        %and3A_1251 = arith.andi %get3A_1244, %and3A_1250 : vector<16xi32>
        %bitcast_convert_type3A_1252 = tpu.bitcast %and3A_1251 : vector<16xi32> -> vector<16xf32>
        %get3A_1253 = arith.index_cast %add3A_1216 : i32 to index
        %get3A_1254 = arith.constant 0 : index
        %get3A_1255 = tpu.vector_load %arg23[%get3A_1253, %get3A_1254] {strides = array<i32>} : memref<128x16xi32, #tpu.memory_space<vmem>>, vector<1x16xi32>,
        %get3A_1256 = vector.shape_cast %get3A_1255 : vector<1x16xi32> to vector<16xi32>
        %shift_left3A_1257 = arith.constant 16 : i32
        %shift_left3A_1258 = vector.broadcast %shift_left3A_1257 : i32 to vector<16xi32>
        %shift_left3A_1259 = arith.shli %get3A_1256, %shift_left3A_1258 : vector<16xi32>
        %bitcast_convert_type3A_1260 = tpu.bitcast %shift_left3A_1259 : vector<16xi32> -> vector<16xf32>
        %and3A_1261 = arith.constant -65536 : i32
        %and3A_1262 = vector.broadcast %and3A_1261 : i32 to vector<16xi32>
        %and3A_1263 = arith.andi %get3A_1256, %and3A_1262 : vector<16xi32>
        %bitcast_convert_type3A_1264 = tpu.bitcast %and3A_1263 : vector<16xi32> -> vector<16xf32>
        %get3A_1265 = arith.index_cast %add3A_1216 : i32 to index
        %get3A_1266 = arith.constant 0 : index
        %get3A_1267 = tpu.vector_load %arg24[%get3A_1265, %get3A_1266] {strides = array<i32>} : memref<128x16xi32, #tpu.memory_space<vmem>>, vector<1x16xi32>,
        %get3A_1268 = vector.shape_cast %get3A_1267 : vector<1x16xi32> to vector<16xi32>
        %shift_left3A_1269 = arith.constant 16 : i32
        %shift_left3A_1270 = vector.broadcast %shift_left3A_1269 : i32 to vector<16xi32>
        %shift_left3A_1271 = arith.shli %get3A_1268, %shift_left3A_1270 : vector<16xi32>
        %bitcast_convert_type3A_1272 = tpu.bitcast %shift_left3A_1271 : vector<16xi32> -> vector<16xf32>
        %and3A_1273 = arith.constant -65536 : i32
        %and3A_1274 = vector.broadcast %and3A_1273 : i32 to vector<16xi32>
        %and3A_1275 = arith.andi %get3A_1268, %and3A_1274 : vector<16xi32>
        %bitcast_convert_type3A_1276 = tpu.bitcast %and3A_1275 : vector<16xi32> -> vector<16xf32>
        %mul3A_1277 = arith.mulf %bitcast_convert_type3A_1236, %broadcast_in_dim3A_1219 : vector<16xf32>
        %mul3A_1278 = arith.mulf %bitcast_convert_type3A_1248, %broadcast_in_dim3A_1222 : vector<16xf32>
        %add3A_1279 = arith.addf %mul3A_1277, %mul3A_1278 : vector<16xf32>
        %mul3A_1280 = arith.mulf %bitcast_convert_type3A_1260, %broadcast_in_dim3A_1225 : vector<16xf32>
        %add3A_1281 = arith.addf %add3A_1279, %mul3A_1280 : vector<16xf32>
        %mul3A_1282 = arith.mulf %bitcast_convert_type3A_1272, %broadcast_in_dim3A_1228 : vector<16xf32>
        %add3A_1283 = arith.addf %add3A_1281, %mul3A_1282 : vector<16xf32>
        %swap3A_1284 = arith.index_cast %add3A_1216 : i32 to index
        %swap3A_1285 = arith.constant 0 : index
        %swap3A_1286 = tpu.vector_load %arg20[%swap3A_1284, %swap3A_1285] {strides = array<i32>} : memref<128x32xf32, #tpu.memory_space<vmem>>, vector<1x16xf32>,
        %swap3A_1287 = vector.shape_cast %swap3A_1286 : vector<1x16xf32> to vector<16xf32>
        %swap3A_1288 = vector.shape_cast %add3A_1283 : vector<16xf32> to vector<1x16xf32>
        tpu.vector_store %arg20[%swap3A_1284, %swap3A_1285], %swap3A_1288 {strides = array<i32>} : memref<128x32xf32, #tpu.memory_space<vmem>>, vector<1x16xf32>,
        %mul3A_1289 = arith.mulf %bitcast_convert_type3A_1240, %broadcast_in_dim3A_1219 : vector<16xf32>
        %mul3A_1290 = arith.mulf %bitcast_convert_type3A_1252, %broadcast_in_dim3A_1222 : vector<16xf32>
        %add3A_1291 = arith.addf %mul3A_1289, %mul3A_1290 : vector<16xf32>
        %mul3A_1292 = arith.mulf %bitcast_convert_type3A_1264, %broadcast_in_dim3A_1225 : vector<16xf32>
        %add3A_1293 = arith.addf %add3A_1291, %mul3A_1292 : vector<16xf32>
        %mul3A_1294 = arith.mulf %bitcast_convert_type3A_1276, %broadcast_in_dim3A_1228 : vector<16xf32>
        %add3A_1295 = arith.addf %add3A_1293, %mul3A_1294 : vector<16xf32>
        %swap3A_1296 = arith.index_cast %add3A_1216 : i32 to index
        %swap3A_1297 = arith.constant 16 : index
        %swap3A_1298 = tpu.vector_load %arg20[%swap3A_1296, %swap3A_1297] {strides = array<i32>} : memref<128x32xf32, #tpu.memory_space<vmem>>, vector<1x16xf32>,
        %swap3A_1299 = vector.shape_cast %swap3A_1298 : vector<1x16xf32> to vector<16xf32>
        %swap3A_1300 = vector.shape_cast %add3A_1295 : vector<16xf32> to vector<1x16xf32>
        tpu.vector_store %arg20[%swap3A_1296, %swap3A_1297], %swap3A_1300 {strides = array<i32>} : memref<128x32xf32, #tpu.memory_space<vmem>>, vector<1x16xf32>,
        %mul3A_1301 = arith.constant 16 : i32
        %mul3A_1302 = arith.muli %scan3A_146, %mul3A_1301 : i32
        %add3A_1303 = arith.constant 13 : i32
        %add3A_1304 = arith.addi %mul3A_1302, %add3A_1303 : i32
        %slice3A_1305 = vector.extract_strided_slice %add3A_163 {offsets = [13], sizes = [1], strides = [1]} : vector<16xf32> to vector<1xf32>
        %squeeze3A_1306 = vector.extract %slice3A_1305[0] : f32 from vector<1xf32>
        %broadcast_in_dim3A_1307 = vector.broadcast %squeeze3A_1306 : f32 to vector<16xf32>
        %slice3A_1308 = vector.extract_strided_slice %sub3A {offsets = [13], sizes = [1], strides = [1]} : vector<16xf32> to vector<1xf32>
        %squeeze3A_1309 = vector.extract %slice3A_1308[0] : f32 from vector<1xf32>
        %broadcast_in_dim3A_1310 = vector.broadcast %squeeze3A_1309 : f32 to vector<16xf32>
        %slice3A_1311 = vector.extract_strided_slice %sub3A_158 {offsets = [13], sizes = [1], strides = [1]} : vector<16xf32> to vector<1xf32>
        %squeeze3A_1312 = vector.extract %slice3A_1311[0] : f32 from vector<1xf32>
        %broadcast_in_dim3A_1313 = vector.broadcast %squeeze3A_1312 : f32 to vector<16xf32>
        %slice3A_1314 = vector.extract_strided_slice %mul3A_157 {offsets = [13], sizes = [1], strides = [1]} : vector<16xf32> to vector<1xf32>
        %squeeze3A_1315 = vector.extract %slice3A_1314[0] : f32 from vector<1xf32>
        %broadcast_in_dim3A_1316 = vector.broadcast %squeeze3A_1315 : f32 to vector<16xf32>
        %get3A_1317 = arith.index_cast %add3A_1304 : i32 to index
        %get3A_1318 = arith.constant 0 : index
        %get3A_1319 = tpu.vector_load %arg21[%get3A_1317, %get3A_1318] {strides = array<i32>} : memref<128x16xi32, #tpu.memory_space<vmem>>, vector<1x16xi32>,
        %get3A_1320 = vector.shape_cast %get3A_1319 : vector<1x16xi32> to vector<16xi32>
        %shift_left3A_1321 = arith.constant 16 : i32
        %shift_left3A_1322 = vector.broadcast %shift_left3A_1321 : i32 to vector<16xi32>
        %shift_left3A_1323 = arith.shli %get3A_1320, %shift_left3A_1322 : vector<16xi32>
        %bitcast_convert_type3A_1324 = tpu.bitcast %shift_left3A_1323 : vector<16xi32> -> vector<16xf32>
        %and3A_1325 = arith.constant -65536 : i32
        %and3A_1326 = vector.broadcast %and3A_1325 : i32 to vector<16xi32>
        %and3A_1327 = arith.andi %get3A_1320, %and3A_1326 : vector<16xi32>
        %bitcast_convert_type3A_1328 = tpu.bitcast %and3A_1327 : vector<16xi32> -> vector<16xf32>
        %get3A_1329 = arith.index_cast %add3A_1304 : i32 to index
        %get3A_1330 = arith.constant 0 : index
        %get3A_1331 = tpu.vector_load %arg22[%get3A_1329, %get3A_1330] {strides = array<i32>} : memref<128x16xi32, #tpu.memory_space<vmem>>, vector<1x16xi32>,
        %get3A_1332 = vector.shape_cast %get3A_1331 : vector<1x16xi32> to vector<16xi32>
        %shift_left3A_1333 = arith.constant 16 : i32
        %shift_left3A_1334 = vector.broadcast %shift_left3A_1333 : i32 to vector<16xi32>
        %shift_left3A_1335 = arith.shli %get3A_1332, %shift_left3A_1334 : vector<16xi32>
        %bitcast_convert_type3A_1336 = tpu.bitcast %shift_left3A_1335 : vector<16xi32> -> vector<16xf32>
        %and3A_1337 = arith.constant -65536 : i32
        %and3A_1338 = vector.broadcast %and3A_1337 : i32 to vector<16xi32>
        %and3A_1339 = arith.andi %get3A_1332, %and3A_1338 : vector<16xi32>
        %bitcast_convert_type3A_1340 = tpu.bitcast %and3A_1339 : vector<16xi32> -> vector<16xf32>
        %get3A_1341 = arith.index_cast %add3A_1304 : i32 to index
        %get3A_1342 = arith.constant 0 : index
        %get3A_1343 = tpu.vector_load %arg23[%get3A_1341, %get3A_1342] {strides = array<i32>} : memref<128x16xi32, #tpu.memory_space<vmem>>, vector<1x16xi32>,
        %get3A_1344 = vector.shape_cast %get3A_1343 : vector<1x16xi32> to vector<16xi32>
        %shift_left3A_1345 = arith.constant 16 : i32
        %shift_left3A_1346 = vector.broadcast %shift_left3A_1345 : i32 to vector<16xi32>
        %shift_left3A_1347 = arith.shli %get3A_1344, %shift_left3A_1346 : vector<16xi32>
        %bitcast_convert_type3A_1348 = tpu.bitcast %shift_left3A_1347 : vector<16xi32> -> vector<16xf32>
        %and3A_1349 = arith.constant -65536 : i32
        %and3A_1350 = vector.broadcast %and3A_1349 : i32 to vector<16xi32>
        %and3A_1351 = arith.andi %get3A_1344, %and3A_1350 : vector<16xi32>
        %bitcast_convert_type3A_1352 = tpu.bitcast %and3A_1351 : vector<16xi32> -> vector<16xf32>
        %get3A_1353 = arith.index_cast %add3A_1304 : i32 to index
        %get3A_1354 = arith.constant 0 : index
        %get3A_1355 = tpu.vector_load %arg24[%get3A_1353, %get3A_1354] {strides = array<i32>} : memref<128x16xi32, #tpu.memory_space<vmem>>, vector<1x16xi32>,
        %get3A_1356 = vector.shape_cast %get3A_1355 : vector<1x16xi32> to vector<16xi32>
        %shift_left3A_1357 = arith.constant 16 : i32
        %shift_left3A_1358 = vector.broadcast %shift_left3A_1357 : i32 to vector<16xi32>
        %shift_left3A_1359 = arith.shli %get3A_1356, %shift_left3A_1358 : vector<16xi32>
        %bitcast_convert_type3A_1360 = tpu.bitcast %shift_left3A_1359 : vector<16xi32> -> vector<16xf32>
        %and3A_1361 = arith.constant -65536 : i32
        %and3A_1362 = vector.broadcast %and3A_1361 : i32 to vector<16xi32>
        %and3A_1363 = arith.andi %get3A_1356, %and3A_1362 : vector<16xi32>
        %bitcast_convert_type3A_1364 = tpu.bitcast %and3A_1363 : vector<16xi32> -> vector<16xf32>
        %mul3A_1365 = arith.mulf %bitcast_convert_type3A_1324, %broadcast_in_dim3A_1307 : vector<16xf32>
        %mul3A_1366 = arith.mulf %bitcast_convert_type3A_1336, %broadcast_in_dim3A_1310 : vector<16xf32>
        %add3A_1367 = arith.addf %mul3A_1365, %mul3A_1366 : vector<16xf32>
        %mul3A_1368 = arith.mulf %bitcast_convert_type3A_1348, %broadcast_in_dim3A_1313 : vector<16xf32>
        %add3A_1369 = arith.addf %add3A_1367, %mul3A_1368 : vector<16xf32>
        %mul3A_1370 = arith.mulf %bitcast_convert_type3A_1360, %broadcast_in_dim3A_1316 : vector<16xf32>
        %add3A_1371 = arith.addf %add3A_1369, %mul3A_1370 : vector<16xf32>
        %swap3A_1372 = arith.index_cast %add3A_1304 : i32 to index
        %swap3A_1373 = arith.constant 0 : index
        %swap3A_1374 = tpu.vector_load %arg20[%swap3A_1372, %swap3A_1373] {strides = array<i32>} : memref<128x32xf32, #tpu.memory_space<vmem>>, vector<1x16xf32>,
        %swap3A_1375 = vector.shape_cast %swap3A_1374 : vector<1x16xf32> to vector<16xf32>
        %swap3A_1376 = vector.shape_cast %add3A_1371 : vector<16xf32> to vector<1x16xf32>
        tpu.vector_store %arg20[%swap3A_1372, %swap3A_1373], %swap3A_1376 {strides = array<i32>} : memref<128x32xf32, #tpu.memory_space<vmem>>, vector<1x16xf32>,
        %mul3A_1377 = arith.mulf %bitcast_convert_type3A_1328, %broadcast_in_dim3A_1307 : vector<16xf32>
        %mul3A_1378 = arith.mulf %bitcast_convert_type3A_1340, %broadcast_in_dim3A_1310 : vector<16xf32>
        %add3A_1379 = arith.addf %mul3A_1377, %mul3A_1378 : vector<16xf32>
        %mul3A_1380 = arith.mulf %bitcast_convert_type3A_1352, %broadcast_in_dim3A_1313 : vector<16xf32>
        %add3A_1381 = arith.addf %add3A_1379, %mul3A_1380 : vector<16xf32>
        %mul3A_1382 = arith.mulf %bitcast_convert_type3A_1364, %broadcast_in_dim3A_1316 : vector<16xf32>
        %add3A_1383 = arith.addf %add3A_1381, %mul3A_1382 : vector<16xf32>
        %swap3A_1384 = arith.index_cast %add3A_1304 : i32 to index
        %swap3A_1385 = arith.constant 16 : index
        %swap3A_1386 = tpu.vector_load %arg20[%swap3A_1384, %swap3A_1385] {strides = array<i32>} : memref<128x32xf32, #tpu.memory_space<vmem>>, vector<1x16xf32>,
        %swap3A_1387 = vector.shape_cast %swap3A_1386 : vector<1x16xf32> to vector<16xf32>
        %swap3A_1388 = vector.shape_cast %add3A_1383 : vector<16xf32> to vector<1x16xf32>
        tpu.vector_store %arg20[%swap3A_1384, %swap3A_1385], %swap3A_1388 {strides = array<i32>} : memref<128x32xf32, #tpu.memory_space<vmem>>, vector<1x16xf32>,
        %mul3A_1389 = arith.constant 16 : i32
        %mul3A_1390 = arith.muli %scan3A_146, %mul3A_1389 : i32
        %add3A_1391 = arith.constant 14 : i32
        %add3A_1392 = arith.addi %mul3A_1390, %add3A_1391 : i32
        %slice3A_1393 = vector.extract_strided_slice %add3A_163 {offsets = [14], sizes = [1], strides = [1]} : vector<16xf32> to vector<1xf32>
        %squeeze3A_1394 = vector.extract %slice3A_1393[0] : f32 from vector<1xf32>
        %broadcast_in_dim3A_1395 = vector.broadcast %squeeze3A_1394 : f32 to vector<16xf32>
        %slice3A_1396 = vector.extract_strided_slice %sub3A {offsets = [14], sizes = [1], strides = [1]} : vector<16xf32> to vector<1xf32>
        %squeeze3A_1397 = vector.extract %slice3A_1396[0] : f32 from vector<1xf32>
        %broadcast_in_dim3A_1398 = vector.broadcast %squeeze3A_1397 : f32 to vector<16xf32>
        %slice3A_1399 = vector.extract_strided_slice %sub3A_158 {offsets = [14], sizes = [1], strides = [1]} : vector<16xf32> to vector<1xf32>
        %squeeze3A_1400 = vector.extract %slice3A_1399[0] : f32 from vector<1xf32>
        %broadcast_in_dim3A_1401 = vector.broadcast %squeeze3A_1400 : f32 to vector<16xf32>
        %slice3A_1402 = vector.extract_strided_slice %mul3A_157 {offsets = [14], sizes = [1], strides = [1]} : vector<16xf32> to vector<1xf32>
        %squeeze3A_1403 = vector.extract %slice3A_1402[0] : f32 from vector<1xf32>
        %broadcast_in_dim3A_1404 = vector.broadcast %squeeze3A_1403 : f32 to vector<16xf32>
        %get3A_1405 = arith.index_cast %add3A_1392 : i32 to index
        %get3A_1406 = arith.constant 0 : index
        %get3A_1407 = tpu.vector_load %arg21[%get3A_1405, %get3A_1406] {strides = array<i32>} : memref<128x16xi32, #tpu.memory_space<vmem>>, vector<1x16xi32>,
        %get3A_1408 = vector.shape_cast %get3A_1407 : vector<1x16xi32> to vector<16xi32>
        %shift_left3A_1409 = arith.constant 16 : i32
        %shift_left3A_1410 = vector.broadcast %shift_left3A_1409 : i32 to vector<16xi32>
        %shift_left3A_1411 = arith.shli %get3A_1408, %shift_left3A_1410 : vector<16xi32>
        %bitcast_convert_type3A_1412 = tpu.bitcast %shift_left3A_1411 : vector<16xi32> -> vector<16xf32>
        %and3A_1413 = arith.constant -65536 : i32
        %and3A_1414 = vector.broadcast %and3A_1413 : i32 to vector<16xi32>
        %and3A_1415 = arith.andi %get3A_1408, %and3A_1414 : vector<16xi32>
        %bitcast_convert_type3A_1416 = tpu.bitcast %and3A_1415 : vector<16xi32> -> vector<16xf32>
        %get3A_1417 = arith.index_cast %add3A_1392 : i32 to index
        %get3A_1418 = arith.constant 0 : index
        %get3A_1419 = tpu.vector_load %arg22[%get3A_1417, %get3A_1418] {strides = array<i32>} : memref<128x16xi32, #tpu.memory_space<vmem>>, vector<1x16xi32>,
        %get3A_1420 = vector.shape_cast %get3A_1419 : vector<1x16xi32> to vector<16xi32>
        %shift_left3A_1421 = arith.constant 16 : i32
        %shift_left3A_1422 = vector.broadcast %shift_left3A_1421 : i32 to vector<16xi32>
        %shift_left3A_1423 = arith.shli %get3A_1420, %shift_left3A_1422 : vector<16xi32>
        %bitcast_convert_type3A_1424 = tpu.bitcast %shift_left3A_1423 : vector<16xi32> -> vector<16xf32>
        %and3A_1425 = arith.constant -65536 : i32
        %and3A_1426 = vector.broadcast %and3A_1425 : i32 to vector<16xi32>
        %and3A_1427 = arith.andi %get3A_1420, %and3A_1426 : vector<16xi32>
        %bitcast_convert_type3A_1428 = tpu.bitcast %and3A_1427 : vector<16xi32> -> vector<16xf32>
        %get3A_1429 = arith.index_cast %add3A_1392 : i32 to index
        %get3A_1430 = arith.constant 0 : index
        %get3A_1431 = tpu.vector_load %arg23[%get3A_1429, %get3A_1430] {strides = array<i32>} : memref<128x16xi32, #tpu.memory_space<vmem>>, vector<1x16xi32>,
        %get3A_1432 = vector.shape_cast %get3A_1431 : vector<1x16xi32> to vector<16xi32>
        %shift_left3A_1433 = arith.constant 16 : i32
        %shift_left3A_1434 = vector.broadcast %shift_left3A_1433 : i32 to vector<16xi32>
        %shift_left3A_1435 = arith.shli %get3A_1432, %shift_left3A_1434 : vector<16xi32>
        %bitcast_convert_type3A_1436 = tpu.bitcast %shift_left3A_1435 : vector<16xi32> -> vector<16xf32>
        %and3A_1437 = arith.constant -65536 : i32
        %and3A_1438 = vector.broadcast %and3A_1437 : i32 to vector<16xi32>
        %and3A_1439 = arith.andi %get3A_1432, %and3A_1438 : vector<16xi32>
        %bitcast_convert_type3A_1440 = tpu.bitcast %and3A_1439 : vector<16xi32> -> vector<16xf32>
        %get3A_1441 = arith.index_cast %add3A_1392 : i32 to index
        %get3A_1442 = arith.constant 0 : index
        %get3A_1443 = tpu.vector_load %arg24[%get3A_1441, %get3A_1442] {strides = array<i32>} : memref<128x16xi32, #tpu.memory_space<vmem>>, vector<1x16xi32>,
        %get3A_1444 = vector.shape_cast %get3A_1443 : vector<1x16xi32> to vector<16xi32>
        %shift_left3A_1445 = arith.constant 16 : i32
        %shift_left3A_1446 = vector.broadcast %shift_left3A_1445 : i32 to vector<16xi32>
        %shift_left3A_1447 = arith.shli %get3A_1444, %shift_left3A_1446 : vector<16xi32>
        %bitcast_convert_type3A_1448 = tpu.bitcast %shift_left3A_1447 : vector<16xi32> -> vector<16xf32>
        %and3A_1449 = arith.constant -65536 : i32
        %and3A_1450 = vector.broadcast %and3A_1449 : i32 to vector<16xi32>
        %and3A_1451 = arith.andi %get3A_1444, %and3A_1450 : vector<16xi32>
        %bitcast_convert_type3A_1452 = tpu.bitcast %and3A_1451 : vector<16xi32> -> vector<16xf32>
        %mul3A_1453 = arith.mulf %bitcast_convert_type3A_1412, %broadcast_in_dim3A_1395 : vector<16xf32>
        %mul3A_1454 = arith.mulf %bitcast_convert_type3A_1424, %broadcast_in_dim3A_1398 : vector<16xf32>
        %add3A_1455 = arith.addf %mul3A_1453, %mul3A_1454 : vector<16xf32>
        %mul3A_1456 = arith.mulf %bitcast_convert_type3A_1436, %broadcast_in_dim3A_1401 : vector<16xf32>
        %add3A_1457 = arith.addf %add3A_1455, %mul3A_1456 : vector<16xf32>
        %mul3A_1458 = arith.mulf %bitcast_convert_type3A_1448, %broadcast_in_dim3A_1404 : vector<16xf32>
        %add3A_1459 = arith.addf %add3A_1457, %mul3A_1458 : vector<16xf32>
        %swap3A_1460 = arith.index_cast %add3A_1392 : i32 to index
        %swap3A_1461 = arith.constant 0 : index
        %swap3A_1462 = tpu.vector_load %arg20[%swap3A_1460, %swap3A_1461] {strides = array<i32>} : memref<128x32xf32, #tpu.memory_space<vmem>>, vector<1x16xf32>,
        %swap3A_1463 = vector.shape_cast %swap3A_1462 : vector<1x16xf32> to vector<16xf32>
        %swap3A_1464 = vector.shape_cast %add3A_1459 : vector<16xf32> to vector<1x16xf32>
        tpu.vector_store %arg20[%swap3A_1460, %swap3A_1461], %swap3A_1464 {strides = array<i32>} : memref<128x32xf32, #tpu.memory_space<vmem>>, vector<1x16xf32>,
        %mul3A_1465 = arith.mulf %bitcast_convert_type3A_1416, %broadcast_in_dim3A_1395 : vector<16xf32>
        %mul3A_1466 = arith.mulf %bitcast_convert_type3A_1428, %broadcast_in_dim3A_1398 : vector<16xf32>
        %add3A_1467 = arith.addf %mul3A_1465, %mul3A_1466 : vector<16xf32>
        %mul3A_1468 = arith.mulf %bitcast_convert_type3A_1440, %broadcast_in_dim3A_1401 : vector<16xf32>
        %add3A_1469 = arith.addf %add3A_1467, %mul3A_1468 : vector<16xf32>
        %mul3A_1470 = arith.mulf %bitcast_convert_type3A_1452, %broadcast_in_dim3A_1404 : vector<16xf32>
        %add3A_1471 = arith.addf %add3A_1469, %mul3A_1470 : vector<16xf32>
        %swap3A_1472 = arith.index_cast %add3A_1392 : i32 to index
        %swap3A_1473 = arith.constant 16 : index
        %swap3A_1474 = tpu.vector_load %arg20[%swap3A_1472, %swap3A_1473] {strides = array<i32>} : memref<128x32xf32, #tpu.memory_space<vmem>>, vector<1x16xf32>,
        %swap3A_1475 = vector.shape_cast %swap3A_1474 : vector<1x16xf32> to vector<16xf32>
        %swap3A_1476 = vector.shape_cast %add3A_1471 : vector<16xf32> to vector<1x16xf32>
        tpu.vector_store %arg20[%swap3A_1472, %swap3A_1473], %swap3A_1476 {strides = array<i32>} : memref<128x32xf32, #tpu.memory_space<vmem>>, vector<1x16xf32>,
        %mul3A_1477 = arith.constant 16 : i32
        %mul3A_1478 = arith.muli %scan3A_146, %mul3A_1477 : i32
        %add3A_1479 = arith.constant 15 : i32
        %add3A_1480 = arith.addi %mul3A_1478, %add3A_1479 : i32
        %slice3A_1481 = vector.extract_strided_slice %add3A_163 {offsets = [15], sizes = [1], strides = [1]} : vector<16xf32> to vector<1xf32>
        %squeeze3A_1482 = vector.extract %slice3A_1481[0] : f32 from vector<1xf32>
        %broadcast_in_dim3A_1483 = vector.broadcast %squeeze3A_1482 : f32 to vector<16xf32>
        %slice3A_1484 = vector.extract_strided_slice %sub3A {offsets = [15], sizes = [1], strides = [1]} : vector<16xf32> to vector<1xf32>
        %squeeze3A_1485 = vector.extract %slice3A_1484[0] : f32 from vector<1xf32>
        %broadcast_in_dim3A_1486 = vector.broadcast %squeeze3A_1485 : f32 to vector<16xf32>
        %slice3A_1487 = vector.extract_strided_slice %sub3A_158 {offsets = [15], sizes = [1], strides = [1]} : vector<16xf32> to vector<1xf32>
        %squeeze3A_1488 = vector.extract %slice3A_1487[0] : f32 from vector<1xf32>
        %broadcast_in_dim3A_1489 = vector.broadcast %squeeze3A_1488 : f32 to vector<16xf32>
        %slice3A_1490 = vector.extract_strided_slice %mul3A_157 {offsets = [15], sizes = [1], strides = [1]} : vector<16xf32> to vector<1xf32>
        %squeeze3A_1491 = vector.extract %slice3A_1490[0] : f32 from vector<1xf32>
        %broadcast_in_dim3A_1492 = vector.broadcast %squeeze3A_1491 : f32 to vector<16xf32>
        %get3A_1493 = arith.index_cast %add3A_1480 : i32 to index
        %get3A_1494 = arith.constant 0 : index
        %get3A_1495 = tpu.vector_load %arg21[%get3A_1493, %get3A_1494] {strides = array<i32>} : memref<128x16xi32, #tpu.memory_space<vmem>>, vector<1x16xi32>,
        %get3A_1496 = vector.shape_cast %get3A_1495 : vector<1x16xi32> to vector<16xi32>
        %shift_left3A_1497 = arith.constant 16 : i32
        %shift_left3A_1498 = vector.broadcast %shift_left3A_1497 : i32 to vector<16xi32>
        %shift_left3A_1499 = arith.shli %get3A_1496, %shift_left3A_1498 : vector<16xi32>
        %bitcast_convert_type3A_1500 = tpu.bitcast %shift_left3A_1499 : vector<16xi32> -> vector<16xf32>
        %and3A_1501 = arith.constant -65536 : i32
        %and3A_1502 = vector.broadcast %and3A_1501 : i32 to vector<16xi32>
        %and3A_1503 = arith.andi %get3A_1496, %and3A_1502 : vector<16xi32>
        %bitcast_convert_type3A_1504 = tpu.bitcast %and3A_1503 : vector<16xi32> -> vector<16xf32>
        %get3A_1505 = arith.index_cast %add3A_1480 : i32 to index
        %get3A_1506 = arith.constant 0 : index
        %get3A_1507 = tpu.vector_load %arg22[%get3A_1505, %get3A_1506] {strides = array<i32>} : memref<128x16xi32, #tpu.memory_space<vmem>>, vector<1x16xi32>,
        %get3A_1508 = vector.shape_cast %get3A_1507 : vector<1x16xi32> to vector<16xi32>
        %shift_left3A_1509 = arith.constant 16 : i32
        %shift_left3A_1510 = vector.broadcast %shift_left3A_1509 : i32 to vector<16xi32>
        %shift_left3A_1511 = arith.shli %get3A_1508, %shift_left3A_1510 : vector<16xi32>
        %bitcast_convert_type3A_1512 = tpu.bitcast %shift_left3A_1511 : vector<16xi32> -> vector<16xf32>
        %and3A_1513 = arith.constant -65536 : i32
        %and3A_1514 = vector.broadcast %and3A_1513 : i32 to vector<16xi32>
        %and3A_1515 = arith.andi %get3A_1508, %and3A_1514 : vector<16xi32>
        %bitcast_convert_type3A_1516 = tpu.bitcast %and3A_1515 : vector<16xi32> -> vector<16xf32>
        %get3A_1517 = arith.index_cast %add3A_1480 : i32 to index
        %get3A_1518 = arith.constant 0 : index
        %get3A_1519 = tpu.vector_load %arg23[%get3A_1517, %get3A_1518] {strides = array<i32>} : memref<128x16xi32, #tpu.memory_space<vmem>>, vector<1x16xi32>,
        %get3A_1520 = vector.shape_cast %get3A_1519 : vector<1x16xi32> to vector<16xi32>
        %shift_left3A_1521 = arith.constant 16 : i32
        %shift_left3A_1522 = vector.broadcast %shift_left3A_1521 : i32 to vector<16xi32>
        %shift_left3A_1523 = arith.shli %get3A_1520, %shift_left3A_1522 : vector<16xi32>
        %bitcast_convert_type3A_1524 = tpu.bitcast %shift_left3A_1523 : vector<16xi32> -> vector<16xf32>
        %and3A_1525 = arith.constant -65536 : i32
        %and3A_1526 = vector.broadcast %and3A_1525 : i32 to vector<16xi32>
        %and3A_1527 = arith.andi %get3A_1520, %and3A_1526 : vector<16xi32>
        %bitcast_convert_type3A_1528 = tpu.bitcast %and3A_1527 : vector<16xi32> -> vector<16xf32>
        %get3A_1529 = arith.index_cast %add3A_1480 : i32 to index
        %get3A_1530 = arith.constant 0 : index
        %get3A_1531 = tpu.vector_load %arg24[%get3A_1529, %get3A_1530] {strides = array<i32>} : memref<128x16xi32, #tpu.memory_space<vmem>>, vector<1x16xi32>,
        %get3A_1532 = vector.shape_cast %get3A_1531 : vector<1x16xi32> to vector<16xi32>
        %shift_left3A_1533 = arith.constant 16 : i32
        %shift_left3A_1534 = vector.broadcast %shift_left3A_1533 : i32 to vector<16xi32>
        %shift_left3A_1535 = arith.shli %get3A_1532, %shift_left3A_1534 : vector<16xi32>
        %bitcast_convert_type3A_1536 = tpu.bitcast %shift_left3A_1535 : vector<16xi32> -> vector<16xf32>
        %and3A_1537 = arith.constant -65536 : i32
        %and3A_1538 = vector.broadcast %and3A_1537 : i32 to vector<16xi32>
        %and3A_1539 = arith.andi %get3A_1532, %and3A_1538 : vector<16xi32>
        %bitcast_convert_type3A_1540 = tpu.bitcast %and3A_1539 : vector<16xi32> -> vector<16xf32>
        %mul3A_1541 = arith.mulf %bitcast_convert_type3A_1500, %broadcast_in_dim3A_1483 : vector<16xf32>
        %mul3A_1542 = arith.mulf %bitcast_convert_type3A_1512, %broadcast_in_dim3A_1486 : vector<16xf32>
        %add3A_1543 = arith.addf %mul3A_1541, %mul3A_1542 : vector<16xf32>
        %mul3A_1544 = arith.mulf %bitcast_convert_type3A_1524, %broadcast_in_dim3A_1489 : vector<16xf32>
        %add3A_1545 = arith.addf %add3A_1543, %mul3A_1544 : vector<16xf32>
        %mul3A_1546 = arith.mulf %bitcast_convert_type3A_1536, %broadcast_in_dim3A_1492 : vector<16xf32>
        %add3A_1547 = arith.addf %add3A_1545, %mul3A_1546 : vector<16xf32>
        %swap3A_1548 = arith.index_cast %add3A_1480 : i32 to index
        %swap3A_1549 = arith.constant 0 : index
        %swap3A_1550 = tpu.vector_load %arg20[%swap3A_1548, %swap3A_1549] {strides = array<i32>} : memref<128x32xf32, #tpu.memory_space<vmem>>, vector<1x16xf32>,
        %swap3A_1551 = vector.shape_cast %swap3A_1550 : vector<1x16xf32> to vector<16xf32>
        %swap3A_1552 = vector.shape_cast %add3A_1547 : vector<16xf32> to vector<1x16xf32>
        tpu.vector_store %arg20[%swap3A_1548, %swap3A_1549], %swap3A_1552 {strides = array<i32>} : memref<128x32xf32, #tpu.memory_space<vmem>>, vector<1x16xf32>,
        %mul3A_1553 = arith.mulf %bitcast_convert_type3A_1504, %broadcast_in_dim3A_1483 : vector<16xf32>
        %mul3A_1554 = arith.mulf %bitcast_convert_type3A_1516, %broadcast_in_dim3A_1486 : vector<16xf32>
        %add3A_1555 = arith.addf %mul3A_1553, %mul3A_1554 : vector<16xf32>
        %mul3A_1556 = arith.mulf %bitcast_convert_type3A_1528, %broadcast_in_dim3A_1489 : vector<16xf32>
        %add3A_1557 = arith.addf %add3A_1555, %mul3A_1556 : vector<16xf32>
        %mul3A_1558 = arith.mulf %bitcast_convert_type3A_1540, %broadcast_in_dim3A_1492 : vector<16xf32>
        %add3A_1559 = arith.addf %add3A_1557, %mul3A_1558 : vector<16xf32>
        %swap3A_1560 = arith.index_cast %add3A_1480 : i32 to index
        %swap3A_1561 = arith.constant 16 : index
        %swap3A_1562 = tpu.vector_load %arg20[%swap3A_1560, %swap3A_1561] {strides = array<i32>} : memref<128x32xf32, #tpu.memory_space<vmem>>, vector<1x16xf32>,
        %swap3A_1563 = vector.shape_cast %swap3A_1562 : vector<1x16xf32> to vector<16xf32>
        %swap3A_1564 = vector.shape_cast %add3A_1559 : vector<16xf32> to vector<1x16xf32>
        tpu.vector_store %arg20[%swap3A_1560, %swap3A_1561], %swap3A_1564 {strides = array<i32>} : memref<128x32xf32, #tpu.memory_space<vmem>>, vector<1x16xf32>,
      }
      %scan3A_102 = arith.constant 8 : i32
      %mul3A_103 = arith.constant 128 : i32
      %mul3A_104 = arith.muli %mul3A_62, %mul3A_103 : i32
      %add3A_105 = arith.addi %mul3A_2, %mul3A_104 : i32
      %dma_start3A_106 = arith.constant 0 : i32
      %dma_start3A_107 = tpu.memref_slice %arg9[%add3A_105, %dma_start3A_106] : memref<262144x32xf32, #tpu.memory_space<hbm>> -> memref<128x32xf32, #tpu.memory_space<hbm>>
      %dma_start3A_108 = arith.constant 0 : i32
      %dma_start3A_109 = tpu.memref_slice %arg9[%add3A_105, %dma_start3A_108] : memref<262144x32xf32, #tpu.memory_space<hbm>> -> memref<128x32xf32, #tpu.memory_space<hbm>>
      tpu.enqueue_dma source(%arg20 : memref<128x32xf32, #tpu.memory_space<vmem>>) target(%dma_start3A_109 : memref<128x32xf32, #tpu.memory_space<hbm>>) target_semaphore(%arg26 : memref<!tpu.dma_semaphore, #tpu.memory_space<semaphore_mem>>)
      %lt3A = arith.constant 31 : i32
      %lt3A_110 = arith.cmpi slt, %scan3A_60, %lt3A : i32
      %convert_element_type3A_111 = arith.extui %lt3A_110 : i1 to i32
      %cond3A_112 = arith.constant 0 : i32
      %cond3A_113 = arith.cmpi ne, %convert_element_type3A_111, %cond3A_112 : i32
      scf.if %cond3A_113 {
        %add3A_146 = arith.constant 2 : i32
        %add3A_147 = arith.addi %mul3A_62, %add3A_146 : i32
        %scan3A_148 = arith.constant 0 : i32
        %scan3A_149 = arith.constant 0 : i32
        %scan3A_150 = arith.constant 8 : i32
        %scan3A_151 = arith.addi %scan3A_149, %scan3A_150 : i32
        %scan3A_152 = arith.constant 1 : i32
        scf.for %scan3A_166 = %scan3A_149 to %scan3A_151 step %scan3A_152  : i32 {
          %mul3A_167 = arith.constant 128 : i32
          %mul3A_168 = arith.muli %add3A_147, %mul3A_167 : i32
          %mul3A_169 = arith.constant 16 : i32
          %mul3A_170 = arith.muli %scan3A_166, %mul3A_169 : i32
          %add3A_171 = arith.addi %mul3A_168, %mul3A_170 : i32
          %mul3A_172 = arith.constant 16 : i32
          %mul3A_173 = arith.muli %scan3A_166, %mul3A_172 : i32
          %get3A = arith.index_cast %add3A_171 : i32 to index
          %get3A_174 = tpu.vector_load %arg10[%get3A] {strides = array<i32>} : memref<8192xi32, #tpu.memory_space<vmem>>, vector<16xi32>,
          %get3A_175 = vector.shape_cast %get3A_174 : vector<16xi32> to vector<16xi32>
          %get3A_176 = arith.index_cast %add3A_171 : i32 to index
          %get3A_177 = tpu.vector_load %arg11[%get3A_176] {strides = array<i32>} : memref<8192xi32, #tpu.memory_space<vmem>>, vector<16xi32>,
          %get3A_178 = vector.shape_cast %get3A_177 : vector<16xi32> to vector<16xi32>
          %get3A_179 = arith.index_cast %add3A_171 : i32 to index
          %get3A_180 = tpu.vector_load %arg12[%get3A_179] {strides = array<i32>} : memref<8192xi32, #tpu.memory_space<vmem>>, vector<16xi32>,
          %get3A_181 = vector.shape_cast %get3A_180 : vector<16xi32> to vector<16xi32>
          %get3A_182 = arith.index_cast %add3A_171 : i32 to index
          %get3A_183 = tpu.vector_load %arg13[%get3A_182] {strides = array<i32>} : memref<8192xi32, #tpu.memory_space<vmem>>, vector<16xi32>,
          %get3A_184 = vector.shape_cast %get3A_183 : vector<16xi32> to vector<16xi32>
          %mul3A_185 = arith.constant 256 : i32
          %mul3A_186 = vector.broadcast %mul3A_185 : i32 to vector<16xi32>
          %mul3A_187 = arith.muli %get3A_178, %mul3A_186 : vector<16xi32>
          %mul3A_188 = arith.constant 256 : i32
          %mul3A_189 = vector.broadcast %mul3A_188 : i32 to vector<16xi32>
          %mul3A_190 = arith.muli %get3A_184, %mul3A_189 : vector<16xi32>
          %add3A_191 = arith.addi %mul3A_187, %get3A_175 : vector<16xi32>
          %swap3A = arith.index_cast %mul3A_173 : i32 to index
          %swap3A_192 = tpu.vector_load %arg16[%swap3A] {strides = array<i32>} : memref<128xi32, #tpu.memory_space<vmem>>, vector<16xi32>,
          %swap3A_193 = vector.shape_cast %swap3A_192 : vector<16xi32> to vector<16xi32>
          %swap3A_194 = vector.shape_cast %add3A_191 : vector<16xi32> to vector<16xi32>
          tpu.vector_store %arg16[%swap3A], %swap3A_194 {strides = array<i32>} : memref<128xi32, #tpu.memory_space<vmem>>, vector<16xi32>,
          %add3A_195 = arith.addi %mul3A_187, %get3A_181 : vector<16xi32>
          %swap3A_196 = arith.index_cast %mul3A_173 : i32 to index
          %swap3A_197 = tpu.vector_load %arg17[%swap3A_196] {strides = array<i32>} : memref<128xi32, #tpu.memory_space<vmem>>, vector<16xi32>,
          %swap3A_198 = vector.shape_cast %swap3A_197 : vector<16xi32> to vector<16xi32>
          %swap3A_199 = vector.shape_cast %add3A_195 : vector<16xi32> to vector<16xi32>
          tpu.vector_store %arg17[%swap3A_196], %swap3A_199 {strides = array<i32>} : memref<128xi32, #tpu.memory_space<vmem>>, vector<16xi32>,
          %add3A_200 = arith.addi %mul3A_190, %get3A_175 : vector<16xi32>
          %swap3A_201 = arith.index_cast %mul3A_173 : i32 to index
          %swap3A_202 = tpu.vector_load %arg18[%swap3A_201] {strides = array<i32>} : memref<128xi32, #tpu.memory_space<vmem>>, vector<16xi32>,
          %swap3A_203 = vector.shape_cast %swap3A_202 : vector<16xi32> to vector<16xi32>
          %swap3A_204 = vector.shape_cast %add3A_200 : vector<16xi32> to vector<16xi32>
          tpu.vector_store %arg18[%swap3A_201], %swap3A_204 {strides = array<i32>} : memref<128xi32, #tpu.memory_space<vmem>>, vector<16xi32>,
          %add3A_205 = arith.addi %mul3A_190, %get3A_181 : vector<16xi32>
          %swap3A_206 = arith.index_cast %mul3A_173 : i32 to index
          %swap3A_207 = tpu.vector_load %arg19[%swap3A_206] {strides = array<i32>} : memref<128xi32, #tpu.memory_space<vmem>>, vector<16xi32>,
          %swap3A_208 = vector.shape_cast %swap3A_207 : vector<16xi32> to vector<16xi32>
          %swap3A_209 = vector.shape_cast %add3A_205 : vector<16xi32> to vector<16xi32>
          tpu.vector_store %arg19[%swap3A_206], %swap3A_209 {strides = array<i32>} : memref<128xi32, #tpu.memory_space<vmem>>, vector<16xi32>,
        }
        %scan3A_153 = arith.constant 8 : i32
        %dma_start3A_154 = arith.constant 0 : i32
        %dma_start3A_155 = arith.constant 0 : i32
        %dma_start3A_156 = tpu.memref_slice %arg2[%dma_start3A_154, %dma_start3A_155] : memref<65536x16xi32, #tpu.memory_space<hbm>> -> memref<65536x16xi32, #tpu.memory_space<hbm>>
        tpu.enqueue_indirect_dma source(%dma_start3A_156 : memref<65536x16xi32, #tpu.memory_space<hbm>>) target(%arg21 : memref<128x16xi32, #tpu.memory_space<vmem>>) offsets(%arg16 : memref<128xi32, #tpu.memory_space<vmem>>) semaphore(%arg25 : memref<!tpu.dma_semaphore, #tpu.memory_space<semaphore_mem>>)
        %dma_start3A_157 = arith.constant 0 : i32
        %dma_start3A_158 = arith.constant 0 : i32
        %dma_start3A_159 = tpu.memref_slice %arg2[%dma_start3A_157, %dma_start3A_158] : memref<65536x16xi32, #tpu.memory_space<hbm>> -> memref<65536x16xi32, #tpu.memory_space<hbm>>
        tpu.enqueue_indirect_dma source(%dma_start3A_159 : memref<65536x16xi32, #tpu.memory_space<hbm>>) target(%arg22 : memref<128x16xi32, #tpu.memory_space<vmem>>) offsets(%arg17 : memref<128xi32, #tpu.memory_space<vmem>>) semaphore(%arg25 : memref<!tpu.dma_semaphore, #tpu.memory_space<semaphore_mem>>)
        %dma_start3A_160 = arith.constant 0 : i32
        %dma_start3A_161 = arith.constant 0 : i32
        %dma_start3A_162 = tpu.memref_slice %arg2[%dma_start3A_160, %dma_start3A_161] : memref<65536x16xi32, #tpu.memory_space<hbm>> -> memref<65536x16xi32, #tpu.memory_space<hbm>>
        tpu.enqueue_indirect_dma source(%dma_start3A_162 : memref<65536x16xi32, #tpu.memory_space<hbm>>) target(%arg23 : memref<128x16xi32, #tpu.memory_space<vmem>>) offsets(%arg18 : memref<128xi32, #tpu.memory_space<vmem>>) semaphore(%arg25 : memref<!tpu.dma_semaphore, #tpu.memory_space<semaphore_mem>>)
        %dma_start3A_163 = arith.constant 0 : i32
        %dma_start3A_164 = arith.constant 0 : i32
        %dma_start3A_165 = tpu.memref_slice %arg2[%dma_start3A_163, %dma_start3A_164] : memref<65536x16xi32, #tpu.memory_space<hbm>> -> memref<65536x16xi32, #tpu.memory_space<hbm>>
        tpu.enqueue_indirect_dma source(%dma_start3A_165 : memref<65536x16xi32, #tpu.memory_space<hbm>>) target(%arg24 : memref<128x16xi32, #tpu.memory_space<vmem>>) offsets(%arg19 : memref<128xi32, #tpu.memory_space<vmem>>) semaphore(%arg25 : memref<!tpu.dma_semaphore, #tpu.memory_space<semaphore_mem>>)
      } else {
      }
      %add3A_114 = arith.constant 1 : i32
      %add3A_115 = arith.addi %mul3A_62, %add3A_114 : i32
      %gt3A_116 = arith.constant 0 : i32
      %gt3A_117 = arith.cmpi sgt, %scan3A_60, %gt3A_116 : i32
      %convert_element_type3A_118 = arith.extui %gt3A_117 : i1 to i32
      %cond3A_119 = arith.constant 0 : i32
      %cond3A_120 = arith.cmpi ne, %convert_element_type3A_118, %cond3A_119 : i32
      scf.if %cond3A_120 {
        %mul3A_146 = arith.constant 128 : i32
        %mul3A_147 = arith.muli %add3A_115, %mul3A_146 : i32
        %add3A_148 = arith.addi %mul3A_2, %mul3A_147 : i32
        %dma_wait3A_149 = arith.constant 0 : i32
        %dma_wait3A_150 = tpu.memref_slice %arg9[%add3A_148, %dma_wait3A_149] : memref<262144x32xf32, #tpu.memory_space<hbm>> -> memref<128x32xf32, #tpu.memory_space<hbm>>
        %dma_wait3A_151 = arith.constant 0 : i32
        %dma_wait3A_152 = tpu.memref_slice %arg9[%add3A_148, %dma_wait3A_151] : memref<262144x32xf32, #tpu.memory_space<hbm>> -> memref<128x32xf32, #tpu.memory_space<hbm>>
        tpu.wait_dma2 semaphore(%arg37 : memref<!tpu.dma_semaphore, #tpu.memory_space<semaphore_mem>>) src(%arg31 : memref<128x32xf32, #tpu.memory_space<vmem>>) dst(%dma_wait3A_152 : memref<128x32xf32, #tpu.memory_space<hbm>>)
      } else {
      }
      %dma_wait3A_121 = arith.constant 0 : i32
      %dma_wait3A_122 = arith.constant 0 : i32
      %dma_wait3A_123 = tpu.memref_slice %arg2[%dma_wait3A_121, %dma_wait3A_122] : memref<65536x16xi32, #tpu.memory_space<hbm>> -> memref<65536x16xi32, #tpu.memory_space<hbm>>
      tpu.wait_indirect_dma semaphore(%arg36 : memref<!tpu.dma_semaphore, #tpu.memory_space<semaphore_mem>>) src(%dma_wait3A_123 : memref<65536x16xi32, #tpu.memory_space<hbm>>) dst(%arg32 : memref<128x16xi32, #tpu.memory_space<vmem>>)
      %dma_wait3A_124 = arith.constant 0 : i32
      %dma_wait3A_125 = arith.constant 0 : i32
      %dma_wait3A_126 = tpu.memref_slice %arg2[%dma_wait3A_124, %dma_wait3A_125] : memref<65536x16xi32, #tpu.memory_space<hbm>> -> memref<65536x16xi32, #tpu.memory_space<hbm>>
      tpu.wait_indirect_dma semaphore(%arg36 : memref<!tpu.dma_semaphore, #tpu.memory_space<semaphore_mem>>) src(%dma_wait3A_126 : memref<65536x16xi32, #tpu.memory_space<hbm>>) dst(%arg33 : memref<128x16xi32, #tpu.memory_space<vmem>>)
      %dma_wait3A_127 = arith.constant 0 : i32
      %dma_wait3A_128 = arith.constant 0 : i32
      %dma_wait3A_129 = tpu.memref_slice %arg2[%dma_wait3A_127, %dma_wait3A_128] : memref<65536x16xi32, #tpu.memory_space<hbm>> -> memref<65536x16xi32, #tpu.memory_space<hbm>>
      tpu.wait_indirect_dma semaphore(%arg36 : memref<!tpu.dma_semaphore, #tpu.memory_space<semaphore_mem>>) src(%dma_wait3A_129 : memref<65536x16xi32, #tpu.memory_space<hbm>>) dst(%arg34 : memref<128x16xi32, #tpu.memory_space<vmem>>)
      %dma_wait3A_130 = arith.constant 0 : i32
      %dma_wait3A_131 = arith.constant 0 : i32
      %dma_wait3A_132 = tpu.memref_slice %arg2[%dma_wait3A_130, %dma_wait3A_131] : memref<65536x16xi32, #tpu.memory_space<hbm>> -> memref<65536x16xi32, #tpu.memory_space<hbm>>
      tpu.wait_indirect_dma semaphore(%arg36 : memref<!tpu.dma_semaphore, #tpu.memory_space<semaphore_mem>>) src(%dma_wait3A_132 : memref<65536x16xi32, #tpu.memory_space<hbm>>) dst(%arg35 : memref<128x16xi32, #tpu.memory_space<vmem>>)
      %scan3A_133 = arith.constant 0 : i32
      %scan3A_134 = arith.constant 0 : i32
      %scan3A_135 = arith.constant 8 : i32
      %scan3A_136 = arith.addi %scan3A_134, %scan3A_135 : i32
      %scan3A_137 = arith.constant 1 : i32
      scf.for %scan3A_146 = %scan3A_134 to %scan3A_136 step %scan3A_137  : i32 {
        %mul3A_147 = arith.constant 128 : i32
        %mul3A_148 = arith.muli %add3A_115, %mul3A_147 : i32
        %mul3A_149 = arith.constant 16 : i32
        %mul3A_150 = arith.muli %scan3A_146, %mul3A_149 : i32
        %add3A_151 = arith.addi %mul3A_148, %mul3A_150 : i32
        %get3A = arith.index_cast %add3A_151 : i32 to index
        %get3A_152 = tpu.vector_load %arg14[%get3A] {strides = array<i32>} : memref<8192xf32, #tpu.memory_space<vmem>>, vector<16xf32>,
        %get3A_153 = vector.shape_cast %get3A_152 : vector<16xf32> to vector<16xf32>
        %get3A_154 = arith.index_cast %add3A_151 : i32 to index
        %get3A_155 = tpu.vector_load %arg15[%get3A_154] {strides = array<i32>} : memref<8192xf32, #tpu.memory_space<vmem>>, vector<16xf32>,
        %get3A_156 = vector.shape_cast %get3A_155 : vector<16xf32> to vector<16xf32>
        %mul3A_157 = arith.mulf %get3A_153, %get3A_156 : vector<16xf32>
        %sub3A = arith.subf %get3A_153, %mul3A_157 : vector<16xf32>
        %sub3A_158 = arith.subf %get3A_156, %mul3A_157 : vector<16xf32>
        %sub3A_159 = arith.constant 1.000000e+00 : f32
        %sub3A_160 = vector.broadcast %sub3A_159 : f32 to vector<16xf32>
        %sub3A_161 = arith.subf %sub3A_160, %get3A_153 : vector<16xf32>
        %sub3A_162 = arith.subf %sub3A_161, %get3A_156 : vector<16xf32>
        %add3A_163 = arith.addf %sub3A_162, %mul3A_157 : vector<16xf32>
        %mul3A_164 = arith.constant 16 : i32
        %mul3A_165 = arith.muli %scan3A_146, %mul3A_164 : i32
        %add3A_166 = arith.constant 0 : i32
        %add3A_167 = arith.addi %mul3A_165, %add3A_166 : i32
        %slice3A = vector.extract_strided_slice %add3A_163 {offsets = [0], sizes = [1], strides = [1]} : vector<16xf32> to vector<1xf32>
        %squeeze3A = vector.extract %slice3A[0] : f32 from vector<1xf32>
        %broadcast_in_dim3A = vector.broadcast %squeeze3A : f32 to vector<16xf32>
        %slice3A_168 = vector.extract_strided_slice %sub3A {offsets = [0], sizes = [1], strides = [1]} : vector<16xf32> to vector<1xf32>
        %squeeze3A_169 = vector.extract %slice3A_168[0] : f32 from vector<1xf32>
        %broadcast_in_dim3A_170 = vector.broadcast %squeeze3A_169 : f32 to vector<16xf32>
        %slice3A_171 = vector.extract_strided_slice %sub3A_158 {offsets = [0], sizes = [1], strides = [1]} : vector<16xf32> to vector<1xf32>
        %squeeze3A_172 = vector.extract %slice3A_171[0] : f32 from vector<1xf32>
        %broadcast_in_dim3A_173 = vector.broadcast %squeeze3A_172 : f32 to vector<16xf32>
        %slice3A_174 = vector.extract_strided_slice %mul3A_157 {offsets = [0], sizes = [1], strides = [1]} : vector<16xf32> to vector<1xf32>
        %squeeze3A_175 = vector.extract %slice3A_174[0] : f32 from vector<1xf32>
        %broadcast_in_dim3A_176 = vector.broadcast %squeeze3A_175 : f32 to vector<16xf32>
        %get3A_177 = arith.index_cast %add3A_167 : i32 to index
        %get3A_178 = arith.constant 0 : index
        %get3A_179 = tpu.vector_load %arg32[%get3A_177, %get3A_178] {strides = array<i32>} : memref<128x16xi32, #tpu.memory_space<vmem>>, vector<1x16xi32>,
        %get3A_180 = vector.shape_cast %get3A_179 : vector<1x16xi32> to vector<16xi32>
        %shift_left3A = arith.constant 16 : i32
        %shift_left3A_181 = vector.broadcast %shift_left3A : i32 to vector<16xi32>
        %shift_left3A_182 = arith.shli %get3A_180, %shift_left3A_181 : vector<16xi32>
        %bitcast_convert_type3A = tpu.bitcast %shift_left3A_182 : vector<16xi32> -> vector<16xf32>
        %and3A = arith.constant -65536 : i32
        %and3A_183 = vector.broadcast %and3A : i32 to vector<16xi32>
        %and3A_184 = arith.andi %get3A_180, %and3A_183 : vector<16xi32>
        %bitcast_convert_type3A_185 = tpu.bitcast %and3A_184 : vector<16xi32> -> vector<16xf32>
        %get3A_186 = arith.index_cast %add3A_167 : i32 to index
        %get3A_187 = arith.constant 0 : index
        %get3A_188 = tpu.vector_load %arg33[%get3A_186, %get3A_187] {strides = array<i32>} : memref<128x16xi32, #tpu.memory_space<vmem>>, vector<1x16xi32>,
        %get3A_189 = vector.shape_cast %get3A_188 : vector<1x16xi32> to vector<16xi32>
        %shift_left3A_190 = arith.constant 16 : i32
        %shift_left3A_191 = vector.broadcast %shift_left3A_190 : i32 to vector<16xi32>
        %shift_left3A_192 = arith.shli %get3A_189, %shift_left3A_191 : vector<16xi32>
        %bitcast_convert_type3A_193 = tpu.bitcast %shift_left3A_192 : vector<16xi32> -> vector<16xf32>
        %and3A_194 = arith.constant -65536 : i32
        %and3A_195 = vector.broadcast %and3A_194 : i32 to vector<16xi32>
        %and3A_196 = arith.andi %get3A_189, %and3A_195 : vector<16xi32>
        %bitcast_convert_type3A_197 = tpu.bitcast %and3A_196 : vector<16xi32> -> vector<16xf32>
        %get3A_198 = arith.index_cast %add3A_167 : i32 to index
        %get3A_199 = arith.constant 0 : index
        %get3A_200 = tpu.vector_load %arg34[%get3A_198, %get3A_199] {strides = array<i32>} : memref<128x16xi32, #tpu.memory_space<vmem>>, vector<1x16xi32>,
        %get3A_201 = vector.shape_cast %get3A_200 : vector<1x16xi32> to vector<16xi32>
        %shift_left3A_202 = arith.constant 16 : i32
        %shift_left3A_203 = vector.broadcast %shift_left3A_202 : i32 to vector<16xi32>
        %shift_left3A_204 = arith.shli %get3A_201, %shift_left3A_203 : vector<16xi32>
        %bitcast_convert_type3A_205 = tpu.bitcast %shift_left3A_204 : vector<16xi32> -> vector<16xf32>
        %and3A_206 = arith.constant -65536 : i32
        %and3A_207 = vector.broadcast %and3A_206 : i32 to vector<16xi32>
        %and3A_208 = arith.andi %get3A_201, %and3A_207 : vector<16xi32>
        %bitcast_convert_type3A_209 = tpu.bitcast %and3A_208 : vector<16xi32> -> vector<16xf32>
        %get3A_210 = arith.index_cast %add3A_167 : i32 to index
        %get3A_211 = arith.constant 0 : index
        %get3A_212 = tpu.vector_load %arg35[%get3A_210, %get3A_211] {strides = array<i32>} : memref<128x16xi32, #tpu.memory_space<vmem>>, vector<1x16xi32>,
        %get3A_213 = vector.shape_cast %get3A_212 : vector<1x16xi32> to vector<16xi32>
        %shift_left3A_214 = arith.constant 16 : i32
        %shift_left3A_215 = vector.broadcast %shift_left3A_214 : i32 to vector<16xi32>
        %shift_left3A_216 = arith.shli %get3A_213, %shift_left3A_215 : vector<16xi32>
        %bitcast_convert_type3A_217 = tpu.bitcast %shift_left3A_216 : vector<16xi32> -> vector<16xf32>
        %and3A_218 = arith.constant -65536 : i32
        %and3A_219 = vector.broadcast %and3A_218 : i32 to vector<16xi32>
        %and3A_220 = arith.andi %get3A_213, %and3A_219 : vector<16xi32>
        %bitcast_convert_type3A_221 = tpu.bitcast %and3A_220 : vector<16xi32> -> vector<16xf32>
        %mul3A_222 = arith.mulf %bitcast_convert_type3A, %broadcast_in_dim3A : vector<16xf32>
        %mul3A_223 = arith.mulf %bitcast_convert_type3A_193, %broadcast_in_dim3A_170 : vector<16xf32>
        %add3A_224 = arith.addf %mul3A_222, %mul3A_223 : vector<16xf32>
        %mul3A_225 = arith.mulf %bitcast_convert_type3A_205, %broadcast_in_dim3A_173 : vector<16xf32>
        %add3A_226 = arith.addf %add3A_224, %mul3A_225 : vector<16xf32>
        %mul3A_227 = arith.mulf %bitcast_convert_type3A_217, %broadcast_in_dim3A_176 : vector<16xf32>
        %add3A_228 = arith.addf %add3A_226, %mul3A_227 : vector<16xf32>
        %swap3A = arith.index_cast %add3A_167 : i32 to index
        %swap3A_229 = arith.constant 0 : index
        %swap3A_230 = tpu.vector_load %arg31[%swap3A, %swap3A_229] {strides = array<i32>} : memref<128x32xf32, #tpu.memory_space<vmem>>, vector<1x16xf32>,
        %swap3A_231 = vector.shape_cast %swap3A_230 : vector<1x16xf32> to vector<16xf32>
        %swap3A_232 = vector.shape_cast %add3A_228 : vector<16xf32> to vector<1x16xf32>
        tpu.vector_store %arg31[%swap3A, %swap3A_229], %swap3A_232 {strides = array<i32>} : memref<128x32xf32, #tpu.memory_space<vmem>>, vector<1x16xf32>,
        %mul3A_233 = arith.mulf %bitcast_convert_type3A_185, %broadcast_in_dim3A : vector<16xf32>
        %mul3A_234 = arith.mulf %bitcast_convert_type3A_197, %broadcast_in_dim3A_170 : vector<16xf32>
        %add3A_235 = arith.addf %mul3A_233, %mul3A_234 : vector<16xf32>
        %mul3A_236 = arith.mulf %bitcast_convert_type3A_209, %broadcast_in_dim3A_173 : vector<16xf32>
        %add3A_237 = arith.addf %add3A_235, %mul3A_236 : vector<16xf32>
        %mul3A_238 = arith.mulf %bitcast_convert_type3A_221, %broadcast_in_dim3A_176 : vector<16xf32>
        %add3A_239 = arith.addf %add3A_237, %mul3A_238 : vector<16xf32>
        %swap3A_240 = arith.index_cast %add3A_167 : i32 to index
        %swap3A_241 = arith.constant 16 : index
        %swap3A_242 = tpu.vector_load %arg31[%swap3A_240, %swap3A_241] {strides = array<i32>} : memref<128x32xf32, #tpu.memory_space<vmem>>, vector<1x16xf32>,
        %swap3A_243 = vector.shape_cast %swap3A_242 : vector<1x16xf32> to vector<16xf32>
        %swap3A_244 = vector.shape_cast %add3A_239 : vector<16xf32> to vector<1x16xf32>
        tpu.vector_store %arg31[%swap3A_240, %swap3A_241], %swap3A_244 {strides = array<i32>} : memref<128x32xf32, #tpu.memory_space<vmem>>, vector<1x16xf32>,
        %mul3A_245 = arith.constant 16 : i32
        %mul3A_246 = arith.muli %scan3A_146, %mul3A_245 : i32
        %add3A_247 = arith.constant 1 : i32
        %add3A_248 = arith.addi %mul3A_246, %add3A_247 : i32
        %slice3A_249 = vector.extract_strided_slice %add3A_163 {offsets = [1], sizes = [1], strides = [1]} : vector<16xf32> to vector<1xf32>
        %squeeze3A_250 = vector.extract %slice3A_249[0] : f32 from vector<1xf32>
        %broadcast_in_dim3A_251 = vector.broadcast %squeeze3A_250 : f32 to vector<16xf32>
        %slice3A_252 = vector.extract_strided_slice %sub3A {offsets = [1], sizes = [1], strides = [1]} : vector<16xf32> to vector<1xf32>
        %squeeze3A_253 = vector.extract %slice3A_252[0] : f32 from vector<1xf32>
        %broadcast_in_dim3A_254 = vector.broadcast %squeeze3A_253 : f32 to vector<16xf32>
        %slice3A_255 = vector.extract_strided_slice %sub3A_158 {offsets = [1], sizes = [1], strides = [1]} : vector<16xf32> to vector<1xf32>
        %squeeze3A_256 = vector.extract %slice3A_255[0] : f32 from vector<1xf32>
        %broadcast_in_dim3A_257 = vector.broadcast %squeeze3A_256 : f32 to vector<16xf32>
        %slice3A_258 = vector.extract_strided_slice %mul3A_157 {offsets = [1], sizes = [1], strides = [1]} : vector<16xf32> to vector<1xf32>
        %squeeze3A_259 = vector.extract %slice3A_258[0] : f32 from vector<1xf32>
        %broadcast_in_dim3A_260 = vector.broadcast %squeeze3A_259 : f32 to vector<16xf32>
        %get3A_261 = arith.index_cast %add3A_248 : i32 to index
        %get3A_262 = arith.constant 0 : index
        %get3A_263 = tpu.vector_load %arg32[%get3A_261, %get3A_262] {strides = array<i32>} : memref<128x16xi32, #tpu.memory_space<vmem>>, vector<1x16xi32>,
        %get3A_264 = vector.shape_cast %get3A_263 : vector<1x16xi32> to vector<16xi32>
        %shift_left3A_265 = arith.constant 16 : i32
        %shift_left3A_266 = vector.broadcast %shift_left3A_265 : i32 to vector<16xi32>
        %shift_left3A_267 = arith.shli %get3A_264, %shift_left3A_266 : vector<16xi32>
        %bitcast_convert_type3A_268 = tpu.bitcast %shift_left3A_267 : vector<16xi32> -> vector<16xf32>
        %and3A_269 = arith.constant -65536 : i32
        %and3A_270 = vector.broadcast %and3A_269 : i32 to vector<16xi32>
        %and3A_271 = arith.andi %get3A_264, %and3A_270 : vector<16xi32>
        %bitcast_convert_type3A_272 = tpu.bitcast %and3A_271 : vector<16xi32> -> vector<16xf32>
        %get3A_273 = arith.index_cast %add3A_248 : i32 to index
        %get3A_274 = arith.constant 0 : index
        %get3A_275 = tpu.vector_load %arg33[%get3A_273, %get3A_274] {strides = array<i32>} : memref<128x16xi32, #tpu.memory_space<vmem>>, vector<1x16xi32>,
        %get3A_276 = vector.shape_cast %get3A_275 : vector<1x16xi32> to vector<16xi32>
        %shift_left3A_277 = arith.constant 16 : i32
        %shift_left3A_278 = vector.broadcast %shift_left3A_277 : i32 to vector<16xi32>
        %shift_left3A_279 = arith.shli %get3A_276, %shift_left3A_278 : vector<16xi32>
        %bitcast_convert_type3A_280 = tpu.bitcast %shift_left3A_279 : vector<16xi32> -> vector<16xf32>
        %and3A_281 = arith.constant -65536 : i32
        %and3A_282 = vector.broadcast %and3A_281 : i32 to vector<16xi32>
        %and3A_283 = arith.andi %get3A_276, %and3A_282 : vector<16xi32>
        %bitcast_convert_type3A_284 = tpu.bitcast %and3A_283 : vector<16xi32> -> vector<16xf32>
        %get3A_285 = arith.index_cast %add3A_248 : i32 to index
        %get3A_286 = arith.constant 0 : index
        %get3A_287 = tpu.vector_load %arg34[%get3A_285, %get3A_286] {strides = array<i32>} : memref<128x16xi32, #tpu.memory_space<vmem>>, vector<1x16xi32>,
        %get3A_288 = vector.shape_cast %get3A_287 : vector<1x16xi32> to vector<16xi32>
        %shift_left3A_289 = arith.constant 16 : i32
        %shift_left3A_290 = vector.broadcast %shift_left3A_289 : i32 to vector<16xi32>
        %shift_left3A_291 = arith.shli %get3A_288, %shift_left3A_290 : vector<16xi32>
        %bitcast_convert_type3A_292 = tpu.bitcast %shift_left3A_291 : vector<16xi32> -> vector<16xf32>
        %and3A_293 = arith.constant -65536 : i32
        %and3A_294 = vector.broadcast %and3A_293 : i32 to vector<16xi32>
        %and3A_295 = arith.andi %get3A_288, %and3A_294 : vector<16xi32>
        %bitcast_convert_type3A_296 = tpu.bitcast %and3A_295 : vector<16xi32> -> vector<16xf32>
        %get3A_297 = arith.index_cast %add3A_248 : i32 to index
        %get3A_298 = arith.constant 0 : index
        %get3A_299 = tpu.vector_load %arg35[%get3A_297, %get3A_298] {strides = array<i32>} : memref<128x16xi32, #tpu.memory_space<vmem>>, vector<1x16xi32>,
        %get3A_300 = vector.shape_cast %get3A_299 : vector<1x16xi32> to vector<16xi32>
        %shift_left3A_301 = arith.constant 16 : i32
        %shift_left3A_302 = vector.broadcast %shift_left3A_301 : i32 to vector<16xi32>
        %shift_left3A_303 = arith.shli %get3A_300, %shift_left3A_302 : vector<16xi32>
        %bitcast_convert_type3A_304 = tpu.bitcast %shift_left3A_303 : vector<16xi32> -> vector<16xf32>
        %and3A_305 = arith.constant -65536 : i32
        %and3A_306 = vector.broadcast %and3A_305 : i32 to vector<16xi32>
        %and3A_307 = arith.andi %get3A_300, %and3A_306 : vector<16xi32>
        %bitcast_convert_type3A_308 = tpu.bitcast %and3A_307 : vector<16xi32> -> vector<16xf32>
        %mul3A_309 = arith.mulf %bitcast_convert_type3A_268, %broadcast_in_dim3A_251 : vector<16xf32>
        %mul3A_310 = arith.mulf %bitcast_convert_type3A_280, %broadcast_in_dim3A_254 : vector<16xf32>
        %add3A_311 = arith.addf %mul3A_309, %mul3A_310 : vector<16xf32>
        %mul3A_312 = arith.mulf %bitcast_convert_type3A_292, %broadcast_in_dim3A_257 : vector<16xf32>
        %add3A_313 = arith.addf %add3A_311, %mul3A_312 : vector<16xf32>
        %mul3A_314 = arith.mulf %bitcast_convert_type3A_304, %broadcast_in_dim3A_260 : vector<16xf32>
        %add3A_315 = arith.addf %add3A_313, %mul3A_314 : vector<16xf32>
        %swap3A_316 = arith.index_cast %add3A_248 : i32 to index
        %swap3A_317 = arith.constant 0 : index
        %swap3A_318 = tpu.vector_load %arg31[%swap3A_316, %swap3A_317] {strides = array<i32>} : memref<128x32xf32, #tpu.memory_space<vmem>>, vector<1x16xf32>,
        %swap3A_319 = vector.shape_cast %swap3A_318 : vector<1x16xf32> to vector<16xf32>
        %swap3A_320 = vector.shape_cast %add3A_315 : vector<16xf32> to vector<1x16xf32>
        tpu.vector_store %arg31[%swap3A_316, %swap3A_317], %swap3A_320 {strides = array<i32>} : memref<128x32xf32, #tpu.memory_space<vmem>>, vector<1x16xf32>,
        %mul3A_321 = arith.mulf %bitcast_convert_type3A_272, %broadcast_in_dim3A_251 : vector<16xf32>
        %mul3A_322 = arith.mulf %bitcast_convert_type3A_284, %broadcast_in_dim3A_254 : vector<16xf32>
        %add3A_323 = arith.addf %mul3A_321, %mul3A_322 : vector<16xf32>
        %mul3A_324 = arith.mulf %bitcast_convert_type3A_296, %broadcast_in_dim3A_257 : vector<16xf32>
        %add3A_325 = arith.addf %add3A_323, %mul3A_324 : vector<16xf32>
        %mul3A_326 = arith.mulf %bitcast_convert_type3A_308, %broadcast_in_dim3A_260 : vector<16xf32>
        %add3A_327 = arith.addf %add3A_325, %mul3A_326 : vector<16xf32>
        %swap3A_328 = arith.index_cast %add3A_248 : i32 to index
        %swap3A_329 = arith.constant 16 : index
        %swap3A_330 = tpu.vector_load %arg31[%swap3A_328, %swap3A_329] {strides = array<i32>} : memref<128x32xf32, #tpu.memory_space<vmem>>, vector<1x16xf32>,
        %swap3A_331 = vector.shape_cast %swap3A_330 : vector<1x16xf32> to vector<16xf32>
        %swap3A_332 = vector.shape_cast %add3A_327 : vector<16xf32> to vector<1x16xf32>
        tpu.vector_store %arg31[%swap3A_328, %swap3A_329], %swap3A_332 {strides = array<i32>} : memref<128x32xf32, #tpu.memory_space<vmem>>, vector<1x16xf32>,
        %mul3A_333 = arith.constant 16 : i32
        %mul3A_334 = arith.muli %scan3A_146, %mul3A_333 : i32
        %add3A_335 = arith.constant 2 : i32
        %add3A_336 = arith.addi %mul3A_334, %add3A_335 : i32
        %slice3A_337 = vector.extract_strided_slice %add3A_163 {offsets = [2], sizes = [1], strides = [1]} : vector<16xf32> to vector<1xf32>
        %squeeze3A_338 = vector.extract %slice3A_337[0] : f32 from vector<1xf32>
        %broadcast_in_dim3A_339 = vector.broadcast %squeeze3A_338 : f32 to vector<16xf32>
        %slice3A_340 = vector.extract_strided_slice %sub3A {offsets = [2], sizes = [1], strides = [1]} : vector<16xf32> to vector<1xf32>
        %squeeze3A_341 = vector.extract %slice3A_340[0] : f32 from vector<1xf32>
        %broadcast_in_dim3A_342 = vector.broadcast %squeeze3A_341 : f32 to vector<16xf32>
        %slice3A_343 = vector.extract_strided_slice %sub3A_158 {offsets = [2], sizes = [1], strides = [1]} : vector<16xf32> to vector<1xf32>
        %squeeze3A_344 = vector.extract %slice3A_343[0] : f32 from vector<1xf32>
        %broadcast_in_dim3A_345 = vector.broadcast %squeeze3A_344 : f32 to vector<16xf32>
        %slice3A_346 = vector.extract_strided_slice %mul3A_157 {offsets = [2], sizes = [1], strides = [1]} : vector<16xf32> to vector<1xf32>
        %squeeze3A_347 = vector.extract %slice3A_346[0] : f32 from vector<1xf32>
        %broadcast_in_dim3A_348 = vector.broadcast %squeeze3A_347 : f32 to vector<16xf32>
        %get3A_349 = arith.index_cast %add3A_336 : i32 to index
        %get3A_350 = arith.constant 0 : index
        %get3A_351 = tpu.vector_load %arg32[%get3A_349, %get3A_350] {strides = array<i32>} : memref<128x16xi32, #tpu.memory_space<vmem>>, vector<1x16xi32>,
        %get3A_352 = vector.shape_cast %get3A_351 : vector<1x16xi32> to vector<16xi32>
        %shift_left3A_353 = arith.constant 16 : i32
        %shift_left3A_354 = vector.broadcast %shift_left3A_353 : i32 to vector<16xi32>
        %shift_left3A_355 = arith.shli %get3A_352, %shift_left3A_354 : vector<16xi32>
        %bitcast_convert_type3A_356 = tpu.bitcast %shift_left3A_355 : vector<16xi32> -> vector<16xf32>
        %and3A_357 = arith.constant -65536 : i32
        %and3A_358 = vector.broadcast %and3A_357 : i32 to vector<16xi32>
        %and3A_359 = arith.andi %get3A_352, %and3A_358 : vector<16xi32>
        %bitcast_convert_type3A_360 = tpu.bitcast %and3A_359 : vector<16xi32> -> vector<16xf32>
        %get3A_361 = arith.index_cast %add3A_336 : i32 to index
        %get3A_362 = arith.constant 0 : index
        %get3A_363 = tpu.vector_load %arg33[%get3A_361, %get3A_362] {strides = array<i32>} : memref<128x16xi32, #tpu.memory_space<vmem>>, vector<1x16xi32>,
        %get3A_364 = vector.shape_cast %get3A_363 : vector<1x16xi32> to vector<16xi32>
        %shift_left3A_365 = arith.constant 16 : i32
        %shift_left3A_366 = vector.broadcast %shift_left3A_365 : i32 to vector<16xi32>
        %shift_left3A_367 = arith.shli %get3A_364, %shift_left3A_366 : vector<16xi32>
        %bitcast_convert_type3A_368 = tpu.bitcast %shift_left3A_367 : vector<16xi32> -> vector<16xf32>
        %and3A_369 = arith.constant -65536 : i32
        %and3A_370 = vector.broadcast %and3A_369 : i32 to vector<16xi32>
        %and3A_371 = arith.andi %get3A_364, %and3A_370 : vector<16xi32>
        %bitcast_convert_type3A_372 = tpu.bitcast %and3A_371 : vector<16xi32> -> vector<16xf32>
        %get3A_373 = arith.index_cast %add3A_336 : i32 to index
        %get3A_374 = arith.constant 0 : index
        %get3A_375 = tpu.vector_load %arg34[%get3A_373, %get3A_374] {strides = array<i32>} : memref<128x16xi32, #tpu.memory_space<vmem>>, vector<1x16xi32>,
        %get3A_376 = vector.shape_cast %get3A_375 : vector<1x16xi32> to vector<16xi32>
        %shift_left3A_377 = arith.constant 16 : i32
        %shift_left3A_378 = vector.broadcast %shift_left3A_377 : i32 to vector<16xi32>
        %shift_left3A_379 = arith.shli %get3A_376, %shift_left3A_378 : vector<16xi32>
        %bitcast_convert_type3A_380 = tpu.bitcast %shift_left3A_379 : vector<16xi32> -> vector<16xf32>
        %and3A_381 = arith.constant -65536 : i32
        %and3A_382 = vector.broadcast %and3A_381 : i32 to vector<16xi32>
        %and3A_383 = arith.andi %get3A_376, %and3A_382 : vector<16xi32>
        %bitcast_convert_type3A_384 = tpu.bitcast %and3A_383 : vector<16xi32> -> vector<16xf32>
        %get3A_385 = arith.index_cast %add3A_336 : i32 to index
        %get3A_386 = arith.constant 0 : index
        %get3A_387 = tpu.vector_load %arg35[%get3A_385, %get3A_386] {strides = array<i32>} : memref<128x16xi32, #tpu.memory_space<vmem>>, vector<1x16xi32>,
        %get3A_388 = vector.shape_cast %get3A_387 : vector<1x16xi32> to vector<16xi32>
        %shift_left3A_389 = arith.constant 16 : i32
        %shift_left3A_390 = vector.broadcast %shift_left3A_389 : i32 to vector<16xi32>
        %shift_left3A_391 = arith.shli %get3A_388, %shift_left3A_390 : vector<16xi32>
        %bitcast_convert_type3A_392 = tpu.bitcast %shift_left3A_391 : vector<16xi32> -> vector<16xf32>
        %and3A_393 = arith.constant -65536 : i32
        %and3A_394 = vector.broadcast %and3A_393 : i32 to vector<16xi32>
        %and3A_395 = arith.andi %get3A_388, %and3A_394 : vector<16xi32>
        %bitcast_convert_type3A_396 = tpu.bitcast %and3A_395 : vector<16xi32> -> vector<16xf32>
        %mul3A_397 = arith.mulf %bitcast_convert_type3A_356, %broadcast_in_dim3A_339 : vector<16xf32>
        %mul3A_398 = arith.mulf %bitcast_convert_type3A_368, %broadcast_in_dim3A_342 : vector<16xf32>
        %add3A_399 = arith.addf %mul3A_397, %mul3A_398 : vector<16xf32>
        %mul3A_400 = arith.mulf %bitcast_convert_type3A_380, %broadcast_in_dim3A_345 : vector<16xf32>
        %add3A_401 = arith.addf %add3A_399, %mul3A_400 : vector<16xf32>
        %mul3A_402 = arith.mulf %bitcast_convert_type3A_392, %broadcast_in_dim3A_348 : vector<16xf32>
        %add3A_403 = arith.addf %add3A_401, %mul3A_402 : vector<16xf32>
        %swap3A_404 = arith.index_cast %add3A_336 : i32 to index
        %swap3A_405 = arith.constant 0 : index
        %swap3A_406 = tpu.vector_load %arg31[%swap3A_404, %swap3A_405] {strides = array<i32>} : memref<128x32xf32, #tpu.memory_space<vmem>>, vector<1x16xf32>,
        %swap3A_407 = vector.shape_cast %swap3A_406 : vector<1x16xf32> to vector<16xf32>
        %swap3A_408 = vector.shape_cast %add3A_403 : vector<16xf32> to vector<1x16xf32>
        tpu.vector_store %arg31[%swap3A_404, %swap3A_405], %swap3A_408 {strides = array<i32>} : memref<128x32xf32, #tpu.memory_space<vmem>>, vector<1x16xf32>,
        %mul3A_409 = arith.mulf %bitcast_convert_type3A_360, %broadcast_in_dim3A_339 : vector<16xf32>
        %mul3A_410 = arith.mulf %bitcast_convert_type3A_372, %broadcast_in_dim3A_342 : vector<16xf32>
        %add3A_411 = arith.addf %mul3A_409, %mul3A_410 : vector<16xf32>
        %mul3A_412 = arith.mulf %bitcast_convert_type3A_384, %broadcast_in_dim3A_345 : vector<16xf32>
        %add3A_413 = arith.addf %add3A_411, %mul3A_412 : vector<16xf32>
        %mul3A_414 = arith.mulf %bitcast_convert_type3A_396, %broadcast_in_dim3A_348 : vector<16xf32>
        %add3A_415 = arith.addf %add3A_413, %mul3A_414 : vector<16xf32>
        %swap3A_416 = arith.index_cast %add3A_336 : i32 to index
        %swap3A_417 = arith.constant 16 : index
        %swap3A_418 = tpu.vector_load %arg31[%swap3A_416, %swap3A_417] {strides = array<i32>} : memref<128x32xf32, #tpu.memory_space<vmem>>, vector<1x16xf32>,
        %swap3A_419 = vector.shape_cast %swap3A_418 : vector<1x16xf32> to vector<16xf32>
        %swap3A_420 = vector.shape_cast %add3A_415 : vector<16xf32> to vector<1x16xf32>
        tpu.vector_store %arg31[%swap3A_416, %swap3A_417], %swap3A_420 {strides = array<i32>} : memref<128x32xf32, #tpu.memory_space<vmem>>, vector<1x16xf32>,
        %mul3A_421 = arith.constant 16 : i32
        %mul3A_422 = arith.muli %scan3A_146, %mul3A_421 : i32
        %add3A_423 = arith.constant 3 : i32
        %add3A_424 = arith.addi %mul3A_422, %add3A_423 : i32
        %slice3A_425 = vector.extract_strided_slice %add3A_163 {offsets = [3], sizes = [1], strides = [1]} : vector<16xf32> to vector<1xf32>
        %squeeze3A_426 = vector.extract %slice3A_425[0] : f32 from vector<1xf32>
        %broadcast_in_dim3A_427 = vector.broadcast %squeeze3A_426 : f32 to vector<16xf32>
        %slice3A_428 = vector.extract_strided_slice %sub3A {offsets = [3], sizes = [1], strides = [1]} : vector<16xf32> to vector<1xf32>
        %squeeze3A_429 = vector.extract %slice3A_428[0] : f32 from vector<1xf32>
        %broadcast_in_dim3A_430 = vector.broadcast %squeeze3A_429 : f32 to vector<16xf32>
        %slice3A_431 = vector.extract_strided_slice %sub3A_158 {offsets = [3], sizes = [1], strides = [1]} : vector<16xf32> to vector<1xf32>
        %squeeze3A_432 = vector.extract %slice3A_431[0] : f32 from vector<1xf32>
        %broadcast_in_dim3A_433 = vector.broadcast %squeeze3A_432 : f32 to vector<16xf32>
        %slice3A_434 = vector.extract_strided_slice %mul3A_157 {offsets = [3], sizes = [1], strides = [1]} : vector<16xf32> to vector<1xf32>
        %squeeze3A_435 = vector.extract %slice3A_434[0] : f32 from vector<1xf32>
        %broadcast_in_dim3A_436 = vector.broadcast %squeeze3A_435 : f32 to vector<16xf32>
        %get3A_437 = arith.index_cast %add3A_424 : i32 to index
        %get3A_438 = arith.constant 0 : index
        %get3A_439 = tpu.vector_load %arg32[%get3A_437, %get3A_438] {strides = array<i32>} : memref<128x16xi32, #tpu.memory_space<vmem>>, vector<1x16xi32>,
        %get3A_440 = vector.shape_cast %get3A_439 : vector<1x16xi32> to vector<16xi32>
        %shift_left3A_441 = arith.constant 16 : i32
        %shift_left3A_442 = vector.broadcast %shift_left3A_441 : i32 to vector<16xi32>
        %shift_left3A_443 = arith.shli %get3A_440, %shift_left3A_442 : vector<16xi32>
        %bitcast_convert_type3A_444 = tpu.bitcast %shift_left3A_443 : vector<16xi32> -> vector<16xf32>
        %and3A_445 = arith.constant -65536 : i32
        %and3A_446 = vector.broadcast %and3A_445 : i32 to vector<16xi32>
        %and3A_447 = arith.andi %get3A_440, %and3A_446 : vector<16xi32>
        %bitcast_convert_type3A_448 = tpu.bitcast %and3A_447 : vector<16xi32> -> vector<16xf32>
        %get3A_449 = arith.index_cast %add3A_424 : i32 to index
        %get3A_450 = arith.constant 0 : index
        %get3A_451 = tpu.vector_load %arg33[%get3A_449, %get3A_450] {strides = array<i32>} : memref<128x16xi32, #tpu.memory_space<vmem>>, vector<1x16xi32>,
        %get3A_452 = vector.shape_cast %get3A_451 : vector<1x16xi32> to vector<16xi32>
        %shift_left3A_453 = arith.constant 16 : i32
        %shift_left3A_454 = vector.broadcast %shift_left3A_453 : i32 to vector<16xi32>
        %shift_left3A_455 = arith.shli %get3A_452, %shift_left3A_454 : vector<16xi32>
        %bitcast_convert_type3A_456 = tpu.bitcast %shift_left3A_455 : vector<16xi32> -> vector<16xf32>
        %and3A_457 = arith.constant -65536 : i32
        %and3A_458 = vector.broadcast %and3A_457 : i32 to vector<16xi32>
        %and3A_459 = arith.andi %get3A_452, %and3A_458 : vector<16xi32>
        %bitcast_convert_type3A_460 = tpu.bitcast %and3A_459 : vector<16xi32> -> vector<16xf32>
        %get3A_461 = arith.index_cast %add3A_424 : i32 to index
        %get3A_462 = arith.constant 0 : index
        %get3A_463 = tpu.vector_load %arg34[%get3A_461, %get3A_462] {strides = array<i32>} : memref<128x16xi32, #tpu.memory_space<vmem>>, vector<1x16xi32>,
        %get3A_464 = vector.shape_cast %get3A_463 : vector<1x16xi32> to vector<16xi32>
        %shift_left3A_465 = arith.constant 16 : i32
        %shift_left3A_466 = vector.broadcast %shift_left3A_465 : i32 to vector<16xi32>
        %shift_left3A_467 = arith.shli %get3A_464, %shift_left3A_466 : vector<16xi32>
        %bitcast_convert_type3A_468 = tpu.bitcast %shift_left3A_467 : vector<16xi32> -> vector<16xf32>
        %and3A_469 = arith.constant -65536 : i32
        %and3A_470 = vector.broadcast %and3A_469 : i32 to vector<16xi32>
        %and3A_471 = arith.andi %get3A_464, %and3A_470 : vector<16xi32>
        %bitcast_convert_type3A_472 = tpu.bitcast %and3A_471 : vector<16xi32> -> vector<16xf32>
        %get3A_473 = arith.index_cast %add3A_424 : i32 to index
        %get3A_474 = arith.constant 0 : index
        %get3A_475 = tpu.vector_load %arg35[%get3A_473, %get3A_474] {strides = array<i32>} : memref<128x16xi32, #tpu.memory_space<vmem>>, vector<1x16xi32>,
        %get3A_476 = vector.shape_cast %get3A_475 : vector<1x16xi32> to vector<16xi32>
        %shift_left3A_477 = arith.constant 16 : i32
        %shift_left3A_478 = vector.broadcast %shift_left3A_477 : i32 to vector<16xi32>
        %shift_left3A_479 = arith.shli %get3A_476, %shift_left3A_478 : vector<16xi32>
        %bitcast_convert_type3A_480 = tpu.bitcast %shift_left3A_479 : vector<16xi32> -> vector<16xf32>
        %and3A_481 = arith.constant -65536 : i32
        %and3A_482 = vector.broadcast %and3A_481 : i32 to vector<16xi32>
        %and3A_483 = arith.andi %get3A_476, %and3A_482 : vector<16xi32>
        %bitcast_convert_type3A_484 = tpu.bitcast %and3A_483 : vector<16xi32> -> vector<16xf32>
        %mul3A_485 = arith.mulf %bitcast_convert_type3A_444, %broadcast_in_dim3A_427 : vector<16xf32>
        %mul3A_486 = arith.mulf %bitcast_convert_type3A_456, %broadcast_in_dim3A_430 : vector<16xf32>
        %add3A_487 = arith.addf %mul3A_485, %mul3A_486 : vector<16xf32>
        %mul3A_488 = arith.mulf %bitcast_convert_type3A_468, %broadcast_in_dim3A_433 : vector<16xf32>
        %add3A_489 = arith.addf %add3A_487, %mul3A_488 : vector<16xf32>
        %mul3A_490 = arith.mulf %bitcast_convert_type3A_480, %broadcast_in_dim3A_436 : vector<16xf32>
        %add3A_491 = arith.addf %add3A_489, %mul3A_490 : vector<16xf32>
        %swap3A_492 = arith.index_cast %add3A_424 : i32 to index
        %swap3A_493 = arith.constant 0 : index
        %swap3A_494 = tpu.vector_load %arg31[%swap3A_492, %swap3A_493] {strides = array<i32>} : memref<128x32xf32, #tpu.memory_space<vmem>>, vector<1x16xf32>,
        %swap3A_495 = vector.shape_cast %swap3A_494 : vector<1x16xf32> to vector<16xf32>
        %swap3A_496 = vector.shape_cast %add3A_491 : vector<16xf32> to vector<1x16xf32>
        tpu.vector_store %arg31[%swap3A_492, %swap3A_493], %swap3A_496 {strides = array<i32>} : memref<128x32xf32, #tpu.memory_space<vmem>>, vector<1x16xf32>,
        %mul3A_497 = arith.mulf %bitcast_convert_type3A_448, %broadcast_in_dim3A_427 : vector<16xf32>
        %mul3A_498 = arith.mulf %bitcast_convert_type3A_460, %broadcast_in_dim3A_430 : vector<16xf32>
        %add3A_499 = arith.addf %mul3A_497, %mul3A_498 : vector<16xf32>
        %mul3A_500 = arith.mulf %bitcast_convert_type3A_472, %broadcast_in_dim3A_433 : vector<16xf32>
        %add3A_501 = arith.addf %add3A_499, %mul3A_500 : vector<16xf32>
        %mul3A_502 = arith.mulf %bitcast_convert_type3A_484, %broadcast_in_dim3A_436 : vector<16xf32>
        %add3A_503 = arith.addf %add3A_501, %mul3A_502 : vector<16xf32>
        %swap3A_504 = arith.index_cast %add3A_424 : i32 to index
        %swap3A_505 = arith.constant 16 : index
        %swap3A_506 = tpu.vector_load %arg31[%swap3A_504, %swap3A_505] {strides = array<i32>} : memref<128x32xf32, #tpu.memory_space<vmem>>, vector<1x16xf32>,
        %swap3A_507 = vector.shape_cast %swap3A_506 : vector<1x16xf32> to vector<16xf32>
        %swap3A_508 = vector.shape_cast %add3A_503 : vector<16xf32> to vector<1x16xf32>
        tpu.vector_store %arg31[%swap3A_504, %swap3A_505], %swap3A_508 {strides = array<i32>} : memref<128x32xf32, #tpu.memory_space<vmem>>, vector<1x16xf32>,
        %mul3A_509 = arith.constant 16 : i32
        %mul3A_510 = arith.muli %scan3A_146, %mul3A_509 : i32
        %add3A_511 = arith.constant 4 : i32
        %add3A_512 = arith.addi %mul3A_510, %add3A_511 : i32
        %slice3A_513 = vector.extract_strided_slice %add3A_163 {offsets = [4], sizes = [1], strides = [1]} : vector<16xf32> to vector<1xf32>
        %squeeze3A_514 = vector.extract %slice3A_513[0] : f32 from vector<1xf32>
        %broadcast_in_dim3A_515 = vector.broadcast %squeeze3A_514 : f32 to vector<16xf32>
        %slice3A_516 = vector.extract_strided_slice %sub3A {offsets = [4], sizes = [1], strides = [1]} : vector<16xf32> to vector<1xf32>
        %squeeze3A_517 = vector.extract %slice3A_516[0] : f32 from vector<1xf32>
        %broadcast_in_dim3A_518 = vector.broadcast %squeeze3A_517 : f32 to vector<16xf32>
        %slice3A_519 = vector.extract_strided_slice %sub3A_158 {offsets = [4], sizes = [1], strides = [1]} : vector<16xf32> to vector<1xf32>
        %squeeze3A_520 = vector.extract %slice3A_519[0] : f32 from vector<1xf32>
        %broadcast_in_dim3A_521 = vector.broadcast %squeeze3A_520 : f32 to vector<16xf32>
        %slice3A_522 = vector.extract_strided_slice %mul3A_157 {offsets = [4], sizes = [1], strides = [1]} : vector<16xf32> to vector<1xf32>
        %squeeze3A_523 = vector.extract %slice3A_522[0] : f32 from vector<1xf32>
        %broadcast_in_dim3A_524 = vector.broadcast %squeeze3A_523 : f32 to vector<16xf32>
        %get3A_525 = arith.index_cast %add3A_512 : i32 to index
        %get3A_526 = arith.constant 0 : index
        %get3A_527 = tpu.vector_load %arg32[%get3A_525, %get3A_526] {strides = array<i32>} : memref<128x16xi32, #tpu.memory_space<vmem>>, vector<1x16xi32>,
        %get3A_528 = vector.shape_cast %get3A_527 : vector<1x16xi32> to vector<16xi32>
        %shift_left3A_529 = arith.constant 16 : i32
        %shift_left3A_530 = vector.broadcast %shift_left3A_529 : i32 to vector<16xi32>
        %shift_left3A_531 = arith.shli %get3A_528, %shift_left3A_530 : vector<16xi32>
        %bitcast_convert_type3A_532 = tpu.bitcast %shift_left3A_531 : vector<16xi32> -> vector<16xf32>
        %and3A_533 = arith.constant -65536 : i32
        %and3A_534 = vector.broadcast %and3A_533 : i32 to vector<16xi32>
        %and3A_535 = arith.andi %get3A_528, %and3A_534 : vector<16xi32>
        %bitcast_convert_type3A_536 = tpu.bitcast %and3A_535 : vector<16xi32> -> vector<16xf32>
        %get3A_537 = arith.index_cast %add3A_512 : i32 to index
        %get3A_538 = arith.constant 0 : index
        %get3A_539 = tpu.vector_load %arg33[%get3A_537, %get3A_538] {strides = array<i32>} : memref<128x16xi32, #tpu.memory_space<vmem>>, vector<1x16xi32>,
        %get3A_540 = vector.shape_cast %get3A_539 : vector<1x16xi32> to vector<16xi32>
        %shift_left3A_541 = arith.constant 16 : i32
        %shift_left3A_542 = vector.broadcast %shift_left3A_541 : i32 to vector<16xi32>
        %shift_left3A_543 = arith.shli %get3A_540, %shift_left3A_542 : vector<16xi32>
        %bitcast_convert_type3A_544 = tpu.bitcast %shift_left3A_543 : vector<16xi32> -> vector<16xf32>
        %and3A_545 = arith.constant -65536 : i32
        %and3A_546 = vector.broadcast %and3A_545 : i32 to vector<16xi32>
        %and3A_547 = arith.andi %get3A_540, %and3A_546 : vector<16xi32>
        %bitcast_convert_type3A_548 = tpu.bitcast %and3A_547 : vector<16xi32> -> vector<16xf32>
        %get3A_549 = arith.index_cast %add3A_512 : i32 to index
        %get3A_550 = arith.constant 0 : index
        %get3A_551 = tpu.vector_load %arg34[%get3A_549, %get3A_550] {strides = array<i32>} : memref<128x16xi32, #tpu.memory_space<vmem>>, vector<1x16xi32>,
        %get3A_552 = vector.shape_cast %get3A_551 : vector<1x16xi32> to vector<16xi32>
        %shift_left3A_553 = arith.constant 16 : i32
        %shift_left3A_554 = vector.broadcast %shift_left3A_553 : i32 to vector<16xi32>
        %shift_left3A_555 = arith.shli %get3A_552, %shift_left3A_554 : vector<16xi32>
        %bitcast_convert_type3A_556 = tpu.bitcast %shift_left3A_555 : vector<16xi32> -> vector<16xf32>
        %and3A_557 = arith.constant -65536 : i32
        %and3A_558 = vector.broadcast %and3A_557 : i32 to vector<16xi32>
        %and3A_559 = arith.andi %get3A_552, %and3A_558 : vector<16xi32>
        %bitcast_convert_type3A_560 = tpu.bitcast %and3A_559 : vector<16xi32> -> vector<16xf32>
        %get3A_561 = arith.index_cast %add3A_512 : i32 to index
        %get3A_562 = arith.constant 0 : index
        %get3A_563 = tpu.vector_load %arg35[%get3A_561, %get3A_562] {strides = array<i32>} : memref<128x16xi32, #tpu.memory_space<vmem>>, vector<1x16xi32>,
        %get3A_564 = vector.shape_cast %get3A_563 : vector<1x16xi32> to vector<16xi32>
        %shift_left3A_565 = arith.constant 16 : i32
        %shift_left3A_566 = vector.broadcast %shift_left3A_565 : i32 to vector<16xi32>
        %shift_left3A_567 = arith.shli %get3A_564, %shift_left3A_566 : vector<16xi32>
        %bitcast_convert_type3A_568 = tpu.bitcast %shift_left3A_567 : vector<16xi32> -> vector<16xf32>
        %and3A_569 = arith.constant -65536 : i32
        %and3A_570 = vector.broadcast %and3A_569 : i32 to vector<16xi32>
        %and3A_571 = arith.andi %get3A_564, %and3A_570 : vector<16xi32>
        %bitcast_convert_type3A_572 = tpu.bitcast %and3A_571 : vector<16xi32> -> vector<16xf32>
        %mul3A_573 = arith.mulf %bitcast_convert_type3A_532, %broadcast_in_dim3A_515 : vector<16xf32>
        %mul3A_574 = arith.mulf %bitcast_convert_type3A_544, %broadcast_in_dim3A_518 : vector<16xf32>
        %add3A_575 = arith.addf %mul3A_573, %mul3A_574 : vector<16xf32>
        %mul3A_576 = arith.mulf %bitcast_convert_type3A_556, %broadcast_in_dim3A_521 : vector<16xf32>
        %add3A_577 = arith.addf %add3A_575, %mul3A_576 : vector<16xf32>
        %mul3A_578 = arith.mulf %bitcast_convert_type3A_568, %broadcast_in_dim3A_524 : vector<16xf32>
        %add3A_579 = arith.addf %add3A_577, %mul3A_578 : vector<16xf32>
        %swap3A_580 = arith.index_cast %add3A_512 : i32 to index
        %swap3A_581 = arith.constant 0 : index
        %swap3A_582 = tpu.vector_load %arg31[%swap3A_580, %swap3A_581] {strides = array<i32>} : memref<128x32xf32, #tpu.memory_space<vmem>>, vector<1x16xf32>,
        %swap3A_583 = vector.shape_cast %swap3A_582 : vector<1x16xf32> to vector<16xf32>
        %swap3A_584 = vector.shape_cast %add3A_579 : vector<16xf32> to vector<1x16xf32>
        tpu.vector_store %arg31[%swap3A_580, %swap3A_581], %swap3A_584 {strides = array<i32>} : memref<128x32xf32, #tpu.memory_space<vmem>>, vector<1x16xf32>,
        %mul3A_585 = arith.mulf %bitcast_convert_type3A_536, %broadcast_in_dim3A_515 : vector<16xf32>
        %mul3A_586 = arith.mulf %bitcast_convert_type3A_548, %broadcast_in_dim3A_518 : vector<16xf32>
        %add3A_587 = arith.addf %mul3A_585, %mul3A_586 : vector<16xf32>
        %mul3A_588 = arith.mulf %bitcast_convert_type3A_560, %broadcast_in_dim3A_521 : vector<16xf32>
        %add3A_589 = arith.addf %add3A_587, %mul3A_588 : vector<16xf32>
        %mul3A_590 = arith.mulf %bitcast_convert_type3A_572, %broadcast_in_dim3A_524 : vector<16xf32>
        %add3A_591 = arith.addf %add3A_589, %mul3A_590 : vector<16xf32>
        %swap3A_592 = arith.index_cast %add3A_512 : i32 to index
        %swap3A_593 = arith.constant 16 : index
        %swap3A_594 = tpu.vector_load %arg31[%swap3A_592, %swap3A_593] {strides = array<i32>} : memref<128x32xf32, #tpu.memory_space<vmem>>, vector<1x16xf32>,
        %swap3A_595 = vector.shape_cast %swap3A_594 : vector<1x16xf32> to vector<16xf32>
        %swap3A_596 = vector.shape_cast %add3A_591 : vector<16xf32> to vector<1x16xf32>
        tpu.vector_store %arg31[%swap3A_592, %swap3A_593], %swap3A_596 {strides = array<i32>} : memref<128x32xf32, #tpu.memory_space<vmem>>, vector<1x16xf32>,
        %mul3A_597 = arith.constant 16 : i32
        %mul3A_598 = arith.muli %scan3A_146, %mul3A_597 : i32
        %add3A_599 = arith.constant 5 : i32
        %add3A_600 = arith.addi %mul3A_598, %add3A_599 : i32
        %slice3A_601 = vector.extract_strided_slice %add3A_163 {offsets = [5], sizes = [1], strides = [1]} : vector<16xf32> to vector<1xf32>
        %squeeze3A_602 = vector.extract %slice3A_601[0] : f32 from vector<1xf32>
        %broadcast_in_dim3A_603 = vector.broadcast %squeeze3A_602 : f32 to vector<16xf32>
        %slice3A_604 = vector.extract_strided_slice %sub3A {offsets = [5], sizes = [1], strides = [1]} : vector<16xf32> to vector<1xf32>
        %squeeze3A_605 = vector.extract %slice3A_604[0] : f32 from vector<1xf32>
        %broadcast_in_dim3A_606 = vector.broadcast %squeeze3A_605 : f32 to vector<16xf32>
        %slice3A_607 = vector.extract_strided_slice %sub3A_158 {offsets = [5], sizes = [1], strides = [1]} : vector<16xf32> to vector<1xf32>
        %squeeze3A_608 = vector.extract %slice3A_607[0] : f32 from vector<1xf32>
        %broadcast_in_dim3A_609 = vector.broadcast %squeeze3A_608 : f32 to vector<16xf32>
        %slice3A_610 = vector.extract_strided_slice %mul3A_157 {offsets = [5], sizes = [1], strides = [1]} : vector<16xf32> to vector<1xf32>
        %squeeze3A_611 = vector.extract %slice3A_610[0] : f32 from vector<1xf32>
        %broadcast_in_dim3A_612 = vector.broadcast %squeeze3A_611 : f32 to vector<16xf32>
        %get3A_613 = arith.index_cast %add3A_600 : i32 to index
        %get3A_614 = arith.constant 0 : index
        %get3A_615 = tpu.vector_load %arg32[%get3A_613, %get3A_614] {strides = array<i32>} : memref<128x16xi32, #tpu.memory_space<vmem>>, vector<1x16xi32>,
        %get3A_616 = vector.shape_cast %get3A_615 : vector<1x16xi32> to vector<16xi32>
        %shift_left3A_617 = arith.constant 16 : i32
        %shift_left3A_618 = vector.broadcast %shift_left3A_617 : i32 to vector<16xi32>
        %shift_left3A_619 = arith.shli %get3A_616, %shift_left3A_618 : vector<16xi32>
        %bitcast_convert_type3A_620 = tpu.bitcast %shift_left3A_619 : vector<16xi32> -> vector<16xf32>
        %and3A_621 = arith.constant -65536 : i32
        %and3A_622 = vector.broadcast %and3A_621 : i32 to vector<16xi32>
        %and3A_623 = arith.andi %get3A_616, %and3A_622 : vector<16xi32>
        %bitcast_convert_type3A_624 = tpu.bitcast %and3A_623 : vector<16xi32> -> vector<16xf32>
        %get3A_625 = arith.index_cast %add3A_600 : i32 to index
        %get3A_626 = arith.constant 0 : index
        %get3A_627 = tpu.vector_load %arg33[%get3A_625, %get3A_626] {strides = array<i32>} : memref<128x16xi32, #tpu.memory_space<vmem>>, vector<1x16xi32>,
        %get3A_628 = vector.shape_cast %get3A_627 : vector<1x16xi32> to vector<16xi32>
        %shift_left3A_629 = arith.constant 16 : i32
        %shift_left3A_630 = vector.broadcast %shift_left3A_629 : i32 to vector<16xi32>
        %shift_left3A_631 = arith.shli %get3A_628, %shift_left3A_630 : vector<16xi32>
        %bitcast_convert_type3A_632 = tpu.bitcast %shift_left3A_631 : vector<16xi32> -> vector<16xf32>
        %and3A_633 = arith.constant -65536 : i32
        %and3A_634 = vector.broadcast %and3A_633 : i32 to vector<16xi32>
        %and3A_635 = arith.andi %get3A_628, %and3A_634 : vector<16xi32>
        %bitcast_convert_type3A_636 = tpu.bitcast %and3A_635 : vector<16xi32> -> vector<16xf32>
        %get3A_637 = arith.index_cast %add3A_600 : i32 to index
        %get3A_638 = arith.constant 0 : index
        %get3A_639 = tpu.vector_load %arg34[%get3A_637, %get3A_638] {strides = array<i32>} : memref<128x16xi32, #tpu.memory_space<vmem>>, vector<1x16xi32>,
        %get3A_640 = vector.shape_cast %get3A_639 : vector<1x16xi32> to vector<16xi32>
        %shift_left3A_641 = arith.constant 16 : i32
        %shift_left3A_642 = vector.broadcast %shift_left3A_641 : i32 to vector<16xi32>
        %shift_left3A_643 = arith.shli %get3A_640, %shift_left3A_642 : vector<16xi32>
        %bitcast_convert_type3A_644 = tpu.bitcast %shift_left3A_643 : vector<16xi32> -> vector<16xf32>
        %and3A_645 = arith.constant -65536 : i32
        %and3A_646 = vector.broadcast %and3A_645 : i32 to vector<16xi32>
        %and3A_647 = arith.andi %get3A_640, %and3A_646 : vector<16xi32>
        %bitcast_convert_type3A_648 = tpu.bitcast %and3A_647 : vector<16xi32> -> vector<16xf32>
        %get3A_649 = arith.index_cast %add3A_600 : i32 to index
        %get3A_650 = arith.constant 0 : index
        %get3A_651 = tpu.vector_load %arg35[%get3A_649, %get3A_650] {strides = array<i32>} : memref<128x16xi32, #tpu.memory_space<vmem>>, vector<1x16xi32>,
        %get3A_652 = vector.shape_cast %get3A_651 : vector<1x16xi32> to vector<16xi32>
        %shift_left3A_653 = arith.constant 16 : i32
        %shift_left3A_654 = vector.broadcast %shift_left3A_653 : i32 to vector<16xi32>
        %shift_left3A_655 = arith.shli %get3A_652, %shift_left3A_654 : vector<16xi32>
        %bitcast_convert_type3A_656 = tpu.bitcast %shift_left3A_655 : vector<16xi32> -> vector<16xf32>
        %and3A_657 = arith.constant -65536 : i32
        %and3A_658 = vector.broadcast %and3A_657 : i32 to vector<16xi32>
        %and3A_659 = arith.andi %get3A_652, %and3A_658 : vector<16xi32>
        %bitcast_convert_type3A_660 = tpu.bitcast %and3A_659 : vector<16xi32> -> vector<16xf32>
        %mul3A_661 = arith.mulf %bitcast_convert_type3A_620, %broadcast_in_dim3A_603 : vector<16xf32>
        %mul3A_662 = arith.mulf %bitcast_convert_type3A_632, %broadcast_in_dim3A_606 : vector<16xf32>
        %add3A_663 = arith.addf %mul3A_661, %mul3A_662 : vector<16xf32>
        %mul3A_664 = arith.mulf %bitcast_convert_type3A_644, %broadcast_in_dim3A_609 : vector<16xf32>
        %add3A_665 = arith.addf %add3A_663, %mul3A_664 : vector<16xf32>
        %mul3A_666 = arith.mulf %bitcast_convert_type3A_656, %broadcast_in_dim3A_612 : vector<16xf32>
        %add3A_667 = arith.addf %add3A_665, %mul3A_666 : vector<16xf32>
        %swap3A_668 = arith.index_cast %add3A_600 : i32 to index
        %swap3A_669 = arith.constant 0 : index
        %swap3A_670 = tpu.vector_load %arg31[%swap3A_668, %swap3A_669] {strides = array<i32>} : memref<128x32xf32, #tpu.memory_space<vmem>>, vector<1x16xf32>,
        %swap3A_671 = vector.shape_cast %swap3A_670 : vector<1x16xf32> to vector<16xf32>
        %swap3A_672 = vector.shape_cast %add3A_667 : vector<16xf32> to vector<1x16xf32>
        tpu.vector_store %arg31[%swap3A_668, %swap3A_669], %swap3A_672 {strides = array<i32>} : memref<128x32xf32, #tpu.memory_space<vmem>>, vector<1x16xf32>,
        %mul3A_673 = arith.mulf %bitcast_convert_type3A_624, %broadcast_in_dim3A_603 : vector<16xf32>
        %mul3A_674 = arith.mulf %bitcast_convert_type3A_636, %broadcast_in_dim3A_606 : vector<16xf32>
        %add3A_675 = arith.addf %mul3A_673, %mul3A_674 : vector<16xf32>
        %mul3A_676 = arith.mulf %bitcast_convert_type3A_648, %broadcast_in_dim3A_609 : vector<16xf32>
        %add3A_677 = arith.addf %add3A_675, %mul3A_676 : vector<16xf32>
        %mul3A_678 = arith.mulf %bitcast_convert_type3A_660, %broadcast_in_dim3A_612 : vector<16xf32>
        %add3A_679 = arith.addf %add3A_677, %mul3A_678 : vector<16xf32>
        %swap3A_680 = arith.index_cast %add3A_600 : i32 to index
        %swap3A_681 = arith.constant 16 : index
        %swap3A_682 = tpu.vector_load %arg31[%swap3A_680, %swap3A_681] {strides = array<i32>} : memref<128x32xf32, #tpu.memory_space<vmem>>, vector<1x16xf32>,
        %swap3A_683 = vector.shape_cast %swap3A_682 : vector<1x16xf32> to vector<16xf32>
        %swap3A_684 = vector.shape_cast %add3A_679 : vector<16xf32> to vector<1x16xf32>
        tpu.vector_store %arg31[%swap3A_680, %swap3A_681], %swap3A_684 {strides = array<i32>} : memref<128x32xf32, #tpu.memory_space<vmem>>, vector<1x16xf32>,
        %mul3A_685 = arith.constant 16 : i32
        %mul3A_686 = arith.muli %scan3A_146, %mul3A_685 : i32
        %add3A_687 = arith.constant 6 : i32
        %add3A_688 = arith.addi %mul3A_686, %add3A_687 : i32
        %slice3A_689 = vector.extract_strided_slice %add3A_163 {offsets = [6], sizes = [1], strides = [1]} : vector<16xf32> to vector<1xf32>
        %squeeze3A_690 = vector.extract %slice3A_689[0] : f32 from vector<1xf32>
        %broadcast_in_dim3A_691 = vector.broadcast %squeeze3A_690 : f32 to vector<16xf32>
        %slice3A_692 = vector.extract_strided_slice %sub3A {offsets = [6], sizes = [1], strides = [1]} : vector<16xf32> to vector<1xf32>
        %squeeze3A_693 = vector.extract %slice3A_692[0] : f32 from vector<1xf32>
        %broadcast_in_dim3A_694 = vector.broadcast %squeeze3A_693 : f32 to vector<16xf32>
        %slice3A_695 = vector.extract_strided_slice %sub3A_158 {offsets = [6], sizes = [1], strides = [1]} : vector<16xf32> to vector<1xf32>
        %squeeze3A_696 = vector.extract %slice3A_695[0] : f32 from vector<1xf32>
        %broadcast_in_dim3A_697 = vector.broadcast %squeeze3A_696 : f32 to vector<16xf32>
        %slice3A_698 = vector.extract_strided_slice %mul3A_157 {offsets = [6], sizes = [1], strides = [1]} : vector<16xf32> to vector<1xf32>
        %squeeze3A_699 = vector.extract %slice3A_698[0] : f32 from vector<1xf32>
        %broadcast_in_dim3A_700 = vector.broadcast %squeeze3A_699 : f32 to vector<16xf32>
        %get3A_701 = arith.index_cast %add3A_688 : i32 to index
        %get3A_702 = arith.constant 0 : index
        %get3A_703 = tpu.vector_load %arg32[%get3A_701, %get3A_702] {strides = array<i32>} : memref<128x16xi32, #tpu.memory_space<vmem>>, vector<1x16xi32>,
        %get3A_704 = vector.shape_cast %get3A_703 : vector<1x16xi32> to vector<16xi32>
        %shift_left3A_705 = arith.constant 16 : i32
        %shift_left3A_706 = vector.broadcast %shift_left3A_705 : i32 to vector<16xi32>
        %shift_left3A_707 = arith.shli %get3A_704, %shift_left3A_706 : vector<16xi32>
        %bitcast_convert_type3A_708 = tpu.bitcast %shift_left3A_707 : vector<16xi32> -> vector<16xf32>
        %and3A_709 = arith.constant -65536 : i32
        %and3A_710 = vector.broadcast %and3A_709 : i32 to vector<16xi32>
        %and3A_711 = arith.andi %get3A_704, %and3A_710 : vector<16xi32>
        %bitcast_convert_type3A_712 = tpu.bitcast %and3A_711 : vector<16xi32> -> vector<16xf32>
        %get3A_713 = arith.index_cast %add3A_688 : i32 to index
        %get3A_714 = arith.constant 0 : index
        %get3A_715 = tpu.vector_load %arg33[%get3A_713, %get3A_714] {strides = array<i32>} : memref<128x16xi32, #tpu.memory_space<vmem>>, vector<1x16xi32>,
        %get3A_716 = vector.shape_cast %get3A_715 : vector<1x16xi32> to vector<16xi32>
        %shift_left3A_717 = arith.constant 16 : i32
        %shift_left3A_718 = vector.broadcast %shift_left3A_717 : i32 to vector<16xi32>
        %shift_left3A_719 = arith.shli %get3A_716, %shift_left3A_718 : vector<16xi32>
        %bitcast_convert_type3A_720 = tpu.bitcast %shift_left3A_719 : vector<16xi32> -> vector<16xf32>
        %and3A_721 = arith.constant -65536 : i32
        %and3A_722 = vector.broadcast %and3A_721 : i32 to vector<16xi32>
        %and3A_723 = arith.andi %get3A_716, %and3A_722 : vector<16xi32>
        %bitcast_convert_type3A_724 = tpu.bitcast %and3A_723 : vector<16xi32> -> vector<16xf32>
        %get3A_725 = arith.index_cast %add3A_688 : i32 to index
        %get3A_726 = arith.constant 0 : index
        %get3A_727 = tpu.vector_load %arg34[%get3A_725, %get3A_726] {strides = array<i32>} : memref<128x16xi32, #tpu.memory_space<vmem>>, vector<1x16xi32>,
        %get3A_728 = vector.shape_cast %get3A_727 : vector<1x16xi32> to vector<16xi32>
        %shift_left3A_729 = arith.constant 16 : i32
        %shift_left3A_730 = vector.broadcast %shift_left3A_729 : i32 to vector<16xi32>
        %shift_left3A_731 = arith.shli %get3A_728, %shift_left3A_730 : vector<16xi32>
        %bitcast_convert_type3A_732 = tpu.bitcast %shift_left3A_731 : vector<16xi32> -> vector<16xf32>
        %and3A_733 = arith.constant -65536 : i32
        %and3A_734 = vector.broadcast %and3A_733 : i32 to vector<16xi32>
        %and3A_735 = arith.andi %get3A_728, %and3A_734 : vector<16xi32>
        %bitcast_convert_type3A_736 = tpu.bitcast %and3A_735 : vector<16xi32> -> vector<16xf32>
        %get3A_737 = arith.index_cast %add3A_688 : i32 to index
        %get3A_738 = arith.constant 0 : index
        %get3A_739 = tpu.vector_load %arg35[%get3A_737, %get3A_738] {strides = array<i32>} : memref<128x16xi32, #tpu.memory_space<vmem>>, vector<1x16xi32>,
        %get3A_740 = vector.shape_cast %get3A_739 : vector<1x16xi32> to vector<16xi32>
        %shift_left3A_741 = arith.constant 16 : i32
        %shift_left3A_742 = vector.broadcast %shift_left3A_741 : i32 to vector<16xi32>
        %shift_left3A_743 = arith.shli %get3A_740, %shift_left3A_742 : vector<16xi32>
        %bitcast_convert_type3A_744 = tpu.bitcast %shift_left3A_743 : vector<16xi32> -> vector<16xf32>
        %and3A_745 = arith.constant -65536 : i32
        %and3A_746 = vector.broadcast %and3A_745 : i32 to vector<16xi32>
        %and3A_747 = arith.andi %get3A_740, %and3A_746 : vector<16xi32>
        %bitcast_convert_type3A_748 = tpu.bitcast %and3A_747 : vector<16xi32> -> vector<16xf32>
        %mul3A_749 = arith.mulf %bitcast_convert_type3A_708, %broadcast_in_dim3A_691 : vector<16xf32>
        %mul3A_750 = arith.mulf %bitcast_convert_type3A_720, %broadcast_in_dim3A_694 : vector<16xf32>
        %add3A_751 = arith.addf %mul3A_749, %mul3A_750 : vector<16xf32>
        %mul3A_752 = arith.mulf %bitcast_convert_type3A_732, %broadcast_in_dim3A_697 : vector<16xf32>
        %add3A_753 = arith.addf %add3A_751, %mul3A_752 : vector<16xf32>
        %mul3A_754 = arith.mulf %bitcast_convert_type3A_744, %broadcast_in_dim3A_700 : vector<16xf32>
        %add3A_755 = arith.addf %add3A_753, %mul3A_754 : vector<16xf32>
        %swap3A_756 = arith.index_cast %add3A_688 : i32 to index
        %swap3A_757 = arith.constant 0 : index
        %swap3A_758 = tpu.vector_load %arg31[%swap3A_756, %swap3A_757] {strides = array<i32>} : memref<128x32xf32, #tpu.memory_space<vmem>>, vector<1x16xf32>,
        %swap3A_759 = vector.shape_cast %swap3A_758 : vector<1x16xf32> to vector<16xf32>
        %swap3A_760 = vector.shape_cast %add3A_755 : vector<16xf32> to vector<1x16xf32>
        tpu.vector_store %arg31[%swap3A_756, %swap3A_757], %swap3A_760 {strides = array<i32>} : memref<128x32xf32, #tpu.memory_space<vmem>>, vector<1x16xf32>,
        %mul3A_761 = arith.mulf %bitcast_convert_type3A_712, %broadcast_in_dim3A_691 : vector<16xf32>
        %mul3A_762 = arith.mulf %bitcast_convert_type3A_724, %broadcast_in_dim3A_694 : vector<16xf32>
        %add3A_763 = arith.addf %mul3A_761, %mul3A_762 : vector<16xf32>
        %mul3A_764 = arith.mulf %bitcast_convert_type3A_736, %broadcast_in_dim3A_697 : vector<16xf32>
        %add3A_765 = arith.addf %add3A_763, %mul3A_764 : vector<16xf32>
        %mul3A_766 = arith.mulf %bitcast_convert_type3A_748, %broadcast_in_dim3A_700 : vector<16xf32>
        %add3A_767 = arith.addf %add3A_765, %mul3A_766 : vector<16xf32>
        %swap3A_768 = arith.index_cast %add3A_688 : i32 to index
        %swap3A_769 = arith.constant 16 : index
        %swap3A_770 = tpu.vector_load %arg31[%swap3A_768, %swap3A_769] {strides = array<i32>} : memref<128x32xf32, #tpu.memory_space<vmem>>, vector<1x16xf32>,
        %swap3A_771 = vector.shape_cast %swap3A_770 : vector<1x16xf32> to vector<16xf32>
        %swap3A_772 = vector.shape_cast %add3A_767 : vector<16xf32> to vector<1x16xf32>
        tpu.vector_store %arg31[%swap3A_768, %swap3A_769], %swap3A_772 {strides = array<i32>} : memref<128x32xf32, #tpu.memory_space<vmem>>, vector<1x16xf32>,
        %mul3A_773 = arith.constant 16 : i32
        %mul3A_774 = arith.muli %scan3A_146, %mul3A_773 : i32
        %add3A_775 = arith.constant 7 : i32
        %add3A_776 = arith.addi %mul3A_774, %add3A_775 : i32
        %slice3A_777 = vector.extract_strided_slice %add3A_163 {offsets = [7], sizes = [1], strides = [1]} : vector<16xf32> to vector<1xf32>
        %squeeze3A_778 = vector.extract %slice3A_777[0] : f32 from vector<1xf32>
        %broadcast_in_dim3A_779 = vector.broadcast %squeeze3A_778 : f32 to vector<16xf32>
        %slice3A_780 = vector.extract_strided_slice %sub3A {offsets = [7], sizes = [1], strides = [1]} : vector<16xf32> to vector<1xf32>
        %squeeze3A_781 = vector.extract %slice3A_780[0] : f32 from vector<1xf32>
        %broadcast_in_dim3A_782 = vector.broadcast %squeeze3A_781 : f32 to vector<16xf32>
        %slice3A_783 = vector.extract_strided_slice %sub3A_158 {offsets = [7], sizes = [1], strides = [1]} : vector<16xf32> to vector<1xf32>
        %squeeze3A_784 = vector.extract %slice3A_783[0] : f32 from vector<1xf32>
        %broadcast_in_dim3A_785 = vector.broadcast %squeeze3A_784 : f32 to vector<16xf32>
        %slice3A_786 = vector.extract_strided_slice %mul3A_157 {offsets = [7], sizes = [1], strides = [1]} : vector<16xf32> to vector<1xf32>
        %squeeze3A_787 = vector.extract %slice3A_786[0] : f32 from vector<1xf32>
        %broadcast_in_dim3A_788 = vector.broadcast %squeeze3A_787 : f32 to vector<16xf32>
        %get3A_789 = arith.index_cast %add3A_776 : i32 to index
        %get3A_790 = arith.constant 0 : index
        %get3A_791 = tpu.vector_load %arg32[%get3A_789, %get3A_790] {strides = array<i32>} : memref<128x16xi32, #tpu.memory_space<vmem>>, vector<1x16xi32>,
        %get3A_792 = vector.shape_cast %get3A_791 : vector<1x16xi32> to vector<16xi32>
        %shift_left3A_793 = arith.constant 16 : i32
        %shift_left3A_794 = vector.broadcast %shift_left3A_793 : i32 to vector<16xi32>
        %shift_left3A_795 = arith.shli %get3A_792, %shift_left3A_794 : vector<16xi32>
        %bitcast_convert_type3A_796 = tpu.bitcast %shift_left3A_795 : vector<16xi32> -> vector<16xf32>
        %and3A_797 = arith.constant -65536 : i32
        %and3A_798 = vector.broadcast %and3A_797 : i32 to vector<16xi32>
        %and3A_799 = arith.andi %get3A_792, %and3A_798 : vector<16xi32>
        %bitcast_convert_type3A_800 = tpu.bitcast %and3A_799 : vector<16xi32> -> vector<16xf32>
        %get3A_801 = arith.index_cast %add3A_776 : i32 to index
        %get3A_802 = arith.constant 0 : index
        %get3A_803 = tpu.vector_load %arg33[%get3A_801, %get3A_802] {strides = array<i32>} : memref<128x16xi32, #tpu.memory_space<vmem>>, vector<1x16xi32>,
        %get3A_804 = vector.shape_cast %get3A_803 : vector<1x16xi32> to vector<16xi32>
        %shift_left3A_805 = arith.constant 16 : i32
        %shift_left3A_806 = vector.broadcast %shift_left3A_805 : i32 to vector<16xi32>
        %shift_left3A_807 = arith.shli %get3A_804, %shift_left3A_806 : vector<16xi32>
        %bitcast_convert_type3A_808 = tpu.bitcast %shift_left3A_807 : vector<16xi32> -> vector<16xf32>
        %and3A_809 = arith.constant -65536 : i32
        %and3A_810 = vector.broadcast %and3A_809 : i32 to vector<16xi32>
        %and3A_811 = arith.andi %get3A_804, %and3A_810 : vector<16xi32>
        %bitcast_convert_type3A_812 = tpu.bitcast %and3A_811 : vector<16xi32> -> vector<16xf32>
        %get3A_813 = arith.index_cast %add3A_776 : i32 to index
        %get3A_814 = arith.constant 0 : index
        %get3A_815 = tpu.vector_load %arg34[%get3A_813, %get3A_814] {strides = array<i32>} : memref<128x16xi32, #tpu.memory_space<vmem>>, vector<1x16xi32>,
        %get3A_816 = vector.shape_cast %get3A_815 : vector<1x16xi32> to vector<16xi32>
        %shift_left3A_817 = arith.constant 16 : i32
        %shift_left3A_818 = vector.broadcast %shift_left3A_817 : i32 to vector<16xi32>
        %shift_left3A_819 = arith.shli %get3A_816, %shift_left3A_818 : vector<16xi32>
        %bitcast_convert_type3A_820 = tpu.bitcast %shift_left3A_819 : vector<16xi32> -> vector<16xf32>
        %and3A_821 = arith.constant -65536 : i32
        %and3A_822 = vector.broadcast %and3A_821 : i32 to vector<16xi32>
        %and3A_823 = arith.andi %get3A_816, %and3A_822 : vector<16xi32>
        %bitcast_convert_type3A_824 = tpu.bitcast %and3A_823 : vector<16xi32> -> vector<16xf32>
        %get3A_825 = arith.index_cast %add3A_776 : i32 to index
        %get3A_826 = arith.constant 0 : index
        %get3A_827 = tpu.vector_load %arg35[%get3A_825, %get3A_826] {strides = array<i32>} : memref<128x16xi32, #tpu.memory_space<vmem>>, vector<1x16xi32>,
        %get3A_828 = vector.shape_cast %get3A_827 : vector<1x16xi32> to vector<16xi32>
        %shift_left3A_829 = arith.constant 16 : i32
        %shift_left3A_830 = vector.broadcast %shift_left3A_829 : i32 to vector<16xi32>
        %shift_left3A_831 = arith.shli %get3A_828, %shift_left3A_830 : vector<16xi32>
        %bitcast_convert_type3A_832 = tpu.bitcast %shift_left3A_831 : vector<16xi32> -> vector<16xf32>
        %and3A_833 = arith.constant -65536 : i32
        %and3A_834 = vector.broadcast %and3A_833 : i32 to vector<16xi32>
        %and3A_835 = arith.andi %get3A_828, %and3A_834 : vector<16xi32>
        %bitcast_convert_type3A_836 = tpu.bitcast %and3A_835 : vector<16xi32> -> vector<16xf32>
        %mul3A_837 = arith.mulf %bitcast_convert_type3A_796, %broadcast_in_dim3A_779 : vector<16xf32>
        %mul3A_838 = arith.mulf %bitcast_convert_type3A_808, %broadcast_in_dim3A_782 : vector<16xf32>
        %add3A_839 = arith.addf %mul3A_837, %mul3A_838 : vector<16xf32>
        %mul3A_840 = arith.mulf %bitcast_convert_type3A_820, %broadcast_in_dim3A_785 : vector<16xf32>
        %add3A_841 = arith.addf %add3A_839, %mul3A_840 : vector<16xf32>
        %mul3A_842 = arith.mulf %bitcast_convert_type3A_832, %broadcast_in_dim3A_788 : vector<16xf32>
        %add3A_843 = arith.addf %add3A_841, %mul3A_842 : vector<16xf32>
        %swap3A_844 = arith.index_cast %add3A_776 : i32 to index
        %swap3A_845 = arith.constant 0 : index
        %swap3A_846 = tpu.vector_load %arg31[%swap3A_844, %swap3A_845] {strides = array<i32>} : memref<128x32xf32, #tpu.memory_space<vmem>>, vector<1x16xf32>,
        %swap3A_847 = vector.shape_cast %swap3A_846 : vector<1x16xf32> to vector<16xf32>
        %swap3A_848 = vector.shape_cast %add3A_843 : vector<16xf32> to vector<1x16xf32>
        tpu.vector_store %arg31[%swap3A_844, %swap3A_845], %swap3A_848 {strides = array<i32>} : memref<128x32xf32, #tpu.memory_space<vmem>>, vector<1x16xf32>,
        %mul3A_849 = arith.mulf %bitcast_convert_type3A_800, %broadcast_in_dim3A_779 : vector<16xf32>
        %mul3A_850 = arith.mulf %bitcast_convert_type3A_812, %broadcast_in_dim3A_782 : vector<16xf32>
        %add3A_851 = arith.addf %mul3A_849, %mul3A_850 : vector<16xf32>
        %mul3A_852 = arith.mulf %bitcast_convert_type3A_824, %broadcast_in_dim3A_785 : vector<16xf32>
        %add3A_853 = arith.addf %add3A_851, %mul3A_852 : vector<16xf32>
        %mul3A_854 = arith.mulf %bitcast_convert_type3A_836, %broadcast_in_dim3A_788 : vector<16xf32>
        %add3A_855 = arith.addf %add3A_853, %mul3A_854 : vector<16xf32>
        %swap3A_856 = arith.index_cast %add3A_776 : i32 to index
        %swap3A_857 = arith.constant 16 : index
        %swap3A_858 = tpu.vector_load %arg31[%swap3A_856, %swap3A_857] {strides = array<i32>} : memref<128x32xf32, #tpu.memory_space<vmem>>, vector<1x16xf32>,
        %swap3A_859 = vector.shape_cast %swap3A_858 : vector<1x16xf32> to vector<16xf32>
        %swap3A_860 = vector.shape_cast %add3A_855 : vector<16xf32> to vector<1x16xf32>
        tpu.vector_store %arg31[%swap3A_856, %swap3A_857], %swap3A_860 {strides = array<i32>} : memref<128x32xf32, #tpu.memory_space<vmem>>, vector<1x16xf32>,
        %mul3A_861 = arith.constant 16 : i32
        %mul3A_862 = arith.muli %scan3A_146, %mul3A_861 : i32
        %add3A_863 = arith.constant 8 : i32
        %add3A_864 = arith.addi %mul3A_862, %add3A_863 : i32
        %slice3A_865 = vector.extract_strided_slice %add3A_163 {offsets = [8], sizes = [1], strides = [1]} : vector<16xf32> to vector<1xf32>
        %squeeze3A_866 = vector.extract %slice3A_865[0] : f32 from vector<1xf32>
        %broadcast_in_dim3A_867 = vector.broadcast %squeeze3A_866 : f32 to vector<16xf32>
        %slice3A_868 = vector.extract_strided_slice %sub3A {offsets = [8], sizes = [1], strides = [1]} : vector<16xf32> to vector<1xf32>
        %squeeze3A_869 = vector.extract %slice3A_868[0] : f32 from vector<1xf32>
        %broadcast_in_dim3A_870 = vector.broadcast %squeeze3A_869 : f32 to vector<16xf32>
        %slice3A_871 = vector.extract_strided_slice %sub3A_158 {offsets = [8], sizes = [1], strides = [1]} : vector<16xf32> to vector<1xf32>
        %squeeze3A_872 = vector.extract %slice3A_871[0] : f32 from vector<1xf32>
        %broadcast_in_dim3A_873 = vector.broadcast %squeeze3A_872 : f32 to vector<16xf32>
        %slice3A_874 = vector.extract_strided_slice %mul3A_157 {offsets = [8], sizes = [1], strides = [1]} : vector<16xf32> to vector<1xf32>
        %squeeze3A_875 = vector.extract %slice3A_874[0] : f32 from vector<1xf32>
        %broadcast_in_dim3A_876 = vector.broadcast %squeeze3A_875 : f32 to vector<16xf32>
        %get3A_877 = arith.index_cast %add3A_864 : i32 to index
        %get3A_878 = arith.constant 0 : index
        %get3A_879 = tpu.vector_load %arg32[%get3A_877, %get3A_878] {strides = array<i32>} : memref<128x16xi32, #tpu.memory_space<vmem>>, vector<1x16xi32>,
        %get3A_880 = vector.shape_cast %get3A_879 : vector<1x16xi32> to vector<16xi32>
        %shift_left3A_881 = arith.constant 16 : i32
        %shift_left3A_882 = vector.broadcast %shift_left3A_881 : i32 to vector<16xi32>
        %shift_left3A_883 = arith.shli %get3A_880, %shift_left3A_882 : vector<16xi32>
        %bitcast_convert_type3A_884 = tpu.bitcast %shift_left3A_883 : vector<16xi32> -> vector<16xf32>
        %and3A_885 = arith.constant -65536 : i32
        %and3A_886 = vector.broadcast %and3A_885 : i32 to vector<16xi32>
        %and3A_887 = arith.andi %get3A_880, %and3A_886 : vector<16xi32>
        %bitcast_convert_type3A_888 = tpu.bitcast %and3A_887 : vector<16xi32> -> vector<16xf32>
        %get3A_889 = arith.index_cast %add3A_864 : i32 to index
        %get3A_890 = arith.constant 0 : index
        %get3A_891 = tpu.vector_load %arg33[%get3A_889, %get3A_890] {strides = array<i32>} : memref<128x16xi32, #tpu.memory_space<vmem>>, vector<1x16xi32>,
        %get3A_892 = vector.shape_cast %get3A_891 : vector<1x16xi32> to vector<16xi32>
        %shift_left3A_893 = arith.constant 16 : i32
        %shift_left3A_894 = vector.broadcast %shift_left3A_893 : i32 to vector<16xi32>
        %shift_left3A_895 = arith.shli %get3A_892, %shift_left3A_894 : vector<16xi32>
        %bitcast_convert_type3A_896 = tpu.bitcast %shift_left3A_895 : vector<16xi32> -> vector<16xf32>
        %and3A_897 = arith.constant -65536 : i32
        %and3A_898 = vector.broadcast %and3A_897 : i32 to vector<16xi32>
        %and3A_899 = arith.andi %get3A_892, %and3A_898 : vector<16xi32>
        %bitcast_convert_type3A_900 = tpu.bitcast %and3A_899 : vector<16xi32> -> vector<16xf32>
        %get3A_901 = arith.index_cast %add3A_864 : i32 to index
        %get3A_902 = arith.constant 0 : index
        %get3A_903 = tpu.vector_load %arg34[%get3A_901, %get3A_902] {strides = array<i32>} : memref<128x16xi32, #tpu.memory_space<vmem>>, vector<1x16xi32>,
        %get3A_904 = vector.shape_cast %get3A_903 : vector<1x16xi32> to vector<16xi32>
        %shift_left3A_905 = arith.constant 16 : i32
        %shift_left3A_906 = vector.broadcast %shift_left3A_905 : i32 to vector<16xi32>
        %shift_left3A_907 = arith.shli %get3A_904, %shift_left3A_906 : vector<16xi32>
        %bitcast_convert_type3A_908 = tpu.bitcast %shift_left3A_907 : vector<16xi32> -> vector<16xf32>
        %and3A_909 = arith.constant -65536 : i32
        %and3A_910 = vector.broadcast %and3A_909 : i32 to vector<16xi32>
        %and3A_911 = arith.andi %get3A_904, %and3A_910 : vector<16xi32>
        %bitcast_convert_type3A_912 = tpu.bitcast %and3A_911 : vector<16xi32> -> vector<16xf32>
        %get3A_913 = arith.index_cast %add3A_864 : i32 to index
        %get3A_914 = arith.constant 0 : index
        %get3A_915 = tpu.vector_load %arg35[%get3A_913, %get3A_914] {strides = array<i32>} : memref<128x16xi32, #tpu.memory_space<vmem>>, vector<1x16xi32>,
        %get3A_916 = vector.shape_cast %get3A_915 : vector<1x16xi32> to vector<16xi32>
        %shift_left3A_917 = arith.constant 16 : i32
        %shift_left3A_918 = vector.broadcast %shift_left3A_917 : i32 to vector<16xi32>
        %shift_left3A_919 = arith.shli %get3A_916, %shift_left3A_918 : vector<16xi32>
        %bitcast_convert_type3A_920 = tpu.bitcast %shift_left3A_919 : vector<16xi32> -> vector<16xf32>
        %and3A_921 = arith.constant -65536 : i32
        %and3A_922 = vector.broadcast %and3A_921 : i32 to vector<16xi32>
        %and3A_923 = arith.andi %get3A_916, %and3A_922 : vector<16xi32>
        %bitcast_convert_type3A_924 = tpu.bitcast %and3A_923 : vector<16xi32> -> vector<16xf32>
        %mul3A_925 = arith.mulf %bitcast_convert_type3A_884, %broadcast_in_dim3A_867 : vector<16xf32>
        %mul3A_926 = arith.mulf %bitcast_convert_type3A_896, %broadcast_in_dim3A_870 : vector<16xf32>
        %add3A_927 = arith.addf %mul3A_925, %mul3A_926 : vector<16xf32>
        %mul3A_928 = arith.mulf %bitcast_convert_type3A_908, %broadcast_in_dim3A_873 : vector<16xf32>
        %add3A_929 = arith.addf %add3A_927, %mul3A_928 : vector<16xf32>
        %mul3A_930 = arith.mulf %bitcast_convert_type3A_920, %broadcast_in_dim3A_876 : vector<16xf32>
        %add3A_931 = arith.addf %add3A_929, %mul3A_930 : vector<16xf32>
        %swap3A_932 = arith.index_cast %add3A_864 : i32 to index
        %swap3A_933 = arith.constant 0 : index
        %swap3A_934 = tpu.vector_load %arg31[%swap3A_932, %swap3A_933] {strides = array<i32>} : memref<128x32xf32, #tpu.memory_space<vmem>>, vector<1x16xf32>,
        %swap3A_935 = vector.shape_cast %swap3A_934 : vector<1x16xf32> to vector<16xf32>
        %swap3A_936 = vector.shape_cast %add3A_931 : vector<16xf32> to vector<1x16xf32>
        tpu.vector_store %arg31[%swap3A_932, %swap3A_933], %swap3A_936 {strides = array<i32>} : memref<128x32xf32, #tpu.memory_space<vmem>>, vector<1x16xf32>,
        %mul3A_937 = arith.mulf %bitcast_convert_type3A_888, %broadcast_in_dim3A_867 : vector<16xf32>
        %mul3A_938 = arith.mulf %bitcast_convert_type3A_900, %broadcast_in_dim3A_870 : vector<16xf32>
        %add3A_939 = arith.addf %mul3A_937, %mul3A_938 : vector<16xf32>
        %mul3A_940 = arith.mulf %bitcast_convert_type3A_912, %broadcast_in_dim3A_873 : vector<16xf32>
        %add3A_941 = arith.addf %add3A_939, %mul3A_940 : vector<16xf32>
        %mul3A_942 = arith.mulf %bitcast_convert_type3A_924, %broadcast_in_dim3A_876 : vector<16xf32>
        %add3A_943 = arith.addf %add3A_941, %mul3A_942 : vector<16xf32>
        %swap3A_944 = arith.index_cast %add3A_864 : i32 to index
        %swap3A_945 = arith.constant 16 : index
        %swap3A_946 = tpu.vector_load %arg31[%swap3A_944, %swap3A_945] {strides = array<i32>} : memref<128x32xf32, #tpu.memory_space<vmem>>, vector<1x16xf32>,
        %swap3A_947 = vector.shape_cast %swap3A_946 : vector<1x16xf32> to vector<16xf32>
        %swap3A_948 = vector.shape_cast %add3A_943 : vector<16xf32> to vector<1x16xf32>
        tpu.vector_store %arg31[%swap3A_944, %swap3A_945], %swap3A_948 {strides = array<i32>} : memref<128x32xf32, #tpu.memory_space<vmem>>, vector<1x16xf32>,
        %mul3A_949 = arith.constant 16 : i32
        %mul3A_950 = arith.muli %scan3A_146, %mul3A_949 : i32
        %add3A_951 = arith.constant 9 : i32
        %add3A_952 = arith.addi %mul3A_950, %add3A_951 : i32
        %slice3A_953 = vector.extract_strided_slice %add3A_163 {offsets = [9], sizes = [1], strides = [1]} : vector<16xf32> to vector<1xf32>
        %squeeze3A_954 = vector.extract %slice3A_953[0] : f32 from vector<1xf32>
        %broadcast_in_dim3A_955 = vector.broadcast %squeeze3A_954 : f32 to vector<16xf32>
        %slice3A_956 = vector.extract_strided_slice %sub3A {offsets = [9], sizes = [1], strides = [1]} : vector<16xf32> to vector<1xf32>
        %squeeze3A_957 = vector.extract %slice3A_956[0] : f32 from vector<1xf32>
        %broadcast_in_dim3A_958 = vector.broadcast %squeeze3A_957 : f32 to vector<16xf32>
        %slice3A_959 = vector.extract_strided_slice %sub3A_158 {offsets = [9], sizes = [1], strides = [1]} : vector<16xf32> to vector<1xf32>
        %squeeze3A_960 = vector.extract %slice3A_959[0] : f32 from vector<1xf32>
        %broadcast_in_dim3A_961 = vector.broadcast %squeeze3A_960 : f32 to vector<16xf32>
        %slice3A_962 = vector.extract_strided_slice %mul3A_157 {offsets = [9], sizes = [1], strides = [1]} : vector<16xf32> to vector<1xf32>
        %squeeze3A_963 = vector.extract %slice3A_962[0] : f32 from vector<1xf32>
        %broadcast_in_dim3A_964 = vector.broadcast %squeeze3A_963 : f32 to vector<16xf32>
        %get3A_965 = arith.index_cast %add3A_952 : i32 to index
        %get3A_966 = arith.constant 0 : index
        %get3A_967 = tpu.vector_load %arg32[%get3A_965, %get3A_966] {strides = array<i32>} : memref<128x16xi32, #tpu.memory_space<vmem>>, vector<1x16xi32>,
        %get3A_968 = vector.shape_cast %get3A_967 : vector<1x16xi32> to vector<16xi32>
        %shift_left3A_969 = arith.constant 16 : i32
        %shift_left3A_970 = vector.broadcast %shift_left3A_969 : i32 to vector<16xi32>
        %shift_left3A_971 = arith.shli %get3A_968, %shift_left3A_970 : vector<16xi32>
        %bitcast_convert_type3A_972 = tpu.bitcast %shift_left3A_971 : vector<16xi32> -> vector<16xf32>
        %and3A_973 = arith.constant -65536 : i32
        %and3A_974 = vector.broadcast %and3A_973 : i32 to vector<16xi32>
        %and3A_975 = arith.andi %get3A_968, %and3A_974 : vector<16xi32>
        %bitcast_convert_type3A_976 = tpu.bitcast %and3A_975 : vector<16xi32> -> vector<16xf32>
        %get3A_977 = arith.index_cast %add3A_952 : i32 to index
        %get3A_978 = arith.constant 0 : index
        %get3A_979 = tpu.vector_load %arg33[%get3A_977, %get3A_978] {strides = array<i32>} : memref<128x16xi32, #tpu.memory_space<vmem>>, vector<1x16xi32>,
        %get3A_980 = vector.shape_cast %get3A_979 : vector<1x16xi32> to vector<16xi32>
        %shift_left3A_981 = arith.constant 16 : i32
        %shift_left3A_982 = vector.broadcast %shift_left3A_981 : i32 to vector<16xi32>
        %shift_left3A_983 = arith.shli %get3A_980, %shift_left3A_982 : vector<16xi32>
        %bitcast_convert_type3A_984 = tpu.bitcast %shift_left3A_983 : vector<16xi32> -> vector<16xf32>
        %and3A_985 = arith.constant -65536 : i32
        %and3A_986 = vector.broadcast %and3A_985 : i32 to vector<16xi32>
        %and3A_987 = arith.andi %get3A_980, %and3A_986 : vector<16xi32>
        %bitcast_convert_type3A_988 = tpu.bitcast %and3A_987 : vector<16xi32> -> vector<16xf32>
        %get3A_989 = arith.index_cast %add3A_952 : i32 to index
        %get3A_990 = arith.constant 0 : index
        %get3A_991 = tpu.vector_load %arg34[%get3A_989, %get3A_990] {strides = array<i32>} : memref<128x16xi32, #tpu.memory_space<vmem>>, vector<1x16xi32>,
        %get3A_992 = vector.shape_cast %get3A_991 : vector<1x16xi32> to vector<16xi32>
        %shift_left3A_993 = arith.constant 16 : i32
        %shift_left3A_994 = vector.broadcast %shift_left3A_993 : i32 to vector<16xi32>
        %shift_left3A_995 = arith.shli %get3A_992, %shift_left3A_994 : vector<16xi32>
        %bitcast_convert_type3A_996 = tpu.bitcast %shift_left3A_995 : vector<16xi32> -> vector<16xf32>
        %and3A_997 = arith.constant -65536 : i32
        %and3A_998 = vector.broadcast %and3A_997 : i32 to vector<16xi32>
        %and3A_999 = arith.andi %get3A_992, %and3A_998 : vector<16xi32>
        %bitcast_convert_type3A_1000 = tpu.bitcast %and3A_999 : vector<16xi32> -> vector<16xf32>
        %get3A_1001 = arith.index_cast %add3A_952 : i32 to index
        %get3A_1002 = arith.constant 0 : index
        %get3A_1003 = tpu.vector_load %arg35[%get3A_1001, %get3A_1002] {strides = array<i32>} : memref<128x16xi32, #tpu.memory_space<vmem>>, vector<1x16xi32>,
        %get3A_1004 = vector.shape_cast %get3A_1003 : vector<1x16xi32> to vector<16xi32>
        %shift_left3A_1005 = arith.constant 16 : i32
        %shift_left3A_1006 = vector.broadcast %shift_left3A_1005 : i32 to vector<16xi32>
        %shift_left3A_1007 = arith.shli %get3A_1004, %shift_left3A_1006 : vector<16xi32>
        %bitcast_convert_type3A_1008 = tpu.bitcast %shift_left3A_1007 : vector<16xi32> -> vector<16xf32>
        %and3A_1009 = arith.constant -65536 : i32
        %and3A_1010 = vector.broadcast %and3A_1009 : i32 to vector<16xi32>
        %and3A_1011 = arith.andi %get3A_1004, %and3A_1010 : vector<16xi32>
        %bitcast_convert_type3A_1012 = tpu.bitcast %and3A_1011 : vector<16xi32> -> vector<16xf32>
        %mul3A_1013 = arith.mulf %bitcast_convert_type3A_972, %broadcast_in_dim3A_955 : vector<16xf32>
        %mul3A_1014 = arith.mulf %bitcast_convert_type3A_984, %broadcast_in_dim3A_958 : vector<16xf32>
        %add3A_1015 = arith.addf %mul3A_1013, %mul3A_1014 : vector<16xf32>
        %mul3A_1016 = arith.mulf %bitcast_convert_type3A_996, %broadcast_in_dim3A_961 : vector<16xf32>
        %add3A_1017 = arith.addf %add3A_1015, %mul3A_1016 : vector<16xf32>
        %mul3A_1018 = arith.mulf %bitcast_convert_type3A_1008, %broadcast_in_dim3A_964 : vector<16xf32>
        %add3A_1019 = arith.addf %add3A_1017, %mul3A_1018 : vector<16xf32>
        %swap3A_1020 = arith.index_cast %add3A_952 : i32 to index
        %swap3A_1021 = arith.constant 0 : index
        %swap3A_1022 = tpu.vector_load %arg31[%swap3A_1020, %swap3A_1021] {strides = array<i32>} : memref<128x32xf32, #tpu.memory_space<vmem>>, vector<1x16xf32>,
        %swap3A_1023 = vector.shape_cast %swap3A_1022 : vector<1x16xf32> to vector<16xf32>
        %swap3A_1024 = vector.shape_cast %add3A_1019 : vector<16xf32> to vector<1x16xf32>
        tpu.vector_store %arg31[%swap3A_1020, %swap3A_1021], %swap3A_1024 {strides = array<i32>} : memref<128x32xf32, #tpu.memory_space<vmem>>, vector<1x16xf32>,
        %mul3A_1025 = arith.mulf %bitcast_convert_type3A_976, %broadcast_in_dim3A_955 : vector<16xf32>
        %mul3A_1026 = arith.mulf %bitcast_convert_type3A_988, %broadcast_in_dim3A_958 : vector<16xf32>
        %add3A_1027 = arith.addf %mul3A_1025, %mul3A_1026 : vector<16xf32>
        %mul3A_1028 = arith.mulf %bitcast_convert_type3A_1000, %broadcast_in_dim3A_961 : vector<16xf32>
        %add3A_1029 = arith.addf %add3A_1027, %mul3A_1028 : vector<16xf32>
        %mul3A_1030 = arith.mulf %bitcast_convert_type3A_1012, %broadcast_in_dim3A_964 : vector<16xf32>
        %add3A_1031 = arith.addf %add3A_1029, %mul3A_1030 : vector<16xf32>
        %swap3A_1032 = arith.index_cast %add3A_952 : i32 to index
        %swap3A_1033 = arith.constant 16 : index
        %swap3A_1034 = tpu.vector_load %arg31[%swap3A_1032, %swap3A_1033] {strides = array<i32>} : memref<128x32xf32, #tpu.memory_space<vmem>>, vector<1x16xf32>,
        %swap3A_1035 = vector.shape_cast %swap3A_1034 : vector<1x16xf32> to vector<16xf32>
        %swap3A_1036 = vector.shape_cast %add3A_1031 : vector<16xf32> to vector<1x16xf32>
        tpu.vector_store %arg31[%swap3A_1032, %swap3A_1033], %swap3A_1036 {strides = array<i32>} : memref<128x32xf32, #tpu.memory_space<vmem>>, vector<1x16xf32>,
        %mul3A_1037 = arith.constant 16 : i32
        %mul3A_1038 = arith.muli %scan3A_146, %mul3A_1037 : i32
        %add3A_1039 = arith.constant 10 : i32
        %add3A_1040 = arith.addi %mul3A_1038, %add3A_1039 : i32
        %slice3A_1041 = vector.extract_strided_slice %add3A_163 {offsets = [10], sizes = [1], strides = [1]} : vector<16xf32> to vector<1xf32>
        %squeeze3A_1042 = vector.extract %slice3A_1041[0] : f32 from vector<1xf32>
        %broadcast_in_dim3A_1043 = vector.broadcast %squeeze3A_1042 : f32 to vector<16xf32>
        %slice3A_1044 = vector.extract_strided_slice %sub3A {offsets = [10], sizes = [1], strides = [1]} : vector<16xf32> to vector<1xf32>
        %squeeze3A_1045 = vector.extract %slice3A_1044[0] : f32 from vector<1xf32>
        %broadcast_in_dim3A_1046 = vector.broadcast %squeeze3A_1045 : f32 to vector<16xf32>
        %slice3A_1047 = vector.extract_strided_slice %sub3A_158 {offsets = [10], sizes = [1], strides = [1]} : vector<16xf32> to vector<1xf32>
        %squeeze3A_1048 = vector.extract %slice3A_1047[0] : f32 from vector<1xf32>
        %broadcast_in_dim3A_1049 = vector.broadcast %squeeze3A_1048 : f32 to vector<16xf32>
        %slice3A_1050 = vector.extract_strided_slice %mul3A_157 {offsets = [10], sizes = [1], strides = [1]} : vector<16xf32> to vector<1xf32>
        %squeeze3A_1051 = vector.extract %slice3A_1050[0] : f32 from vector<1xf32>
        %broadcast_in_dim3A_1052 = vector.broadcast %squeeze3A_1051 : f32 to vector<16xf32>
        %get3A_1053 = arith.index_cast %add3A_1040 : i32 to index
        %get3A_1054 = arith.constant 0 : index
        %get3A_1055 = tpu.vector_load %arg32[%get3A_1053, %get3A_1054] {strides = array<i32>} : memref<128x16xi32, #tpu.memory_space<vmem>>, vector<1x16xi32>,
        %get3A_1056 = vector.shape_cast %get3A_1055 : vector<1x16xi32> to vector<16xi32>
        %shift_left3A_1057 = arith.constant 16 : i32
        %shift_left3A_1058 = vector.broadcast %shift_left3A_1057 : i32 to vector<16xi32>
        %shift_left3A_1059 = arith.shli %get3A_1056, %shift_left3A_1058 : vector<16xi32>
        %bitcast_convert_type3A_1060 = tpu.bitcast %shift_left3A_1059 : vector<16xi32> -> vector<16xf32>
        %and3A_1061 = arith.constant -65536 : i32
        %and3A_1062 = vector.broadcast %and3A_1061 : i32 to vector<16xi32>
        %and3A_1063 = arith.andi %get3A_1056, %and3A_1062 : vector<16xi32>
        %bitcast_convert_type3A_1064 = tpu.bitcast %and3A_1063 : vector<16xi32> -> vector<16xf32>
        %get3A_1065 = arith.index_cast %add3A_1040 : i32 to index
        %get3A_1066 = arith.constant 0 : index
        %get3A_1067 = tpu.vector_load %arg33[%get3A_1065, %get3A_1066] {strides = array<i32>} : memref<128x16xi32, #tpu.memory_space<vmem>>, vector<1x16xi32>,
        %get3A_1068 = vector.shape_cast %get3A_1067 : vector<1x16xi32> to vector<16xi32>
        %shift_left3A_1069 = arith.constant 16 : i32
        %shift_left3A_1070 = vector.broadcast %shift_left3A_1069 : i32 to vector<16xi32>
        %shift_left3A_1071 = arith.shli %get3A_1068, %shift_left3A_1070 : vector<16xi32>
        %bitcast_convert_type3A_1072 = tpu.bitcast %shift_left3A_1071 : vector<16xi32> -> vector<16xf32>
        %and3A_1073 = arith.constant -65536 : i32
        %and3A_1074 = vector.broadcast %and3A_1073 : i32 to vector<16xi32>
        %and3A_1075 = arith.andi %get3A_1068, %and3A_1074 : vector<16xi32>
        %bitcast_convert_type3A_1076 = tpu.bitcast %and3A_1075 : vector<16xi32> -> vector<16xf32>
        %get3A_1077 = arith.index_cast %add3A_1040 : i32 to index
        %get3A_1078 = arith.constant 0 : index
        %get3A_1079 = tpu.vector_load %arg34[%get3A_1077, %get3A_1078] {strides = array<i32>} : memref<128x16xi32, #tpu.memory_space<vmem>>, vector<1x16xi32>,
        %get3A_1080 = vector.shape_cast %get3A_1079 : vector<1x16xi32> to vector<16xi32>
        %shift_left3A_1081 = arith.constant 16 : i32
        %shift_left3A_1082 = vector.broadcast %shift_left3A_1081 : i32 to vector<16xi32>
        %shift_left3A_1083 = arith.shli %get3A_1080, %shift_left3A_1082 : vector<16xi32>
        %bitcast_convert_type3A_1084 = tpu.bitcast %shift_left3A_1083 : vector<16xi32> -> vector<16xf32>
        %and3A_1085 = arith.constant -65536 : i32
        %and3A_1086 = vector.broadcast %and3A_1085 : i32 to vector<16xi32>
        %and3A_1087 = arith.andi %get3A_1080, %and3A_1086 : vector<16xi32>
        %bitcast_convert_type3A_1088 = tpu.bitcast %and3A_1087 : vector<16xi32> -> vector<16xf32>
        %get3A_1089 = arith.index_cast %add3A_1040 : i32 to index
        %get3A_1090 = arith.constant 0 : index
        %get3A_1091 = tpu.vector_load %arg35[%get3A_1089, %get3A_1090] {strides = array<i32>} : memref<128x16xi32, #tpu.memory_space<vmem>>, vector<1x16xi32>,
        %get3A_1092 = vector.shape_cast %get3A_1091 : vector<1x16xi32> to vector<16xi32>
        %shift_left3A_1093 = arith.constant 16 : i32
        %shift_left3A_1094 = vector.broadcast %shift_left3A_1093 : i32 to vector<16xi32>
        %shift_left3A_1095 = arith.shli %get3A_1092, %shift_left3A_1094 : vector<16xi32>
        %bitcast_convert_type3A_1096 = tpu.bitcast %shift_left3A_1095 : vector<16xi32> -> vector<16xf32>
        %and3A_1097 = arith.constant -65536 : i32
        %and3A_1098 = vector.broadcast %and3A_1097 : i32 to vector<16xi32>
        %and3A_1099 = arith.andi %get3A_1092, %and3A_1098 : vector<16xi32>
        %bitcast_convert_type3A_1100 = tpu.bitcast %and3A_1099 : vector<16xi32> -> vector<16xf32>
        %mul3A_1101 = arith.mulf %bitcast_convert_type3A_1060, %broadcast_in_dim3A_1043 : vector<16xf32>
        %mul3A_1102 = arith.mulf %bitcast_convert_type3A_1072, %broadcast_in_dim3A_1046 : vector<16xf32>
        %add3A_1103 = arith.addf %mul3A_1101, %mul3A_1102 : vector<16xf32>
        %mul3A_1104 = arith.mulf %bitcast_convert_type3A_1084, %broadcast_in_dim3A_1049 : vector<16xf32>
        %add3A_1105 = arith.addf %add3A_1103, %mul3A_1104 : vector<16xf32>
        %mul3A_1106 = arith.mulf %bitcast_convert_type3A_1096, %broadcast_in_dim3A_1052 : vector<16xf32>
        %add3A_1107 = arith.addf %add3A_1105, %mul3A_1106 : vector<16xf32>
        %swap3A_1108 = arith.index_cast %add3A_1040 : i32 to index
        %swap3A_1109 = arith.constant 0 : index
        %swap3A_1110 = tpu.vector_load %arg31[%swap3A_1108, %swap3A_1109] {strides = array<i32>} : memref<128x32xf32, #tpu.memory_space<vmem>>, vector<1x16xf32>,
        %swap3A_1111 = vector.shape_cast %swap3A_1110 : vector<1x16xf32> to vector<16xf32>
        %swap3A_1112 = vector.shape_cast %add3A_1107 : vector<16xf32> to vector<1x16xf32>
        tpu.vector_store %arg31[%swap3A_1108, %swap3A_1109], %swap3A_1112 {strides = array<i32>} : memref<128x32xf32, #tpu.memory_space<vmem>>, vector<1x16xf32>,
        %mul3A_1113 = arith.mulf %bitcast_convert_type3A_1064, %broadcast_in_dim3A_1043 : vector<16xf32>
        %mul3A_1114 = arith.mulf %bitcast_convert_type3A_1076, %broadcast_in_dim3A_1046 : vector<16xf32>
        %add3A_1115 = arith.addf %mul3A_1113, %mul3A_1114 : vector<16xf32>
        %mul3A_1116 = arith.mulf %bitcast_convert_type3A_1088, %broadcast_in_dim3A_1049 : vector<16xf32>
        %add3A_1117 = arith.addf %add3A_1115, %mul3A_1116 : vector<16xf32>
        %mul3A_1118 = arith.mulf %bitcast_convert_type3A_1100, %broadcast_in_dim3A_1052 : vector<16xf32>
        %add3A_1119 = arith.addf %add3A_1117, %mul3A_1118 : vector<16xf32>
        %swap3A_1120 = arith.index_cast %add3A_1040 : i32 to index
        %swap3A_1121 = arith.constant 16 : index
        %swap3A_1122 = tpu.vector_load %arg31[%swap3A_1120, %swap3A_1121] {strides = array<i32>} : memref<128x32xf32, #tpu.memory_space<vmem>>, vector<1x16xf32>,
        %swap3A_1123 = vector.shape_cast %swap3A_1122 : vector<1x16xf32> to vector<16xf32>
        %swap3A_1124 = vector.shape_cast %add3A_1119 : vector<16xf32> to vector<1x16xf32>
        tpu.vector_store %arg31[%swap3A_1120, %swap3A_1121], %swap3A_1124 {strides = array<i32>} : memref<128x32xf32, #tpu.memory_space<vmem>>, vector<1x16xf32>,
        %mul3A_1125 = arith.constant 16 : i32
        %mul3A_1126 = arith.muli %scan3A_146, %mul3A_1125 : i32
        %add3A_1127 = arith.constant 11 : i32
        %add3A_1128 = arith.addi %mul3A_1126, %add3A_1127 : i32
        %slice3A_1129 = vector.extract_strided_slice %add3A_163 {offsets = [11], sizes = [1], strides = [1]} : vector<16xf32> to vector<1xf32>
        %squeeze3A_1130 = vector.extract %slice3A_1129[0] : f32 from vector<1xf32>
        %broadcast_in_dim3A_1131 = vector.broadcast %squeeze3A_1130 : f32 to vector<16xf32>
        %slice3A_1132 = vector.extract_strided_slice %sub3A {offsets = [11], sizes = [1], strides = [1]} : vector<16xf32> to vector<1xf32>
        %squeeze3A_1133 = vector.extract %slice3A_1132[0] : f32 from vector<1xf32>
        %broadcast_in_dim3A_1134 = vector.broadcast %squeeze3A_1133 : f32 to vector<16xf32>
        %slice3A_1135 = vector.extract_strided_slice %sub3A_158 {offsets = [11], sizes = [1], strides = [1]} : vector<16xf32> to vector<1xf32>
        %squeeze3A_1136 = vector.extract %slice3A_1135[0] : f32 from vector<1xf32>
        %broadcast_in_dim3A_1137 = vector.broadcast %squeeze3A_1136 : f32 to vector<16xf32>
        %slice3A_1138 = vector.extract_strided_slice %mul3A_157 {offsets = [11], sizes = [1], strides = [1]} : vector<16xf32> to vector<1xf32>
        %squeeze3A_1139 = vector.extract %slice3A_1138[0] : f32 from vector<1xf32>
        %broadcast_in_dim3A_1140 = vector.broadcast %squeeze3A_1139 : f32 to vector<16xf32>
        %get3A_1141 = arith.index_cast %add3A_1128 : i32 to index
        %get3A_1142 = arith.constant 0 : index
        %get3A_1143 = tpu.vector_load %arg32[%get3A_1141, %get3A_1142] {strides = array<i32>} : memref<128x16xi32, #tpu.memory_space<vmem>>, vector<1x16xi32>,
        %get3A_1144 = vector.shape_cast %get3A_1143 : vector<1x16xi32> to vector<16xi32>
        %shift_left3A_1145 = arith.constant 16 : i32
        %shift_left3A_1146 = vector.broadcast %shift_left3A_1145 : i32 to vector<16xi32>
        %shift_left3A_1147 = arith.shli %get3A_1144, %shift_left3A_1146 : vector<16xi32>
        %bitcast_convert_type3A_1148 = tpu.bitcast %shift_left3A_1147 : vector<16xi32> -> vector<16xf32>
        %and3A_1149 = arith.constant -65536 : i32
        %and3A_1150 = vector.broadcast %and3A_1149 : i32 to vector<16xi32>
        %and3A_1151 = arith.andi %get3A_1144, %and3A_1150 : vector<16xi32>
        %bitcast_convert_type3A_1152 = tpu.bitcast %and3A_1151 : vector<16xi32> -> vector<16xf32>
        %get3A_1153 = arith.index_cast %add3A_1128 : i32 to index
        %get3A_1154 = arith.constant 0 : index
        %get3A_1155 = tpu.vector_load %arg33[%get3A_1153, %get3A_1154] {strides = array<i32>} : memref<128x16xi32, #tpu.memory_space<vmem>>, vector<1x16xi32>,
        %get3A_1156 = vector.shape_cast %get3A_1155 : vector<1x16xi32> to vector<16xi32>
        %shift_left3A_1157 = arith.constant 16 : i32
        %shift_left3A_1158 = vector.broadcast %shift_left3A_1157 : i32 to vector<16xi32>
        %shift_left3A_1159 = arith.shli %get3A_1156, %shift_left3A_1158 : vector<16xi32>
        %bitcast_convert_type3A_1160 = tpu.bitcast %shift_left3A_1159 : vector<16xi32> -> vector<16xf32>
        %and3A_1161 = arith.constant -65536 : i32
        %and3A_1162 = vector.broadcast %and3A_1161 : i32 to vector<16xi32>
        %and3A_1163 = arith.andi %get3A_1156, %and3A_1162 : vector<16xi32>
        %bitcast_convert_type3A_1164 = tpu.bitcast %and3A_1163 : vector<16xi32> -> vector<16xf32>
        %get3A_1165 = arith.index_cast %add3A_1128 : i32 to index
        %get3A_1166 = arith.constant 0 : index
        %get3A_1167 = tpu.vector_load %arg34[%get3A_1165, %get3A_1166] {strides = array<i32>} : memref<128x16xi32, #tpu.memory_space<vmem>>, vector<1x16xi32>,
        %get3A_1168 = vector.shape_cast %get3A_1167 : vector<1x16xi32> to vector<16xi32>
        %shift_left3A_1169 = arith.constant 16 : i32
        %shift_left3A_1170 = vector.broadcast %shift_left3A_1169 : i32 to vector<16xi32>
        %shift_left3A_1171 = arith.shli %get3A_1168, %shift_left3A_1170 : vector<16xi32>
        %bitcast_convert_type3A_1172 = tpu.bitcast %shift_left3A_1171 : vector<16xi32> -> vector<16xf32>
        %and3A_1173 = arith.constant -65536 : i32
        %and3A_1174 = vector.broadcast %and3A_1173 : i32 to vector<16xi32>
        %and3A_1175 = arith.andi %get3A_1168, %and3A_1174 : vector<16xi32>
        %bitcast_convert_type3A_1176 = tpu.bitcast %and3A_1175 : vector<16xi32> -> vector<16xf32>
        %get3A_1177 = arith.index_cast %add3A_1128 : i32 to index
        %get3A_1178 = arith.constant 0 : index
        %get3A_1179 = tpu.vector_load %arg35[%get3A_1177, %get3A_1178] {strides = array<i32>} : memref<128x16xi32, #tpu.memory_space<vmem>>, vector<1x16xi32>,
        %get3A_1180 = vector.shape_cast %get3A_1179 : vector<1x16xi32> to vector<16xi32>
        %shift_left3A_1181 = arith.constant 16 : i32
        %shift_left3A_1182 = vector.broadcast %shift_left3A_1181 : i32 to vector<16xi32>
        %shift_left3A_1183 = arith.shli %get3A_1180, %shift_left3A_1182 : vector<16xi32>
        %bitcast_convert_type3A_1184 = tpu.bitcast %shift_left3A_1183 : vector<16xi32> -> vector<16xf32>
        %and3A_1185 = arith.constant -65536 : i32
        %and3A_1186 = vector.broadcast %and3A_1185 : i32 to vector<16xi32>
        %and3A_1187 = arith.andi %get3A_1180, %and3A_1186 : vector<16xi32>
        %bitcast_convert_type3A_1188 = tpu.bitcast %and3A_1187 : vector<16xi32> -> vector<16xf32>
        %mul3A_1189 = arith.mulf %bitcast_convert_type3A_1148, %broadcast_in_dim3A_1131 : vector<16xf32>
        %mul3A_1190 = arith.mulf %bitcast_convert_type3A_1160, %broadcast_in_dim3A_1134 : vector<16xf32>
        %add3A_1191 = arith.addf %mul3A_1189, %mul3A_1190 : vector<16xf32>
        %mul3A_1192 = arith.mulf %bitcast_convert_type3A_1172, %broadcast_in_dim3A_1137 : vector<16xf32>
        %add3A_1193 = arith.addf %add3A_1191, %mul3A_1192 : vector<16xf32>
        %mul3A_1194 = arith.mulf %bitcast_convert_type3A_1184, %broadcast_in_dim3A_1140 : vector<16xf32>
        %add3A_1195 = arith.addf %add3A_1193, %mul3A_1194 : vector<16xf32>
        %swap3A_1196 = arith.index_cast %add3A_1128 : i32 to index
        %swap3A_1197 = arith.constant 0 : index
        %swap3A_1198 = tpu.vector_load %arg31[%swap3A_1196, %swap3A_1197] {strides = array<i32>} : memref<128x32xf32, #tpu.memory_space<vmem>>, vector<1x16xf32>,
        %swap3A_1199 = vector.shape_cast %swap3A_1198 : vector<1x16xf32> to vector<16xf32>
        %swap3A_1200 = vector.shape_cast %add3A_1195 : vector<16xf32> to vector<1x16xf32>
        tpu.vector_store %arg31[%swap3A_1196, %swap3A_1197], %swap3A_1200 {strides = array<i32>} : memref<128x32xf32, #tpu.memory_space<vmem>>, vector<1x16xf32>,
        %mul3A_1201 = arith.mulf %bitcast_convert_type3A_1152, %broadcast_in_dim3A_1131 : vector<16xf32>
        %mul3A_1202 = arith.mulf %bitcast_convert_type3A_1164, %broadcast_in_dim3A_1134 : vector<16xf32>
        %add3A_1203 = arith.addf %mul3A_1201, %mul3A_1202 : vector<16xf32>
        %mul3A_1204 = arith.mulf %bitcast_convert_type3A_1176, %broadcast_in_dim3A_1137 : vector<16xf32>
        %add3A_1205 = arith.addf %add3A_1203, %mul3A_1204 : vector<16xf32>
        %mul3A_1206 = arith.mulf %bitcast_convert_type3A_1188, %broadcast_in_dim3A_1140 : vector<16xf32>
        %add3A_1207 = arith.addf %add3A_1205, %mul3A_1206 : vector<16xf32>
        %swap3A_1208 = arith.index_cast %add3A_1128 : i32 to index
        %swap3A_1209 = arith.constant 16 : index
        %swap3A_1210 = tpu.vector_load %arg31[%swap3A_1208, %swap3A_1209] {strides = array<i32>} : memref<128x32xf32, #tpu.memory_space<vmem>>, vector<1x16xf32>,
        %swap3A_1211 = vector.shape_cast %swap3A_1210 : vector<1x16xf32> to vector<16xf32>
        %swap3A_1212 = vector.shape_cast %add3A_1207 : vector<16xf32> to vector<1x16xf32>
        tpu.vector_store %arg31[%swap3A_1208, %swap3A_1209], %swap3A_1212 {strides = array<i32>} : memref<128x32xf32, #tpu.memory_space<vmem>>, vector<1x16xf32>,
        %mul3A_1213 = arith.constant 16 : i32
        %mul3A_1214 = arith.muli %scan3A_146, %mul3A_1213 : i32
        %add3A_1215 = arith.constant 12 : i32
        %add3A_1216 = arith.addi %mul3A_1214, %add3A_1215 : i32
        %slice3A_1217 = vector.extract_strided_slice %add3A_163 {offsets = [12], sizes = [1], strides = [1]} : vector<16xf32> to vector<1xf32>
        %squeeze3A_1218 = vector.extract %slice3A_1217[0] : f32 from vector<1xf32>
        %broadcast_in_dim3A_1219 = vector.broadcast %squeeze3A_1218 : f32 to vector<16xf32>
        %slice3A_1220 = vector.extract_strided_slice %sub3A {offsets = [12], sizes = [1], strides = [1]} : vector<16xf32> to vector<1xf32>
        %squeeze3A_1221 = vector.extract %slice3A_1220[0] : f32 from vector<1xf32>
        %broadcast_in_dim3A_1222 = vector.broadcast %squeeze3A_1221 : f32 to vector<16xf32>
        %slice3A_1223 = vector.extract_strided_slice %sub3A_158 {offsets = [12], sizes = [1], strides = [1]} : vector<16xf32> to vector<1xf32>
        %squeeze3A_1224 = vector.extract %slice3A_1223[0] : f32 from vector<1xf32>
        %broadcast_in_dim3A_1225 = vector.broadcast %squeeze3A_1224 : f32 to vector<16xf32>
        %slice3A_1226 = vector.extract_strided_slice %mul3A_157 {offsets = [12], sizes = [1], strides = [1]} : vector<16xf32> to vector<1xf32>
        %squeeze3A_1227 = vector.extract %slice3A_1226[0] : f32 from vector<1xf32>
        %broadcast_in_dim3A_1228 = vector.broadcast %squeeze3A_1227 : f32 to vector<16xf32>
        %get3A_1229 = arith.index_cast %add3A_1216 : i32 to index
        %get3A_1230 = arith.constant 0 : index
        %get3A_1231 = tpu.vector_load %arg32[%get3A_1229, %get3A_1230] {strides = array<i32>} : memref<128x16xi32, #tpu.memory_space<vmem>>, vector<1x16xi32>,
        %get3A_1232 = vector.shape_cast %get3A_1231 : vector<1x16xi32> to vector<16xi32>
        %shift_left3A_1233 = arith.constant 16 : i32
        %shift_left3A_1234 = vector.broadcast %shift_left3A_1233 : i32 to vector<16xi32>
        %shift_left3A_1235 = arith.shli %get3A_1232, %shift_left3A_1234 : vector<16xi32>
        %bitcast_convert_type3A_1236 = tpu.bitcast %shift_left3A_1235 : vector<16xi32> -> vector<16xf32>
        %and3A_1237 = arith.constant -65536 : i32
        %and3A_1238 = vector.broadcast %and3A_1237 : i32 to vector<16xi32>
        %and3A_1239 = arith.andi %get3A_1232, %and3A_1238 : vector<16xi32>
        %bitcast_convert_type3A_1240 = tpu.bitcast %and3A_1239 : vector<16xi32> -> vector<16xf32>
        %get3A_1241 = arith.index_cast %add3A_1216 : i32 to index
        %get3A_1242 = arith.constant 0 : index
        %get3A_1243 = tpu.vector_load %arg33[%get3A_1241, %get3A_1242] {strides = array<i32>} : memref<128x16xi32, #tpu.memory_space<vmem>>, vector<1x16xi32>,
        %get3A_1244 = vector.shape_cast %get3A_1243 : vector<1x16xi32> to vector<16xi32>
        %shift_left3A_1245 = arith.constant 16 : i32
        %shift_left3A_1246 = vector.broadcast %shift_left3A_1245 : i32 to vector<16xi32>
        %shift_left3A_1247 = arith.shli %get3A_1244, %shift_left3A_1246 : vector<16xi32>
        %bitcast_convert_type3A_1248 = tpu.bitcast %shift_left3A_1247 : vector<16xi32> -> vector<16xf32>
        %and3A_1249 = arith.constant -65536 : i32
        %and3A_1250 = vector.broadcast %and3A_1249 : i32 to vector<16xi32>
        %and3A_1251 = arith.andi %get3A_1244, %and3A_1250 : vector<16xi32>
        %bitcast_convert_type3A_1252 = tpu.bitcast %and3A_1251 : vector<16xi32> -> vector<16xf32>
        %get3A_1253 = arith.index_cast %add3A_1216 : i32 to index
        %get3A_1254 = arith.constant 0 : index
        %get3A_1255 = tpu.vector_load %arg34[%get3A_1253, %get3A_1254] {strides = array<i32>} : memref<128x16xi32, #tpu.memory_space<vmem>>, vector<1x16xi32>,
        %get3A_1256 = vector.shape_cast %get3A_1255 : vector<1x16xi32> to vector<16xi32>
        %shift_left3A_1257 = arith.constant 16 : i32
        %shift_left3A_1258 = vector.broadcast %shift_left3A_1257 : i32 to vector<16xi32>
        %shift_left3A_1259 = arith.shli %get3A_1256, %shift_left3A_1258 : vector<16xi32>
        %bitcast_convert_type3A_1260 = tpu.bitcast %shift_left3A_1259 : vector<16xi32> -> vector<16xf32>
        %and3A_1261 = arith.constant -65536 : i32
        %and3A_1262 = vector.broadcast %and3A_1261 : i32 to vector<16xi32>
        %and3A_1263 = arith.andi %get3A_1256, %and3A_1262 : vector<16xi32>
        %bitcast_convert_type3A_1264 = tpu.bitcast %and3A_1263 : vector<16xi32> -> vector<16xf32>
        %get3A_1265 = arith.index_cast %add3A_1216 : i32 to index
        %get3A_1266 = arith.constant 0 : index
        %get3A_1267 = tpu.vector_load %arg35[%get3A_1265, %get3A_1266] {strides = array<i32>} : memref<128x16xi32, #tpu.memory_space<vmem>>, vector<1x16xi32>,
        %get3A_1268 = vector.shape_cast %get3A_1267 : vector<1x16xi32> to vector<16xi32>
        %shift_left3A_1269 = arith.constant 16 : i32
        %shift_left3A_1270 = vector.broadcast %shift_left3A_1269 : i32 to vector<16xi32>
        %shift_left3A_1271 = arith.shli %get3A_1268, %shift_left3A_1270 : vector<16xi32>
        %bitcast_convert_type3A_1272 = tpu.bitcast %shift_left3A_1271 : vector<16xi32> -> vector<16xf32>
        %and3A_1273 = arith.constant -65536 : i32
        %and3A_1274 = vector.broadcast %and3A_1273 : i32 to vector<16xi32>
        %and3A_1275 = arith.andi %get3A_1268, %and3A_1274 : vector<16xi32>
        %bitcast_convert_type3A_1276 = tpu.bitcast %and3A_1275 : vector<16xi32> -> vector<16xf32>
        %mul3A_1277 = arith.mulf %bitcast_convert_type3A_1236, %broadcast_in_dim3A_1219 : vector<16xf32>
        %mul3A_1278 = arith.mulf %bitcast_convert_type3A_1248, %broadcast_in_dim3A_1222 : vector<16xf32>
        %add3A_1279 = arith.addf %mul3A_1277, %mul3A_1278 : vector<16xf32>
        %mul3A_1280 = arith.mulf %bitcast_convert_type3A_1260, %broadcast_in_dim3A_1225 : vector<16xf32>
        %add3A_1281 = arith.addf %add3A_1279, %mul3A_1280 : vector<16xf32>
        %mul3A_1282 = arith.mulf %bitcast_convert_type3A_1272, %broadcast_in_dim3A_1228 : vector<16xf32>
        %add3A_1283 = arith.addf %add3A_1281, %mul3A_1282 : vector<16xf32>
        %swap3A_1284 = arith.index_cast %add3A_1216 : i32 to index
        %swap3A_1285 = arith.constant 0 : index
        %swap3A_1286 = tpu.vector_load %arg31[%swap3A_1284, %swap3A_1285] {strides = array<i32>} : memref<128x32xf32, #tpu.memory_space<vmem>>, vector<1x16xf32>,
        %swap3A_1287 = vector.shape_cast %swap3A_1286 : vector<1x16xf32> to vector<16xf32>
        %swap3A_1288 = vector.shape_cast %add3A_1283 : vector<16xf32> to vector<1x16xf32>
        tpu.vector_store %arg31[%swap3A_1284, %swap3A_1285], %swap3A_1288 {strides = array<i32>} : memref<128x32xf32, #tpu.memory_space<vmem>>, vector<1x16xf32>,
        %mul3A_1289 = arith.mulf %bitcast_convert_type3A_1240, %broadcast_in_dim3A_1219 : vector<16xf32>
        %mul3A_1290 = arith.mulf %bitcast_convert_type3A_1252, %broadcast_in_dim3A_1222 : vector<16xf32>
        %add3A_1291 = arith.addf %mul3A_1289, %mul3A_1290 : vector<16xf32>
        %mul3A_1292 = arith.mulf %bitcast_convert_type3A_1264, %broadcast_in_dim3A_1225 : vector<16xf32>
        %add3A_1293 = arith.addf %add3A_1291, %mul3A_1292 : vector<16xf32>
        %mul3A_1294 = arith.mulf %bitcast_convert_type3A_1276, %broadcast_in_dim3A_1228 : vector<16xf32>
        %add3A_1295 = arith.addf %add3A_1293, %mul3A_1294 : vector<16xf32>
        %swap3A_1296 = arith.index_cast %add3A_1216 : i32 to index
        %swap3A_1297 = arith.constant 16 : index
        %swap3A_1298 = tpu.vector_load %arg31[%swap3A_1296, %swap3A_1297] {strides = array<i32>} : memref<128x32xf32, #tpu.memory_space<vmem>>, vector<1x16xf32>,
        %swap3A_1299 = vector.shape_cast %swap3A_1298 : vector<1x16xf32> to vector<16xf32>
        %swap3A_1300 = vector.shape_cast %add3A_1295 : vector<16xf32> to vector<1x16xf32>
        tpu.vector_store %arg31[%swap3A_1296, %swap3A_1297], %swap3A_1300 {strides = array<i32>} : memref<128x32xf32, #tpu.memory_space<vmem>>, vector<1x16xf32>,
        %mul3A_1301 = arith.constant 16 : i32
        %mul3A_1302 = arith.muli %scan3A_146, %mul3A_1301 : i32
        %add3A_1303 = arith.constant 13 : i32
        %add3A_1304 = arith.addi %mul3A_1302, %add3A_1303 : i32
        %slice3A_1305 = vector.extract_strided_slice %add3A_163 {offsets = [13], sizes = [1], strides = [1]} : vector<16xf32> to vector<1xf32>
        %squeeze3A_1306 = vector.extract %slice3A_1305[0] : f32 from vector<1xf32>
        %broadcast_in_dim3A_1307 = vector.broadcast %squeeze3A_1306 : f32 to vector<16xf32>
        %slice3A_1308 = vector.extract_strided_slice %sub3A {offsets = [13], sizes = [1], strides = [1]} : vector<16xf32> to vector<1xf32>
        %squeeze3A_1309 = vector.extract %slice3A_1308[0] : f32 from vector<1xf32>
        %broadcast_in_dim3A_1310 = vector.broadcast %squeeze3A_1309 : f32 to vector<16xf32>
        %slice3A_1311 = vector.extract_strided_slice %sub3A_158 {offsets = [13], sizes = [1], strides = [1]} : vector<16xf32> to vector<1xf32>
        %squeeze3A_1312 = vector.extract %slice3A_1311[0] : f32 from vector<1xf32>
        %broadcast_in_dim3A_1313 = vector.broadcast %squeeze3A_1312 : f32 to vector<16xf32>
        %slice3A_1314 = vector.extract_strided_slice %mul3A_157 {offsets = [13], sizes = [1], strides = [1]} : vector<16xf32> to vector<1xf32>
        %squeeze3A_1315 = vector.extract %slice3A_1314[0] : f32 from vector<1xf32>
        %broadcast_in_dim3A_1316 = vector.broadcast %squeeze3A_1315 : f32 to vector<16xf32>
        %get3A_1317 = arith.index_cast %add3A_1304 : i32 to index
        %get3A_1318 = arith.constant 0 : index
        %get3A_1319 = tpu.vector_load %arg32[%get3A_1317, %get3A_1318] {strides = array<i32>} : memref<128x16xi32, #tpu.memory_space<vmem>>, vector<1x16xi32>,
        %get3A_1320 = vector.shape_cast %get3A_1319 : vector<1x16xi32> to vector<16xi32>
        %shift_left3A_1321 = arith.constant 16 : i32
        %shift_left3A_1322 = vector.broadcast %shift_left3A_1321 : i32 to vector<16xi32>
        %shift_left3A_1323 = arith.shli %get3A_1320, %shift_left3A_1322 : vector<16xi32>
        %bitcast_convert_type3A_1324 = tpu.bitcast %shift_left3A_1323 : vector<16xi32> -> vector<16xf32>
        %and3A_1325 = arith.constant -65536 : i32
        %and3A_1326 = vector.broadcast %and3A_1325 : i32 to vector<16xi32>
        %and3A_1327 = arith.andi %get3A_1320, %and3A_1326 : vector<16xi32>
        %bitcast_convert_type3A_1328 = tpu.bitcast %and3A_1327 : vector<16xi32> -> vector<16xf32>
        %get3A_1329 = arith.index_cast %add3A_1304 : i32 to index
        %get3A_1330 = arith.constant 0 : index
        %get3A_1331 = tpu.vector_load %arg33[%get3A_1329, %get3A_1330] {strides = array<i32>} : memref<128x16xi32, #tpu.memory_space<vmem>>, vector<1x16xi32>,
        %get3A_1332 = vector.shape_cast %get3A_1331 : vector<1x16xi32> to vector<16xi32>
        %shift_left3A_1333 = arith.constant 16 : i32
        %shift_left3A_1334 = vector.broadcast %shift_left3A_1333 : i32 to vector<16xi32>
        %shift_left3A_1335 = arith.shli %get3A_1332, %shift_left3A_1334 : vector<16xi32>
        %bitcast_convert_type3A_1336 = tpu.bitcast %shift_left3A_1335 : vector<16xi32> -> vector<16xf32>
        %and3A_1337 = arith.constant -65536 : i32
        %and3A_1338 = vector.broadcast %and3A_1337 : i32 to vector<16xi32>
        %and3A_1339 = arith.andi %get3A_1332, %and3A_1338 : vector<16xi32>
        %bitcast_convert_type3A_1340 = tpu.bitcast %and3A_1339 : vector<16xi32> -> vector<16xf32>
        %get3A_1341 = arith.index_cast %add3A_1304 : i32 to index
        %get3A_1342 = arith.constant 0 : index
        %get3A_1343 = tpu.vector_load %arg34[%get3A_1341, %get3A_1342] {strides = array<i32>} : memref<128x16xi32, #tpu.memory_space<vmem>>, vector<1x16xi32>,
        %get3A_1344 = vector.shape_cast %get3A_1343 : vector<1x16xi32> to vector<16xi32>
        %shift_left3A_1345 = arith.constant 16 : i32
        %shift_left3A_1346 = vector.broadcast %shift_left3A_1345 : i32 to vector<16xi32>
        %shift_left3A_1347 = arith.shli %get3A_1344, %shift_left3A_1346 : vector<16xi32>
        %bitcast_convert_type3A_1348 = tpu.bitcast %shift_left3A_1347 : vector<16xi32> -> vector<16xf32>
        %and3A_1349 = arith.constant -65536 : i32
        %and3A_1350 = vector.broadcast %and3A_1349 : i32 to vector<16xi32>
        %and3A_1351 = arith.andi %get3A_1344, %and3A_1350 : vector<16xi32>
        %bitcast_convert_type3A_1352 = tpu.bitcast %and3A_1351 : vector<16xi32> -> vector<16xf32>
        %get3A_1353 = arith.index_cast %add3A_1304 : i32 to index
        %get3A_1354 = arith.constant 0 : index
        %get3A_1355 = tpu.vector_load %arg35[%get3A_1353, %get3A_1354] {strides = array<i32>} : memref<128x16xi32, #tpu.memory_space<vmem>>, vector<1x16xi32>,
        %get3A_1356 = vector.shape_cast %get3A_1355 : vector<1x16xi32> to vector<16xi32>
        %shift_left3A_1357 = arith.constant 16 : i32
        %shift_left3A_1358 = vector.broadcast %shift_left3A_1357 : i32 to vector<16xi32>
        %shift_left3A_1359 = arith.shli %get3A_1356, %shift_left3A_1358 : vector<16xi32>
        %bitcast_convert_type3A_1360 = tpu.bitcast %shift_left3A_1359 : vector<16xi32> -> vector<16xf32>
        %and3A_1361 = arith.constant -65536 : i32
        %and3A_1362 = vector.broadcast %and3A_1361 : i32 to vector<16xi32>
        %and3A_1363 = arith.andi %get3A_1356, %and3A_1362 : vector<16xi32>
        %bitcast_convert_type3A_1364 = tpu.bitcast %and3A_1363 : vector<16xi32> -> vector<16xf32>
        %mul3A_1365 = arith.mulf %bitcast_convert_type3A_1324, %broadcast_in_dim3A_1307 : vector<16xf32>
        %mul3A_1366 = arith.mulf %bitcast_convert_type3A_1336, %broadcast_in_dim3A_1310 : vector<16xf32>
        %add3A_1367 = arith.addf %mul3A_1365, %mul3A_1366 : vector<16xf32>
        %mul3A_1368 = arith.mulf %bitcast_convert_type3A_1348, %broadcast_in_dim3A_1313 : vector<16xf32>
        %add3A_1369 = arith.addf %add3A_1367, %mul3A_1368 : vector<16xf32>
        %mul3A_1370 = arith.mulf %bitcast_convert_type3A_1360, %broadcast_in_dim3A_1316 : vector<16xf32>
        %add3A_1371 = arith.addf %add3A_1369, %mul3A_1370 : vector<16xf32>
        %swap3A_1372 = arith.index_cast %add3A_1304 : i32 to index
        %swap3A_1373 = arith.constant 0 : index
        %swap3A_1374 = tpu.vector_load %arg31[%swap3A_1372, %swap3A_1373] {strides = array<i32>} : memref<128x32xf32, #tpu.memory_space<vmem>>, vector<1x16xf32>,
        %swap3A_1375 = vector.shape_cast %swap3A_1374 : vector<1x16xf32> to vector<16xf32>
        %swap3A_1376 = vector.shape_cast %add3A_1371 : vector<16xf32> to vector<1x16xf32>
        tpu.vector_store %arg31[%swap3A_1372, %swap3A_1373], %swap3A_1376 {strides = array<i32>} : memref<128x32xf32, #tpu.memory_space<vmem>>, vector<1x16xf32>,
        %mul3A_1377 = arith.mulf %bitcast_convert_type3A_1328, %broadcast_in_dim3A_1307 : vector<16xf32>
        %mul3A_1378 = arith.mulf %bitcast_convert_type3A_1340, %broadcast_in_dim3A_1310 : vector<16xf32>
        %add3A_1379 = arith.addf %mul3A_1377, %mul3A_1378 : vector<16xf32>
        %mul3A_1380 = arith.mulf %bitcast_convert_type3A_1352, %broadcast_in_dim3A_1313 : vector<16xf32>
        %add3A_1381 = arith.addf %add3A_1379, %mul3A_1380 : vector<16xf32>
        %mul3A_1382 = arith.mulf %bitcast_convert_type3A_1364, %broadcast_in_dim3A_1316 : vector<16xf32>
        %add3A_1383 = arith.addf %add3A_1381, %mul3A_1382 : vector<16xf32>
        %swap3A_1384 = arith.index_cast %add3A_1304 : i32 to index
        %swap3A_1385 = arith.constant 16 : index
        %swap3A_1386 = tpu.vector_load %arg31[%swap3A_1384, %swap3A_1385] {strides = array<i32>} : memref<128x32xf32, #tpu.memory_space<vmem>>, vector<1x16xf32>,
        %swap3A_1387 = vector.shape_cast %swap3A_1386 : vector<1x16xf32> to vector<16xf32>
        %swap3A_1388 = vector.shape_cast %add3A_1383 : vector<16xf32> to vector<1x16xf32>
        tpu.vector_store %arg31[%swap3A_1384, %swap3A_1385], %swap3A_1388 {strides = array<i32>} : memref<128x32xf32, #tpu.memory_space<vmem>>, vector<1x16xf32>,
        %mul3A_1389 = arith.constant 16 : i32
        %mul3A_1390 = arith.muli %scan3A_146, %mul3A_1389 : i32
        %add3A_1391 = arith.constant 14 : i32
        %add3A_1392 = arith.addi %mul3A_1390, %add3A_1391 : i32
        %slice3A_1393 = vector.extract_strided_slice %add3A_163 {offsets = [14], sizes = [1], strides = [1]} : vector<16xf32> to vector<1xf32>
        %squeeze3A_1394 = vector.extract %slice3A_1393[0] : f32 from vector<1xf32>
        %broadcast_in_dim3A_1395 = vector.broadcast %squeeze3A_1394 : f32 to vector<16xf32>
        %slice3A_1396 = vector.extract_strided_slice %sub3A {offsets = [14], sizes = [1], strides = [1]} : vector<16xf32> to vector<1xf32>
        %squeeze3A_1397 = vector.extract %slice3A_1396[0] : f32 from vector<1xf32>
        %broadcast_in_dim3A_1398 = vector.broadcast %squeeze3A_1397 : f32 to vector<16xf32>
        %slice3A_1399 = vector.extract_strided_slice %sub3A_158 {offsets = [14], sizes = [1], strides = [1]} : vector<16xf32> to vector<1xf32>
        %squeeze3A_1400 = vector.extract %slice3A_1399[0] : f32 from vector<1xf32>
        %broadcast_in_dim3A_1401 = vector.broadcast %squeeze3A_1400 : f32 to vector<16xf32>
        %slice3A_1402 = vector.extract_strided_slice %mul3A_157 {offsets = [14], sizes = [1], strides = [1]} : vector<16xf32> to vector<1xf32>
        %squeeze3A_1403 = vector.extract %slice3A_1402[0] : f32 from vector<1xf32>
        %broadcast_in_dim3A_1404 = vector.broadcast %squeeze3A_1403 : f32 to vector<16xf32>
        %get3A_1405 = arith.index_cast %add3A_1392 : i32 to index
        %get3A_1406 = arith.constant 0 : index
        %get3A_1407 = tpu.vector_load %arg32[%get3A_1405, %get3A_1406] {strides = array<i32>} : memref<128x16xi32, #tpu.memory_space<vmem>>, vector<1x16xi32>,
        %get3A_1408 = vector.shape_cast %get3A_1407 : vector<1x16xi32> to vector<16xi32>
        %shift_left3A_1409 = arith.constant 16 : i32
        %shift_left3A_1410 = vector.broadcast %shift_left3A_1409 : i32 to vector<16xi32>
        %shift_left3A_1411 = arith.shli %get3A_1408, %shift_left3A_1410 : vector<16xi32>
        %bitcast_convert_type3A_1412 = tpu.bitcast %shift_left3A_1411 : vector<16xi32> -> vector<16xf32>
        %and3A_1413 = arith.constant -65536 : i32
        %and3A_1414 = vector.broadcast %and3A_1413 : i32 to vector<16xi32>
        %and3A_1415 = arith.andi %get3A_1408, %and3A_1414 : vector<16xi32>
        %bitcast_convert_type3A_1416 = tpu.bitcast %and3A_1415 : vector<16xi32> -> vector<16xf32>
        %get3A_1417 = arith.index_cast %add3A_1392 : i32 to index
        %get3A_1418 = arith.constant 0 : index
        %get3A_1419 = tpu.vector_load %arg33[%get3A_1417, %get3A_1418] {strides = array<i32>} : memref<128x16xi32, #tpu.memory_space<vmem>>, vector<1x16xi32>,
        %get3A_1420 = vector.shape_cast %get3A_1419 : vector<1x16xi32> to vector<16xi32>
        %shift_left3A_1421 = arith.constant 16 : i32
        %shift_left3A_1422 = vector.broadcast %shift_left3A_1421 : i32 to vector<16xi32>
        %shift_left3A_1423 = arith.shli %get3A_1420, %shift_left3A_1422 : vector<16xi32>
        %bitcast_convert_type3A_1424 = tpu.bitcast %shift_left3A_1423 : vector<16xi32> -> vector<16xf32>
        %and3A_1425 = arith.constant -65536 : i32
        %and3A_1426 = vector.broadcast %and3A_1425 : i32 to vector<16xi32>
        %and3A_1427 = arith.andi %get3A_1420, %and3A_1426 : vector<16xi32>
        %bitcast_convert_type3A_1428 = tpu.bitcast %and3A_1427 : vector<16xi32> -> vector<16xf32>
        %get3A_1429 = arith.index_cast %add3A_1392 : i32 to index
        %get3A_1430 = arith.constant 0 : index
        %get3A_1431 = tpu.vector_load %arg34[%get3A_1429, %get3A_1430] {strides = array<i32>} : memref<128x16xi32, #tpu.memory_space<vmem>>, vector<1x16xi32>,
        %get3A_1432 = vector.shape_cast %get3A_1431 : vector<1x16xi32> to vector<16xi32>
        %shift_left3A_1433 = arith.constant 16 : i32
        %shift_left3A_1434 = vector.broadcast %shift_left3A_1433 : i32 to vector<16xi32>
        %shift_left3A_1435 = arith.shli %get3A_1432, %shift_left3A_1434 : vector<16xi32>
        %bitcast_convert_type3A_1436 = tpu.bitcast %shift_left3A_1435 : vector<16xi32> -> vector<16xf32>
        %and3A_1437 = arith.constant -65536 : i32
        %and3A_1438 = vector.broadcast %and3A_1437 : i32 to vector<16xi32>
        %and3A_1439 = arith.andi %get3A_1432, %and3A_1438 : vector<16xi32>
        %bitcast_convert_type3A_1440 = tpu.bitcast %and3A_1439 : vector<16xi32> -> vector<16xf32>
        %get3A_1441 = arith.index_cast %add3A_1392 : i32 to index
        %get3A_1442 = arith.constant 0 : index
        %get3A_1443 = tpu.vector_load %arg35[%get3A_1441, %get3A_1442] {strides = array<i32>} : memref<128x16xi32, #tpu.memory_space<vmem>>, vector<1x16xi32>,
        %get3A_1444 = vector.shape_cast %get3A_1443 : vector<1x16xi32> to vector<16xi32>
        %shift_left3A_1445 = arith.constant 16 : i32
        %shift_left3A_1446 = vector.broadcast %shift_left3A_1445 : i32 to vector<16xi32>
        %shift_left3A_1447 = arith.shli %get3A_1444, %shift_left3A_1446 : vector<16xi32>
        %bitcast_convert_type3A_1448 = tpu.bitcast %shift_left3A_1447 : vector<16xi32> -> vector<16xf32>
        %and3A_1449 = arith.constant -65536 : i32
        %and3A_1450 = vector.broadcast %and3A_1449 : i32 to vector<16xi32>
        %and3A_1451 = arith.andi %get3A_1444, %and3A_1450 : vector<16xi32>
        %bitcast_convert_type3A_1452 = tpu.bitcast %and3A_1451 : vector<16xi32> -> vector<16xf32>
        %mul3A_1453 = arith.mulf %bitcast_convert_type3A_1412, %broadcast_in_dim3A_1395 : vector<16xf32>
        %mul3A_1454 = arith.mulf %bitcast_convert_type3A_1424, %broadcast_in_dim3A_1398 : vector<16xf32>
        %add3A_1455 = arith.addf %mul3A_1453, %mul3A_1454 : vector<16xf32>
        %mul3A_1456 = arith.mulf %bitcast_convert_type3A_1436, %broadcast_in_dim3A_1401 : vector<16xf32>
        %add3A_1457 = arith.addf %add3A_1455, %mul3A_1456 : vector<16xf32>
        %mul3A_1458 = arith.mulf %bitcast_convert_type3A_1448, %broadcast_in_dim3A_1404 : vector<16xf32>
        %add3A_1459 = arith.addf %add3A_1457, %mul3A_1458 : vector<16xf32>
        %swap3A_1460 = arith.index_cast %add3A_1392 : i32 to index
        %swap3A_1461 = arith.constant 0 : index
        %swap3A_1462 = tpu.vector_load %arg31[%swap3A_1460, %swap3A_1461] {strides = array<i32>} : memref<128x32xf32, #tpu.memory_space<vmem>>, vector<1x16xf32>,
        %swap3A_1463 = vector.shape_cast %swap3A_1462 : vector<1x16xf32> to vector<16xf32>
        %swap3A_1464 = vector.shape_cast %add3A_1459 : vector<16xf32> to vector<1x16xf32>
        tpu.vector_store %arg31[%swap3A_1460, %swap3A_1461], %swap3A_1464 {strides = array<i32>} : memref<128x32xf32, #tpu.memory_space<vmem>>, vector<1x16xf32>,
        %mul3A_1465 = arith.mulf %bitcast_convert_type3A_1416, %broadcast_in_dim3A_1395 : vector<16xf32>
        %mul3A_1466 = arith.mulf %bitcast_convert_type3A_1428, %broadcast_in_dim3A_1398 : vector<16xf32>
        %add3A_1467 = arith.addf %mul3A_1465, %mul3A_1466 : vector<16xf32>
        %mul3A_1468 = arith.mulf %bitcast_convert_type3A_1440, %broadcast_in_dim3A_1401 : vector<16xf32>
        %add3A_1469 = arith.addf %add3A_1467, %mul3A_1468 : vector<16xf32>
        %mul3A_1470 = arith.mulf %bitcast_convert_type3A_1452, %broadcast_in_dim3A_1404 : vector<16xf32>
        %add3A_1471 = arith.addf %add3A_1469, %mul3A_1470 : vector<16xf32>
        %swap3A_1472 = arith.index_cast %add3A_1392 : i32 to index
        %swap3A_1473 = arith.constant 16 : index
        %swap3A_1474 = tpu.vector_load %arg31[%swap3A_1472, %swap3A_1473] {strides = array<i32>} : memref<128x32xf32, #tpu.memory_space<vmem>>, vector<1x16xf32>,
        %swap3A_1475 = vector.shape_cast %swap3A_1474 : vector<1x16xf32> to vector<16xf32>
        %swap3A_1476 = vector.shape_cast %add3A_1471 : vector<16xf32> to vector<1x16xf32>
        tpu.vector_store %arg31[%swap3A_1472, %swap3A_1473], %swap3A_1476 {strides = array<i32>} : memref<128x32xf32, #tpu.memory_space<vmem>>, vector<1x16xf32>,
        %mul3A_1477 = arith.constant 16 : i32
        %mul3A_1478 = arith.muli %scan3A_146, %mul3A_1477 : i32
        %add3A_1479 = arith.constant 15 : i32
        %add3A_1480 = arith.addi %mul3A_1478, %add3A_1479 : i32
        %slice3A_1481 = vector.extract_strided_slice %add3A_163 {offsets = [15], sizes = [1], strides = [1]} : vector<16xf32> to vector<1xf32>
        %squeeze3A_1482 = vector.extract %slice3A_1481[0] : f32 from vector<1xf32>
        %broadcast_in_dim3A_1483 = vector.broadcast %squeeze3A_1482 : f32 to vector<16xf32>
        %slice3A_1484 = vector.extract_strided_slice %sub3A {offsets = [15], sizes = [1], strides = [1]} : vector<16xf32> to vector<1xf32>
        %squeeze3A_1485 = vector.extract %slice3A_1484[0] : f32 from vector<1xf32>
        %broadcast_in_dim3A_1486 = vector.broadcast %squeeze3A_1485 : f32 to vector<16xf32>
        %slice3A_1487 = vector.extract_strided_slice %sub3A_158 {offsets = [15], sizes = [1], strides = [1]} : vector<16xf32> to vector<1xf32>
        %squeeze3A_1488 = vector.extract %slice3A_1487[0] : f32 from vector<1xf32>
        %broadcast_in_dim3A_1489 = vector.broadcast %squeeze3A_1488 : f32 to vector<16xf32>
        %slice3A_1490 = vector.extract_strided_slice %mul3A_157 {offsets = [15], sizes = [1], strides = [1]} : vector<16xf32> to vector<1xf32>
        %squeeze3A_1491 = vector.extract %slice3A_1490[0] : f32 from vector<1xf32>
        %broadcast_in_dim3A_1492 = vector.broadcast %squeeze3A_1491 : f32 to vector<16xf32>
        %get3A_1493 = arith.index_cast %add3A_1480 : i32 to index
        %get3A_1494 = arith.constant 0 : index
        %get3A_1495 = tpu.vector_load %arg32[%get3A_1493, %get3A_1494] {strides = array<i32>} : memref<128x16xi32, #tpu.memory_space<vmem>>, vector<1x16xi32>,
        %get3A_1496 = vector.shape_cast %get3A_1495 : vector<1x16xi32> to vector<16xi32>
        %shift_left3A_1497 = arith.constant 16 : i32
        %shift_left3A_1498 = vector.broadcast %shift_left3A_1497 : i32 to vector<16xi32>
        %shift_left3A_1499 = arith.shli %get3A_1496, %shift_left3A_1498 : vector<16xi32>
        %bitcast_convert_type3A_1500 = tpu.bitcast %shift_left3A_1499 : vector<16xi32> -> vector<16xf32>
        %and3A_1501 = arith.constant -65536 : i32
        %and3A_1502 = vector.broadcast %and3A_1501 : i32 to vector<16xi32>
        %and3A_1503 = arith.andi %get3A_1496, %and3A_1502 : vector<16xi32>
        %bitcast_convert_type3A_1504 = tpu.bitcast %and3A_1503 : vector<16xi32> -> vector<16xf32>
        %get3A_1505 = arith.index_cast %add3A_1480 : i32 to index
        %get3A_1506 = arith.constant 0 : index
        %get3A_1507 = tpu.vector_load %arg33[%get3A_1505, %get3A_1506] {strides = array<i32>} : memref<128x16xi32, #tpu.memory_space<vmem>>, vector<1x16xi32>,
        %get3A_1508 = vector.shape_cast %get3A_1507 : vector<1x16xi32> to vector<16xi32>
        %shift_left3A_1509 = arith.constant 16 : i32
        %shift_left3A_1510 = vector.broadcast %shift_left3A_1509 : i32 to vector<16xi32>
        %shift_left3A_1511 = arith.shli %get3A_1508, %shift_left3A_1510 : vector<16xi32>
        %bitcast_convert_type3A_1512 = tpu.bitcast %shift_left3A_1511 : vector<16xi32> -> vector<16xf32>
        %and3A_1513 = arith.constant -65536 : i32
        %and3A_1514 = vector.broadcast %and3A_1513 : i32 to vector<16xi32>
        %and3A_1515 = arith.andi %get3A_1508, %and3A_1514 : vector<16xi32>
        %bitcast_convert_type3A_1516 = tpu.bitcast %and3A_1515 : vector<16xi32> -> vector<16xf32>
        %get3A_1517 = arith.index_cast %add3A_1480 : i32 to index
        %get3A_1518 = arith.constant 0 : index
        %get3A_1519 = tpu.vector_load %arg34[%get3A_1517, %get3A_1518] {strides = array<i32>} : memref<128x16xi32, #tpu.memory_space<vmem>>, vector<1x16xi32>,
        %get3A_1520 = vector.shape_cast %get3A_1519 : vector<1x16xi32> to vector<16xi32>
        %shift_left3A_1521 = arith.constant 16 : i32
        %shift_left3A_1522 = vector.broadcast %shift_left3A_1521 : i32 to vector<16xi32>
        %shift_left3A_1523 = arith.shli %get3A_1520, %shift_left3A_1522 : vector<16xi32>
        %bitcast_convert_type3A_1524 = tpu.bitcast %shift_left3A_1523 : vector<16xi32> -> vector<16xf32>
        %and3A_1525 = arith.constant -65536 : i32
        %and3A_1526 = vector.broadcast %and3A_1525 : i32 to vector<16xi32>
        %and3A_1527 = arith.andi %get3A_1520, %and3A_1526 : vector<16xi32>
        %bitcast_convert_type3A_1528 = tpu.bitcast %and3A_1527 : vector<16xi32> -> vector<16xf32>
        %get3A_1529 = arith.index_cast %add3A_1480 : i32 to index
        %get3A_1530 = arith.constant 0 : index
        %get3A_1531 = tpu.vector_load %arg35[%get3A_1529, %get3A_1530] {strides = array<i32>} : memref<128x16xi32, #tpu.memory_space<vmem>>, vector<1x16xi32>,
        %get3A_1532 = vector.shape_cast %get3A_1531 : vector<1x16xi32> to vector<16xi32>
        %shift_left3A_1533 = arith.constant 16 : i32
        %shift_left3A_1534 = vector.broadcast %shift_left3A_1533 : i32 to vector<16xi32>
        %shift_left3A_1535 = arith.shli %get3A_1532, %shift_left3A_1534 : vector<16xi32>
        %bitcast_convert_type3A_1536 = tpu.bitcast %shift_left3A_1535 : vector<16xi32> -> vector<16xf32>
        %and3A_1537 = arith.constant -65536 : i32
        %and3A_1538 = vector.broadcast %and3A_1537 : i32 to vector<16xi32>
        %and3A_1539 = arith.andi %get3A_1532, %and3A_1538 : vector<16xi32>
        %bitcast_convert_type3A_1540 = tpu.bitcast %and3A_1539 : vector<16xi32> -> vector<16xf32>
        %mul3A_1541 = arith.mulf %bitcast_convert_type3A_1500, %broadcast_in_dim3A_1483 : vector<16xf32>
        %mul3A_1542 = arith.mulf %bitcast_convert_type3A_1512, %broadcast_in_dim3A_1486 : vector<16xf32>
        %add3A_1543 = arith.addf %mul3A_1541, %mul3A_1542 : vector<16xf32>
        %mul3A_1544 = arith.mulf %bitcast_convert_type3A_1524, %broadcast_in_dim3A_1489 : vector<16xf32>
        %add3A_1545 = arith.addf %add3A_1543, %mul3A_1544 : vector<16xf32>
        %mul3A_1546 = arith.mulf %bitcast_convert_type3A_1536, %broadcast_in_dim3A_1492 : vector<16xf32>
        %add3A_1547 = arith.addf %add3A_1545, %mul3A_1546 : vector<16xf32>
        %swap3A_1548 = arith.index_cast %add3A_1480 : i32 to index
        %swap3A_1549 = arith.constant 0 : index
        %swap3A_1550 = tpu.vector_load %arg31[%swap3A_1548, %swap3A_1549] {strides = array<i32>} : memref<128x32xf32, #tpu.memory_space<vmem>>, vector<1x16xf32>,
        %swap3A_1551 = vector.shape_cast %swap3A_1550 : vector<1x16xf32> to vector<16xf32>
        %swap3A_1552 = vector.shape_cast %add3A_1547 : vector<16xf32> to vector<1x16xf32>
        tpu.vector_store %arg31[%swap3A_1548, %swap3A_1549], %swap3A_1552 {strides = array<i32>} : memref<128x32xf32, #tpu.memory_space<vmem>>, vector<1x16xf32>,
        %mul3A_1553 = arith.mulf %bitcast_convert_type3A_1504, %broadcast_in_dim3A_1483 : vector<16xf32>
        %mul3A_1554 = arith.mulf %bitcast_convert_type3A_1516, %broadcast_in_dim3A_1486 : vector<16xf32>
        %add3A_1555 = arith.addf %mul3A_1553, %mul3A_1554 : vector<16xf32>
        %mul3A_1556 = arith.mulf %bitcast_convert_type3A_1528, %broadcast_in_dim3A_1489 : vector<16xf32>
        %add3A_1557 = arith.addf %add3A_1555, %mul3A_1556 : vector<16xf32>
        %mul3A_1558 = arith.mulf %bitcast_convert_type3A_1540, %broadcast_in_dim3A_1492 : vector<16xf32>
        %add3A_1559 = arith.addf %add3A_1557, %mul3A_1558 : vector<16xf32>
        %swap3A_1560 = arith.index_cast %add3A_1480 : i32 to index
        %swap3A_1561 = arith.constant 16 : index
        %swap3A_1562 = tpu.vector_load %arg31[%swap3A_1560, %swap3A_1561] {strides = array<i32>} : memref<128x32xf32, #tpu.memory_space<vmem>>, vector<1x16xf32>,
        %swap3A_1563 = vector.shape_cast %swap3A_1562 : vector<1x16xf32> to vector<16xf32>
        %swap3A_1564 = vector.shape_cast %add3A_1559 : vector<16xf32> to vector<1x16xf32>
        tpu.vector_store %arg31[%swap3A_1560, %swap3A_1561], %swap3A_1564 {strides = array<i32>} : memref<128x32xf32, #tpu.memory_space<vmem>>, vector<1x16xf32>,
      }
      %scan3A_138 = arith.constant 8 : i32
      %mul3A_139 = arith.constant 128 : i32
      %mul3A_140 = arith.muli %add3A_115, %mul3A_139 : i32
      %add3A_141 = arith.addi %mul3A_2, %mul3A_140 : i32
      %dma_start3A_142 = arith.constant 0 : i32
      %dma_start3A_143 = tpu.memref_slice %arg9[%add3A_141, %dma_start3A_142] : memref<262144x32xf32, #tpu.memory_space<hbm>> -> memref<128x32xf32, #tpu.memory_space<hbm>>
      %dma_start3A_144 = arith.constant 0 : i32
      %dma_start3A_145 = tpu.memref_slice %arg9[%add3A_141, %dma_start3A_144] : memref<262144x32xf32, #tpu.memory_space<hbm>> -> memref<128x32xf32, #tpu.memory_space<hbm>>
      tpu.enqueue_dma source(%arg31 : memref<128x32xf32, #tpu.memory_space<vmem>>) target(%dma_start3A_145 : memref<128x32xf32, #tpu.memory_space<hbm>>) target_semaphore(%arg37 : memref<!tpu.dma_semaphore, #tpu.memory_space<semaphore_mem>>)
    }
    %scan3A_47 = arith.constant 32 : i32
    %add3A_48 = arith.constant 7936 : i32
    %add3A_49 = arith.addi %mul3A_2, %add3A_48 : i32
    %dma_wait3A_50 = arith.constant 0 : i32
    %dma_wait3A_51 = tpu.memref_slice %arg9[%add3A_49, %dma_wait3A_50] : memref<262144x32xf32, #tpu.memory_space<hbm>> -> memref<128x32xf32, #tpu.memory_space<hbm>>
    %dma_wait3A_52 = arith.constant 0 : i32
    %dma_wait3A_53 = tpu.memref_slice %arg9[%add3A_49, %dma_wait3A_52] : memref<262144x32xf32, #tpu.memory_space<hbm>> -> memref<128x32xf32, #tpu.memory_space<hbm>>
    tpu.wait_dma2 semaphore(%arg26 : memref<!tpu.dma_semaphore, #tpu.memory_space<semaphore_mem>>) src(%arg20 : memref<128x32xf32, #tpu.memory_space<vmem>>) dst(%dma_wait3A_53 : memref<128x32xf32, #tpu.memory_space<hbm>>)
    %add3A_54 = arith.constant 8064 : i32
    %add3A_55 = arith.addi %mul3A_2, %add3A_54 : i32
    %dma_wait3A_56 = arith.constant 0 : i32
    %dma_wait3A_57 = tpu.memref_slice %arg9[%add3A_55, %dma_wait3A_56] : memref<262144x32xf32, #tpu.memory_space<hbm>> -> memref<128x32xf32, #tpu.memory_space<hbm>>
    %dma_wait3A_58 = arith.constant 0 : i32
    %dma_wait3A_59 = tpu.memref_slice %arg9[%add3A_55, %dma_wait3A_58] : memref<262144x32xf32, #tpu.memory_space<hbm>> -> memref<128x32xf32, #tpu.memory_space<hbm>>
    tpu.wait_dma2 semaphore(%arg37 : memref<!tpu.dma_semaphore, #tpu.memory_space<semaphore_mem>>) src(%arg31 : memref<128x32xf32, #tpu.memory_space<vmem>>) dst(%dma_wait3A_59 : memref<128x32xf32, #tpu.memory_space<hbm>>)
    return
  }
}

</mosaic_0001>

<sc_bundles>
// kernel: kernel.3.cloned.1.call-start
scs
__scs_entry_jumppad:
0x0: {  	(pc) =	sbr.rel $0x88, $3  }
0x1: {  	(tag) =	ssettag $0x0;
	lr =	simm.s32 $0x1  }
0x2: {  	[smem:$0x3F9A] =	sst lr;
	_ =	strace $0xD0000000  }
0x3: {  	_ = 	snop  }
0x4: {  	_ = 	snop  }
0x5: {  	_ = 	snop  }
0x6: {  	_ = 	snop  }
0x7: {  	_ = 	snop  }
__scs_overlays_trampoline_lowered:
0x8: {  	[smem:$0x3FA9] =	sst s0  }
0x9: {  	[smem:$0x3FAA] =	sst s1  }
0xa: {  	[smem:$0x3FAB] =	sst s2  }
0xb: {  	[smem:$0x3FAC] =	sst s3  }
0xc: {  	[smem:$0x3FAD] =	sst s4  }
0xd: {  	[smem:$0x3FAE] =	sst s5  }
0xe: {  	[smem:$0x3FAF] =	sst s6  }
0xf: {  	[smem:$0x3FB0] =	sst s7  }
0x10: {  	[smem:$0x3FB1] =	sst s8  }
0x11: {  	[smem:$0x3FB2] =	sst s9;
	s0 =	simm.s32 @!p0 $0x0  }
0x12: {  	s1 =	sld [smem:$0x3F98];
	s0 =	simm.s32 @p0 $0x1  }
0x13: {  	[smem:$0x3FB3] =	sst s0;
	s0 =	simm.s32 @!p1 $0x0  }
0x14: {  	s2 =	sld [smem:$0x3F97];
	s0 =	simm.s32 @p1 $0x1  }
0x15: {  	[smem:$0x3FB4] =	sst s0;
	s0 =	simm.s32 @!p2 $0x0  }
0x16: {  	s3 =	sld [smem:$0x3FDB];
	s0 =	simm.s32 @p2 $0x1  }
0x17: {  	s4 =	simm.s32 $0x1BF5;
	[smem:$0x3FB6] =	sst s0  }
0x18: {  	s0 =	sld [smem:$0x3F99];
	_ =	swait.ge [sflag:s4], $0x0  }
0x19: {  	s7 =	sld [smem:$0x3F9A]  }
0x1a: {  	s8 =	sadd.s32 $0xFFFFE003, lr  }
0x1b: {  	s9 =	sadd.s32 $0xFFFFFEF7, lr;
	s5 =	simm.s32 $0xFFFFFFFF;
	p2 =	slt.u32 s8, $0xFFFFF086  }
0x1c: {  	p1 =	slt.u32 s9, $0xF7A;
	s5 =	simm.s32 @!p2 $0x0  }
0x1d: {  	s5 =	simm.s32 @p1 $0x1;
	p0 =	seq.s32 s7, s2  }
0x1e: {  	s7 =	smul.u32 @!p0 $0xF7A, s2;
	p2 =	seq.s32 @!p0 s5, $0x0  }
0x1f: {  	s9 =	smul.u32 $0xF7A, s1;
	s8 =	simm.s32 @!p0 $0x1BF5;
	p2 =	por !p2, p0  }
0x20: {  	[sflag:s8] =	ssyncset.s32 @!p0 $0xFFFFF086;
	s6 =	sadd.s32 @!p0 s3, s7;
	s7 =	simm.s32 @!p0 $0x108  }
0x21: {  	s3 =	sadd.s32 s3, s9;
	s6 =	sadd.s32 @!p0 $0x88, s6;
	s7 =	simm.s32 @p2 $0x1082  }
0x22: {  	[simem:s7], [sflag:s8] =	dma.local @!p0 [hbm:s6], $0xF7A  }
0x23: {  	s9 =	sor.u32 $0xD0000000, s2;
	s6 =	simm.s32 $0x108;
	_ =	swait.ge @!p0 [sflag:s8], $0x0  }
0x24: {  	s3 =	sadd.s32 $0x88, s3;
	s6 =	simm.s32 @!p1 $0x1082;
	[sflag:s4] =	ssyncset.s32 $0xFFFFF086  }
0x25: {  	[simem:s6], [sflag:s4] =	dma.local [hbm:s3], $0xF7A  }
0x26: {  	[smem:$0x3F9A] =	sst s1;
	(tag) =	ssettag s2;
	_ =	strace s9  }
0x27: {  	s1 =	sld [smem:$0x3FAA]  }
0x28: {  	s2 =	sld [smem:$0x3FAB]  }
0x29: {  	s4 =	sld [smem:$0x3FAD]  }
0x2a: {  	p0 =	seq.s32 s5, $0x0;
	s5 =	sld [smem:$0x3FAE]  }
0x2b: {  	s6 =	sld [smem:$0x3FAF]  }
0x2c: {  	s7 =	sld [smem:$0x3FB0]  }
0x2d: {  	s3 =	simm.s32 $0x108;
	s8 =	sld [smem:$0x3FB1]  }
0x2e: {  	s3 =	simm.s32 @!p0 $0x1082;
	s9 =	sld [smem:$0x3FB2]  }
0x2f: {  	lr =	sadd.s32 s0, s3;
	s0 =	sld [smem:$0x3FA9]  }
0x30: {  	s3 =	sld [smem:$0x3FAC]  }
0x31: {  	[smem:$0x3FB5] =	sst s10  }
0x32: {  	s10 =	sld [smem:$0x3FB3];
	_ =	sdelay $0x3  }
0x33: {  	p0 =	seq.s32 s10, $0x1;
	s10 =	sld [smem:$0x3FB5];
	_ =	sdelay $0x3  }
0x34: {  	[smem:$0x3FB5] =	sst s10  }
0x35: {  	s10 =	sld [smem:$0x3FB4];
	_ =	sdelay $0x3  }
0x36: {  	p1 =	seq.s32 s10, $0x1;
	s10 =	sld [smem:$0x3FB5];
	_ =	sdelay $0x3  }
0x37: {  	[smem:$0x3FB5] =	sst s10  }
0x38: {  	s10 =	sld [smem:$0x3FB6]  }
0x39: {  	_ = 	snop;
	(pc) =	sbr.ind lr, $3  }
0x3a: {  	_ = 	snop  }
0x3b: {  	_ = 	snop  }
0x3c: {  	p2 =	seq.s32 s10, $0x1;
	s10 =	sld [smem:$0x3FB5]  }
0x3d: {  	_ =	shalt  }
0x3e: {  	_ =	shalt  }
0x3f: {  	_ =	shalt  }
0x40: {  	_ =	shalt  }
0x41: {  	_ =	shalt  }
0x42: {  	_ =	shalt  }
0x43: {  	_ =	shalt  }
0x44: {  	_ =	shalt  }
0x45: {  	_ =	shalt  }
0x46: {  	_ =	shalt  }
0x47: {  	_ =	shalt  }
0x48: {  	_ =	shalt  }
0x49: {  	_ =	shalt  }
0x4a: {  	_ =	shalt  }
0x4b: {  	_ =	shalt  }
0x4c: {  	_ =	shalt  }
0x4d: {  	_ =	shalt  }
0x4e: {  	_ =	shalt  }
0x4f: {  	_ =	shalt  }
0x50: {  	_ =	shalt  }
0x51: {  	_ =	shalt  }
0x52: {  	_ =	shalt  }
0x53: {  	_ =	shalt  }
0x54: {  	_ =	shalt  }
0x55: {  	_ =	shalt  }
0x56: {  	_ =	shalt  }
0x57: {  	_ =	shalt  }
0x58: {  	_ =	shalt  }
0x59: {  	_ =	shalt  }
0x5a: {  	_ =	shalt  }
0x5b: {  	_ =	shalt  }
0x5c: {  	_ =	shalt  }
0x5d: {  	_ =	shalt  }
0x5e: {  	_ =	shalt  }
0x5f: {  	_ =	shalt  }
0x60: {  	_ =	shalt  }
0x61: {  	_ =	shalt  }
0x62: {  	_ =	shalt  }
0x63: {  	_ =	shalt  }
0x64: {  	_ =	shalt  }
0x65: {  	_ =	shalt  }
0x66: {  	_ =	shalt  }
0x67: {  	_ =	shalt  }
0x68: {  	_ =	shalt  }
0x69: {  	_ =	shalt  }
0x6a: {  	_ =	shalt  }
0x6b: {  	_ =	shalt  }
0x6c: {  	_ =	shalt  }
0x6d: {  	_ =	shalt  }
0x6e: {  	_ =	shalt  }
0x6f: {  	_ =	shalt  }
0x70: {  	_ =	shalt  }
0x71: {  	_ =	shalt  }
0x72: {  	_ =	shalt  }
0x73: {  	_ =	shalt  }
0x74: {  	_ =	shalt  }
0x75: {  	_ =	shalt  }
0x76: {  	_ =	shalt  }
0x77: {  	_ =	shalt  }
0x78: {  	_ =	shalt  }
0x79: {  	_ =	shalt  }
0x7a: {  	_ =	shalt  }
0x7b: {  	_ =	shalt  }
0x7c: {  	_ =	shalt  }
0x7d: {  	_ =	shalt  }
0x7e: {  	_ =	shalt  }
0x7f: {  	_ =	shalt  }
0x80: {  	_ =	shalt  }
0x81: {  	_ =	shalt  }
0x82: {  	_ =	shalt  }
0x83: {  	_ =	shalt  }
0x84: {  	_ =	shalt  }
0x85: {  	_ =	shalt  }
0x86: {  	_ =	shalt  }
0x87: {  	_ =	shalt  }
.Lfunc_end0:
.L_simem_size_0:
called_computation.1_lowered:
.L_overlay_start_0:
0x88: {  	s2 =	sld [smem:$0x3FD9]  }
0x89: {  	s3 =	sld [smem:$0x3FFE];
	_ =	sdelay $0x1  }
0x8a: {  	s1 =	srdreg.scid  }
0x8b: {  	s0 =	sand.u32 $0x1, s1  }
0x8c: {  	s17 =	sshll.u32 s0, $0xA;
	s2 =	sadd.s32 s3, s2  }
0x8d: {  	s2 =	sadd.s32 s2, s17  }
0x8e: {  	[smem:$0x3FC1] =	sst s2  }
0x8f: {  	_ = 	snop  }
0x90: {  	s2 =	sld [smem:$0x3FC8]  }
0x91: {  	s18 =	sld [smem:$0x3FC7]  }
0x92: {  	s4 =	sld [smem:$0x3FC6]  }
0x93: {  	s5 =	sld [smem:$0x3FC5]  }
0x94: {  	s6 =	sld [smem:$0x3FC4]  }
0x95: {  	s7 =	sld [smem:$0x3FC3]  }
0x96: {  	s8 =	sld [smem:$0x3FD0];
	(tm) =	ssettm $0x1  }
0x97: {  	s9 =	sld [smem:$0x3FFB];
	_ =	sdelay $0x3  }
0x98: {  	_ =	strace s9  }
0x99: {  	s9 =	sld [smem:$0x3FFC];
	_ =	sdelay $0x3  }
0x9a: {  	_ =	strace s9  }
0x9b: {  	s9 =	sld [smem:$0x3FFD];
	_ =	sdelay $0x3  }
0x9c: {  	_ =	strace s9  }
0x9d: {  	_ =	strace $0x8FFFFFFF  }
0x9e: {  	s19 =	sld [smem:$0x3FDB];
	_ =	sdelay $0x1  }
0x9f: {  	s10 =	simm.s32 $_scs_section_size  }
0xa0: {  	s11 =	simm.s32 $_size__tile_overlayer_lowered;
	s12 =	simm.s32 $_tile_overlayer_lowered  }
0xa1: {  	s22 =	simm.s32 $0x1BFF;
	s21 =	sshll.u32 s12, $0x1;
	s9 =	sadd.s32 s10, s19  }
0xa2: {  	s13 =	simm.s32 $0x0;
	s20 =	sshll.u32 s11, $0x1;
	s11 =	sadd.s32 s21, s9  }
0xa3: {  	[timem:s13], [sflag:s22] =	dma.local [hbm:s11], s20  }
0xa4: {  	_ =	swait.ge [sflag:s22], s20  }
0xa5: {  	s10 =	ssub.s32 $0x0, s20;
	[sflag:s22] =	ssyncset.done $0x0  }
0xa6: {  	[sflag:s22] =	ssyncadd.s32 s10;
	_ =	sdelay $0x1  }
0xa7: {  	s23 =	simm.s32 $0x1B8B  }
0xa8: {  	_ =	swait.ge [sflag:s23], $0x1  }
0xa9: {  	[sflag:s23] =	ssyncset.done $0x0  }
0xaa: {  	s25 =	simm.s32 $0x1B8E;
	s24 =	sld [smem:$0x3FFE];
	[sflag:s23] =	ssyncadd.s32 $0xFFFFFFFF  }
0xab: {  	s26 =	simm.s32 $execute0_lowered;
	[smem:$0x3FD2] =	sst s25  }
0xac: {  	s11 =	sshll.u32 s26, $0x1;
	_ =	strace $0x80000046;
	[dreg:$0x1] =	wrdreg $0xFFFFFFFF  }
0xad: {  	s28 =	simm.s32 $_size_execute0_lowered;
	s9 =	sadd.s32 s9, s11;
	[dreg:$0x0] =	wrdreg $0x0  }
0xae: {  	s11 =	sshll.u32 s28, $0x1;
	[dreg:$0x2] =	wrdreg s9  }
0xaf: {  	[dreg:$0x3] =	wrdreg s11  }
0xb0: {  	[dreg:$0x4] =	wrdreg $0xC0  }
0xb1: {  	_ =	task [dreg:s13], $0x5FFFF  }
0xb2: {  	[dreg:$0x1] =	wrdreg $0xFFFFFFFF  }
0xb3: {  	[dreg:$0x0] =	wrdreg $0x60  }
0xb4: {  	[dreg:$0x2] =	wrdreg s24  }
0xb5: {  	[dreg:$0x3] =	wrdreg s2  }
0xb6: {  	[dreg:$0x4] =	wrdreg s18  }
0xb7: {  	[dreg:$0x5] =	wrdreg s4  }
0xb8: {  	[dreg:$0x6] =	wrdreg s5  }
0xb9: {  	[dreg:$0x7] =	wrdreg s6  }
0xba: {  	[dreg:$0x8] =	wrdreg s7  }
0xbb: {  	[dreg:$0x9] =	wrdreg s8  }
0xbc: {  	[dreg:$0xa] =	wrdreg $0x9  }
0xbd: {  	_ =	task.clear_ibuf [dreg:s13], $0xBFFFF;
	_ =	strace $0x90000046  }
0xbe: {  	s29 =	simm.s32 $0x9;
	_ =	strace $0x80000048  }
0xbf: {  	_ =	swait.ge [sflag:s29], $0x1  }
0xc0: {  	[sflag:s29] =	ssyncadd.s32 $0xFFFFFFFF  }
0xc1: {  	_ =	strace $0x90000048  }
0xc2: {  	_ =	sfence  }
0xc3: {  	s30 =	sld [smem:$0x0];
	_ =	sdelay $0x2  }
0xc4: {  	s31 =	sshll.u32 s1, $0xD;
	s1 =	sshrl.u32 s1, $0x2  }
0xc5: {  	s3 =	sand.u32 $0x4000, s31;
	s1 =	sadd.s32 s1, s30  }
0xc6: {  	s0 =	sor.u32 s3, s0;
	s1 =	sshll.u32 s1, $0x11  }
0xc7: {  	s0 =	sor.u32 s1, s0  }
0xc8: {  	s0 =	sadd.s32 $0x8F2B, s0  }
0xc9: {  	[sflag:s0] =	ssyncadd.remote.s32 $0x1  }
0xca: {  	_ =	sfence.sel $0xFFFF  }
0xcb: {  	[dreg:$0x0] =	wrdreg $0xFFFFFFFF;
	(pc) =	sbr.abs _section_cstart, $3  }
0xcc: {  	[dreg:$0x1] =	wrdreg $0xFFFFFFFF  }
0xcd: {  	_ =	task.clear_ibuf [dreg:s13], $0x2FFFF;
	_ =	strace $0x9FFFFFFF  }
0xce: {  	(tm) =	ssettm $0x7FFFFFFF  }
0xcf: {  	_ =	shalt  }
tec
execute0_lowered:
.L_overlay_start_1:
0x0: {  	(tag) =	ssettag $0x1  }
0x1: {  	s0 =	rddreg [dreg:$0x0]  }
0x2: {  	s1 =	rddreg [dreg:$0x1]  }
0x3: {  	s4 =	rddreg [dreg:$0x2]  }
0x4: {  	s5 =	rddreg [dreg:$0x3]  }
0x5: {  	s6 =	rddreg [dreg:$0x4]  }
0x6: {  	s7 =	rddreg [dreg:$0x5]  }
0x7: {  	s8 =	rddreg [dreg:$0x6]  }
0x8: {  	s9 =	rddreg [dreg:$0x7];
	s2 =	srdreg.scid  }
0x9: {  	s10 =	stileid.u32;
	s15 =	simm.s32 $0x5;
	s16 =	simm.s32 $0x80  }
0xa: {  	s28 =	simm.s32 $0xF280;
	s29 =	simm.s32 $0x10C00;
	s30 =	simm.s32 $0xF300  }
0xb: {  	s31 =	simm.s32 $0x11400;
	s14 =	simm.s32 $0x3;
	s3 =	sand.u32 $0x1, s2  }
0xc: {  	s2 =	simm.s32 $0x0;
	s10 =	sshll.u32 s10, $0xE;
	s11 =	sshll.u32 s3, $0xD  }
0xd: {  	s17 =	simm.s32 $0xF400;
	[smem:$0x7FF] =	sst s2;
	s10 =	sor.u32 s11, s10  }
0xe: {  	s12 =	ssub.s32 $0x2, s3;
	s3 =	sadd.s32 $0x400, s0;
	s13 =	sshrl.u32 s10, $0x3  }
0xf: {  	_ =	strace $0x80000047;
	s19 =	sshrl.u32 s12, $0x1;
	s1 =	sadd.s32 s1, s13  }
0x10: {  	s20 =	ssub.s32 s12, s19;
	s21 =	sadd.s32 s4, s13;
	[dreg:$0x9] =	wrdreg s1  }
0x11: {  	s26 =	sshll.u32 s10, $0x2;
	s22 =	sadd.s32 s5, s13;
	[dreg:$0xa] =	wrdreg s21  }
0x12: {  	s12 =	simm.s32 $0x1;
	s23 =	sadd.s32 s6, s13;
	[dreg:$0xb] =	wrdreg s22  }
0x13: {  	s19 =	simm.s32 $0x4;
	s24 =	sadd.s32 s7, s13;
	[dreg:$0xc] =	wrdreg s23  }
0x14: {  	s25 =	sadd.s32 s8, s13;
	s10 =	sadd.s32 s9, s26;
	[dreg:$0xd] =	wrdreg s24  }
0x15: {  	s0 =	smax.u32 s20, $0x1;
	s26 =	simm.s32 $0x10400;
	[dreg:$0xe] =	wrdreg s25  }
0x16: {  	s13 =	simm.s32 $0xC200;
	s20 =	simm.s32 $0x0;
	[dreg:$0xf] =	wrdreg s0  }
0x17: {  	s25 =	simm.s32 $0xF200;
	s0 =	simm.s32 $0xF380;
	s1 =	simm.s32 $0x11C00  }
.LBB2_1:
0x18: {  	s4 =	rddreg [dreg:$0x9]  }
0x19: {  	[tilespmem:s2], [sflag:$0x5] =	stream.linear.gather [hbm4b:s4+s2], $0x2000, $0x38;
	[tilespmem:$0x12400] =	vst v63  }
0x1a: {  	s11 =	rddreg [dreg:$0xa];
	s5 =	simm.s32 $0x2000  }
0x1b: {  	[tilespmem:s5], [sflag:$0x5] =	stream.linear.gather [hbm4b:s11+s2], $0x2000, $0x38;
	[tilespmem:$0x12400] =	vst v63  }
0x1c: {  	s18 =	rddreg [dreg:$0xb];
	s21 =	simm.s32 $0x4000  }
0x1d: {  	[tilespmem:s21], [sflag:$0x5] =	stream.linear.gather [hbm4b:s18+s2], $0x2000, $0x38;
	[tilespmem:$0x12400] =	vst v63  }
0x1e: {  	s22 =	rddreg [dreg:$0xc];
	s23 =	simm.s32 $0x6000  }
0x1f: {  	[tilespmem:s23], [sflag:$0x5] =	stream.linear.gather [hbm4b:s22+s2], $0x2000, $0x38;
	[tilespmem:$0x12400] =	vst v63  }
0x20: {  	s24 =	rddreg [dreg:$0xd];
	s11 =	simm.s32 $0x8000  }
0x21: {  	[tilespmem:s11], [sflag:$0x5] =	stream.linear.gather [hbm4b:s24+s2], $0x2000, $0x38;
	[tilespmem:$0x12400] =	vst v63  }
0x22: {  	s9 =	simm.s32 $0xA000;
	s5 =	rddreg [dreg:$0xe]  }
0x23: {  	[tilespmem:s9], [sflag:$0x5] =	stream.linear.gather [hbm4b:s5+s2], $0x2000, $0x38;
	[tilespmem:$0x12400] =	vst v63  }
0x24: {  	_ =	swait.ge [sflag:s15], $0x2000  }
0x25: {  	[sflag:s15] =	ssyncset.done $0x0  }
0x26: {  	[sflag:s15] =	ssyncadd.s32 $0xFFFFE000  }
0x27: {  	_ =	swait.ge [sflag:s15], $0x2000  }
0x28: {  	[sflag:s15] =	ssyncset.done $0x0  }
0x29: {  	[sflag:s15] =	ssyncadd.s32 $0xFFFFE000  }
0x2a: {  	_ =	swait.ge [sflag:s15], $0x2000  }
0x2b: {  	[sflag:s15] =	ssyncset.done $0x0  }
0x2c: {  	[sflag:s15] =	ssyncadd.s32 $0xFFFFE000  }
0x2d: {  	_ =	swait.ge [sflag:s15], $0x2000  }
0x2e: {  	[sflag:s15] =	ssyncset.done $0x0  }
0x2f: {  	[sflag:s15] =	ssyncadd.s32 $0xFFFFE000  }
0x30: {  	_ =	swait.ge [sflag:s15], $0x2000  }
0x31: {  	[sflag:s15] =	ssyncset.done $0x0  }
0x32: {  	[sflag:s15] =	ssyncadd.s32 $0xFFFFE000  }
0x33: {  	_ =	swait.ge [sflag:s15], $0x2000  }
0x34: {  	[sflag:s15] =	ssyncset.done $0x0  }
0x35: {  	[sflag:s15] =	ssyncadd.s32 $0xFFFFE000  }
0x36: {  	v0 =	vld [tilespmem:$0x0]  }
0x37: {  	v1 =	vld [tilespmem:$0x2000]  }
0x38: {  	v2 =	vld [tilespmem:$0x4000]  }
0x39: {  	v3 =	vld [tilespmem:$0x6000]  }
0x3a: {  	v4 =	vld [tilespmem:$0x10]  }
0x3b: {  	v5 =	vld [tilespmem:$0x2010]  }
0x3c: {  	v6 =	vld [tilespmem:$0x4010]  }
0x3d: {  	v8 =	vld [tilespmem:$0x6010]  }
0x3e: {  	v59 =	vld [tilespmem:$0x20]  }
0x3f: {  	v63 =	vld [tilespmem:$0x4020];
	v1 =	vshll.u32 v1, $0x8  }
0x40: {  	v13 =	vld [tilespmem:$0x6020];
	v7 =	vadd.s32 v0, v1  }
0x41: {  	v15 =	vld [tilespmem:$0x30];
	v3 =	vshll.u32 v3, $0x8;
	v1 =	vadd.s32 v2, v1;
	[tilespmem:$0xC000] =	vst v7  }
0x42: {  	v17 =	vld [tilespmem:$0x2030];
	v0 =	vadd.s32 v0, v3;
	[tilespmem:$0xC080] =	vst v1  }
0x43: {  	v19 =	vld [tilespmem:$0x4030];
	v62 =	vshll.u32 v5, $0x8;
	v61 =	vadd.s32 v2, v3;
	[tilespmem:$0xC100] =	vst v0  }
0x44: {  	v21 =	vld [tilespmem:$0x6030];
	v12 =	vadd.s32 v4, v62;
	[tilespmem:$0xC180] =	vst v61  }
0x45: {  	v23 =	vld [tilespmem:$0x40];
	v8 =	vshll.u32 v8, $0x8;
	v14 =	vadd.s32 v6, v62;
	[tilespmem:$0xC010] =	vst v12  }
0x46: {  	v25 =	vld [tilespmem:$0x2040];
	v16 =	vadd.s32 v4, v8;
	[tilespmem:$0xC090] =	vst v14  }
0x47: {  	v28 =	vld [tilespmem:$0x4040];
	v5 =	vshll.u32 v13, $0x8;
	v18 =	vadd.s32 v6, v8;
	[tilespmem:$0xC110] =	vst v16  }
0x48: {  	v47 =	vld [tilespmem:$0x6060];
	v24 =	vadd.s32 v59, v5;
	[tilespmem:$0xC190] =	vst v18  }
0x49: {  	v41 =	vld [tilespmem:$0x60];
	v27 =	vshll.u32 v17, $0x8;
	v26 =	vadd.s32 v63, v5;
	[tilespmem:$0xC120] =	vst v24  }
0x4a: {  	v60 =	vld [tilespmem:$0x2020];
	v29 =	vadd.s32 v15, v27;
	[tilespmem:$0xC1A0] =	vst v26  }
0x4b: {  	v30 =	vld [tilespmem:$0x6040];
	v36 =	vshll.u32 v25, $0x8;
	v31 =	vadd.s32 v19, v27;
	[tilespmem:$0xC030] =	vst v29  }
0x4c: {  	v32 =	vld [tilespmem:$0x50];
	v38 =	vadd.s32 v23, v36;
	[tilespmem:$0xC0B0] =	vst v31  }
0x4d: {  	v34 =	vld [tilespmem:$0x2050];
	v56 =	vshll.u32 v47, $0x8;
	v40 =	vadd.s32 v28, v36;
	[tilespmem:$0xC040] =	vst v38  }
0x4e: {  	v37 =	vld [tilespmem:$0x4050];
	v8 =	vshll.u32 v21, $0x8;
	v57 =	vadd.s32 v41, v56;
	[tilespmem:$0xC0C0] =	vst v40  }
0x4f: {  	v45 =	vld [tilespmem:$0x4060];
	v33 =	vadd.s32 v15, v8;
	[tilespmem:$0xC160] =	vst v57  }
0x50: {  	v51 =	vld [tilespmem:$0x2070];
	v5 =	vshll.u32 v30, $0x8;
	v35 =	vadd.s32 v19, v8;
	[tilespmem:$0xC130] =	vst v33  }
0x51: {  	v53 =	vld [tilespmem:$0x4070];
	v42 =	vadd.s32 v23, v5;
	[tilespmem:$0xC1B0] =	vst v35  }
0x52: {  	v2 =	vshll.u32 v34, $0x8;
	v44 =	vadd.s32 v28, v5;
	[tilespmem:$0xC140] =	vst v42  }
0x53: {  	v39 =	vld [tilespmem:$0x6050];
	v46 =	vadd.s32 v32, v2;
	[tilespmem:$0xC1C0] =	vst v44  }
0x54: {  	v48 =	vadd.s32 v37, v2;
	[tilespmem:$0xC050] =	vst v46  }
0x55: {  	v49 =	vld [tilespmem:$0x70];
	v58 =	vshll.u32 v51, $0x8;
	v0 =	vadd.s32 v45, v56;
	[tilespmem:$0xC0D0] =	vst v48  }
0x56: {  	v55 =	vld [tilespmem:$0x6070];
	v1 =	vshll.u32 v60, $0x8;
	v61 =	vadd.s32 v53, v58;
	[tilespmem:$0xC1E0] =	vst v0  }
0x57: {  	v20 =	vadd.s32 v59, v1;
	[tilespmem:$0xC0F0] =	vst v61  }
0x58: {  	v43 =	vld [tilespmem:$0x2060];
	v8 =	vshll.u32 v39, $0x8;
	v22 =	vadd.s32 v63, v1;
	[tilespmem:$0xC020] =	vst v20  }
0x59: {  	v50 =	vadd.s32 v32, v8;
	[tilespmem:$0xC0A0] =	vst v22  }
0x5a: {  	v52 =	vadd.s32 v37, v8;
	[tilespmem:$0xC150] =	vst v50  }
0x5b: {  	v60 =	vshll.u32 v55, $0x8;
	v59 =	vadd.s32 v49, v58;
	[tilespmem:$0xC1D0] =	vst v52  }
0x5c: {  	v62 =	vadd.s32 v49, v60;
	[tilespmem:$0xC070] =	vst v59  }
0x5d: {  	v1 =	vshll.u32 v43, $0x8;
	v63 =	vadd.s32 v53, v60;
	[tilespmem:$0xC170] =	vst v62  }
0x5e: {  	v54 =	vadd.s32 v41, v1;
	[tilespmem:$0xC1F0] =	vst v63  }
0x5f: {  	v1 =	vadd.s32 v45, v1;
	[tilespmem:$0xC060] =	vst v54  }
0x60: {  	s6 =	simm.s32 $0xC000;
	s7 =	simm.s32 $0xD200;
	[tilespmem:$0xC0E0] =	vst v1  }
0x61: {  	[tilespmem:s7], [sflag:$0x1] =	stream.indirect.gather [hbm4b:s3+s16], $0x10, s6, s16, $0xb8;
	[tilespmem:$0x12400] =	vst v63  }
0x62: {  	s8 =	simm.s32 $0xC080;
	s18 =	simm.s32 $0xDA00  }
0x63: {  	[tilespmem:s18], [sflag:$0x1] =	stream.indirect.gather [hbm4b:s3+s16], $0x10, s8, s16, $0xb8;
	[tilespmem:$0x12400] =	vst v63  }
0x64: {  	s21 =	simm.s32 $0xC100;
	s22 =	simm.s32 $0xE200  }
0x65: {  	[tilespmem:s22], [sflag:$0x1] =	stream.indirect.gather [hbm4b:s3+s16], $0x10, s21, s16, $0xb8;
	[tilespmem:$0x12400] =	vst v63  }
0x66: {  	s23 =	simm.s32 $0xC180;
	s24 =	simm.s32 $0xEA00  }
0x67: {  	[tilespmem:s24], [sflag:$0x1] =	stream.indirect.gather [hbm4b:s3+s16], $0x10, s23, s16, $0xb8;
	[tilespmem:$0x12400] =	vst v63  }
0x68: {  	s4 =	simm.s32 $0x0;
	s23 =	simm.s32 $0x8080;
	s24 =	simm.s32 $0xA080  }
.LBB2_2:
0x69: {  	s5 =	sshllo.u32 s4, $0x1  }
0x6a: {  	s6 =	sshll.u32 s5, $0x7  }
0x6b: {  	v0 =	vld [tilespmem:s6+$0x0]  }
0x6c: {  	v1 =	vld [tilespmem:s6+$0x2000]  }
0x6d: {  	v2 =	vld [tilespmem:s6+$0x4000]  }
0x6e: {  	v3 =	vld [tilespmem:s6+$0x6000];
	_ =	sdelay $0x2  }
0x6f: {  	v1 =	vshll.u32 v1, $0x8  }
0x70: {  	v4 =	vadd.s32 v0, v1  }
0x71: {  	v3 =	vshll.u32 v3, $0x8;
	v1 =	vadd.s32 v2, v1;
	[tilespmem:$0xF200] =	vst v4  }
0x72: {  	v0 =	vadd.s32 v0, v3;
	[tilespmem:$0xF280] =	vst v1  }
0x73: {  	v35 =	vadd.s32 v2, v3;
	[tilespmem:$0xF300] =	vst v0  }
0x74: {  	[tilespmem:$0xF380] =	vst v35  }
0x75: {  	v0 =	vld [tilespmem:s6+$0x10]  }
0x76: {  	v1 =	vld [tilespmem:s6+$0x2010]  }
0x77: {  	v36 =	vld [tilespmem:s6+$0x4010]  }
0x78: {  	v37 =	vld [tilespmem:s6+$0x6010];
	_ =	sdelay $0x2  }
0x79: {  	v1 =	vshll.u32 v1, $0x8  }
0x7a: {  	v38 =	vadd.s32 v0, v1  }
0x7b: {  	v3 =	vshll.u32 v37, $0x8;
	v1 =	vadd.s32 v36, v1;
	[tilespmem:$0xF210] =	vst v38  }
0x7c: {  	v0 =	vadd.s32 v0, v3;
	[tilespmem:$0xF290] =	vst v1  }
0x7d: {  	v39 =	vadd.s32 v36, v3;
	[tilespmem:$0xF310] =	vst v0  }
0x7e: {  	[tilespmem:$0xF390] =	vst v39  }
0x7f: {  	v0 =	vld [tilespmem:s6+$0x20]  }
0x80: {  	v1 =	vld [tilespmem:s6+$0x2020]  }
0x81: {  	v40 =	vld [tilespmem:s6+$0x4020]  }
0x82: {  	v41 =	vld [tilespmem:s6+$0x6020];
	_ =	sdelay $0x2  }
0x83: {  	v1 =	vshll.u32 v1, $0x8  }
0x84: {  	v42 =	vadd.s32 v0, v1  }
0x85: {  	v3 =	vshll.u32 v41, $0x8;
	v1 =	vadd.s32 v40, v1;
	[tilespmem:$0xF220] =	vst v42  }
0x86: {  	v0 =	vadd.s32 v0, v3;
	[tilespmem:$0xF2A0] =	vst v1  }
0x87: {  	v43 =	vadd.s32 v40, v3;
	[tilespmem:$0xF320] =	vst v0  }
0x88: {  	[tilespmem:$0xF3A0] =	vst v43  }
0x89: {  	v0 =	vld [tilespmem:s6+$0x30]  }
0x8a: {  	v1 =	vld [tilespmem:s6+$0x2030]  }
0x8b: {  	v44 =	vld [tilespmem:s6+$0x4030]  }
0x8c: {  	v45 =	vld [tilespmem:s6+$0x6030];
	_ =	sdelay $0x2  }
0x8d: {  	v1 =	vshll.u32 v1, $0x8  }
0x8e: {  	v46 =	vadd.s32 v0, v1  }
0x8f: {  	v3 =	vshll.u32 v45, $0x8;
	v1 =	vadd.s32 v44, v1;
	[tilespmem:$0xF230] =	vst v46  }
0x90: {  	v0 =	vadd.s32 v0, v3;
	[tilespmem:$0xF2B0] =	vst v1  }
0x91: {  	v47 =	vadd.s32 v44, v3;
	[tilespmem:$0xF330] =	vst v0  }
0x92: {  	[tilespmem:$0xF3B0] =	vst v47  }
0x93: {  	v0 =	vld [tilespmem:s6+$0x40]  }
0x94: {  	v1 =	vld [tilespmem:s6+$0x2040]  }
0x95: {  	v48 =	vld [tilespmem:s6+$0x4040]  }
0x96: {  	v49 =	vld [tilespmem:s6+$0x6040];
	_ =	sdelay $0x2  }
0x97: {  	v1 =	vshll.u32 v1, $0x8  }
0x98: {  	v50 =	vadd.s32 v0, v1  }
0x99: {  	v3 =	vshll.u32 v49, $0x8;
	v1 =	vadd.s32 v48, v1;
	[tilespmem:$0xF240] =	vst v50  }
0x9a: {  	v0 =	vadd.s32 v0, v3;
	[tilespmem:$0xF2C0] =	vst v1  }
0x9b: {  	v51 =	vadd.s32 v48, v3;
	[tilespmem:$0xF340] =	vst v0  }
0x9c: {  	[tilespmem:$0xF3C0] =	vst v51  }
0x9d: {  	v0 =	vld [tilespmem:s6+$0x50]  }
0x9e: {  	v1 =	vld [tilespmem:s6+$0x2050]  }
0x9f: {  	v52 =	vld [tilespmem:s6+$0x4050]  }
0xa0: {  	v53 =	vld [tilespmem:s6+$0x6050];
	_ =	sdelay $0x2  }
0xa1: {  	v1 =	vshll.u32 v1, $0x8  }
0xa2: {  	v54 =	vadd.s32 v0, v1  }
0xa3: {  	v3 =	vshll.u32 v53, $0x8;
	v1 =	vadd.s32 v52, v1;
	[tilespmem:$0xF250] =	vst v54  }
0xa4: {  	v0 =	vadd.s32 v0, v3;
	[tilespmem:$0xF2D0] =	vst v1  }
0xa5: {  	v55 =	vadd.s32 v52, v3;
	[tilespmem:$0xF350] =	vst v0  }
0xa6: {  	[tilespmem:$0xF3D0] =	vst v55  }
0xa7: {  	v0 =	vld [tilespmem:s6+$0x60]  }
0xa8: {  	v1 =	vld [tilespmem:s6+$0x2060]  }
0xa9: {  	v56 =	vld [tilespmem:s6+$0x4060]  }
0xaa: {  	v57 =	vld [tilespmem:s6+$0x6060];
	_ =	sdelay $0x2  }
0xab: {  	v1 =	vshll.u32 v1, $0x8  }
0xac: {  	v58 =	vadd.s32 v0, v1  }
0xad: {  	v3 =	vshll.u32 v57, $0x8;
	v1 =	vadd.s32 v56, v1;
	[tilespmem:$0xF260] =	vst v58  }
0xae: {  	v0 =	vadd.s32 v0, v3;
	[tilespmem:$0xF2E0] =	vst v1  }
0xaf: {  	v59 =	vadd.s32 v56, v3;
	[tilespmem:$0xF360] =	vst v0  }
0xb0: {  	[tilespmem:$0xF3E0] =	vst v59  }
0xb1: {  	v0 =	vld [tilespmem:s6+$0x70]  }
0xb2: {  	v1 =	vld [tilespmem:s6+$0x2070]  }
0xb3: {  	v60 =	vld [tilespmem:s6+$0x4070]  }
0xb4: {  	v61 =	vld [tilespmem:s6+$0x6070];
	_ =	sdelay $0x2  }
0xb5: {  	v1 =	vshll.u32 v1, $0x8  }
0xb6: {  	v62 =	vadd.s32 v0, v1  }
0xb7: {  	v3 =	vshll.u32 v61, $0x8;
	v1 =	vadd.s32 v60, v1;
	[tilespmem:$0xF270] =	vst v62  }
0xb8: {  	v0 =	vadd.s32 v0, v3;
	[tilespmem:$0xF2F0] =	vst v1  }
0xb9: {  	v63 =	vadd.s32 v60, v3;
	[tilespmem:$0xF370] =	vst v0  }
0xba: {  	[tilespmem:$0xF3F0] =	vst v63  }
0xbb: {  	[tilespmem:s26], [sflag:$0x3] =	stream.indirect.gather [hbm4b:s3+s16], $0x10, s25, s16, $0xb8;
	[tilespmem:$0x12400] =	vst v63  }
0xbc: {  	_ = 	snop  }
0xbd: {  	[tilespmem:s29], [sflag:$0x3] =	stream.indirect.gather [hbm4b:s3+s16], $0x10, s28, s16, $0xb8;
	[tilespmem:$0x12400] =	vst v63  }
0xbe: {  	p0 =	seq.s32 s4, $0x0  }
0xbf: {  	[tilespmem:s31], [sflag:$0x3] =	stream.indirect.gather [hbm4b:s3+s16], $0x10, s30, s16, $0xb8;
	[tilespmem:$0x12400] =	vst v63  }
0xc0: {  	s6 =	simm.s32 @!p0 $0x2  }
0xc1: {  	[tilespmem:s1], [sflag:$0x3] =	stream.indirect.gather [hbm4b:s3+s16], $0x10, s0, s16, $0xb8;
	[tilespmem:$0x12400] =	vst v63  }
0xc2: {  	_ =	swait.ge @!p0 [sflag:s6], $0x1000  }
0xc3: {  	[sflag:s6] =	ssyncset.done @!p0 $0x0  }
0xc4: {  	[sflag:s6] =	ssyncadd.s32 @!p0 $0xFFFFF000  }
0xc5: {  	_ =	swait.ge [sflag:s12], $0x800  }
0xc6: {  	[sflag:s12] =	ssyncset.done $0x0  }
0xc7: {  	[sflag:s12] =	ssyncadd.s32 $0xFFFFF800  }
0xc8: {  	_ =	swait.ge [sflag:s12], $0x800  }
0xc9: {  	[sflag:s12] =	ssyncset.done $0x0  }
0xca: {  	[sflag:s12] =	ssyncadd.s32 $0xFFFFF800  }
0xcb: {  	_ =	swait.ge [sflag:s12], $0x800  }
0xcc: {  	[sflag:s12] =	ssyncset.done $0x0  }
0xcd: {  	[sflag:s12] =	ssyncadd.s32 $0xFFFFF800  }
0xce: {  	s7 =	simm.s32 $0x0;
	_ =	swait.ge [sflag:s12], $0x800  }
0xcf: {  	s8 =	simm.s32 $0xC300;
	s22 =	smov.u32 s9;
	[sflag:s12] =	ssyncset.done $0x0  }
0xd0: {  	s21 =	smov.u32 s11;
	s6 =	sshll.u32 s4, $0x8;
	[sflag:s12] =	ssyncadd.s32 $0xFFFFF800  }
.LBB2_3:
0xd1: {  	v1 =	vld [tilespmem:s21+$0x0];
	_ =	sdelay $0x1  }
0xd2: {  	v2 =	vld [tilespmem:s22+$0x0];
	_ =	sdelay $0x1  }
0xd3: {  	s18 =	sshra.s32 s7, $0x2  }
0xd4: {  	v4 =	vld [tilespmem:s18+$0xD200];
	v3 =	vsub.f32 $1.000000000e+00, v1;
	_ =	sdelay $0x1  }
0xd5: {  	v5 =	vld [tilespmem:s18+$0xDA00];
	v0 =	vmul.f32 v2, v1;
	v3 =	vsub.f32 v3, v2  }
0xd6: {  	v6 =	vld [tilespmem:s18+$0xE200]  }
0xd7: {  	v1 =	vsub.f32 v1, v0;
	v3 =	vadd.f32 v0, v3  }
0xd8: {  	v12 =	vshll.u32 v4, $0x10;
	v2 =	vsub.f32 v2, v0  }
0xd9: {  	v11 =	vld [tilespmem:s18+$0xEA00];
	v4 =	vand.u32 $0xFFFF0000, v4;
	v8 =	vbroadcast v1, $0x0;
	v7 =	vbroadcast v3, $0x0  }
0xda: {  	v13 =	vshll.u32 v5, $0x10;
	v5 =	vand.u32 $0xFFFF0000, v5;
	v9 =	vbroadcast v2, $0x0  }
0xdb: {  	v14 =	vshll.u32 v6, $0x10;
	v13 =	vmul.f32 v13, v8;
	v12 =	vmul.f32 v12, v7  }
0xdc: {  	v6 =	vand.u32 $0xFFFF0000, v6;
	v5 =	vmul.f32 v5, v8;
	v4 =	vmul.f32 v4, v7  }
0xdd: {  	v10 =	vbroadcast v0, $0x0;
	v61 =	vmul.f32 v14, v9;
	v60 =	vadd.f32 v13, v12  }
0xde: {  	v62 =	vshll.u32 v11, $0x10;
	v63 =	vmul.f32 v6, v9;
	v4 =	vadd.f32 v5, v4  }
0xdf: {  	v14 =	vmul.f32 v62, v10;
	v13 =	vand.u32 $0xFFFF0000, v11;
	v7 =	vadd.f32 v61, v60  }
0xe0: {  	v15 =	vmul.f32 v13, v10;
	v4 =	vadd.f32 v63, v4  }
0xe1: {  	v16 =	vadd.f32 v14, v7  }
0xe2: {  	v4 =	vadd.f32 v15, v4  }
0xe3: {  	[tilespmem:s8+$0xFFFFFF00] =	vst v16  }
0xe4: {  	[tilespmem:s8+$0xFFFFFF10] =	vst v4  }
0xe5: {  	v4 =	vld [tilespmem:s18+$0xD210]  }
0xe6: {  	v17 =	vld [tilespmem:s18+$0xDA10];
	_ =	sdelay $0x1  }
0xe7: {  	v6 =	vld [tilespmem:s18+$0xE210]  }
0xe8: {  	v21 =	vbroadcast v0, $0x1;
	v19 =	vbroadcast v1, $0x1  }
0xe9: {  	v20 =	vbroadcast v2, $0x1;
	v18 =	vbroadcast v3, $0x1;
	v22 =	vld [tilespmem:s18+$0xEA10]  }
0xea: {  	v23 =	vshll.u32 v4, $0x10;
	v4 =	vand.u32 $0xFFFF0000, v4;
	v24 =	vshll.u32 v17, $0x10  }
0xeb: {  	v5 =	vand.u32 $0xFFFF0000, v17;
	v12 =	vmul.f32 v23, v18;
	v13 =	vmul.f32 v24, v19  }
0xec: {  	v25 =	vshll.u32 v6, $0x10;
	v4 =	vmul.f32 v4, v18;
	v5 =	vmul.f32 v5, v19  }
0xed: {  	v6 =	vand.u32 $0xFFFF0000, v6;
	v27 =	vmul.f32 v25, v20;
	v26 =	vadd.f32 v13, v12  }
0xee: {  	v28 =	vshll.u32 v22, $0x10;
	v29 =	vmul.f32 v6, v20;
	v4 =	vadd.f32 v5, v4  }
0xef: {  	v30 =	vand.u32 $0xFFFF0000, v22;
	v31 =	vmul.f32 v28, v21;
	v7 =	vadd.f32 v27, v26  }
0xf0: {  	v32 =	vmul.f32 v30, v21;
	v4 =	vadd.f32 v29, v4  }
0xf1: {  	v33 =	vadd.f32 v31, v7  }
0xf2: {  	v4 =	vadd.f32 v32, v4  }
0xf3: {  	[tilespmem:s8+$0xFFFFFF20] =	vst v33  }
0xf4: {  	[tilespmem:s8+$0xFFFFFF30] =	vst v4  }
0xf5: {  	v4 =	vld [tilespmem:s18+$0xD220]  }
0xf6: {  	v34 =	vld [tilespmem:s18+$0xDA20];
	_ =	sdelay $0x1  }
0xf7: {  	v6 =	vld [tilespmem:s18+$0xE220]  }
0xf8: {  	v38 =	vbroadcast v0, $0x2;
	v36 =	vbroadcast v1, $0x2  }
0xf9: {  	v37 =	vbroadcast v2, $0x2;
	v35 =	vbroadcast v3, $0x2;
	v39 =	vld [tilespmem:s18+$0xEA20]  }
0xfa: {  	v40 =	vshll.u32 v4, $0x10;
	v4 =	vand.u32 $0xFFFF0000, v4;
	v41 =	vshll.u32 v34, $0x10  }
0xfb: {  	v5 =	vand.u32 $0xFFFF0000, v34;
	v12 =	vmul.f32 v40, v35;
	v13 =	vmul.f32 v41, v36  }
0xfc: {  	v42 =	vshll.u32 v6, $0x10;
	v4 =	vmul.f32 v4, v35;
	v5 =	vmul.f32 v5, v36  }
0xfd: {  	v6 =	vand.u32 $0xFFFF0000, v6;
	v44 =	vmul.f32 v42, v37;
	v43 =	vadd.f32 v13, v12  }
0xfe: {  	v45 =	vshll.u32 v39, $0x10;
	v46 =	vmul.f32 v6, v37;
	v4 =	vadd.f32 v5, v4  }
0xff: {  	v47 =	vand.u32 $0xFFFF0000, v39;
	v48 =	vmul.f32 v45, v38;
	v7 =	vadd.f32 v44, v43  }
0x100: {  	v49 =	vmul.f32 v47, v38;
	v4 =	vadd.f32 v46, v4  }
0x101: {  	v50 =	vadd.f32 v48, v7  }
0x102: {  	v4 =	vadd.f32 v49, v4  }
0x103: {  	[tilespmem:s8+$0xFFFFFF40] =	vst v50  }
0x104: {  	[tilespmem:s8+$0xFFFFFF50] =	vst v4  }
0x105: {  	v4 =	vld [tilespmem:s18+$0xD230]  }
0x106: {  	v51 =	vld [tilespmem:s18+$0xDA30];
	_ =	sdelay $0x1  }
0x107: {  	v6 =	vld [tilespmem:s18+$0xE230]  }
0x108: {  	v55 =	vbroadcast v0, $0x3;
	v53 =	vbroadcast v1, $0x3  }
0x109: {  	v54 =	vbroadcast v2, $0x3;
	v52 =	vbroadcast v3, $0x3;
	v56 =	vld [tilespmem:s18+$0xEA30]  }
0x10a: {  	v57 =	vshll.u32 v4, $0x10;
	v4 =	vand.u32 $0xFFFF0000, v4;
	v58 =	vshll.u32 v51, $0x10  }
0x10b: {  	v5 =	vand.u32 $0xFFFF0000, v51;
	v12 =	vmul.f32 v57, v52;
	v13 =	vmul.f32 v58, v53  }
0x10c: {  	v59 =	vshll.u32 v6, $0x10;
	v4 =	vmul.f32 v4, v52;
	v5 =	vmul.f32 v5, v53  }
0x10d: {  	v6 =	vand.u32 $0xFFFF0000, v6;
	v61 =	vmul.f32 v59, v54;
	v60 =	vadd.f32 v13, v12  }
0x10e: {  	v62 =	vshll.u32 v56, $0x10;
	v63 =	vmul.f32 v6, v54;
	v4 =	vadd.f32 v5, v4  }
0x10f: {  	v14 =	vmul.f32 v62, v55;
	v13 =	vand.u32 $0xFFFF0000, v56;
	v7 =	vadd.f32 v61, v60  }
0x110: {  	v15 =	vmul.f32 v13, v55;
	v4 =	vadd.f32 v63, v4  }
0x111: {  	v16 =	vadd.f32 v14, v7  }
0x112: {  	v4 =	vadd.f32 v15, v4  }
0x113: {  	[tilespmem:s8+$0xFFFFFF60] =	vst v16  }
0x114: {  	[tilespmem:s8+$0xFFFFFF70] =	vst v4  }
0x115: {  	v4 =	vld [tilespmem:s18+$0xD240]  }
0x116: {  	v17 =	vld [tilespmem:s18+$0xDA40];
	_ =	sdelay $0x1  }
0x117: {  	v6 =	vld [tilespmem:s18+$0xE240]  }
0x118: {  	v18 =	vbroadcast v3, $0x4;
	v19 =	vbroadcast v1, $0x4  }
0x119: {  	v20 =	vbroadcast v2, $0x4;
	v21 =	vbroadcast v0, $0x4;
	v22 =	vld [tilespmem:s18+$0xEA40]  }
0x11a: {  	v23 =	vshll.u32 v4, $0x10;
	v4 =	vand.u32 $0xFFFF0000, v4;
	v24 =	vshll.u32 v17, $0x10  }
0x11b: {  	v5 =	vand.u32 $0xFFFF0000, v17;
	v12 =	vmul.f32 v23, v18;
	v13 =	vmul.f32 v24, v19  }
0x11c: {  	v25 =	vshll.u32 v6, $0x10;
	v4 =	vmul.f32 v4, v18;
	v5 =	vmul.f32 v5, v19  }
0x11d: {  	v6 =	vand.u32 $0xFFFF0000, v6;
	v27 =	vmul.f32 v25, v20;
	v26 =	vadd.f32 v13, v12  }
0x11e: {  	v28 =	vshll.u32 v22, $0x10;
	v29 =	vmul.f32 v6, v20;
	v4 =	vadd.f32 v5, v4  }
0x11f: {  	v30 =	vand.u32 $0xFFFF0000, v22;
	v31 =	vmul.f32 v28, v21;
	v7 =	vadd.f32 v27, v26  }
0x120: {  	v32 =	vmul.f32 v30, v21;
	v4 =	vadd.f32 v29, v4  }
0x121: {  	v33 =	vadd.f32 v31, v7  }
0x122: {  	v4 =	vadd.f32 v32, v4  }
0x123: {  	[tilespmem:s8+$0xFFFFFF80] =	vst v33  }
0x124: {  	[tilespmem:s8+$0xFFFFFF90] =	vst v4  }
0x125: {  	v4 =	vld [tilespmem:s18+$0xD250]  }
0x126: {  	v34 =	vld [tilespmem:s18+$0xDA50];
	_ =	sdelay $0x1  }
0x127: {  	v6 =	vld [tilespmem:s18+$0xE250]  }
0x128: {  	v35 =	vbroadcast v3, $0x5;
	v36 =	vbroadcast v1, $0x5  }
0x129: {  	v37 =	vbroadcast v2, $0x5;
	v38 =	vbroadcast v0, $0x5;
	v39 =	vld [tilespmem:s18+$0xEA50]  }
0x12a: {  	v40 =	vshll.u32 v4, $0x10;
	v4 =	vand.u32 $0xFFFF0000, v4;
	v41 =	vshll.u32 v34, $0x10  }
0x12b: {  	v5 =	vand.u32 $0xFFFF0000, v34;
	v12 =	vmul.f32 v40, v35;
	v13 =	vmul.f32 v41, v36  }
0x12c: {  	v42 =	vshll.u32 v6, $0x10;
	v4 =	vmul.f32 v4, v35;
	v5 =	vmul.f32 v5, v36  }
0x12d: {  	v6 =	vand.u32 $0xFFFF0000, v6;
	v44 =	vmul.f32 v42, v37;
	v43 =	vadd.f32 v13, v12  }
0x12e: {  	v45 =	vshll.u32 v39, $0x10;
	v46 =	vmul.f32 v6, v37;
	v4 =	vadd.f32 v5, v4  }
0x12f: {  	v47 =	vand.u32 $0xFFFF0000, v39;
	v48 =	vmul.f32 v45, v38;
	v7 =	vadd.f32 v44, v43  }
0x130: {  	v49 =	vmul.f32 v47, v38;
	v4 =	vadd.f32 v46, v4  }
0x131: {  	v50 =	vadd.f32 v48, v7  }
0x132: {  	v4 =	vadd.f32 v49, v4  }
0x133: {  	[tilespmem:s8+$0xFFFFFFA0] =	vst v50  }
0x134: {  	[tilespmem:s8+$0xFFFFFFB0] =	vst v4  }
0x135: {  	v4 =	vld [tilespmem:s18+$0xD260]  }
0x136: {  	v51 =	vld [tilespmem:s18+$0xDA60];
	_ =	sdelay $0x1  }
0x137: {  	v6 =	vld [tilespmem:s18+$0xE260]  }
0x138: {  	v52 =	vbroadcast v3, $0x6;
	v53 =	vbroadcast v1, $0x6  }
0x139: {  	v54 =	vbroadcast v2, $0x6;
	v55 =	vbroadcast v0, $0x6;
	v56 =	vld [tilespmem:s18+$0xEA60]  }
0x13a: {  	v57 =	vshll.u32 v4, $0x10;
	v4 =	vand.u32 $0xFFFF0000, v4;
	v58 =	vshll.u32 v51, $0x10  }
0x13b: {  	v5 =	vand.u32 $0xFFFF0000, v51;
	v12 =	vmul.f32 v57, v52;
	v13 =	vmul.f32 v58, v53  }
0x13c: {  	v59 =	vshll.u32 v6, $0x10;
	v4 =	vmul.f32 v4, v52;
	v5 =	vmul.f32 v5, v53  }
0x13d: {  	v6 =	vand.u32 $0xFFFF0000, v6;
	v61 =	vmul.f32 v59, v54;
	v60 =	vadd.f32 v13, v12  }
0x13e: {  	v62 =	vshll.u32 v56, $0x10;
	v63 =	vmul.f32 v6, v54;
	v4 =	vadd.f32 v5, v4  }
0x13f: {  	v14 =	vmul.f32 v62, v55;
	v13 =	vand.u32 $0xFFFF0000, v56;
	v7 =	vadd.f32 v61, v60  }
0x140: {  	v15 =	vmul.f32 v13, v55;
	v4 =	vadd.f32 v63, v4  }
0x141: {  	v16 =	vadd.f32 v14, v7  }
0x142: {  	v4 =	vadd.f32 v15, v4  }
0x143: {  	[tilespmem:s8+$0xFFFFFFC0] =	vst v16  }
0x144: {  	[tilespmem:s8+$0xFFFFFFD0] =	vst v4  }
0x145: {  	v4 =	vld [tilespmem:s18+$0xD270]  }
0x146: {  	v17 =	vld [tilespmem:s18+$0xDA70];
	_ =	sdelay $0x1  }
0x147: {  	v6 =	vld [tilespmem:s18+$0xE270]  }
0x148: {  	v18 =	vbroadcast v3, $0x7;
	v19 =	vbroadcast v1, $0x7  }
0x149: {  	v20 =	vbroadcast v2, $0x7;
	v21 =	vbroadcast v0, $0x7;
	v22 =	vld [tilespmem:s18+$0xEA70]  }
0x14a: {  	v23 =	vshll.u32 v4, $0x10;
	v4 =	vand.u32 $0xFFFF0000, v4;
	v24 =	vshll.u32 v17, $0x10  }
0x14b: {  	v5 =	vand.u32 $0xFFFF0000, v17;
	v12 =	vmul.f32 v23, v18;
	v13 =	vmul.f32 v24, v19  }
0x14c: {  	v25 =	vshll.u32 v6, $0x10;
	v4 =	vmul.f32 v4, v18;
	v5 =	vmul.f32 v5, v19  }
0x14d: {  	v6 =	vand.u32 $0xFFFF0000, v6;
	v27 =	vmul.f32 v25, v20;
	v26 =	vadd.f32 v13, v12  }
0x14e: {  	v28 =	vshll.u32 v22, $0x10;
	v29 =	vmul.f32 v6, v20;
	v4 =	vadd.f32 v5, v4  }
0x14f: {  	v30 =	vand.u32 $0xFFFF0000, v22;
	v31 =	vmul.f32 v28, v21;
	v7 =	vadd.f32 v27, v26  }
0x150: {  	v32 =	vmul.f32 v30, v21;
	v4 =	vadd.f32 v29, v4  }
0x151: {  	v33 =	vadd.f32 v31, v7  }
0x152: {  	v4 =	vadd.f32 v32, v4  }
0x153: {  	[tilespmem:s8+$0xFFFFFFE0] =	vst v33  }
0x154: {  	[tilespmem:s8+$0xFFFFFFF0] =	vst v4  }
0x155: {  	v4 =	vld [tilespmem:s18+$0xD280]  }
0x156: {  	v34 =	vld [tilespmem:s18+$0xDA80];
	_ =	sdelay $0x1  }
0x157: {  	v6 =	vld [tilespmem:s18+$0xE280]  }
0x158: {  	v35 =	vbroadcast v3, $0x8;
	v36 =	vbroadcast v1, $0x8  }
0x159: {  	v37 =	vbroadcast v2, $0x8;
	v38 =	vbroadcast v0, $0x8;
	v39 =	vld [tilespmem:s18+$0xEA80]  }
0x15a: {  	v40 =	vshll.u32 v4, $0x10;
	v4 =	vand.u32 $0xFFFF0000, v4;
	v41 =	vshll.u32 v34, $0x10  }
0x15b: {  	v5 =	vand.u32 $0xFFFF0000, v34;
	v12 =	vmul.f32 v40, v35;
	v13 =	vmul.f32 v41, v36  }
0x15c: {  	v42 =	vshll.u32 v6, $0x10;
	v4 =	vmul.f32 v4, v35;
	v5 =	vmul.f32 v5, v36  }
0x15d: {  	v6 =	vand.u32 $0xFFFF0000, v6;
	v44 =	vmul.f32 v42, v37;
	v43 =	vadd.f32 v13, v12  }
0x15e: {  	v45 =	vshll.u32 v39, $0x10;
	v46 =	vmul.f32 v6, v37;
	v4 =	vadd.f32 v5, v4  }
0x15f: {  	v47 =	vand.u32 $0xFFFF0000, v39;
	v48 =	vmul.f32 v45, v38;
	v7 =	vadd.f32 v44, v43  }
0x160: {  	v49 =	vmul.f32 v47, v38;
	v4 =	vadd.f32 v46, v4  }
0x161: {  	v50 =	vadd.f32 v48, v7  }
0x162: {  	v4 =	vadd.f32 v49, v4  }
0x163: {  	[tilespmem:s8+$0x0] =	vst v50  }
0x164: {  	[tilespmem:s8+$0x10] =	vst v4  }
0x165: {  	v4 =	vld [tilespmem:s18+$0xD290]  }
0x166: {  	v51 =	vld [tilespmem:s18+$0xDA90];
	_ =	sdelay $0x1  }
0x167: {  	v6 =	vld [tilespmem:s18+$0xE290]  }
0x168: {  	v52 =	vbroadcast v3, $0x9;
	v53 =	vbroadcast v1, $0x9  }
0x169: {  	v54 =	vbroadcast v2, $0x9;
	v55 =	vbroadcast v0, $0x9;
	v56 =	vld [tilespmem:s18+$0xEA90]  }
0x16a: {  	v57 =	vshll.u32 v4, $0x10;
	v4 =	vand.u32 $0xFFFF0000, v4;
	v58 =	vshll.u32 v51, $0x10  }
0x16b: {  	v5 =	vand.u32 $0xFFFF0000, v51;
	v12 =	vmul.f32 v57, v52;
	v13 =	vmul.f32 v58, v53  }
0x16c: {  	v59 =	vshll.u32 v6, $0x10;
	v4 =	vmul.f32 v4, v52;
	v5 =	vmul.f32 v5, v53  }
0x16d: {  	v6 =	vand.u32 $0xFFFF0000, v6;
	v61 =	vmul.f32 v59, v54;
	v60 =	vadd.f32 v13, v12  }
0x16e: {  	v62 =	vshll.u32 v56, $0x10;
	v63 =	vmul.f32 v6, v54;
	v4 =	vadd.f32 v5, v4  }
0x16f: {  	v14 =	vmul.f32 v62, v55;
	v13 =	vand.u32 $0xFFFF0000, v56;
	v7 =	vadd.f32 v61, v60  }
0x170: {  	v15 =	vmul.f32 v13, v55;
	v4 =	vadd.f32 v63, v4  }
0x171: {  	v16 =	vadd.f32 v14, v7  }
0x172: {  	v4 =	vadd.f32 v15, v4  }
0x173: {  	[tilespmem:s8+$0x20] =	vst v16  }
0x174: {  	[tilespmem:s8+$0x30] =	vst v4  }
0x175: {  	v4 =	vld [tilespmem:s18+$0xD2A0]  }
0x176: {  	v17 =	vld [tilespmem:s18+$0xDAA0];
	_ =	sdelay $0x1  }
0x177: {  	v6 =	vld [tilespmem:s18+$0xE2A0]  }
0x178: {  	v18 =	vbroadcast v3, $0xA;
	v19 =	vbroadcast v1, $0xA  }
0x179: {  	v20 =	vbroadcast v2, $0xA;
	v21 =	vbroadcast v0, $0xA;
	v22 =	vld [tilespmem:s18+$0xEAA0]  }
0x17a: {  	v23 =	vshll.u32 v4, $0x10;
	v4 =	vand.u32 $0xFFFF0000, v4;
	v24 =	vshll.u32 v17, $0x10  }
0x17b: {  	v5 =	vand.u32 $0xFFFF0000, v17;
	v12 =	vmul.f32 v23, v18;
	v13 =	vmul.f32 v24, v19  }
0x17c: {  	v25 =	vshll.u32 v6, $0x10;
	v4 =	vmul.f32 v4, v18;
	v5 =	vmul.f32 v5, v19  }
0x17d: {  	v6 =	vand.u32 $0xFFFF0000, v6;
	v27 =	vmul.f32 v25, v20;
	v26 =	vadd.f32 v13, v12  }
0x17e: {  	v28 =	vshll.u32 v22, $0x10;
	v29 =	vmul.f32 v6, v20;
	v4 =	vadd.f32 v5, v4  }
0x17f: {  	v30 =	vand.u32 $0xFFFF0000, v22;
	v31 =	vmul.f32 v28, v21;
	v7 =	vadd.f32 v27, v26  }
0x180: {  	v32 =	vmul.f32 v30, v21;
	v4 =	vadd.f32 v29, v4  }
0x181: {  	v33 =	vadd.f32 v31, v7  }
0x182: {  	v4 =	vadd.f32 v32, v4  }
0x183: {  	[tilespmem:s8+$0x40] =	vst v33  }
0x184: {  	[tilespmem:s8+$0x50] =	vst v4  }
0x185: {  	v4 =	vld [tilespmem:s18+$0xD2B0]  }
0x186: {  	v34 =	vld [tilespmem:s18+$0xDAB0];
	_ =	sdelay $0x1  }
0x187: {  	v6 =	vld [tilespmem:s18+$0xE2B0]  }
0x188: {  	v35 =	vbroadcast v3, $0xB;
	v36 =	vbroadcast v1, $0xB  }
0x189: {  	v37 =	vbroadcast v2, $0xB;
	v38 =	vbroadcast v0, $0xB;
	v39 =	vld [tilespmem:s18+$0xEAB0]  }
0x18a: {  	v40 =	vshll.u32 v4, $0x10;
	v4 =	vand.u32 $0xFFFF0000, v4;
	v41 =	vshll.u32 v34, $0x10  }
0x18b: {  	v5 =	vand.u32 $0xFFFF0000, v34;
	v12 =	vmul.f32 v40, v35;
	v13 =	vmul.f32 v41, v36  }
0x18c: {  	v42 =	vshll.u32 v6, $0x10;
	v4 =	vmul.f32 v4, v35;
	v5 =	vmul.f32 v5, v36  }
0x18d: {  	v6 =	vand.u32 $0xFFFF0000, v6;
	v44 =	vmul.f32 v42, v37;
	v43 =	vadd.f32 v13, v12  }
0x18e: {  	v45 =	vshll.u32 v39, $0x10;
	v46 =	vmul.f32 v6, v37;
	v4 =	vadd.f32 v5, v4  }
0x18f: {  	v47 =	vand.u32 $0xFFFF0000, v39;
	v48 =	vmul.f32 v45, v38;
	v7 =	vadd.f32 v44, v43  }
0x190: {  	v49 =	vmul.f32 v47, v38;
	v4 =	vadd.f32 v46, v4  }
0x191: {  	v50 =	vadd.f32 v48, v7  }
0x192: {  	v4 =	vadd.f32 v49, v4  }
0x193: {  	[tilespmem:s8+$0x60] =	vst v50  }
0x194: {  	[tilespmem:s8+$0x70] =	vst v4  }
0x195: {  	v4 =	vld [tilespmem:s18+$0xD2C0]  }
0x196: {  	v51 =	vld [tilespmem:s18+$0xDAC0];
	_ =	sdelay $0x1  }
0x197: {  	v6 =	vld [tilespmem:s18+$0xE2C0]  }
0x198: {  	v52 =	vbroadcast v3, $0xC;
	v53 =	vbroadcast v1, $0xC  }
0x199: {  	v54 =	vbroadcast v2, $0xC;
	v55 =	vbroadcast v0, $0xC;
	v56 =	vld [tilespmem:s18+$0xEAC0]  }
0x19a: {  	v57 =	vshll.u32 v4, $0x10;
	v4 =	vand.u32 $0xFFFF0000, v4;
	v58 =	vshll.u32 v51, $0x10  }
0x19b: {  	v5 =	vand.u32 $0xFFFF0000, v51;
	v12 =	vmul.f32 v57, v52;
	v13 =	vmul.f32 v58, v53  }
0x19c: {  	v59 =	vshll.u32 v6, $0x10;
	v4 =	vmul.f32 v4, v52;
	v5 =	vmul.f32 v5, v53  }
0x19d: {  	v6 =	vand.u32 $0xFFFF0000, v6;
	v61 =	vmul.f32 v59, v54;
	v60 =	vadd.f32 v13, v12  }
0x19e: {  	v62 =	vshll.u32 v56, $0x10;
	v63 =	vmul.f32 v6, v54;
	v4 =	vadd.f32 v5, v4  }
0x19f: {  	v14 =	vmul.f32 v62, v55;
	v13 =	vand.u32 $0xFFFF0000, v56;
	v7 =	vadd.f32 v61, v60  }
0x1a0: {  	v15 =	vmul.f32 v13, v55;
	v4 =	vadd.f32 v63, v4  }
0x1a1: {  	v16 =	vadd.f32 v14, v7  }
0x1a2: {  	v4 =	vadd.f32 v15, v4  }
0x1a3: {  	[tilespmem:s8+$0x80] =	vst v16  }
0x1a4: {  	[tilespmem:s8+$0x90] =	vst v4  }
0x1a5: {  	v4 =	vld [tilespmem:s18+$0xD2D0]  }
0x1a6: {  	v17 =	vld [tilespmem:s18+$0xDAD0];
	_ =	sdelay $0x1  }
0x1a7: {  	v6 =	vld [tilespmem:s18+$0xE2D0]  }
0x1a8: {  	v18 =	vbroadcast v3, $0xD;
	v19 =	vbroadcast v1, $0xD  }
0x1a9: {  	v20 =	vbroadcast v2, $0xD;
	v21 =	vbroadcast v0, $0xD;
	v22 =	vld [tilespmem:s18+$0xEAD0]  }
0x1aa: {  	v23 =	vshll.u32 v4, $0x10;
	v4 =	vand.u32 $0xFFFF0000, v4;
	v24 =	vshll.u32 v17, $0x10  }
0x1ab: {  	v5 =	vand.u32 $0xFFFF0000, v17;
	v12 =	vmul.f32 v23, v18;
	v13 =	vmul.f32 v24, v19  }
0x1ac: {  	v25 =	vshll.u32 v6, $0x10;
	v4 =	vmul.f32 v4, v18;
	v5 =	vmul.f32 v5, v19  }
0x1ad: {  	v6 =	vand.u32 $0xFFFF0000, v6;
	v27 =	vmul.f32 v25, v20;
	v26 =	vadd.f32 v13, v12  }
0x1ae: {  	v28 =	vshll.u32 v22, $0x10;
	v29 =	vmul.f32 v6, v20;
	v4 =	vadd.f32 v5, v4  }
0x1af: {  	v30 =	vand.u32 $0xFFFF0000, v22;
	v31 =	vmul.f32 v28, v21;
	v7 =	vadd.f32 v27, v26  }
0x1b0: {  	v32 =	vmul.f32 v30, v21;
	v4 =	vadd.f32 v29, v4  }
0x1b1: {  	v33 =	vadd.f32 v31, v7  }
0x1b2: {  	v4 =	vadd.f32 v32, v4  }
0x1b3: {  	[tilespmem:s8+$0xA0] =	vst v33  }
0x1b4: {  	[tilespmem:s8+$0xB0] =	vst v4  }
0x1b5: {  	v4 =	vld [tilespmem:s18+$0xD2E0]  }
0x1b6: {  	v34 =	vld [tilespmem:s18+$0xDAE0];
	_ =	sdelay $0x1  }
0x1b7: {  	v6 =	vld [tilespmem:s18+$0xE2E0]  }
0x1b8: {  	v35 =	vbroadcast v3, $0xE;
	v36 =	vbroadcast v1, $0xE  }
0x1b9: {  	v37 =	vbroadcast v2, $0xE;
	v38 =	vbroadcast v0, $0xE;
	v39 =	vld [tilespmem:s18+$0xEAE0]  }
0x1ba: {  	v40 =	vshll.u32 v4, $0x10;
	v4 =	vand.u32 $0xFFFF0000, v4;
	v41 =	vshll.u32 v34, $0x10  }
0x1bb: {  	v5 =	vand.u32 $0xFFFF0000, v34;
	v12 =	vmul.f32 v40, v35;
	v13 =	vmul.f32 v41, v36  }
0x1bc: {  	v42 =	vshll.u32 v6, $0x10;
	v4 =	vmul.f32 v4, v35;
	v5 =	vmul.f32 v5, v36  }
0x1bd: {  	v6 =	vand.u32 $0xFFFF0000, v6;
	v44 =	vmul.f32 v42, v37;
	v43 =	vadd.f32 v13, v12  }
0x1be: {  	v45 =	vshll.u32 v39, $0x10;
	v46 =	vmul.f32 v6, v37;
	v4 =	vadd.f32 v5, v4  }
0x1bf: {  	v47 =	vand.u32 $0xFFFF0000, v39;
	v48 =	vmul.f32 v45, v38;
	v7 =	vadd.f32 v44, v43  }
0x1c0: {  	v49 =	vmul.f32 v47, v38;
	v4 =	vadd.f32 v46, v4  }
0x1c1: {  	v50 =	vadd.f32 v48, v7  }
0x1c2: {  	v4 =	vadd.f32 v49, v4  }
0x1c3: {  	[tilespmem:s8+$0xC0] =	vst v50  }
0x1c4: {  	[tilespmem:s8+$0xD0] =	vst v4  }
0x1c5: {  	v4 =	vld [tilespmem:s18+$0xD2F0]  }
0x1c6: {  	v51 =	vld [tilespmem:s18+$0xDAF0];
	_ =	sdelay $0x1  }
0x1c7: {  	v6 =	vld [tilespmem:s18+$0xE2F0]  }
0x1c8: {  	v3 =	vbroadcast v3, $0xF;
	v1 =	vbroadcast v1, $0xF  }
0x1c9: {  	v2 =	vbroadcast v2, $0xF;
	v0 =	vbroadcast v0, $0xF;
	v52 =	vld [tilespmem:s18+$0xEAF0]  }
0x1ca: {  	v53 =	vshll.u32 v4, $0x10;
	v4 =	vand.u32 $0xFFFF0000, v4;
	v54 =	vshll.u32 v51, $0x10  }
0x1cb: {  	v5 =	vand.u32 $0xFFFF0000, v51;
	v8 =	vmul.f32 v53, v3;
	v9 =	vmul.f32 v54, v1  }
0x1cc: {  	v55 =	vshll.u32 v6, $0x10;
	v3 =	vmul.f32 v4, v3;
	v1 =	vmul.f32 v5, v1  }
0x1cd: {  	v56 =	vand.u32 $0xFFFF0000, v6;
	v58 =	vmul.f32 v55, v2;
	v57 =	vadd.f32 v9, v8  }
0x1ce: {  	v59 =	vshll.u32 v52, $0x10;
	v2 =	vmul.f32 v56, v2;
	v1 =	vadd.f32 v1, v3  }
0x1cf: {  	p0 =	sne.s32 s7, $0x1C00;
	v60 =	vand.u32 $0xFFFF0000, v52;
	v62 =	vmul.f32 v59, v0;
	v61 =	vadd.f32 v58, v57  }
.Ltmp0:
0x1d0: {  	v0 =	vmul.f32 v60, v0;
	v1 =	vadd.f32 v2, v1;
	(pc) =	sbr.rel @p0 .LBB2_3-.Ltmp0, $4  }
0x1d1: {  	v63 =	vadd.f32 v62, v61  }
0x1d2: {  	v0 =	vadd.f32 v0, v1  }
0x1d3: {  	s21 =	sadd.s32 $0x10, s21;
	[tilespmem:s8+$0xE0] =	vst v63  }
0x1d4: {  	s22 =	sadd.s32 $0x10, s22;
	s7 =	sadd.s32 $0x400, s7;
	[tilespmem:s8+$0xF0] =	vst v0;
	s8 =	sadd.s32 $0x200, s8  }
0x1d5: {  	s7 =	sshll.u32 s4, $0xA  }
0x1d6: {  	p0 =	seq.s32 s4, $0x1F;
	s7 =	sadd.s32 s7, s10  }
0x1d7: {  	[hbm4b:s7+s2] =	stream.linear.scatter [tilespmem:s13], [sflag:$0x2], $0x1000, $0x38;
	[tilespmem:$0x12400] =	vst v63  }
0x1d8: {  	v0 =	vld @!p0 [tilespmem:s6+$0x100]  }
0x1d9: {  	v1 =	vld @!p0 [tilespmem:s6+$0x2100]  }
0x1da: {  	v2 =	vld @!p0 [tilespmem:s6+$0x4100]  }
0x1db: {  	v3 =	vld @!p0 [tilespmem:s6+$0x6100];
	_ =	sdelay $0x2  }
0x1dc: {  	v1 =	vshll.u32 @!p0 v1, $0x8  }
0x1dd: {  	v4 =	vadd.s32 @!p0 v0, v1  }
0x1de: {  	v3 =	vshll.u32 @!p0 v3, $0x8;
	v1 =	vadd.s32 @!p0 v2, v1;
	[tilespmem:$0xC000] =	vst @!p0 v4  }
0x1df: {  	v0 =	vadd.s32 @!p0 v0, v3;
	[tilespmem:$0xC080] =	vst @!p0 v1  }
0x1e0: {  	[tilespmem:$0xC100] =	vst @!p0 v0;
	v0 =	vadd.s32 @!p0 v2, v3  }
0x1e1: {  	[tilespmem:$0xC180] =	vst @!p0 v0  }
0x1e2: {  	v0 =	vld @!p0 [tilespmem:s6+$0x110]  }
0x1e3: {  	v1 =	vld @!p0 [tilespmem:s6+$0x2110]  }
0x1e4: {  	v2 =	vld @!p0 [tilespmem:s6+$0x4110]  }
0x1e5: {  	v3 =	vld @!p0 [tilespmem:s6+$0x6110];
	_ =	sdelay $0x2  }
0x1e6: {  	v1 =	vshll.u32 @!p0 v1, $0x8  }
0x1e7: {  	v4 =	vadd.s32 @!p0 v0, v1  }
0x1e8: {  	v3 =	vshll.u32 @!p0 v3, $0x8;
	v1 =	vadd.s32 @!p0 v2, v1;
	[tilespmem:$0xC010] =	vst @!p0 v4  }
0x1e9: {  	v0 =	vadd.s32 @!p0 v0, v3;
	[tilespmem:$0xC090] =	vst @!p0 v1  }
0x1ea: {  	[tilespmem:$0xC110] =	vst @!p0 v0;
	v0 =	vadd.s32 @!p0 v2, v3  }
0x1eb: {  	[tilespmem:$0xC190] =	vst @!p0 v0  }
0x1ec: {  	v0 =	vld @!p0 [tilespmem:s6+$0x120]  }
0x1ed: {  	v1 =	vld @!p0 [tilespmem:s6+$0x2120]  }
0x1ee: {  	v2 =	vld @!p0 [tilespmem:s6+$0x4120]  }
0x1ef: {  	v3 =	vld @!p0 [tilespmem:s6+$0x6120];
	_ =	sdelay $0x2  }
0x1f0: {  	v1 =	vshll.u32 @!p0 v1, $0x8  }
0x1f1: {  	v4 =	vadd.s32 @!p0 v0, v1  }
0x1f2: {  	v3 =	vshll.u32 @!p0 v3, $0x8;
	v1 =	vadd.s32 @!p0 v2, v1;
	[tilespmem:$0xC020] =	vst @!p0 v4  }
0x1f3: {  	v0 =	vadd.s32 @!p0 v0, v3;
	[tilespmem:$0xC0A0] =	vst @!p0 v1  }
0x1f4: {  	[tilespmem:$0xC120] =	vst @!p0 v0;
	v0 =	vadd.s32 @!p0 v2, v3  }
0x1f5: {  	[tilespmem:$0xC1A0] =	vst @!p0 v0  }
0x1f6: {  	v0 =	vld @!p0 [tilespmem:s6+$0x130]  }
0x1f7: {  	v1 =	vld @!p0 [tilespmem:s6+$0x2130]  }
0x1f8: {  	v2 =	vld @!p0 [tilespmem:s6+$0x4130]  }
0x1f9: {  	v3 =	vld @!p0 [tilespmem:s6+$0x6130];
	_ =	sdelay $0x2  }
0x1fa: {  	v1 =	vshll.u32 @!p0 v1, $0x8  }
0x1fb: {  	v4 =	vadd.s32 @!p0 v0, v1  }
0x1fc: {  	v3 =	vshll.u32 @!p0 v3, $0x8;
	v1 =	vadd.s32 @!p0 v2, v1;
	[tilespmem:$0xC030] =	vst @!p0 v4  }
0x1fd: {  	v0 =	vadd.s32 @!p0 v0, v3;
	[tilespmem:$0xC0B0] =	vst @!p0 v1  }
0x1fe: {  	[tilespmem:$0xC130] =	vst @!p0 v0;
	v0 =	vadd.s32 @!p0 v2, v3  }
0x1ff: {  	[tilespmem:$0xC1B0] =	vst @!p0 v0  }
0x200: {  	v0 =	vld @!p0 [tilespmem:s6+$0x140]  }
0x201: {  	v1 =	vld @!p0 [tilespmem:s6+$0x2140]  }
0x202: {  	v2 =	vld @!p0 [tilespmem:s6+$0x4140]  }
0x203: {  	v3 =	vld @!p0 [tilespmem:s6+$0x6140];
	_ =	sdelay $0x2  }
0x204: {  	v1 =	vshll.u32 @!p0 v1, $0x8  }
0x205: {  	v4 =	vadd.s32 @!p0 v0, v1  }
0x206: {  	v3 =	vshll.u32 @!p0 v3, $0x8;
	v1 =	vadd.s32 @!p0 v2, v1;
	[tilespmem:$0xC040] =	vst @!p0 v4  }
0x207: {  	v0 =	vadd.s32 @!p0 v0, v3;
	[tilespmem:$0xC0C0] =	vst @!p0 v1  }
0x208: {  	[tilespmem:$0xC140] =	vst @!p0 v0;
	v0 =	vadd.s32 @!p0 v2, v3  }
0x209: {  	[tilespmem:$0xC1C0] =	vst @!p0 v0  }
0x20a: {  	v0 =	vld @!p0 [tilespmem:s6+$0x150]  }
0x20b: {  	v1 =	vld @!p0 [tilespmem:s6+$0x2150]  }
0x20c: {  	v2 =	vld @!p0 [tilespmem:s6+$0x4150]  }
0x20d: {  	v3 =	vld @!p0 [tilespmem:s6+$0x6150];
	_ =	sdelay $0x2  }
0x20e: {  	v1 =	vshll.u32 @!p0 v1, $0x8  }
0x20f: {  	v4 =	vadd.s32 @!p0 v0, v1  }
0x210: {  	v3 =	vshll.u32 @!p0 v3, $0x8;
	v1 =	vadd.s32 @!p0 v2, v1;
	[tilespmem:$0xC050] =	vst @!p0 v4  }
0x211: {  	v0 =	vadd.s32 @!p0 v0, v3;
	[tilespmem:$0xC0D0] =	vst @!p0 v1  }
0x212: {  	[tilespmem:$0xC150] =	vst @!p0 v0;
	v0 =	vadd.s32 @!p0 v2, v3  }
0x213: {  	[tilespmem:$0xC1D0] =	vst @!p0 v0  }
0x214: {  	v0 =	vld @!p0 [tilespmem:s6+$0x160]  }
0x215: {  	v1 =	vld @!p0 [tilespmem:s6+$0x2160]  }
0x216: {  	v2 =	vld @!p0 [tilespmem:s6+$0x4160]  }
0x217: {  	v3 =	vld @!p0 [tilespmem:s6+$0x6160];
	_ =	sdelay $0x2  }
0x218: {  	v1 =	vshll.u32 @!p0 v1, $0x8  }
0x219: {  	v4 =	vadd.s32 @!p0 v0, v1  }
0x21a: {  	v3 =	vshll.u32 @!p0 v3, $0x8;
	v1 =	vadd.s32 @!p0 v2, v1;
	[tilespmem:$0xC060] =	vst @!p0 v4  }
0x21b: {  	v0 =	vadd.s32 @!p0 v0, v3;
	[tilespmem:$0xC0E0] =	vst @!p0 v1  }
0x21c: {  	[tilespmem:$0xC160] =	vst @!p0 v0;
	v0 =	vadd.s32 @!p0 v2, v3  }
0x21d: {  	[tilespmem:$0xC1E0] =	vst @!p0 v0  }
0x21e: {  	v0 =	vld @!p0 [tilespmem:s6+$0x170]  }
0x21f: {  	v1 =	vld @!p0 [tilespmem:s6+$0x2170]  }
0x220: {  	v2 =	vld @!p0 [tilespmem:s6+$0x4170]  }
0x221: {  	v3 =	vld @!p0 [tilespmem:s6+$0x6170];
	_ =	sdelay $0x2  }
0x222: {  	v1 =	vshll.u32 @!p0 v1, $0x8  }
0x223: {  	v4 =	vadd.s32 @!p0 v0, v1  }
0x224: {  	v3 =	vshll.u32 @!p0 v3, $0x8;
	v1 =	vadd.s32 @!p0 v2, v1;
	[tilespmem:$0xC070] =	vst @!p0 v4  }
0x225: {  	v0 =	vadd.s32 @!p0 v0, v3;
	[tilespmem:$0xC0F0] =	vst @!p0 v1  }
0x226: {  	[tilespmem:$0xC170] =	vst @!p0 v0;
	v0 =	vadd.s32 @!p0 v2, v3  }
0x227: {  	s8 =	simm.s32 @!p0 $0xD200;
	s7 =	simm.s32 @!p0 $0xC000;
	s6 =	simm.s32 @!p0 $0x80;
	[tilespmem:$0xC1F0] =	vst @!p0 v0  }
0x228: {  	[tilespmem:s8], [sflag:$0x1] =	stream.indirect.gather @!p0 [hbm4b:s3+s6], $0x10, s7, s6, $0xb8;
	[tilespmem:$0x12400] =	vst v63  }
0x229: {  	s7 =	simm.s32 @!p0 $0xC080;
	s8 =	simm.s32 @!p0 $0xDA00  }
0x22a: {  	[tilespmem:s8], [sflag:$0x1] =	stream.indirect.gather @!p0 [hbm4b:s3+s6], $0x10, s7, s6, $0xb8;
	[tilespmem:$0x12400] =	vst v63  }
0x22b: {  	s7 =	simm.s32 @!p0 $0xC100;
	s8 =	simm.s32 @!p0 $0xE200  }
0x22c: {  	[tilespmem:s8], [sflag:$0x1] =	stream.indirect.gather @!p0 [hbm4b:s3+s6], $0x10, s7, s6, $0xb8;
	[tilespmem:$0x12400] =	vst v63  }
0x22d: {  	p1 =	seq.s32 @!p0 s4, $0x0;
	s7 =	simm.s32 @!p0 $0xC180;
	s8 =	simm.s32 @!p0 $0xEA00  }
0x22e: {  	[tilespmem:s8], [sflag:$0x1] =	stream.indirect.gather @!p0 [hbm4b:s3+s6], $0x10, s7, s6, $0xb8;
	[tilespmem:$0x12400] =	vst v63  }
0x22f: {  	p0 =	por p0, !p1  }
0x230: {  	_ =	swait.ge @p0 [sflag:s19], $0x1000  }
0x231: {  	[sflag:s19] =	ssyncset.done @p0 $0x0  }
0x232: {  	[sflag:s19] =	ssyncadd.s32 @p0 $0xFFFFF000  }
0x233: {  	_ =	swait.ge [sflag:s14], $0x800  }
0x234: {  	[sflag:s14] =	ssyncset.done $0x0  }
0x235: {  	[sflag:s14] =	ssyncadd.s32 $0xFFFFF800  }
0x236: {  	_ =	swait.ge [sflag:s14], $0x800  }
0x237: {  	[sflag:s14] =	ssyncset.done $0x0  }
0x238: {  	[sflag:s14] =	ssyncadd.s32 $0xFFFFF800  }
0x239: {  	_ =	swait.ge [sflag:s14], $0x800  }
0x23a: {  	[sflag:s14] =	ssyncset.done $0x0  }
0x23b: {  	[sflag:s14] =	ssyncadd.s32 $0xFFFFF800  }
0x23c: {  	_ =	swait.ge [sflag:s14], $0x800  }
0x23d: {  	s21 =	smov.u32 s23;
	s6 =	simm.s32 $0x0;
	[sflag:s14] =	ssyncset.done $0x0  }
0x23e: {  	s7 =	simm.s32 $0xF500;
	s8 =	smov.u32 s24;
	[sflag:s14] =	ssyncadd.s32 $0xFFFFF800  }
.LBB2_5:
0x23f: {  	v1 =	vld [tilespmem:s21+$0x0];
	_ =	sdelay $0x1  }
0x240: {  	v2 =	vld [tilespmem:s8+$0x0];
	_ =	sdelay $0x1  }
0x241: {  	s18 =	sshra.s32 s6, $0x2  }
0x242: {  	v4 =	vld [tilespmem:s18+$0x10400];
	v3 =	vsub.f32 $1.000000000e+00, v1;
	_ =	sdelay $0x1  }
0x243: {  	v5 =	vld [tilespmem:s18+$0x10C00];
	v0 =	vmul.f32 v2, v1;
	v3 =	vsub.f32 v3, v2  }
0x244: {  	v6 =	vld [tilespmem:s18+$0x11400]  }
0x245: {  	v1 =	vsub.f32 v1, v0;
	v3 =	vadd.f32 v0, v3  }
0x246: {  	v12 =	vshll.u32 v4, $0x10;
	v2 =	vsub.f32 v2, v0  }
0x247: {  	v11 =	vld [tilespmem:s18+$0x11C00];
	v4 =	vand.u32 $0xFFFF0000, v4;
	v8 =	vbroadcast v1, $0x0;
	v7 =	vbroadcast v3, $0x0  }
0x248: {  	v13 =	vshll.u32 v5, $0x10;
	v5 =	vand.u32 $0xFFFF0000, v5;
	v9 =	vbroadcast v2, $0x0  }
0x249: {  	v14 =	vshll.u32 v6, $0x10;
	v13 =	vmul.f32 v13, v8;
	v12 =	vmul.f32 v12, v7  }
0x24a: {  	v6 =	vand.u32 $0xFFFF0000, v6;
	v5 =	vmul.f32 v5, v8;
	v4 =	vmul.f32 v4, v7  }
0x24b: {  	v10 =	vbroadcast v0, $0x0;
	v61 =	vmul.f32 v14, v9;
	v60 =	vadd.f32 v13, v12  }
0x24c: {  	v62 =	vshll.u32 v11, $0x10;
	v63 =	vmul.f32 v6, v9;
	v4 =	vadd.f32 v5, v4  }
0x24d: {  	v14 =	vmul.f32 v62, v10;
	v13 =	vand.u32 $0xFFFF0000, v11;
	v7 =	vadd.f32 v61, v60  }
0x24e: {  	v15 =	vmul.f32 v13, v10;
	v4 =	vadd.f32 v63, v4  }
0x24f: {  	v16 =	vadd.f32 v14, v7  }
0x250: {  	v4 =	vadd.f32 v15, v4  }
0x251: {  	[tilespmem:s7+$0xFFFFFF00] =	vst v16  }
0x252: {  	[tilespmem:s7+$0xFFFFFF10] =	vst v4  }
0x253: {  	v4 =	vld [tilespmem:s18+$0x10410]  }
0x254: {  	v17 =	vld [tilespmem:s18+$0x10C10];
	_ =	sdelay $0x1  }
0x255: {  	v6 =	vld [tilespmem:s18+$0x11410]  }
0x256: {  	v21 =	vbroadcast v0, $0x1;
	v19 =	vbroadcast v1, $0x1  }
0x257: {  	v20 =	vbroadcast v2, $0x1;
	v18 =	vbroadcast v3, $0x1;
	v22 =	vld [tilespmem:s18+$0x11C10]  }
0x258: {  	v23 =	vshll.u32 v4, $0x10;
	v4 =	vand.u32 $0xFFFF0000, v4;
	v24 =	vshll.u32 v17, $0x10  }
0x259: {  	v5 =	vand.u32 $0xFFFF0000, v17;
	v12 =	vmul.f32 v23, v18;
	v13 =	vmul.f32 v24, v19  }
0x25a: {  	v25 =	vshll.u32 v6, $0x10;
	v4 =	vmul.f32 v4, v18;
	v5 =	vmul.f32 v5, v19  }
0x25b: {  	v6 =	vand.u32 $0xFFFF0000, v6;
	v27 =	vmul.f32 v25, v20;
	v26 =	vadd.f32 v13, v12  }
0x25c: {  	v28 =	vshll.u32 v22, $0x10;
	v29 =	vmul.f32 v6, v20;
	v4 =	vadd.f32 v5, v4  }
0x25d: {  	v30 =	vand.u32 $0xFFFF0000, v22;
	v31 =	vmul.f32 v28, v21;
	v7 =	vadd.f32 v27, v26  }
0x25e: {  	v32 =	vmul.f32 v30, v21;
	v4 =	vadd.f32 v29, v4  }
0x25f: {  	v33 =	vadd.f32 v31, v7  }
0x260: {  	v4 =	vadd.f32 v32, v4  }
0x261: {  	[tilespmem:s7+$0xFFFFFF20] =	vst v33  }
0x262: {  	[tilespmem:s7+$0xFFFFFF30] =	vst v4  }
0x263: {  	v4 =	vld [tilespmem:s18+$0x10420]  }
0x264: {  	v34 =	vld [tilespmem:s18+$0x10C20];
	_ =	sdelay $0x1  }
0x265: {  	v6 =	vld [tilespmem:s18+$0x11420]  }
0x266: {  	v38 =	vbroadcast v0, $0x2;
	v36 =	vbroadcast v1, $0x2  }
0x267: {  	v37 =	vbroadcast v2, $0x2;
	v35 =	vbroadcast v3, $0x2;
	v39 =	vld [tilespmem:s18+$0x11C20]  }
0x268: {  	v40 =	vshll.u32 v4, $0x10;
	v4 =	vand.u32 $0xFFFF0000, v4;
	v41 =	vshll.u32 v34, $0x10  }
0x269: {  	v5 =	vand.u32 $0xFFFF0000, v34;
	v12 =	vmul.f32 v40, v35;
	v13 =	vmul.f32 v41, v36  }
0x26a: {  	v42 =	vshll.u32 v6, $0x10;
	v4 =	vmul.f32 v4, v35;
	v5 =	vmul.f32 v5, v36  }
0x26b: {  	v6 =	vand.u32 $0xFFFF0000, v6;
	v44 =	vmul.f32 v42, v37;
	v43 =	vadd.f32 v13, v12  }
0x26c: {  	v45 =	vshll.u32 v39, $0x10;
	v46 =	vmul.f32 v6, v37;
	v4 =	vadd.f32 v5, v4  }
0x26d: {  	v47 =	vand.u32 $0xFFFF0000, v39;
	v48 =	vmul.f32 v45, v38;
	v7 =	vadd.f32 v44, v43  }
0x26e: {  	v49 =	vmul.f32 v47, v38;
	v4 =	vadd.f32 v46, v4  }
0x26f: {  	v50 =	vadd.f32 v48, v7  }
0x270: {  	v4 =	vadd.f32 v49, v4  }
0x271: {  	[tilespmem:s7+$0xFFFFFF40] =	vst v50  }
0x272: {  	[tilespmem:s7+$0xFFFFFF50] =	vst v4  }
0x273: {  	v4 =	vld [tilespmem:s18+$0x10430]  }
0x274: {  	v51 =	vld [tilespmem:s18+$0x10C30];
	_ =	sdelay $0x1  }
0x275: {  	v6 =	vld [tilespmem:s18+$0x11430]  }
0x276: {  	v55 =	vbroadcast v0, $0x3;
	v53 =	vbroadcast v1, $0x3  }
0x277: {  	v54 =	vbroadcast v2, $0x3;
	v52 =	vbroadcast v3, $0x3;
	v56 =	vld [tilespmem:s18+$0x11C30]  }
0x278: {  	v57 =	vshll.u32 v4, $0x10;
	v4 =	vand.u32 $0xFFFF0000, v4;
	v58 =	vshll.u32 v51, $0x10  }
0x279: {  	v5 =	vand.u32 $0xFFFF0000, v51;
	v12 =	vmul.f32 v57, v52;
	v13 =	vmul.f32 v58, v53  }
0x27a: {  	v59 =	vshll.u32 v6, $0x10;
	v4 =	vmul.f32 v4, v52;
	v5 =	vmul.f32 v5, v53  }
0x27b: {  	v6 =	vand.u32 $0xFFFF0000, v6;
	v61 =	vmul.f32 v59, v54;
	v60 =	vadd.f32 v13, v12  }
0x27c: {  	v62 =	vshll.u32 v56, $0x10;
	v63 =	vmul.f32 v6, v54;
	v4 =	vadd.f32 v5, v4  }
0x27d: {  	v14 =	vmul.f32 v62, v55;
	v13 =	vand.u32 $0xFFFF0000, v56;
	v7 =	vadd.f32 v61, v60  }
0x27e: {  	v15 =	vmul.f32 v13, v55;
	v4 =	vadd.f32 v63, v4  }
0x27f: {  	v16 =	vadd.f32 v14, v7  }
0x280: {  	v4 =	vadd.f32 v15, v4  }
0x281: {  	[tilespmem:s7+$0xFFFFFF60] =	vst v16  }
0x282: {  	[tilespmem:s7+$0xFFFFFF70] =	vst v4  }
0x283: {  	v4 =	vld [tilespmem:s18+$0x10440]  }
0x284: {  	v17 =	vld [tilespmem:s18+$0x10C40];
	_ =	sdelay $0x1  }
0x285: {  	v6 =	vld [tilespmem:s18+$0x11440]  }
0x286: {  	v18 =	vbroadcast v3, $0x4;
	v19 =	vbroadcast v1, $0x4  }
0x287: {  	v20 =	vbroadcast v2, $0x4;
	v21 =	vbroadcast v0, $0x4;
	v22 =	vld [tilespmem:s18+$0x11C40]  }
0x288: {  	v23 =	vshll.u32 v4, $0x10;
	v4 =	vand.u32 $0xFFFF0000, v4;
	v24 =	vshll.u32 v17, $0x10  }
0x289: {  	v5 =	vand.u32 $0xFFFF0000, v17;
	v12 =	vmul.f32 v23, v18;
	v13 =	vmul.f32 v24, v19  }
0x28a: {  	v25 =	vshll.u32 v6, $0x10;
	v4 =	vmul.f32 v4, v18;
	v5 =	vmul.f32 v5, v19  }
0x28b: {  	v6 =	vand.u32 $0xFFFF0000, v6;
	v27 =	vmul.f32 v25, v20;
	v26 =	vadd.f32 v13, v12  }
0x28c: {  	v28 =	vshll.u32 v22, $0x10;
	v29 =	vmul.f32 v6, v20;
	v4 =	vadd.f32 v5, v4  }
0x28d: {  	v30 =	vand.u32 $0xFFFF0000, v22;
	v31 =	vmul.f32 v28, v21;
	v7 =	vadd.f32 v27, v26  }
0x28e: {  	v32 =	vmul.f32 v30, v21;
	v4 =	vadd.f32 v29, v4  }
0x28f: {  	v33 =	vadd.f32 v31, v7  }
0x290: {  	v4 =	vadd.f32 v32, v4  }
0x291: {  	[tilespmem:s7+$0xFFFFFF80] =	vst v33  }
0x292: {  	[tilespmem:s7+$0xFFFFFF90] =	vst v4  }
0x293: {  	v4 =	vld [tilespmem:s18+$0x10450]  }
0x294: {  	v34 =	vld [tilespmem:s18+$0x10C50];
	_ =	sdelay $0x1  }
0x295: {  	v6 =	vld [tilespmem:s18+$0x11450]  }
0x296: {  	v35 =	vbroadcast v3, $0x5;
	v36 =	vbroadcast v1, $0x5  }
0x297: {  	v37 =	vbroadcast v2, $0x5;
	v38 =	vbroadcast v0, $0x5;
	v39 =	vld [tilespmem:s18+$0x11C50]  }
0x298: {  	v40 =	vshll.u32 v4, $0x10;
	v4 =	vand.u32 $0xFFFF0000, v4;
	v41 =	vshll.u32 v34, $0x10  }
0x299: {  	v5 =	vand.u32 $0xFFFF0000, v34;
	v12 =	vmul.f32 v40, v35;
	v13 =	vmul.f32 v41, v36  }
0x29a: {  	v42 =	vshll.u32 v6, $0x10;
	v4 =	vmul.f32 v4, v35;
	v5 =	vmul.f32 v5, v36  }
0x29b: {  	v6 =	vand.u32 $0xFFFF0000, v6;
	v44 =	vmul.f32 v42, v37;
	v43 =	vadd.f32 v13, v12  }
0x29c: {  	v45 =	vshll.u32 v39, $0x10;
	v46 =	vmul.f32 v6, v37;
	v4 =	vadd.f32 v5, v4  }
0x29d: {  	v47 =	vand.u32 $0xFFFF0000, v39;
	v48 =	vmul.f32 v45, v38;
	v7 =	vadd.f32 v44, v43  }
0x29e: {  	v49 =	vmul.f32 v47, v38;
	v4 =	vadd.f32 v46, v4  }
0x29f: {  	v50 =	vadd.f32 v48, v7  }
0x2a0: {  	v4 =	vadd.f32 v49, v4  }
0x2a1: {  	[tilespmem:s7+$0xFFFFFFA0] =	vst v50  }
0x2a2: {  	[tilespmem:s7+$0xFFFFFFB0] =	vst v4  }
0x2a3: {  	v4 =	vld [tilespmem:s18+$0x10460]  }
0x2a4: {  	v51 =	vld [tilespmem:s18+$0x10C60];
	_ =	sdelay $0x1  }
0x2a5: {  	v6 =	vld [tilespmem:s18+$0x11460]  }
0x2a6: {  	v52 =	vbroadcast v3, $0x6;
	v53 =	vbroadcast v1, $0x6  }
0x2a7: {  	v54 =	vbroadcast v2, $0x6;
	v55 =	vbroadcast v0, $0x6;
	v56 =	vld [tilespmem:s18+$0x11C60]  }
0x2a8: {  	v57 =	vshll.u32 v4, $0x10;
	v4 =	vand.u32 $0xFFFF0000, v4;
	v58 =	vshll.u32 v51, $0x10  }
0x2a9: {  	v5 =	vand.u32 $0xFFFF0000, v51;
	v12 =	vmul.f32 v57, v52;
	v13 =	vmul.f32 v58, v53  }
0x2aa: {  	v59 =	vshll.u32 v6, $0x10;
	v4 =	vmul.f32 v4, v52;
	v5 =	vmul.f32 v5, v53  }
0x2ab: {  	v6 =	vand.u32 $0xFFFF0000, v6;
	v61 =	vmul.f32 v59, v54;
	v60 =	vadd.f32 v13, v12  }
0x2ac: {  	v62 =	vshll.u32 v56, $0x10;
	v63 =	vmul.f32 v6, v54;
	v4 =	vadd.f32 v5, v4  }
0x2ad: {  	v14 =	vmul.f32 v62, v55;
	v13 =	vand.u32 $0xFFFF0000, v56;
	v7 =	vadd.f32 v61, v60  }
0x2ae: {  	v15 =	vmul.f32 v13, v55;
	v4 =	vadd.f32 v63, v4  }
0x2af: {  	v16 =	vadd.f32 v14, v7  }
0x2b0: {  	v4 =	vadd.f32 v15, v4  }
0x2b1: {  	[tilespmem:s7+$0xFFFFFFC0] =	vst v16  }
0x2b2: {  	[tilespmem:s7+$0xFFFFFFD0] =	vst v4  }
0x2b3: {  	v4 =	vld [tilespmem:s18+$0x10470]  }
0x2b4: {  	v17 =	vld [tilespmem:s18+$0x10C70];
	_ =	sdelay $0x1  }
0x2b5: {  	v6 =	vld [tilespmem:s18+$0x11470]  }
0x2b6: {  	v18 =	vbroadcast v3, $0x7;
	v19 =	vbroadcast v1, $0x7  }
0x2b7: {  	v20 =	vbroadcast v2, $0x7;
	v21 =	vbroadcast v0, $0x7;
	v22 =	vld [tilespmem:s18+$0x11C70]  }
0x2b8: {  	v23 =	vshll.u32 v4, $0x10;
	v4 =	vand.u32 $0xFFFF0000, v4;
	v24 =	vshll.u32 v17, $0x10  }
0x2b9: {  	v5 =	vand.u32 $0xFFFF0000, v17;
	v12 =	vmul.f32 v23, v18;
	v13 =	vmul.f32 v24, v19  }
0x2ba: {  	v25 =	vshll.u32 v6, $0x10;
	v4 =	vmul.f32 v4, v18;
	v5 =	vmul.f32 v5, v19  }
0x2bb: {  	v6 =	vand.u32 $0xFFFF0000, v6;
	v27 =	vmul.f32 v25, v20;
	v26 =	vadd.f32 v13, v12  }
0x2bc: {  	v28 =	vshll.u32 v22, $0x10;
	v29 =	vmul.f32 v6, v20;
	v4 =	vadd.f32 v5, v4  }
0x2bd: {  	v30 =	vand.u32 $0xFFFF0000, v22;
	v31 =	vmul.f32 v28, v21;
	v7 =	vadd.f32 v27, v26  }
0x2be: {  	v32 =	vmul.f32 v30, v21;
	v4 =	vadd.f32 v29, v4  }
0x2bf: {  	v33 =	vadd.f32 v31, v7  }
0x2c0: {  	v4 =	vadd.f32 v32, v4  }
0x2c1: {  	[tilespmem:s7+$0xFFFFFFE0] =	vst v33  }
0x2c2: {  	[tilespmem:s7+$0xFFFFFFF0] =	vst v4  }
0x2c3: {  	v4 =	vld [tilespmem:s18+$0x10480]  }
0x2c4: {  	v34 =	vld [tilespmem:s18+$0x10C80];
	_ =	sdelay $0x1  }
0x2c5: {  	v6 =	vld [tilespmem:s18+$0x11480]  }
0x2c6: {  	v35 =	vbroadcast v3, $0x8;
	v36 =	vbroadcast v1, $0x8  }
0x2c7: {  	v37 =	vbroadcast v2, $0x8;
	v38 =	vbroadcast v0, $0x8;
	v39 =	vld [tilespmem:s18+$0x11C80]  }
0x2c8: {  	v40 =	vshll.u32 v4, $0x10;
	v4 =	vand.u32 $0xFFFF0000, v4;
	v41 =	vshll.u32 v34, $0x10  }
0x2c9: {  	v5 =	vand.u32 $0xFFFF0000, v34;
	v12 =	vmul.f32 v40, v35;
	v13 =	vmul.f32 v41, v36  }
0x2ca: {  	v42 =	vshll.u32 v6, $0x10;
	v4 =	vmul.f32 v4, v35;
	v5 =	vmul.f32 v5, v36  }
0x2cb: {  	v6 =	vand.u32 $0xFFFF0000, v6;
	v44 =	vmul.f32 v42, v37;
	v43 =	vadd.f32 v13, v12  }
0x2cc: {  	v45 =	vshll.u32 v39, $0x10;
	v46 =	vmul.f32 v6, v37;
	v4 =	vadd.f32 v5, v4  }
0x2cd: {  	v47 =	vand.u32 $0xFFFF0000, v39;
	v48 =	vmul.f32 v45, v38;
	v7 =	vadd.f32 v44, v43  }
0x2ce: {  	v49 =	vmul.f32 v47, v38;
	v4 =	vadd.f32 v46, v4  }
0x2cf: {  	v50 =	vadd.f32 v48, v7  }
0x2d0: {  	v4 =	vadd.f32 v49, v4  }
0x2d1: {  	[tilespmem:s7+$0x0] =	vst v50  }
0x2d2: {  	[tilespmem:s7+$0x10] =	vst v4  }
0x2d3: {  	v4 =	vld [tilespmem:s18+$0x10490]  }
0x2d4: {  	v51 =	vld [tilespmem:s18+$0x10C90];
	_ =	sdelay $0x1  }
0x2d5: {  	v6 =	vld [tilespmem:s18+$0x11490]  }
0x2d6: {  	v52 =	vbroadcast v3, $0x9;
	v53 =	vbroadcast v1, $0x9  }
0x2d7: {  	v54 =	vbroadcast v2, $0x9;
	v55 =	vbroadcast v0, $0x9;
	v56 =	vld [tilespmem:s18+$0x11C90]  }
0x2d8: {  	v57 =	vshll.u32 v4, $0x10;
	v4 =	vand.u32 $0xFFFF0000, v4;
	v58 =	vshll.u32 v51, $0x10  }
0x2d9: {  	v5 =	vand.u32 $0xFFFF0000, v51;
	v12 =	vmul.f32 v57, v52;
	v13 =	vmul.f32 v58, v53  }
0x2da: {  	v59 =	vshll.u32 v6, $0x10;
	v4 =	vmul.f32 v4, v52;
	v5 =	vmul.f32 v5, v53  }
0x2db: {  	v6 =	vand.u32 $0xFFFF0000, v6;
	v61 =	vmul.f32 v59, v54;
	v60 =	vadd.f32 v13, v12  }
0x2dc: {  	v62 =	vshll.u32 v56, $0x10;
	v63 =	vmul.f32 v6, v54;
	v4 =	vadd.f32 v5, v4  }
0x2dd: {  	v14 =	vmul.f32 v62, v55;
	v13 =	vand.u32 $0xFFFF0000, v56;
	v7 =	vadd.f32 v61, v60  }
0x2de: {  	v15 =	vmul.f32 v13, v55;
	v4 =	vadd.f32 v63, v4  }
0x2df: {  	v16 =	vadd.f32 v14, v7  }
0x2e0: {  	v4 =	vadd.f32 v15, v4  }
0x2e1: {  	[tilespmem:s7+$0x20] =	vst v16  }
0x2e2: {  	[tilespmem:s7+$0x30] =	vst v4  }
0x2e3: {  	v4 =	vld [tilespmem:s18+$0x104A0]  }
0x2e4: {  	v17 =	vld [tilespmem:s18+$0x10CA0];
	_ =	sdelay $0x1  }
0x2e5: {  	v6 =	vld [tilespmem:s18+$0x114A0]  }
0x2e6: {  	v18 =	vbroadcast v3, $0xA;
	v19 =	vbroadcast v1, $0xA  }
0x2e7: {  	v20 =	vbroadcast v2, $0xA;
	v21 =	vbroadcast v0, $0xA;
	v22 =	vld [tilespmem:s18+$0x11CA0]  }
0x2e8: {  	v23 =	vshll.u32 v4, $0x10;
	v4 =	vand.u32 $0xFFFF0000, v4;
	v24 =	vshll.u32 v17, $0x10  }
0x2e9: {  	v5 =	vand.u32 $0xFFFF0000, v17;
	v12 =	vmul.f32 v23, v18;
	v13 =	vmul.f32 v24, v19  }
0x2ea: {  	v25 =	vshll.u32 v6, $0x10;
	v4 =	vmul.f32 v4, v18;
	v5 =	vmul.f32 v5, v19  }
0x2eb: {  	v6 =	vand.u32 $0xFFFF0000, v6;
	v27 =	vmul.f32 v25, v20;
	v26 =	vadd.f32 v13, v12  }
0x2ec: {  	v28 =	vshll.u32 v22, $0x10;
	v29 =	vmul.f32 v6, v20;
	v4 =	vadd.f32 v5, v4  }
0x2ed: {  	v30 =	vand.u32 $0xFFFF0000, v22;
	v31 =	vmul.f32 v28, v21;
	v7 =	vadd.f32 v27, v26  }
0x2ee: {  	v32 =	vmul.f32 v30, v21;
	v4 =	vadd.f32 v29, v4  }
0x2ef: {  	v33 =	vadd.f32 v31, v7  }
0x2f0: {  	v4 =	vadd.f32 v32, v4  }
0x2f1: {  	[tilespmem:s7+$0x40] =	vst v33  }
0x2f2: {  	[tilespmem:s7+$0x50] =	vst v4  }
0x2f3: {  	v4 =	vld [tilespmem:s18+$0x104B0]  }
0x2f4: {  	v34 =	vld [tilespmem:s18+$0x10CB0];
	_ =	sdelay $0x1  }
0x2f5: {  	v6 =	vld [tilespmem:s18+$0x114B0]  }
0x2f6: {  	v35 =	vbroadcast v3, $0xB;
	v36 =	vbroadcast v1, $0xB  }
0x2f7: {  	v37 =	vbroadcast v2, $0xB;
	v38 =	vbroadcast v0, $0xB;
	v39 =	vld [tilespmem:s18+$0x11CB0]  }
0x2f8: {  	v40 =	vshll.u32 v4, $0x10;
	v4 =	vand.u32 $0xFFFF0000, v4;
	v41 =	vshll.u32 v34, $0x10  }
0x2f9: {  	v5 =	vand.u32 $0xFFFF0000, v34;
	v12 =	vmul.f32 v40, v35;
	v13 =	vmul.f32 v41, v36  }
0x2fa: {  	v42 =	vshll.u32 v6, $0x10;
	v4 =	vmul.f32 v4, v35;
	v5 =	vmul.f32 v5, v36  }
0x2fb: {  	v6 =	vand.u32 $0xFFFF0000, v6;
	v44 =	vmul.f32 v42, v37;
	v43 =	vadd.f32 v13, v12  }
0x2fc: {  	v45 =	vshll.u32 v39, $0x10;
	v46 =	vmul.f32 v6, v37;
	v4 =	vadd.f32 v5, v4  }
0x2fd: {  	v47 =	vand.u32 $0xFFFF0000, v39;
	v48 =	vmul.f32 v45, v38;
	v7 =	vadd.f32 v44, v43  }
0x2fe: {  	v49 =	vmul.f32 v47, v38;
	v4 =	vadd.f32 v46, v4  }
0x2ff: {  	v50 =	vadd.f32 v48, v7  }
0x300: {  	v4 =	vadd.f32 v49, v4  }
0x301: {  	[tilespmem:s7+$0x60] =	vst v50  }
0x302: {  	[tilespmem:s7+$0x70] =	vst v4  }
0x303: {  	v4 =	vld [tilespmem:s18+$0x104C0]  }
0x304: {  	v51 =	vld [tilespmem:s18+$0x10CC0];
	_ =	sdelay $0x1  }
0x305: {  	v6 =	vld [tilespmem:s18+$0x114C0]  }
0x306: {  	v52 =	vbroadcast v3, $0xC;
	v53 =	vbroadcast v1, $0xC  }
0x307: {  	v54 =	vbroadcast v2, $0xC;
	v55 =	vbroadcast v0, $0xC;
	v56 =	vld [tilespmem:s18+$0x11CC0]  }
0x308: {  	v57 =	vshll.u32 v4, $0x10;
	v4 =	vand.u32 $0xFFFF0000, v4;
	v58 =	vshll.u32 v51, $0x10  }
0x309: {  	v5 =	vand.u32 $0xFFFF0000, v51;
	v12 =	vmul.f32 v57, v52;
	v13 =	vmul.f32 v58, v53  }
0x30a: {  	v59 =	vshll.u32 v6, $0x10;
	v4 =	vmul.f32 v4, v52;
	v5 =	vmul.f32 v5, v53  }
0x30b: {  	v6 =	vand.u32 $0xFFFF0000, v6;
	v61 =	vmul.f32 v59, v54;
	v60 =	vadd.f32 v13, v12  }
0x30c: {  	v62 =	vshll.u32 v56, $0x10;
	v63 =	vmul.f32 v6, v54;
	v4 =	vadd.f32 v5, v4  }
0x30d: {  	v14 =	vmul.f32 v62, v55;
	v13 =	vand.u32 $0xFFFF0000, v56;
	v7 =	vadd.f32 v61, v60  }
0x30e: {  	v15 =	vmul.f32 v13, v55;
	v4 =	vadd.f32 v63, v4  }
0x30f: {  	v16 =	vadd.f32 v14, v7  }
0x310: {  	v4 =	vadd.f32 v15, v4  }
0x311: {  	[tilespmem:s7+$0x80] =	vst v16  }
0x312: {  	[tilespmem:s7+$0x90] =	vst v4  }
0x313: {  	v4 =	vld [tilespmem:s18+$0x104D0]  }
0x314: {  	v17 =	vld [tilespmem:s18+$0x10CD0];
	_ =	sdelay $0x1  }
0x315: {  	v6 =	vld [tilespmem:s18+$0x114D0]  }
0x316: {  	v18 =	vbroadcast v3, $0xD;
	v19 =	vbroadcast v1, $0xD  }
0x317: {  	v20 =	vbroadcast v2, $0xD;
	v21 =	vbroadcast v0, $0xD;
	v22 =	vld [tilespmem:s18+$0x11CD0]  }
0x318: {  	v23 =	vshll.u32 v4, $0x10;
	v4 =	vand.u32 $0xFFFF0000, v4;
	v24 =	vshll.u32 v17, $0x10  }
0x319: {  	v5 =	vand.u32 $0xFFFF0000, v17;
	v12 =	vmul.f32 v23, v18;
	v13 =	vmul.f32 v24, v19  }
0x31a: {  	v25 =	vshll.u32 v6, $0x10;
	v4 =	vmul.f32 v4, v18;
	v5 =	vmul.f32 v5, v19  }
0x31b: {  	v6 =	vand.u32 $0xFFFF0000, v6;
	v27 =	vmul.f32 v25, v20;
	v26 =	vadd.f32 v13, v12  }
0x31c: {  	v28 =	vshll.u32 v22, $0x10;
	v29 =	vmul.f32 v6, v20;
	v4 =	vadd.f32 v5, v4  }
0x31d: {  	v30 =	vand.u32 $0xFFFF0000, v22;
	v31 =	vmul.f32 v28, v21;
	v7 =	vadd.f32 v27, v26  }
0x31e: {  	v32 =	vmul.f32 v30, v21;
	v4 =	vadd.f32 v29, v4  }
0x31f: {  	v33 =	vadd.f32 v31, v7  }
0x320: {  	v4 =	vadd.f32 v32, v4  }
0x321: {  	[tilespmem:s7+$0xA0] =	vst v33  }
0x322: {  	[tilespmem:s7+$0xB0] =	vst v4  }
0x323: {  	v4 =	vld [tilespmem:s18+$0x104E0]  }
0x324: {  	v34 =	vld [tilespmem:s18+$0x10CE0];
	_ =	sdelay $0x1  }
0x325: {  	v6 =	vld [tilespmem:s18+$0x114E0]  }
0x326: {  	v35 =	vbroadcast v3, $0xE;
	v36 =	vbroadcast v1, $0xE  }
0x327: {  	v37 =	vbroadcast v2, $0xE;
	v38 =	vbroadcast v0, $0xE;
	v39 =	vld [tilespmem:s18+$0x11CE0]  }
0x328: {  	v40 =	vshll.u32 v4, $0x10;
	v4 =	vand.u32 $0xFFFF0000, v4;
	v41 =	vshll.u32 v34, $0x10  }
0x329: {  	v5 =	vand.u32 $0xFFFF0000, v34;
	v12 =	vmul.f32 v40, v35;
	v13 =	vmul.f32 v41, v36  }
0x32a: {  	v42 =	vshll.u32 v6, $0x10;
	v4 =	vmul.f32 v4, v35;
	v5 =	vmul.f32 v5, v36  }
0x32b: {  	v6 =	vand.u32 $0xFFFF0000, v6;
	v44 =	vmul.f32 v42, v37;
	v43 =	vadd.f32 v13, v12  }
0x32c: {  	v45 =	vshll.u32 v39, $0x10;
	v46 =	vmul.f32 v6, v37;
	v4 =	vadd.f32 v5, v4  }
0x32d: {  	v47 =	vand.u32 $0xFFFF0000, v39;
	v48 =	vmul.f32 v45, v38;
	v7 =	vadd.f32 v44, v43  }
0x32e: {  	v49 =	vmul.f32 v47, v38;
	v4 =	vadd.f32 v46, v4  }
0x32f: {  	v50 =	vadd.f32 v48, v7  }
0x330: {  	v4 =	vadd.f32 v49, v4  }
0x331: {  	[tilespmem:s7+$0xC0] =	vst v50  }
0x332: {  	[tilespmem:s7+$0xD0] =	vst v4  }
0x333: {  	v4 =	vld [tilespmem:s18+$0x104F0]  }
0x334: {  	v51 =	vld [tilespmem:s18+$0x10CF0];
	_ =	sdelay $0x1  }
0x335: {  	v6 =	vld [tilespmem:s18+$0x114F0]  }
0x336: {  	v3 =	vbroadcast v3, $0xF;
	v1 =	vbroadcast v1, $0xF  }
0x337: {  	v2 =	vbroadcast v2, $0xF;
	v0 =	vbroadcast v0, $0xF;
	v52 =	vld [tilespmem:s18+$0x11CF0]  }
0x338: {  	v53 =	vshll.u32 v4, $0x10;
	v4 =	vand.u32 $0xFFFF0000, v4;
	v54 =	vshll.u32 v51, $0x10  }
0x339: {  	v5 =	vand.u32 $0xFFFF0000, v51;
	v8 =	vmul.f32 v53, v3;
	v9 =	vmul.f32 v54, v1  }
0x33a: {  	v55 =	vshll.u32 v6, $0x10;
	v3 =	vmul.f32 v4, v3;
	v1 =	vmul.f32 v5, v1  }
0x33b: {  	v56 =	vand.u32 $0xFFFF0000, v6;
	v58 =	vmul.f32 v55, v2;
	v57 =	vadd.f32 v9, v8  }
0x33c: {  	v59 =	vshll.u32 v52, $0x10;
	v2 =	vmul.f32 v56, v2;
	v1 =	vadd.f32 v1, v3  }
0x33d: {  	p0 =	sne.s32 s6, $0x1C00;
	v60 =	vand.u32 $0xFFFF0000, v52;
	v62 =	vmul.f32 v59, v0;
	v61 =	vadd.f32 v58, v57  }
.Ltmp1:
0x33e: {  	v0 =	vmul.f32 v60, v0;
	v1 =	vadd.f32 v2, v1;
	(pc) =	sbr.rel @p0 .LBB2_5-.Ltmp1, $4  }
0x33f: {  	v63 =	vadd.f32 v62, v61  }
0x340: {  	v0 =	vadd.f32 v0, v1  }
0x341: {  	s21 =	sadd.s32 $0x10, s21;
	[tilespmem:s7+$0xE0] =	vst v63  }
0x342: {  	s8 =	sadd.s32 $0x10, s8;
	s6 =	sadd.s32 $0x400, s6;
	[tilespmem:s7+$0xF0] =	vst v0;
	s7 =	sadd.s32 $0x200, s7  }
0x343: {  	s4 =	sadd.s32 $0x1, s4  }
0x344: {  	p0 =	sne.s32 s4, $0x20  }
.Ltmp2:
0x345: {  	_ = 	snop;
	(pc) =	sbr.rel @p0 .LBB2_2-.Ltmp2, $4  }
0x346: {  	_ = 	snop  }
0x347: {  	s5 =	sshll.u32 s5, $0x9;
	s11 =	sadd.s32 $0x100, s11;
	s9 =	sadd.s32 $0x100, s9  }
0x348: {  	s23 =	sadd.s32 $0x100, s23;
	s24 =	sadd.s32 $0x100, s24;
	s5 =	sadd.s32 s5, s10  }
0x349: {  	[hbm4b:s5+s2] =	stream.linear.scatter [tilespmem:s17], [sflag:$0x4], $0x1000, $0x38;
	[tilespmem:$0x12400] =	vst v63  }
0x34a: {  	s4 =	simm.s32 $0x2  }
0x34b: {  	_ =	swait.ge [sflag:s4], $0x1000  }
0x34c: {  	[sflag:s4] =	ssyncset.done $0x0  }
0x34d: {  	[sflag:s4] =	ssyncadd.s32 $0xFFFFF000  }
0x34e: {  	_ =	swait.ge [sflag:s19], $0x1000  }
0x34f: {  	s20 =	sadd.s32 $0x1, s20;
	s24 =	rddreg [dreg:$0xf]  }
0x350: {  	p0 =	sne.s32 s20, s24  }
.Ltmp3:
0x351: {  	_ = 	snop;
	(pc) =	sbr.rel @p0 .LBB2_1-.Ltmp3, $3  }
0x352: {  	_ =	sdelay $0x1  }
0x353: {  	[sflag:s19] =	ssyncset.done $0x0  }
0x354: {  	[sflag:s19] =	ssyncadd.s32 $0xFFFFF000  }
0x355: {  	_ =	sfence.sel $0x180000  }
0x356: {  	[bflag:$0x0] =	sbarrier.arrive $0xFFFF  }
0x357: {  	_ =	strace $0x90000047  }
0x358: {  	s0 =	stileid.u32;
	[bflag:$0x2] =	sbarrier.arrive $0xFFFF  }
0x359: {  	p0 =	sne.s32 s0, $0x0;
	s0 =	rddreg [dreg:$0x8]  }
0x35a: {  	s0 =	sadd.s32 @!p0 $0x100000, s0  }
0x35b: {  	[sflag:s0] =	ssyncadd.tile.s32 @!p0 $0x1;
	_ =	shalt  }
.Lfunc_end2:
_tile_overlayer_lowered:
.L_overlay_start_2:
0x35c: {  	(tag) =	ssettag $0x2  }
0x35d: {  	s0 =	rddreg [dreg:$0x0];
	s2 =	stileid.u32  }
0x35e: {  	s1 =	rddreg [dreg:$0x1];
	p0 =	sne.s32 s2, $0x0  }
0x35f: {  	s3 =	rddreg [dreg:$0x2];
	[bflag:$0x3] =	sbarrier.arrive $0xFFFF;
	s2 =	simm.s32 @!p0 $0x1C06  }
0x360: {  	[timem:s3], [sflag:s2] =	dma.local @!p0 [hbm:s0], s1  }
0x361: {  	s0 =	simm.s32 @!p0 $0x6  }
0x362: {  	_ =	swait.ge @!p0 [sflag:s0], s1  }
0x363: {  	s1 =	ssub.s32 @!p0 $0x0, s1;
	[sflag:s0] =	ssyncset.done @!p0 $0x0  }
0x364: {  	[sflag:s0] =	ssyncadd.s32 @!p0 s1  }
0x365: {  	[bflag:$0x3] =	sbarrier.arrive $0xFFFF  }
0x366: {  	_ =	shalt  }

// kernel: sparse-core-data-format-call.cloned.1.call-start
scs
called_computation_lowered:
.L_overlay_start_0:
0x0: {  	s2 =	sld [smem:$0x3FD9]  }
0x1: {  	s3 =	sld [smem:$0x3FFE];
	_ =	sdelay $0x1  }
0x2: {  	s1 =	srdreg.scid  }
0x3: {  	s0 =	sand.u32 $0x1, s1  }
0x4: {  	s18 =	sshll.u32 s0, $0xA;
	s2 =	sadd.s32 s3, s2  }
0x5: {  	s2 =	sadd.s32 s2, s18  }
0x6: {  	[smem:$0x3FC1] =	sst s2  }
0x7: {  	_ = 	snop  }
0x8: {  	s2 =	sld [smem:$0x3FD0];
	(tm) =	ssettm $0x1  }
0x9: {  	s19 =	sld [smem:$0x3FFB];
	_ =	sdelay $0x3  }
0xa: {  	_ =	strace s19  }
0xb: {  	s3 =	sld [smem:$0x3FFC];
	_ =	sdelay $0x3  }
0xc: {  	_ =	strace s3  }
0xd: {  	s3 =	sld [smem:$0x3FFD];
	_ =	sdelay $0x3  }
0xe: {  	_ =	strace s3  }
0xf: {  	_ =	strace $0x8FFFFFFF  }
0x10: {  	s20 =	sld [smem:$0x3FDB];
	_ =	sdelay $0x1  }
0x11: {  	s4 =	simm.s32 $_scs_section_size  }
0x12: {  	s5 =	simm.s32 $_size__tile_overlayer_lowered;
	s6 =	simm.s32 $_tile_overlayer_lowered  }
0x13: {  	s23 =	simm.s32 $0x1BFF;
	s22 =	sshll.u32 s6, $0x1;
	s3 =	sadd.s32 s4, s20  }
0x14: {  	s7 =	simm.s32 $0x0;
	s21 =	sshll.u32 s5, $0x1;
	s5 =	sadd.s32 s22, s3  }
0x15: {  	[timem:s7], [sflag:s23] =	dma.local [hbm:s5], s21  }
0x16: {  	_ =	swait.ge [sflag:s23], s21  }
0x17: {  	s4 =	ssub.s32 $0x0, s21;
	[sflag:s23] =	ssyncset.done $0x0  }
0x18: {  	[sflag:s23] =	ssyncadd.s32 s4;
	_ =	sdelay $0x1  }
0x19: {  	s24 =	simm.s32 $0x1B8B  }
0x1a: {  	_ =	swait.ge [sflag:s24], $0x1  }
0x1b: {  	[sflag:s24] =	ssyncset.done $0x0  }
0x1c: {  	s26 =	simm.s32 $0x1B8E;
	s25 =	sld [smem:$0x3FFE];
	[sflag:s24] =	ssyncadd.s32 $0xFFFFFFFF  }
0x1d: {  	s27 =	simm.s32 $execute0_lowered;
	[smem:$0x3FD2] =	sst s26  }
0x1e: {  	s5 =	sshll.u32 s27, $0x1;
	_ =	strace $0x80000049;
	[dreg:$0x1] =	wrdreg $0xFFFFFFFF  }
0x1f: {  	s28 =	simm.s32 $_size_execute0_lowered;
	s3 =	sadd.s32 s3, s5;
	[dreg:$0x0] =	wrdreg $0x0  }
0x20: {  	s5 =	sshll.u32 s28, $0x1;
	[dreg:$0x2] =	wrdreg s3  }
0x21: {  	[dreg:$0x3] =	wrdreg s5  }
0x22: {  	[dreg:$0x4] =	wrdreg $0xC0  }
0x23: {  	_ =	task [dreg:s7], $0x5FFFF  }
0x24: {  	[dreg:$0x1] =	wrdreg $0xFFFFFFFF  }
0x25: {  	[dreg:$0x0] =	wrdreg $0x60  }
0x26: {  	[dreg:$0x2] =	wrdreg s25  }
0x27: {  	[dreg:$0x3] =	wrdreg s2  }
0x28: {  	[dreg:$0x4] =	wrdreg $0x9  }
0x29: {  	_ =	task.clear_ibuf [dreg:s7], $0x5FFFF;
	_ =	strace $0x90000049  }
0x2a: {  	s29 =	simm.s32 $0x9;
	_ =	strace $0x8000004B  }
0x2b: {  	_ =	swait.ge [sflag:s29], $0x1  }
0x2c: {  	[sflag:s29] =	ssyncadd.s32 $0xFFFFFFFF  }
0x2d: {  	_ =	strace $0x9000004B  }
0x2e: {  	_ =	sfence  }
0x2f: {  	s30 =	sld [smem:$0x0];
	_ =	sdelay $0x2  }
0x30: {  	s31 =	sshll.u32 s1, $0xD;
	s1 =	sshrl.u32 s1, $0x2  }
0x31: {  	s3 =	sand.u32 $0x4000, s31;
	s1 =	sadd.s32 s1, s30  }
0x32: {  	s0 =	sor.u32 s3, s0;
	s1 =	sshll.u32 s1, $0x11  }
0x33: {  	s0 =	sor.u32 s1, s0  }
0x34: {  	s0 =	sadd.s32 $0x8F2B, s0  }
0x35: {  	[sflag:s0] =	ssyncadd.remote.s32 $0x1  }
0x36: {  	_ =	sfence.sel $0xFFFF  }
0x37: {  	[dreg:$0x0] =	wrdreg $0xFFFFFFFF;
	(pc) =	sbr.abs _section_cstart, $3  }
0x38: {  	[dreg:$0x1] =	wrdreg $0xFFFFFFFF  }
0x39: {  	_ =	task.clear_ibuf [dreg:s7], $0x2FFFF;
	_ =	strace $0x9FFFFFFF  }
0x3a: {  	(tm) =	ssettm $0x7FFFFFFF  }
0x3b: {  	_ =	shalt  }
tec
execute0_lowered:
.L_overlay_start_1:
0x0: {  	(tag) =	ssettag $0x1  }
0x1: {  	s0 =	srdreg.scid  }
0x2: {  	s1 =	sshll.u32 s0, $0x4  }
0x3: {  	s4 =	rddreg [dreg:$0x0];
	s0 =	stileid.u32;
	s1 =	sand.u32 $0x10, s1  }
0x4: {  	s2 =	rddreg [dreg:$0x1];
	s7 =	simm.s32 $0x1;
	s1 =	sor.u32 s0, s1  }
0x5: {  	s8 =	simm.s32 $0x2;
	s11 =	simm.s32 $0x0;
	s3 =	sshll.u32 s1, $0x7  }
0x6: {  	s10 =	simm.s32 $0x0;
	s4 =	sadd.s32 $0x400, s4;
	s6 =	ssub.s32 $0x40000, s3  }
.Ltmp0:
0x7: {  	s1 =	rddreg [dreg:$0x2];
	s5 =	sand.u32 $0xF80, s6;
	(pc) =	sbr.rel .LBB1_1-.Ltmp0, $4  }
0x8: {  	_ =	strace $0x8000004A;
	s9 =	smov.u32 s3;
	p0 =	sne.s32 s5, $0x0  }
0x9: {  	s6 =	sshrl.u32 s6, $0xC;
	s5 =	simm.s32 $0x1;
	s7 =	simm.s32 @!p0 $0x0  }
0xa: {  	[sflag:s5] =	ssyncpa.u1 $0x0;
	p0 =	por $0x0, $0x0;
	s6 =	sadd.s32 s7, s6  }
0xb: {  	[sflag:s8] =	ssyncpa.u1 $0x0;
	s8 =	simm.s32 $0x200000;
	s7 =	sadd.s32 $0x1, s6  }
.LBB1_4:
0xc: {  	s13 =	sshll.u32 s11, $0x3  }
0xd: {  	s15 =	sand.u32 $0x78, s11;
	s13 =	sand.u32 $0x3FC00, s13  }
0xe: {  	s30 =	sand.u32 $0xF8000, s11;
	s31 =	sand.u32 $0x7, s11;
	s13 =	sor.u32 s15, s13  }
0xf: {  	s11 =	sshll.u32 s31, $0x12;
	s15 =	sadd.s32 s2, s30;
	s13 =	sshrl.u32 s13, $0x3  }
0x10: {  	[tilespmem:s14+$0x0 ss:$0x81] =	vst.msk $0xffff, v0;
	s11 =	sor.u32 $0x400, s11;
	s13 =	sadd.s32 s13, s15  }
0x11: {  	[hbm4b:s13+s11] =	stream.strided.scatter [tilespmem:s12], [sflag:$0x2], $0x1000, s8, s11, $0x20;
	[tilespmem:$0x4040] =	vst v63  }
.LBB1_5:
0x12: {  	s13 =	sadd.s32 $0x1000, s9  }
0x13: {  	p2 =	sgt.s32 s13, $0x3FFFF  }
0x14: {  	s13 =	smov.u32 @p2 s3;
	p2 =	sne.s32 s10, s7  }
.Ltmp1:
0x15: {  	p1 =	slt.u32 s10, $0x2;
	(pc) =	sbr.rel @!p2 .LBB1_6-.Ltmp1, $4  }
0x16: {  	s12 =	simm.s32 @!p1 $0x2  }
0x17: {  	s14 =	sadd.s32 $0x1, s10;
	_ =	swait.ge @!p1 [sflag:s12], $0x1000  }
0x18: {  	s11 =	smov.u32 s9;
	p0 =	por !p0, !p0;
	[sflag:s12] =	ssyncset.done @!p1 $0x0  }
0x19: {  	s10 =	smov.u32 s14;
	s9 =	smov.u32 s13;
	[sflag:s12] =	ssyncadd.s32 @!p1 $0xFFFFF000  }
.LBB1_1:
0x1a: {  	p1 =	sge.u32 s10, s6  }
0x1b: {  	s31 =	sadd.s32 $0xFFFFFFFF, s10;
	s12 =	sxor.u32 @!p1 $0xFFFFFFFF, s10;
	s13 =	sshll.u32 @!p1 s9, $0x4  }
0x1c: {  	s14 =	simm.s32 @!p1 $0x20;
	s12 =	sshll.u32 @!p1 s12, $0xC;
	s13 =	sand.u32 @!p1 $0x3FFFF0, s13  }
0x1d: {  	s15 =	simm.s32 @!p1 $0x80;
	s12 =	sand.u32 @!p1 $0x1000, s12;
	s13 =	sadd.s32 @!p1 s4, s13  }
0x1e: {  	[tilespmem:s12], [sflag:$0x1] =	stream.strided.gather @!p1 [hbm4b:s13+s14], $0x1000, s15, s14, $0x38;
	[tilespmem:$0x4040] =	vst v63  }
0x1f: {  	p1 =	sge.u32 s31, s6  }
.Ltmp2:
0x20: {  	_ = 	snop;
	(pc) =	sbr.rel @p1 .LBB1_5-.Ltmp2, $1  }
0x21: {  	_ =	sdelay $0x3  }
0x22: {  	s12 =	simm.s32 $0x1  }
0x23: {  	_ =	swait.ge [sflag:s5], $0x1000;
	s12 =	simm.s32 @!p0 $0x0  }
0x24: {  	[sflag:s5] =	ssyncset.done $0x0;
	s13 =	sshll.u32 s12, $0xC  }
0x25: {  	[sflag:s5] =	ssyncadd.s32 $0xFFFFF000;
	s16 =	sor.u32 $0x10, s13  }
0x26: {  	s12 =	smul.u32 $0x4080, s12;
	v1 =	vld [tilespmem:s16+$0x0]  }
0x27: {  	s30 =	sand.u32 $0x1, s10;
	v0 =	vld [tilespmem:s16+$0xFFFFFFF0]  }
0x28: {  	s14 =	smul.u32 $0x4080, s30;
	s12 =	sshrl.u32 s12, $0x2  }
0x29: {  	s13 =	sor.u32 $0x2000, s12  }
0x2a: {  	s31 =	sshrl.u32 s14, $0x2;
	s14 =	sadd.s32 $0x0, s13  }
0x2b: {  	s15 =	simm.s32 $0x4;
	s16 =	sadd.s32 $0x20, s16;
	s12 =	sor.u32 $0x2000, s31;
	[tilespmem:s14+$0x810 ss:$0x81] =	vst.msk $0xffff, v1  }
.LBB1_3:
0x2c: {  	v1 =	vld [tilespmem:s16+$0x0];
	p1 =	sne.s32 s15, $0x1FC;
	[tilespmem:s14+$0x0 ss:$0x81] =	vst.msk $0xffff, v0;
	s14 =	smov.u32 s15;
	s15 =	sadd.s32 $0x4, s15  }
.Ltmp3:
0x2d: {  	v0 =	vld [tilespmem:s16+$0xFFFFFFF0];
	(pc) =	sbr.rel @p1 .LBB1_3-.Ltmp3, $4  }
0x2e: {  	_ = 	snop  }
0x2f: {  	s14 =	sshra.s32 s14, $0x2  }
0x30: {  	s14 =	sadd.s32 s14, s13  }
0x31: {  	s16 =	sadd.s32 $0x20, s16;
	[tilespmem:s14+$0x810 ss:$0x81] =	vst.msk $0xffff, v1  }
.Ltmp4:
0x32: {  	_ = 	snop;
	(pc) =	sbr.rel .LBB1_4-.Ltmp4, $1  }
0x33: {  	_ =	sdelay $0x3  }
.LBB1_6:
0x34: {  	_ =	sfence.sel $0x180000  }
0x35: {  	s2 =	simm.s32 $0x1;
	[bflag:$0x0] =	sbarrier.arrive $0xFFFF  }
0x36: {  	s31 =	simm.s32 $0x2;
	[sflag:s2] =	ssyncpa.u1 $0x1  }
0x37: {  	[sflag:s31] =	ssyncpa.u1 $0x1  }
0x38: {  	p0 =	sne.s32 s0, $0x0;
	_ =	strace $0x9000004A  }
0x39: {  	s0 =	sadd.s32 @!p0 $0x100000, s1;
	[bflag:$0x2] =	sbarrier.arrive $0xFFFF  }
0x3a: {  	[sflag:s0] =	ssyncadd.tile.s32 @!p0 $0x1;
	_ =	shalt  }
.Lfunc_end1:
_tile_overlayer_lowered:
.L_overlay_start_2:
0x3b: {  	(tag) =	ssettag $0x2  }
0x3c: {  	s0 =	rddreg [dreg:$0x0];
	s2 =	stileid.u32  }
0x3d: {  	s1 =	rddreg [dreg:$0x1];
	p0 =	sne.s32 s2, $0x0  }
0x3e: {  	s3 =	rddreg [dreg:$0x2];
	[bflag:$0x3] =	sbarrier.arrive $0xFFFF;
	s2 =	simm.s32 @!p0 $0x1C01  }
0x3f: {  	[timem:s3], [sflag:s2] =	dma.local @!p0 [hbm:s0], s1  }
0x40: {  	s0 =	simm.s32 @!p0 $0x1  }
0x41: {  	_ =	swait.ge @!p0 [sflag:s0], s1  }
0x42: {  	s1 =	ssub.s32 @!p0 $0x0, s1;
	[sflag:s0] =	ssyncset.done @!p0 $0x0  }
0x43: {  	[sflag:s0] =	ssyncadd.s32 @!p0 s1  }
0x44: {  	[bflag:$0x3] =	sbarrier.arrive $0xFFFF  }
0x45: {  	_ =	shalt  }

</sc_bundles>
